<compile_context>
chip_gen: v7x
topology: tpu7x:2x2x1
jax: 0.10.2.dev20260603
libtpu: 0.0.44.dev20260713+nightly
codegen_flags: <defaults>
</compile_context>

<pallas_src>
import functools

import jax
import jax.numpy as jnp
from jax import lax
from jax.experimental import pallas as pl
from jax.experimental.pallas import tpu as pltpu
from jax.experimental.pallas import tpu_sc as plsc

N, D, G = 100000, 128, 512
NC, NS, L = 2, 16, 16
NW = NC * NS
CH = 160
NCHUNK = N // CH
VPR = D // L


NKMAX = (NCHUNK + NW - 1) // NW
ROWS_MIN = (NKMAX - 1) * CH
ROWS_MAX = NKMAX * CH


def _sc_body(feats_hbm, seg_hbm, smask_hbm, w_hbm, b_hbm, out_hbm,
             feats_v0, feats_v1, seg_all, smask_all,
             accum_v, w_v, b_v, sem0, sem1):
    cid = lax.axis_index("c")
    sid = lax.axis_index("s")
    wid = sid * NC + cid

    nk = (NCHUNK - wid + NW - 1) // NW
    base_c = wid * NKMAX - jnp.maximum(wid - (NCHUNK % NW), 0)
    base_row = base_c * CH

    bufs = ((feats_v0, sem0), (feats_v1, sem1))

    def issue(k, p):
        base = (base_c + k) * CH
        fb, sem = bufs[p]
        pltpu.async_copy(feats_hbm.at[pl.ds(base, CH), :], fb, sem)

    issue(0, 0)

    pltpu.sync_copy(seg_hbm.at[pl.ds(base_row, ROWS_MIN)],
                    seg_all.at[pl.ds(0, ROWS_MIN)])
    pltpu.sync_copy(smask_hbm.at[pl.ds(base_row, ROWS_MIN)],
                    smask_all.at[pl.ds(0, ROWS_MIN)])

    @pl.when(nk == NKMAX)
    def _():
        pltpu.sync_copy(seg_hbm.at[pl.ds(base_row + ROWS_MIN, CH)],
                        seg_all.at[pl.ds(ROWS_MIN, CH)])
        pltpu.sync_copy(smask_hbm.at[pl.ds(base_row + ROWS_MIN, CH)],
                        smask_all.at[pl.ds(ROWS_MIN, CH)])

    zero16 = jnp.zeros((L,), jnp.float32)

    def zrow(r, carry):
        for j in range(VPR):
            accum_v[r, pl.ds(L * j, L)] = zero16
        return carry

    lax.fori_loop(0, G, zrow, 0)

    pltpu.sync_copy(w_hbm, w_v)
    pltpu.sync_copy(b_hbm, b_v.at[pl.ds(0, 1)])
    wv = [w_v[pl.ds(L * j, L)] for j in range(VPR)]
    b_s = b_v[pl.ds(0, L)][0]

    def drain(p):
        fb, sem = bufs[p]
        pltpu.make_async_copy(feats_hbm.at[pl.ds(0, CH), :], fb, sem).wait()

    def process(p, k):
        fb, _ = bufs[p]
        row0 = k * CH

        def group_body(g, c2):
            seg16 = seg_all[pl.ds(row0 + L * g, L)]
            sm16 = smask_all[pl.ds(row0 + L * g, L)]
            ss = []
            for i in range(L):
                r = L * g + i
                v = [fb[r, pl.ds(L * j, L)] for j in range(VPR)]
                m = [v[j] * wv[j] for j in range(VPR)]
                while len(m) > 1:
                    m = [m[2 * t] + m[2 * t + 1] for t in range(len(m) // 2)]
                ss.append(jnp.sum(m[0]) + b_s)
            gates = []
            for i in range(L):
                sv = jnp.full((L,), ss[i], jnp.float32)
                sig = 1.0 / (1.0 + jnp.exp(-sv))
                gates.append(sig[0] * sm16[i])
            for i in range(L):
                r = L * g + i
                seg = seg16[i]
                gv = jnp.full((L,), gates[i], jnp.float32)
                ts = [gv * fb[r, pl.ds(L * j, L)] for j in range(VPR)]
                for j in range(VPR):
                    plsc.addupdate(accum_v.at[seg, pl.ds(L * j, L)], ts[j])
            return c2

        lax.fori_loop(0, CH // L, group_body, 0)

    def pair_body(kk, carry):
        k0 = 2 * kk
        k1 = k0 + 1

        @pl.when(k1 < nk)
        def _():
            issue(k1, 1)

        drain(0)
        process(0, k1 - 1)

        @pl.when(k1 + 1 < nk)
        def _():
            issue(k1 + 1, 0)

        @pl.when(k1 < nk)
        def _():
            drain(1)
            process(1, k1)

        return carry

    lax.fori_loop(0, (NCHUNK + 2 * NW - 1) // (2 * NW), pair_body, 0)

    pltpu.sync_copy(accum_v, out_hbm.at[wid])


_sc_call = pl.kernel(
    _sc_body,
    out_type=jax.ShapeDtypeStruct((NW, G, D), jnp.float32),
    mesh=plsc.VectorSubcoreMesh(core_axis_name="c", subcore_axis_name="s"),
    compiler_params=pltpu.CompilerParams(needs_layout_passes=False),
    scratch_types=[
        pltpu.VMEM((CH, D), jnp.float32),
        pltpu.VMEM((CH, D), jnp.float32),
        pltpu.VMEM((ROWS_MAX,), jnp.int32),
        pltpu.VMEM((ROWS_MAX,), jnp.float32),
        pltpu.VMEM((G, D), jnp.float32),
        pltpu.VMEM((D,), jnp.float32),
        pltpu.VMEM((L,), jnp.float32),
        pltpu.SemaphoreType.DMA,
        pltpu.SemaphoreType.DMA,
    ],
)


def _add_body(p_ref, o_ref):
    o_ref[...] = jnp.sum(p_ref[...], axis=0)


_tc_add = pl.pallas_call(
    _add_body,
    out_shape=jax.ShapeDtypeStruct((G, D), jnp.float32),
)


def kernel(feats, smask, segment_ids, W, b):
    seg32 = segment_ids.astype(jnp.int32)
    smask1 = smask.reshape((N,))
    w1 = W.reshape((D,))
    partials = _sc_call(feats, seg32, smask1, w1, b)
    return _tc_add(partials)

# --- scband reference (transcript-rebuilt; emitter-appended) ---
"""Pipeline reference for scband-weight-and-sum-74672301408819 (READ-ONLY COPY).

The authoritative reference and input builder live on the scoring server;
editing this copy changes nothing except your own understanding.
"""

import jax, jax.numpy as jnp
import numpy as np

N = 100000
D = 128
G = 512
TASK_NUM = 1


def setup_inputs(seed: int = 0) -> dict:
    key = jax.random.key(seed)
    k1, k2, k3, k4 = jax.random.split(key, 4)
    feats = jax.random.normal(k1, (N, D), dtype=jnp.float32)
    smask = jax.random.uniform(k2, (N, 1), dtype=jnp.float32)
    segment_ids = jnp.sort(jax.random.randint(k3, (N,), 0, G, dtype=jnp.int64))
    W = jax.random.normal(k4, (D, 1), dtype=jnp.float32) * 0.05
    b = jnp.zeros((1,), dtype=jnp.float32)
    return {"feats": feats, "smask": smask, "segment_ids": segment_ids, "W": W, "b": b}


def reference(feats, smask, segment_ids, W, b):
    # WeightAndSum (task_num=1, return_embedding=False):
    # weight = sigmoid(Linear(feats)) * smask  (per-node gating)
    # specific_feats_sum = sum_nodes(bg, 'h', 'w') = segment_sum(weight * feats, graph_id)
    outs = []
    for _ in range(TASK_NUM):
        weight = jax.nn.sigmoid(feats @ W + b) * smask  # [N, 1]
        specific_feats_sum = jax.ops.segment_sum(weight * feats, segment_ids, num_segments=G)  # [G, D]
        outs.append(specific_feats_sum)
    if TASK_NUM == 1:
        return outs[0]
    return tuple(outs)

if __name__ == "__main__":
    import jax
    _d = setup_inputs()
    print(jax.jit(kernel)(*tuple(_d.values())))

</pallas_src>

<mosaic_0001>
#map = affine_map<(d0, d1) -> (0, 0)>
#map1 = affine_map<(d0, d1) -> (0)>
#map2 = affine_map<(d0, d1) -> (0, 0, 0)>
module attributes {stable_mosaic.version = 14 : i64} {
  func.func @_sc_body(%arg0: i32, %arg1: i32, %arg2: memref<100000x128xf32, #tpu.memory_space<hbm>>, %arg3: memref<100000xi32, #tpu.memory_space<hbm>>, %arg4: memref<100000xf32, #tpu.memory_space<hbm>>, %arg5: memref<128xf32, #tpu.memory_space<hbm>>, %arg6: memref<1xf32, #tpu.memory_space<hbm>>, %arg7: memref<32x512x128xf32, #tpu.memory_space<hbm>>, %arg8: memref<160x128xf32, #tpu.memory_space<vmem>>, %arg9: memref<160x128xf32, #tpu.memory_space<vmem>>, %arg10: memref<3200xi32, #tpu.memory_space<vmem>>, %arg11: memref<3200xf32, #tpu.memory_space<vmem>>, %arg12: memref<512x128xf32, #tpu.memory_space<vmem>>, %arg13: memref<128xf32, #tpu.memory_space<vmem>>, %arg14: memref<16xf32, #tpu.memory_space<vmem>>, %arg15: memref<!tpu.dma_semaphore, #tpu.memory_space<semaphore_mem>>, %arg16: memref<!tpu.dma_semaphore, #tpu.memory_space<semaphore_mem>>) attributes {dimension_semantics = [#tpu.dimension_semantics<core_parallel>, #tpu.dimension_semantics<subcore_parallel>], iteration_bounds = array<i64: 2, 16>, scalar_prefetch = 0 : i64, scratch_operands = 9 : i64, tpu.core_type = #tpu.core_type<sc_vector_subcore>, window_params = [{transform_indices = #map}, {transform_indices = #map1}, {transform_indices = #map1}, {transform_indices = #map1}, {transform_indices = #map1}, {transform_indices = #map2}]} {
    %mul3A = arith.constant 2 : i32
    %mul3A_0 = arith.muli %arg1, %mul3A : i32
    %add3A = arith.addi %mul3A_0, %arg0 : i32
    %sub3A = arith.constant 625 : i32
    %sub3A_1 = arith.subi %sub3A, %add3A : i32
    %add3A_2 = arith.constant 32 : i32
    %add3A_3 = arith.addi %sub3A_1, %add3A_2 : i32
    %sub3A_4 = arith.constant 1 : i32
    %sub3A_5 = arith.subi %add3A_3, %sub3A_4 : i32
    %jit3A = arith.constant 32 : i32
    %div3A = arith.divsi %sub3A_5, %jit3A : i32
    %sign3A = arith.constant 0 : i32
    %sign3A_6 = arith.cmpi sgt, %sub3A_5, %sign3A : i32
    %sign3A_7 = arith.extui %sign3A_6 : i1 to i32
    %sign3A_8 = arith.constant 0 : i32
    %sign3A_9 = arith.cmpi slt, %sub3A_5, %sign3A_8 : i32
    %sign3A_10 = arith.extui %sign3A_9 : i1 to i32
    %sign3A_11 = arith.subi %sign3A_7, %sign3A_10 : i32
    %sign3A_12 = arith.constant 0 : i32
    %sign3A_13 = arith.cmpi sgt, %jit3A, %sign3A_12 : i32
    %sign3A_14 = arith.extui %sign3A_13 : i1 to i32
    %sign3A_15 = arith.constant 0 : i32
    %sign3A_16 = arith.cmpi slt, %jit3A, %sign3A_15 : i32
    %sign3A_17 = arith.extui %sign3A_16 : i1 to i32
    %sign3A_18 = arith.subi %sign3A_14, %sign3A_17 : i32
    %ne3A = arith.cmpi ne, %sign3A_11, %sign3A_18 : i32
    %rem3A = arith.remsi %sub3A_5, %jit3A : i32
    %ne3A_19 = arith.constant 0 : i32
    %ne3A_20 = arith.cmpi ne, %rem3A, %ne3A_19 : i32
    %and3A = arith.andi %ne3A, %ne3A_20 : i1
    %sub3A_21 = arith.constant 1 : i32
    %sub3A_22 = arith.subi %div3A, %sub3A_21 : i32
    %select_n3A = arith.select %and3A, %sub3A_22, %div3A : i32
    %mul3A_23 = arith.constant 20 : i32
    %mul3A_24 = arith.muli %add3A, %mul3A_23 : i32
    %sub3A_25 = arith.constant 17 : i32
    %sub3A_26 = arith.subi %add3A, %sub3A_25 : i32
    %max3A = arith.constant 0 : i32
    %max3A_27 = arith.maxsi %sub3A_26, %max3A : i32
    %sub3A_28 = arith.subi %mul3A_24, %max3A_27 : i32
    %mul3A_29 = arith.constant 160 : i32
    %mul3A_30 = arith.muli %sub3A_28, %mul3A_29 : i32
    %add3A_31 = arith.constant 0 : i32
    %add3A_32 = arith.addi %sub3A_28, %add3A_31 : i32
    %mul3A_33 = arith.constant 160 : i32
    %mul3A_34 = arith.muli %add3A_32, %mul3A_33 : i32
    %dma_start3A = arith.constant 0 : i32
    %dma_start3A_35 = tpu.memref_slice %arg2[%mul3A_34, %dma_start3A] : memref<100000x128xf32, #tpu.memory_space<hbm>> -> memref<160x128xf32, #tpu.memory_space<hbm>>
    %dma_start3A_36 = arith.constant 0 : i32
    %dma_start3A_37 = tpu.memref_slice %arg2[%mul3A_34, %dma_start3A_36] : memref<100000x128xf32, #tpu.memory_space<hbm>> -> memref<160x128xf32, #tpu.memory_space<hbm>>
    tpu.enqueue_dma source(%dma_start3A_37 : memref<160x128xf32, #tpu.memory_space<hbm>>) target(%arg8 : memref<160x128xf32, #tpu.memory_space<vmem>>) target_semaphore(%arg15 : memref<!tpu.dma_semaphore, #tpu.memory_space<semaphore_mem>>)
    "tpu.region"() ({
      %run_scoped3A = tpu.sem_alloc : memref<!tpu.dma_semaphore, #tpu.memory_space<semaphore_mem>>
      %dma_start3A_69 = arith.constant 0 : i32
      %dma_start3A_70 = tpu.memref_slice %arg10[%dma_start3A_69] : memref<3200xi32, #tpu.memory_space<vmem>> -> memref<3040xi32, #tpu.memory_space<vmem>>
      %dma_start3A_71 = tpu.memref_slice %arg3[%mul3A_30] : memref<100000xi32, #tpu.memory_space<hbm>> -> memref<3040xi32, #tpu.memory_space<hbm>>
      %dma_start3A_72 = arith.constant 0 : i32
      %dma_start3A_73 = tpu.memref_slice %arg10[%dma_start3A_72] : memref<3200xi32, #tpu.memory_space<vmem>> -> memref<3040xi32, #tpu.memory_space<vmem>>
      %dma_start3A_74 = tpu.memref_slice %arg3[%mul3A_30] : memref<100000xi32, #tpu.memory_space<hbm>> -> memref<3040xi32, #tpu.memory_space<hbm>>
      tpu.enqueue_dma source(%dma_start3A_74 : memref<3040xi32, #tpu.memory_space<hbm>>) target(%dma_start3A_73 : memref<3040xi32, #tpu.memory_space<vmem>>) target_semaphore(%run_scoped3A : memref<!tpu.dma_semaphore, #tpu.memory_space<semaphore_mem>>)
      %dma_wait3A = arith.constant 0 : i32
      %dma_wait3A_75 = tpu.memref_slice %arg10[%dma_wait3A] : memref<3200xi32, #tpu.memory_space<vmem>> -> memref<3040xi32, #tpu.memory_space<vmem>>
      %dma_wait3A_76 = tpu.memref_slice %arg3[%mul3A_30] : memref<100000xi32, #tpu.memory_space<hbm>> -> memref<3040xi32, #tpu.memory_space<hbm>>
      %dma_wait3A_77 = arith.constant 0 : i32
      %dma_wait3A_78 = tpu.memref_slice %arg10[%dma_wait3A_77] : memref<3200xi32, #tpu.memory_space<vmem>> -> memref<3040xi32, #tpu.memory_space<vmem>>
      %dma_wait3A_79 = tpu.memref_slice %arg3[%mul3A_30] : memref<100000xi32, #tpu.memory_space<hbm>> -> memref<3040xi32, #tpu.memory_space<hbm>>
      tpu.wait_dma2 semaphore(%run_scoped3A : memref<!tpu.dma_semaphore, #tpu.memory_space<semaphore_mem>>) src(%dma_wait3A_79 : memref<3040xi32, #tpu.memory_space<hbm>>) dst(%dma_wait3A_78 : memref<3040xi32, #tpu.memory_space<vmem>>)
      tpu.yield
    }) : () -> ()
    "tpu.region"() ({
      %run_scoped3A = tpu.sem_alloc : memref<!tpu.dma_semaphore, #tpu.memory_space<semaphore_mem>>
      %dma_start3A_69 = arith.constant 0 : i32
      %dma_start3A_70 = tpu.memref_slice %arg11[%dma_start3A_69] : memref<3200xf32, #tpu.memory_space<vmem>> -> memref<3040xf32, #tpu.memory_space<vmem>>
      %dma_start3A_71 = tpu.memref_slice %arg4[%mul3A_30] : memref<100000xf32, #tpu.memory_space<hbm>> -> memref<3040xf32, #tpu.memory_space<hbm>>
      %dma_start3A_72 = arith.constant 0 : i32
      %dma_start3A_73 = tpu.memref_slice %arg11[%dma_start3A_72] : memref<3200xf32, #tpu.memory_space<vmem>> -> memref<3040xf32, #tpu.memory_space<vmem>>
      %dma_start3A_74 = tpu.memref_slice %arg4[%mul3A_30] : memref<100000xf32, #tpu.memory_space<hbm>> -> memref<3040xf32, #tpu.memory_space<hbm>>
      tpu.enqueue_dma source(%dma_start3A_74 : memref<3040xf32, #tpu.memory_space<hbm>>) target(%dma_start3A_73 : memref<3040xf32, #tpu.memory_space<vmem>>) target_semaphore(%run_scoped3A : memref<!tpu.dma_semaphore, #tpu.memory_space<semaphore_mem>>)
      %dma_wait3A = arith.constant 0 : i32
      %dma_wait3A_75 = tpu.memref_slice %arg11[%dma_wait3A] : memref<3200xf32, #tpu.memory_space<vmem>> -> memref<3040xf32, #tpu.memory_space<vmem>>
      %dma_wait3A_76 = tpu.memref_slice %arg4[%mul3A_30] : memref<100000xf32, #tpu.memory_space<hbm>> -> memref<3040xf32, #tpu.memory_space<hbm>>
      %dma_wait3A_77 = arith.constant 0 : i32
      %dma_wait3A_78 = tpu.memref_slice %arg11[%dma_wait3A_77] : memref<3200xf32, #tpu.memory_space<vmem>> -> memref<3040xf32, #tpu.memory_space<vmem>>
      %dma_wait3A_79 = tpu.memref_slice %arg4[%mul3A_30] : memref<100000xf32, #tpu.memory_space<hbm>> -> memref<3040xf32, #tpu.memory_space<hbm>>
      tpu.wait_dma2 semaphore(%run_scoped3A : memref<!tpu.dma_semaphore, #tpu.memory_space<semaphore_mem>>) src(%dma_wait3A_79 : memref<3040xf32, #tpu.memory_space<hbm>>) dst(%dma_wait3A_78 : memref<3040xf32, #tpu.memory_space<vmem>>)
      tpu.yield
    }) : () -> ()
    %eq3A = arith.constant 20 : i32
    %eq3A_38 = arith.cmpi eq, %select_n3A, %eq3A : i32
    %convert_element_type3A = arith.extui %eq3A_38 : i1 to i32
    %cond3A = arith.constant 0 : i32
    %cond3A_39 = arith.cmpi ne, %convert_element_type3A, %cond3A : i32
    scf.if %cond3A_39 {
      %add3A_69 = arith.constant 3040 : i32
      %add3A_70 = arith.addi %mul3A_30, %add3A_69 : i32
      "tpu.region"() ({
        %run_scoped3A = tpu.sem_alloc : memref<!tpu.dma_semaphore, #tpu.memory_space<semaphore_mem>>
        %dma_start3A_73 = arith.constant 3040 : i32
        %dma_start3A_74 = tpu.memref_slice %arg10[%dma_start3A_73] : memref<3200xi32, #tpu.memory_space<vmem>> -> memref<160xi32, #tpu.memory_space<vmem>>
        %dma_start3A_75 = tpu.memref_slice %arg3[%add3A_70] : memref<100000xi32, #tpu.memory_space<hbm>> -> memref<160xi32, #tpu.memory_space<hbm>>
        %dma_start3A_76 = arith.constant 3040 : i32
        %dma_start3A_77 = tpu.memref_slice %arg10[%dma_start3A_76] : memref<3200xi32, #tpu.memory_space<vmem>> -> memref<160xi32, #tpu.memory_space<vmem>>
        %dma_start3A_78 = tpu.memref_slice %arg3[%add3A_70] : memref<100000xi32, #tpu.memory_space<hbm>> -> memref<160xi32, #tpu.memory_space<hbm>>
        tpu.enqueue_dma source(%dma_start3A_78 : memref<160xi32, #tpu.memory_space<hbm>>) target(%dma_start3A_77 : memref<160xi32, #tpu.memory_space<vmem>>) target_semaphore(%run_scoped3A : memref<!tpu.dma_semaphore, #tpu.memory_space<semaphore_mem>>)
        %dma_wait3A = arith.constant 3040 : i32
        %dma_wait3A_79 = tpu.memref_slice %arg10[%dma_wait3A] : memref<3200xi32, #tpu.memory_space<vmem>> -> memref<160xi32, #tpu.memory_space<vmem>>
        %dma_wait3A_80 = tpu.memref_slice %arg3[%add3A_70] : memref<100000xi32, #tpu.memory_space<hbm>> -> memref<160xi32, #tpu.memory_space<hbm>>
        %dma_wait3A_81 = arith.constant 3040 : i32
        %dma_wait3A_82 = tpu.memref_slice %arg10[%dma_wait3A_81] : memref<3200xi32, #tpu.memory_space<vmem>> -> memref<160xi32, #tpu.memory_space<vmem>>
        %dma_wait3A_83 = tpu.memref_slice %arg3[%add3A_70] : memref<100000xi32, #tpu.memory_space<hbm>> -> memref<160xi32, #tpu.memory_space<hbm>>
        tpu.wait_dma2 semaphore(%run_scoped3A : memref<!tpu.dma_semaphore, #tpu.memory_space<semaphore_mem>>) src(%dma_wait3A_83 : memref<160xi32, #tpu.memory_space<hbm>>) dst(%dma_wait3A_82 : memref<160xi32, #tpu.memory_space<vmem>>)
        tpu.yield
      }) : () -> ()
      %add3A_71 = arith.constant 3040 : i32
      %add3A_72 = arith.addi %mul3A_30, %add3A_71 : i32
      "tpu.region"() ({
        %run_scoped3A = tpu.sem_alloc : memref<!tpu.dma_semaphore, #tpu.memory_space<semaphore_mem>>
        %dma_start3A_73 = arith.constant 3040 : i32
        %dma_start3A_74 = tpu.memref_slice %arg11[%dma_start3A_73] : memref<3200xf32, #tpu.memory_space<vmem>> -> memref<160xf32, #tpu.memory_space<vmem>>
        %dma_start3A_75 = tpu.memref_slice %arg4[%add3A_72] : memref<100000xf32, #tpu.memory_space<hbm>> -> memref<160xf32, #tpu.memory_space<hbm>>
        %dma_start3A_76 = arith.constant 3040 : i32
        %dma_start3A_77 = tpu.memref_slice %arg11[%dma_start3A_76] : memref<3200xf32, #tpu.memory_space<vmem>> -> memref<160xf32, #tpu.memory_space<vmem>>
        %dma_start3A_78 = tpu.memref_slice %arg4[%add3A_72] : memref<100000xf32, #tpu.memory_space<hbm>> -> memref<160xf32, #tpu.memory_space<hbm>>
        tpu.enqueue_dma source(%dma_start3A_78 : memref<160xf32, #tpu.memory_space<hbm>>) target(%dma_start3A_77 : memref<160xf32, #tpu.memory_space<vmem>>) target_semaphore(%run_scoped3A : memref<!tpu.dma_semaphore, #tpu.memory_space<semaphore_mem>>)
        %dma_wait3A = arith.constant 3040 : i32
        %dma_wait3A_79 = tpu.memref_slice %arg11[%dma_wait3A] : memref<3200xf32, #tpu.memory_space<vmem>> -> memref<160xf32, #tpu.memory_space<vmem>>
        %dma_wait3A_80 = tpu.memref_slice %arg4[%add3A_72] : memref<100000xf32, #tpu.memory_space<hbm>> -> memref<160xf32, #tpu.memory_space<hbm>>
        %dma_wait3A_81 = arith.constant 3040 : i32
        %dma_wait3A_82 = tpu.memref_slice %arg11[%dma_wait3A_81] : memref<3200xf32, #tpu.memory_space<vmem>> -> memref<160xf32, #tpu.memory_space<vmem>>
        %dma_wait3A_83 = tpu.memref_slice %arg4[%add3A_72] : memref<100000xf32, #tpu.memory_space<hbm>> -> memref<160xf32, #tpu.memory_space<hbm>>
        tpu.wait_dma2 semaphore(%run_scoped3A : memref<!tpu.dma_semaphore, #tpu.memory_space<semaphore_mem>>) src(%dma_wait3A_83 : memref<160xf32, #tpu.memory_space<hbm>>) dst(%dma_wait3A_82 : memref<160xf32, #tpu.memory_space<vmem>>)
        tpu.yield
      }) : () -> ()
    } else {
    }
    %broadcast_in_dim3A = arith.constant 0.000000e+00 : f32
    %broadcast_in_dim3A_40 = vector.broadcast %broadcast_in_dim3A : f32 to vector<16xf32>
    %scan3A = arith.constant 0 : i32
    %scan3A_41 = arith.constant 0 : i32
    %scan3A_42 = arith.constant 512 : i32
    %scan3A_43 = arith.addi %scan3A_41, %scan3A_42 : i32
    %scan3A_44 = arith.constant 1 : i32
    scf.for %scan3A_69 = %scan3A_41 to %scan3A_43 step %scan3A_44  : i32 {
      %swap3A = arith.index_cast %scan3A_69 : i32 to index
      %swap3A_70 = arith.constant 0 : index
      %swap3A_71 = tpu.vector_load %arg12[%swap3A, %swap3A_70] {strides = array<i32>} : memref<512x128xf32, #tpu.memory_space<vmem>>, vector<16xf32>,
      tpu.vector_store %arg12[%swap3A, %swap3A_70], %broadcast_in_dim3A_40 {strides = array<i32>} : memref<512x128xf32, #tpu.memory_space<vmem>>, vector<16xf32>,
      %swap3A_72 = arith.index_cast %scan3A_69 : i32 to index
      %swap3A_73 = arith.constant 16 : index
      %swap3A_74 = tpu.vector_load %arg12[%swap3A_72, %swap3A_73] {strides = array<i32>} : memref<512x128xf32, #tpu.memory_space<vmem>>, vector<16xf32>,
      tpu.vector_store %arg12[%swap3A_72, %swap3A_73], %broadcast_in_dim3A_40 {strides = array<i32>} : memref<512x128xf32, #tpu.memory_space<vmem>>, vector<16xf32>,
      %swap3A_75 = arith.index_cast %scan3A_69 : i32 to index
      %swap3A_76 = arith.constant 32 : index
      %swap3A_77 = tpu.vector_load %arg12[%swap3A_75, %swap3A_76] {strides = array<i32>} : memref<512x128xf32, #tpu.memory_space<vmem>>, vector<16xf32>,
      tpu.vector_store %arg12[%swap3A_75, %swap3A_76], %broadcast_in_dim3A_40 {strides = array<i32>} : memref<512x128xf32, #tpu.memory_space<vmem>>, vector<16xf32>,
      %swap3A_78 = arith.index_cast %scan3A_69 : i32 to index
      %swap3A_79 = arith.constant 48 : index
      %swap3A_80 = tpu.vector_load %arg12[%swap3A_78, %swap3A_79] {strides = array<i32>} : memref<512x128xf32, #tpu.memory_space<vmem>>, vector<16xf32>,
      tpu.vector_store %arg12[%swap3A_78, %swap3A_79], %broadcast_in_dim3A_40 {strides = array<i32>} : memref<512x128xf32, #tpu.memory_space<vmem>>, vector<16xf32>,
      %swap3A_81 = arith.index_cast %scan3A_69 : i32 to index
      %swap3A_82 = arith.constant 64 : index
      %swap3A_83 = tpu.vector_load %arg12[%swap3A_81, %swap3A_82] {strides = array<i32>} : memref<512x128xf32, #tpu.memory_space<vmem>>, vector<16xf32>,
      tpu.vector_store %arg12[%swap3A_81, %swap3A_82], %broadcast_in_dim3A_40 {strides = array<i32>} : memref<512x128xf32, #tpu.memory_space<vmem>>, vector<16xf32>,
      %swap3A_84 = arith.index_cast %scan3A_69 : i32 to index
      %swap3A_85 = arith.constant 80 : index
      %swap3A_86 = tpu.vector_load %arg12[%swap3A_84, %swap3A_85] {strides = array<i32>} : memref<512x128xf32, #tpu.memory_space<vmem>>, vector<16xf32>,
      tpu.vector_store %arg12[%swap3A_84, %swap3A_85], %broadcast_in_dim3A_40 {strides = array<i32>} : memref<512x128xf32, #tpu.memory_space<vmem>>, vector<16xf32>,
      %swap3A_87 = arith.index_cast %scan3A_69 : i32 to index
      %swap3A_88 = arith.constant 96 : index
      %swap3A_89 = tpu.vector_load %arg12[%swap3A_87, %swap3A_88] {strides = array<i32>} : memref<512x128xf32, #tpu.memory_space<vmem>>, vector<16xf32>,
      tpu.vector_store %arg12[%swap3A_87, %swap3A_88], %broadcast_in_dim3A_40 {strides = array<i32>} : memref<512x128xf32, #tpu.memory_space<vmem>>, vector<16xf32>,
      %swap3A_90 = arith.index_cast %scan3A_69 : i32 to index
      %swap3A_91 = arith.constant 112 : index
      %swap3A_92 = tpu.vector_load %arg12[%swap3A_90, %swap3A_91] {strides = array<i32>} : memref<512x128xf32, #tpu.memory_space<vmem>>, vector<16xf32>,
      tpu.vector_store %arg12[%swap3A_90, %swap3A_91], %broadcast_in_dim3A_40 {strides = array<i32>} : memref<512x128xf32, #tpu.memory_space<vmem>>, vector<16xf32>,
    }
    %scan3A_45 = arith.constant 512 : i32
    "tpu.region"() ({
      %run_scoped3A = tpu.sem_alloc : memref<!tpu.dma_semaphore, #tpu.memory_space<semaphore_mem>>
      tpu.enqueue_dma source(%arg5 : memref<128xf32, #tpu.memory_space<hbm>>) target(%arg13 : memref<128xf32, #tpu.memory_space<vmem>>) target_semaphore(%run_scoped3A : memref<!tpu.dma_semaphore, #tpu.memory_space<semaphore_mem>>)
      tpu.wait_dma2 semaphore(%run_scoped3A : memref<!tpu.dma_semaphore, #tpu.memory_space<semaphore_mem>>) src(%arg5 : memref<128xf32, #tpu.memory_space<hbm>>) dst(%arg13 : memref<128xf32, #tpu.memory_space<vmem>>)
      tpu.yield
    }) : () -> ()
    "tpu.region"() ({
      %run_scoped3A = tpu.sem_alloc : memref<!tpu.dma_semaphore, #tpu.memory_space<semaphore_mem>>
      %dma_start3A_69 = arith.constant 0 : i32
      %dma_start3A_70 = tpu.memref_slice %arg14[%dma_start3A_69] : memref<16xf32, #tpu.memory_space<vmem>> -> memref<1xf32, #tpu.memory_space<vmem>>
      %dma_start3A_71 = arith.constant 0 : i32
      %dma_start3A_72 = tpu.memref_slice %arg14[%dma_start3A_71] : memref<16xf32, #tpu.memory_space<vmem>> -> memref<1xf32, #tpu.memory_space<vmem>>
      tpu.enqueue_dma source(%arg6 : memref<1xf32, #tpu.memory_space<hbm>>) target(%dma_start3A_72 : memref<1xf32, #tpu.memory_space<vmem>>) target_semaphore(%run_scoped3A : memref<!tpu.dma_semaphore, #tpu.memory_space<semaphore_mem>>)
      %dma_wait3A = arith.constant 0 : i32
      %dma_wait3A_73 = tpu.memref_slice %arg14[%dma_wait3A] : memref<16xf32, #tpu.memory_space<vmem>> -> memref<1xf32, #tpu.memory_space<vmem>>
      %dma_wait3A_74 = arith.constant 0 : i32
      %dma_wait3A_75 = tpu.memref_slice %arg14[%dma_wait3A_74] : memref<16xf32, #tpu.memory_space<vmem>> -> memref<1xf32, #tpu.memory_space<vmem>>
      tpu.wait_dma2 semaphore(%run_scoped3A : memref<!tpu.dma_semaphore, #tpu.memory_space<semaphore_mem>>) src(%arg6 : memref<1xf32, #tpu.memory_space<hbm>>) dst(%dma_wait3A_75 : memref<1xf32, #tpu.memory_space<vmem>>)
      tpu.yield
    }) : () -> ()
    %get3A = arith.constant 0 : index
    %get3A_46 = tpu.vector_load %arg13[%get3A] {strides = array<i32>} : memref<128xf32, #tpu.memory_space<vmem>>, vector<16xf32>,
    %get3A_47 = arith.constant 16 : index
    %get3A_48 = tpu.vector_load %arg13[%get3A_47] {strides = array<i32>} : memref<128xf32, #tpu.memory_space<vmem>>, vector<16xf32>,
    %get3A_49 = arith.constant 32 : index
    %get3A_50 = tpu.vector_load %arg13[%get3A_49] {strides = array<i32>} : memref<128xf32, #tpu.memory_space<vmem>>, vector<16xf32>,
    %get3A_51 = arith.constant 48 : index
    %get3A_52 = tpu.vector_load %arg13[%get3A_51] {strides = array<i32>} : memref<128xf32, #tpu.memory_space<vmem>>, vector<16xf32>,
    %get3A_53 = arith.constant 64 : index
    %get3A_54 = tpu.vector_load %arg13[%get3A_53] {strides = array<i32>} : memref<128xf32, #tpu.memory_space<vmem>>, vector<16xf32>,
    %get3A_55 = arith.constant 80 : index
    %get3A_56 = tpu.vector_load %arg13[%get3A_55] {strides = array<i32>} : memref<128xf32, #tpu.memory_space<vmem>>, vector<16xf32>,
    %get3A_57 = arith.constant 96 : index
    %get3A_58 = tpu.vector_load %arg13[%get3A_57] {strides = array<i32>} : memref<128xf32, #tpu.memory_space<vmem>>, vector<16xf32>,
    %get3A_59 = arith.constant 112 : index
    %get3A_60 = tpu.vector_load %arg13[%get3A_59] {strides = array<i32>} : memref<128xf32, #tpu.memory_space<vmem>>, vector<16xf32>,
    %get3A_61 = arith.constant 0 : index
    %get3A_62 = tpu.vector_load %arg14[%get3A_61] {strides = array<i32>} : memref<16xf32, #tpu.memory_space<vmem>>, vector<16xf32>,
    %slice3A = vector.extract_strided_slice %get3A_62 {offsets = [0], sizes = [1], strides = [1]} : vector<16xf32> to vector<1xf32>
    %squeeze3A = vector.extract %slice3A[0] : f32 from vector<1xf32>
    %scan3A_63 = arith.constant 0 : i32
    %scan3A_64 = arith.constant 0 : i32
    %scan3A_65 = arith.constant 10 : i32
    %scan3A_66 = arith.addi %scan3A_64, %scan3A_65 : i32
    %scan3A_67 = arith.constant 1 : i32
    scf.for %scan3A_69 = %scan3A_64 to %scan3A_66 step %scan3A_67  : i32 {
      %mul3A_70 = arith.constant 2 : i32
      %mul3A_71 = arith.muli %mul3A_70, %scan3A_69 : i32
      %add3A_72 = arith.constant 1 : i32
      %add3A_73 = arith.addi %mul3A_71, %add3A_72 : i32
      %lt3A = arith.cmpi slt, %add3A_73, %select_n3A : i32
      %convert_element_type3A_74 = arith.extui %lt3A : i1 to i32
      %cond3A_75 = arith.constant 0 : i32
      %cond3A_76 = arith.cmpi ne, %convert_element_type3A_74, %cond3A_75 : i32
      scf.if %cond3A_76 {
        %add3A_102 = arith.addi %sub3A_28, %add3A_73 : i32
        %mul3A_103 = arith.constant 160 : i32
        %mul3A_104 = arith.muli %add3A_102, %mul3A_103 : i32
        %dma_start3A_105 = arith.constant 0 : i32
        %dma_start3A_106 = tpu.memref_slice %arg2[%mul3A_104, %dma_start3A_105] : memref<100000x128xf32, #tpu.memory_space<hbm>> -> memref<160x128xf32, #tpu.memory_space<hbm>>
        %dma_start3A_107 = arith.constant 0 : i32
        %dma_start3A_108 = tpu.memref_slice %arg2[%mul3A_104, %dma_start3A_107] : memref<100000x128xf32, #tpu.memory_space<hbm>> -> memref<160x128xf32, #tpu.memory_space<hbm>>
        tpu.enqueue_dma source(%dma_start3A_108 : memref<160x128xf32, #tpu.memory_space<hbm>>) target(%arg9 : memref<160x128xf32, #tpu.memory_space<vmem>>) target_semaphore(%arg16 : memref<!tpu.dma_semaphore, #tpu.memory_space<semaphore_mem>>)
      } else {
      }
      %dma_wait3A = arith.constant 0 : i32
      %dma_wait3A_77 = arith.constant 0 : i32
      %dma_wait3A_78 = tpu.memref_slice %arg2[%dma_wait3A, %dma_wait3A_77] : memref<100000x128xf32, #tpu.memory_space<hbm>> -> memref<160x128xf32, #tpu.memory_space<hbm>>
      %dma_wait3A_79 = arith.constant 0 : i32
      %dma_wait3A_80 = arith.constant 0 : i32
      %dma_wait3A_81 = tpu.memref_slice %arg2[%dma_wait3A_79, %dma_wait3A_80] : memref<100000x128xf32, #tpu.memory_space<hbm>> -> memref<160x128xf32, #tpu.memory_space<hbm>>
      tpu.wait_dma2 semaphore(%arg15 : memref<!tpu.dma_semaphore, #tpu.memory_space<semaphore_mem>>) src(%dma_wait3A_81 : memref<160x128xf32, #tpu.memory_space<hbm>>) dst(%arg8 : memref<160x128xf32, #tpu.memory_space<vmem>>)
      %sub3A_82 = arith.constant 1 : i32
      %sub3A_83 = arith.subi %add3A_73, %sub3A_82 : i32
      %mul3A_84 = arith.constant 160 : i32
      %mul3A_85 = arith.muli %sub3A_83, %mul3A_84 : i32
      %scan3A_86 = arith.constant 0 : i32
      %scan3A_87 = arith.constant 0 : i32
      %scan3A_88 = arith.constant 10 : i32
      %scan3A_89 = arith.addi %scan3A_87, %scan3A_88 : i32
      %scan3A_90 = arith.constant 1 : i32
      scf.for %scan3A_102 = %scan3A_87 to %scan3A_89 step %scan3A_90  : i32 {
        %mul3A_103 = arith.constant 16 : i32
        %mul3A_104 = arith.muli %mul3A_103, %scan3A_102 : i32
        %add3A_105 = arith.addi %mul3A_85, %mul3A_104 : i32
        %get3A_106 = arith.index_cast %add3A_105 : i32 to index
        %get3A_107 = tpu.vector_load %arg10[%get3A_106] {strides = array<i32>} : memref<3200xi32, #tpu.memory_space<vmem>>, vector<16xi32>,
        %mul3A_108 = arith.constant 16 : i32
        %mul3A_109 = arith.muli %mul3A_108, %scan3A_102 : i32
        %add3A_110 = arith.addi %mul3A_85, %mul3A_109 : i32
        %get3A_111 = arith.index_cast %add3A_110 : i32 to index
        %get3A_112 = tpu.vector_load %arg11[%get3A_111] {strides = array<i32>} : memref<3200xf32, #tpu.memory_space<vmem>>, vector<16xf32>,
        %mul3A_113 = arith.constant 16 : i32
        %mul3A_114 = arith.muli %mul3A_113, %scan3A_102 : i32
        %add3A_115 = arith.constant 0 : i32
        %add3A_116 = arith.addi %mul3A_114, %add3A_115 : i32
        %get3A_117 = arith.index_cast %add3A_116 : i32 to index
        %get3A_118 = arith.constant 0 : index
        %get3A_119 = tpu.vector_load %arg8[%get3A_117, %get3A_118] {strides = array<i32>} : memref<160x128xf32, #tpu.memory_space<vmem>>, vector<16xf32>,
        %get3A_120 = arith.index_cast %add3A_116 : i32 to index
        %get3A_121 = arith.constant 16 : index
        %get3A_122 = tpu.vector_load %arg8[%get3A_120, %get3A_121] {strides = array<i32>} : memref<160x128xf32, #tpu.memory_space<vmem>>, vector<16xf32>,
        %get3A_123 = arith.index_cast %add3A_116 : i32 to index
        %get3A_124 = arith.constant 32 : index
        %get3A_125 = tpu.vector_load %arg8[%get3A_123, %get3A_124] {strides = array<i32>} : memref<160x128xf32, #tpu.memory_space<vmem>>, vector<16xf32>,
        %get3A_126 = arith.index_cast %add3A_116 : i32 to index
        %get3A_127 = arith.constant 48 : index
        %get3A_128 = tpu.vector_load %arg8[%get3A_126, %get3A_127] {strides = array<i32>} : memref<160x128xf32, #tpu.memory_space<vmem>>, vector<16xf32>,
        %get3A_129 = arith.index_cast %add3A_116 : i32 to index
        %get3A_130 = arith.constant 64 : index
        %get3A_131 = tpu.vector_load %arg8[%get3A_129, %get3A_130] {strides = array<i32>} : memref<160x128xf32, #tpu.memory_space<vmem>>, vector<16xf32>,
        %get3A_132 = arith.index_cast %add3A_116 : i32 to index
        %get3A_133 = arith.constant 80 : index
        %get3A_134 = tpu.vector_load %arg8[%get3A_132, %get3A_133] {strides = array<i32>} : memref<160x128xf32, #tpu.memory_space<vmem>>, vector<16xf32>,
        %get3A_135 = arith.index_cast %add3A_116 : i32 to index
        %get3A_136 = arith.constant 96 : index
        %get3A_137 = tpu.vector_load %arg8[%get3A_135, %get3A_136] {strides = array<i32>} : memref<160x128xf32, #tpu.memory_space<vmem>>, vector<16xf32>,
        %get3A_138 = arith.index_cast %add3A_116 : i32 to index
        %get3A_139 = arith.constant 112 : index
        %get3A_140 = tpu.vector_load %arg8[%get3A_138, %get3A_139] {strides = array<i32>} : memref<160x128xf32, #tpu.memory_space<vmem>>, vector<16xf32>,
        %mul3A_141 = arith.mulf %get3A_119, %get3A_46 : vector<16xf32>
        %mul3A_142 = arith.mulf %get3A_122, %get3A_48 : vector<16xf32>
        %mul3A_143 = arith.mulf %get3A_125, %get3A_50 : vector<16xf32>
        %mul3A_144 = arith.mulf %get3A_128, %get3A_52 : vector<16xf32>
        %mul3A_145 = arith.mulf %get3A_131, %get3A_54 : vector<16xf32>
        %mul3A_146 = arith.mulf %get3A_134, %get3A_56 : vector<16xf32>
        %mul3A_147 = arith.mulf %get3A_137, %get3A_58 : vector<16xf32>
        %mul3A_148 = arith.mulf %get3A_140, %get3A_60 : vector<16xf32>
        %add3A_149 = arith.addf %mul3A_141, %mul3A_142 : vector<16xf32>
        %add3A_150 = arith.addf %mul3A_143, %mul3A_144 : vector<16xf32>
        %add3A_151 = arith.addf %mul3A_145, %mul3A_146 : vector<16xf32>
        %add3A_152 = arith.addf %mul3A_147, %mul3A_148 : vector<16xf32>
        %add3A_153 = arith.addf %add3A_149, %add3A_150 : vector<16xf32>
        %add3A_154 = arith.addf %add3A_151, %add3A_152 : vector<16xf32>
        %add3A_155 = arith.addf %add3A_153, %add3A_154 : vector<16xf32>
        %reduce_sum3A = arith.constant true
        %reduce_sum3A_156 = vector.broadcast %reduce_sum3A : i1 to vector<16xi1>
        %reduce_sum3A_157 = tpu.scan <sum>, %add3A_155 masked %reduce_sum3A_156 : vector<16xf32>, vector<16xi1> -> vector<16xf32>
        %reduce_sum3A_158 = vector.extract %reduce_sum3A_157[15] : f32 from vector<16xf32>
        %add3A_159 = arith.addf %reduce_sum3A_158, %squeeze3A : f32
        %mul3A_160 = arith.constant 16 : i32
        %mul3A_161 = arith.muli %mul3A_160, %scan3A_102 : i32
        %add3A_162 = arith.constant 1 : i32
        %add3A_163 = arith.addi %mul3A_161, %add3A_162 : i32
        %get3A_164 = arith.index_cast %add3A_163 : i32 to index
        %get3A_165 = arith.constant 0 : index
        %get3A_166 = tpu.vector_load %arg8[%get3A_164, %get3A_165] {strides = array<i32>} : memref<160x128xf32, #tpu.memory_space<vmem>>, vector<16xf32>,
        %get3A_167 = arith.index_cast %add3A_163 : i32 to index
        %get3A_168 = arith.constant 16 : index
        %get3A_169 = tpu.vector_load %arg8[%get3A_167, %get3A_168] {strides = array<i32>} : memref<160x128xf32, #tpu.memory_space<vmem>>, vector<16xf32>,
        %get3A_170 = arith.index_cast %add3A_163 : i32 to index
        %get3A_171 = arith.constant 32 : index
        %get3A_172 = tpu.vector_load %arg8[%get3A_170, %get3A_171] {strides = array<i32>} : memref<160x128xf32, #tpu.memory_space<vmem>>, vector<16xf32>,
        %get3A_173 = arith.index_cast %add3A_163 : i32 to index
        %get3A_174 = arith.constant 48 : index
        %get3A_175 = tpu.vector_load %arg8[%get3A_173, %get3A_174] {strides = array<i32>} : memref<160x128xf32, #tpu.memory_space<vmem>>, vector<16xf32>,
        %get3A_176 = arith.index_cast %add3A_163 : i32 to index
        %get3A_177 = arith.constant 64 : index
        %get3A_178 = tpu.vector_load %arg8[%get3A_176, %get3A_177] {strides = array<i32>} : memref<160x128xf32, #tpu.memory_space<vmem>>, vector<16xf32>,
        %get3A_179 = arith.index_cast %add3A_163 : i32 to index
        %get3A_180 = arith.constant 80 : index
        %get3A_181 = tpu.vector_load %arg8[%get3A_179, %get3A_180] {strides = array<i32>} : memref<160x128xf32, #tpu.memory_space<vmem>>, vector<16xf32>,
        %get3A_182 = arith.index_cast %add3A_163 : i32 to index
        %get3A_183 = arith.constant 96 : index
        %get3A_184 = tpu.vector_load %arg8[%get3A_182, %get3A_183] {strides = array<i32>} : memref<160x128xf32, #tpu.memory_space<vmem>>, vector<16xf32>,
        %get3A_185 = arith.index_cast %add3A_163 : i32 to index
        %get3A_186 = arith.constant 112 : index
        %get3A_187 = tpu.vector_load %arg8[%get3A_185, %get3A_186] {strides = array<i32>} : memref<160x128xf32, #tpu.memory_space<vmem>>, vector<16xf32>,
        %mul3A_188 = arith.mulf %get3A_166, %get3A_46 : vector<16xf32>
        %mul3A_189 = arith.mulf %get3A_169, %get3A_48 : vector<16xf32>
        %mul3A_190 = arith.mulf %get3A_172, %get3A_50 : vector<16xf32>
        %mul3A_191 = arith.mulf %get3A_175, %get3A_52 : vector<16xf32>
        %mul3A_192 = arith.mulf %get3A_178, %get3A_54 : vector<16xf32>
        %mul3A_193 = arith.mulf %get3A_181, %get3A_56 : vector<16xf32>
        %mul3A_194 = arith.mulf %get3A_184, %get3A_58 : vector<16xf32>
        %mul3A_195 = arith.mulf %get3A_187, %get3A_60 : vector<16xf32>
        %add3A_196 = arith.addf %mul3A_188, %mul3A_189 : vector<16xf32>
        %add3A_197 = arith.addf %mul3A_190, %mul3A_191 : vector<16xf32>
        %add3A_198 = arith.addf %mul3A_192, %mul3A_193 : vector<16xf32>
        %add3A_199 = arith.addf %mul3A_194, %mul3A_195 : vector<16xf32>
        %add3A_200 = arith.addf %add3A_196, %add3A_197 : vector<16xf32>
        %add3A_201 = arith.addf %add3A_198, %add3A_199 : vector<16xf32>
        %add3A_202 = arith.addf %add3A_200, %add3A_201 : vector<16xf32>
        %reduce_sum3A_203 = arith.constant true
        %reduce_sum3A_204 = vector.broadcast %reduce_sum3A_203 : i1 to vector<16xi1>
        %reduce_sum3A_205 = tpu.scan <sum>, %add3A_202 masked %reduce_sum3A_204 : vector<16xf32>, vector<16xi1> -> vector<16xf32>
        %reduce_sum3A_206 = vector.extract %reduce_sum3A_205[15] : f32 from vector<16xf32>
        %add3A_207 = arith.addf %reduce_sum3A_206, %squeeze3A : f32
        %mul3A_208 = arith.constant 16 : i32
        %mul3A_209 = arith.muli %mul3A_208, %scan3A_102 : i32
        %add3A_210 = arith.constant 2 : i32
        %add3A_211 = arith.addi %mul3A_209, %add3A_210 : i32
        %get3A_212 = arith.index_cast %add3A_211 : i32 to index
        %get3A_213 = arith.constant 0 : index
        %get3A_214 = tpu.vector_load %arg8[%get3A_212, %get3A_213] {strides = array<i32>} : memref<160x128xf32, #tpu.memory_space<vmem>>, vector<16xf32>,
        %get3A_215 = arith.index_cast %add3A_211 : i32 to index
        %get3A_216 = arith.constant 16 : index
        %get3A_217 = tpu.vector_load %arg8[%get3A_215, %get3A_216] {strides = array<i32>} : memref<160x128xf32, #tpu.memory_space<vmem>>, vector<16xf32>,
        %get3A_218 = arith.index_cast %add3A_211 : i32 to index
        %get3A_219 = arith.constant 32 : index
        %get3A_220 = tpu.vector_load %arg8[%get3A_218, %get3A_219] {strides = array<i32>} : memref<160x128xf32, #tpu.memory_space<vmem>>, vector<16xf32>,
        %get3A_221 = arith.index_cast %add3A_211 : i32 to index
        %get3A_222 = arith.constant 48 : index
        %get3A_223 = tpu.vector_load %arg8[%get3A_221, %get3A_222] {strides = array<i32>} : memref<160x128xf32, #tpu.memory_space<vmem>>, vector<16xf32>,
        %get3A_224 = arith.index_cast %add3A_211 : i32 to index
        %get3A_225 = arith.constant 64 : index
        %get3A_226 = tpu.vector_load %arg8[%get3A_224, %get3A_225] {strides = array<i32>} : memref<160x128xf32, #tpu.memory_space<vmem>>, vector<16xf32>,
        %get3A_227 = arith.index_cast %add3A_211 : i32 to index
        %get3A_228 = arith.constant 80 : index
        %get3A_229 = tpu.vector_load %arg8[%get3A_227, %get3A_228] {strides = array<i32>} : memref<160x128xf32, #tpu.memory_space<vmem>>, vector<16xf32>,
        %get3A_230 = arith.index_cast %add3A_211 : i32 to index
        %get3A_231 = arith.constant 96 : index
        %get3A_232 = tpu.vector_load %arg8[%get3A_230, %get3A_231] {strides = array<i32>} : memref<160x128xf32, #tpu.memory_space<vmem>>, vector<16xf32>,
        %get3A_233 = arith.index_cast %add3A_211 : i32 to index
        %get3A_234 = arith.constant 112 : index
        %get3A_235 = tpu.vector_load %arg8[%get3A_233, %get3A_234] {strides = array<i32>} : memref<160x128xf32, #tpu.memory_space<vmem>>, vector<16xf32>,
        %mul3A_236 = arith.mulf %get3A_214, %get3A_46 : vector<16xf32>
        %mul3A_237 = arith.mulf %get3A_217, %get3A_48 : vector<16xf32>
        %mul3A_238 = arith.mulf %get3A_220, %get3A_50 : vector<16xf32>
        %mul3A_239 = arith.mulf %get3A_223, %get3A_52 : vector<16xf32>
        %mul3A_240 = arith.mulf %get3A_226, %get3A_54 : vector<16xf32>
        %mul3A_241 = arith.mulf %get3A_229, %get3A_56 : vector<16xf32>
        %mul3A_242 = arith.mulf %get3A_232, %get3A_58 : vector<16xf32>
        %mul3A_243 = arith.mulf %get3A_235, %get3A_60 : vector<16xf32>
        %add3A_244 = arith.addf %mul3A_236, %mul3A_237 : vector<16xf32>
        %add3A_245 = arith.addf %mul3A_238, %mul3A_239 : vector<16xf32>
        %add3A_246 = arith.addf %mul3A_240, %mul3A_241 : vector<16xf32>
        %add3A_247 = arith.addf %mul3A_242, %mul3A_243 : vector<16xf32>
        %add3A_248 = arith.addf %add3A_244, %add3A_245 : vector<16xf32>
        %add3A_249 = arith.addf %add3A_246, %add3A_247 : vector<16xf32>
        %add3A_250 = arith.addf %add3A_248, %add3A_249 : vector<16xf32>
        %reduce_sum3A_251 = arith.constant true
        %reduce_sum3A_252 = vector.broadcast %reduce_sum3A_251 : i1 to vector<16xi1>
        %reduce_sum3A_253 = tpu.scan <sum>, %add3A_250 masked %reduce_sum3A_252 : vector<16xf32>, vector<16xi1> -> vector<16xf32>
        %reduce_sum3A_254 = vector.extract %reduce_sum3A_253[15] : f32 from vector<16xf32>
        %add3A_255 = arith.addf %reduce_sum3A_254, %squeeze3A : f32
        %mul3A_256 = arith.constant 16 : i32
        %mul3A_257 = arith.muli %mul3A_256, %scan3A_102 : i32
        %add3A_258 = arith.constant 3 : i32
        %add3A_259 = arith.addi %mul3A_257, %add3A_258 : i32
        %get3A_260 = arith.index_cast %add3A_259 : i32 to index
        %get3A_261 = arith.constant 0 : index
        %get3A_262 = tpu.vector_load %arg8[%get3A_260, %get3A_261] {strides = array<i32>} : memref<160x128xf32, #tpu.memory_space<vmem>>, vector<16xf32>,
        %get3A_263 = arith.index_cast %add3A_259 : i32 to index
        %get3A_264 = arith.constant 16 : index
        %get3A_265 = tpu.vector_load %arg8[%get3A_263, %get3A_264] {strides = array<i32>} : memref<160x128xf32, #tpu.memory_space<vmem>>, vector<16xf32>,
        %get3A_266 = arith.index_cast %add3A_259 : i32 to index
        %get3A_267 = arith.constant 32 : index
        %get3A_268 = tpu.vector_load %arg8[%get3A_266, %get3A_267] {strides = array<i32>} : memref<160x128xf32, #tpu.memory_space<vmem>>, vector<16xf32>,
        %get3A_269 = arith.index_cast %add3A_259 : i32 to index
        %get3A_270 = arith.constant 48 : index
        %get3A_271 = tpu.vector_load %arg8[%get3A_269, %get3A_270] {strides = array<i32>} : memref<160x128xf32, #tpu.memory_space<vmem>>, vector<16xf32>,
        %get3A_272 = arith.index_cast %add3A_259 : i32 to index
        %get3A_273 = arith.constant 64 : index
        %get3A_274 = tpu.vector_load %arg8[%get3A_272, %get3A_273] {strides = array<i32>} : memref<160x128xf32, #tpu.memory_space<vmem>>, vector<16xf32>,
        %get3A_275 = arith.index_cast %add3A_259 : i32 to index
        %get3A_276 = arith.constant 80 : index
        %get3A_277 = tpu.vector_load %arg8[%get3A_275, %get3A_276] {strides = array<i32>} : memref<160x128xf32, #tpu.memory_space<vmem>>, vector<16xf32>,
        %get3A_278 = arith.index_cast %add3A_259 : i32 to index
        %get3A_279 = arith.constant 96 : index
        %get3A_280 = tpu.vector_load %arg8[%get3A_278, %get3A_279] {strides = array<i32>} : memref<160x128xf32, #tpu.memory_space<vmem>>, vector<16xf32>,
        %get3A_281 = arith.index_cast %add3A_259 : i32 to index
        %get3A_282 = arith.constant 112 : index
        %get3A_283 = tpu.vector_load %arg8[%get3A_281, %get3A_282] {strides = array<i32>} : memref<160x128xf32, #tpu.memory_space<vmem>>, vector<16xf32>,
        %mul3A_284 = arith.mulf %get3A_262, %get3A_46 : vector<16xf32>
        %mul3A_285 = arith.mulf %get3A_265, %get3A_48 : vector<16xf32>
        %mul3A_286 = arith.mulf %get3A_268, %get3A_50 : vector<16xf32>
        %mul3A_287 = arith.mulf %get3A_271, %get3A_52 : vector<16xf32>
        %mul3A_288 = arith.mulf %get3A_274, %get3A_54 : vector<16xf32>
        %mul3A_289 = arith.mulf %get3A_277, %get3A_56 : vector<16xf32>
        %mul3A_290 = arith.mulf %get3A_280, %get3A_58 : vector<16xf32>
        %mul3A_291 = arith.mulf %get3A_283, %get3A_60 : vector<16xf32>
        %add3A_292 = arith.addf %mul3A_284, %mul3A_285 : vector<16xf32>
        %add3A_293 = arith.addf %mul3A_286, %mul3A_287 : vector<16xf32>
        %add3A_294 = arith.addf %mul3A_288, %mul3A_289 : vector<16xf32>
        %add3A_295 = arith.addf %mul3A_290, %mul3A_291 : vector<16xf32>
        %add3A_296 = arith.addf %add3A_292, %add3A_293 : vector<16xf32>
        %add3A_297 = arith.addf %add3A_294, %add3A_295 : vector<16xf32>
        %add3A_298 = arith.addf %add3A_296, %add3A_297 : vector<16xf32>
        %reduce_sum3A_299 = arith.constant true
        %reduce_sum3A_300 = vector.broadcast %reduce_sum3A_299 : i1 to vector<16xi1>
        %reduce_sum3A_301 = tpu.scan <sum>, %add3A_298 masked %reduce_sum3A_300 : vector<16xf32>, vector<16xi1> -> vector<16xf32>
        %reduce_sum3A_302 = vector.extract %reduce_sum3A_301[15] : f32 from vector<16xf32>
        %add3A_303 = arith.addf %reduce_sum3A_302, %squeeze3A : f32
        %mul3A_304 = arith.constant 16 : i32
        %mul3A_305 = arith.muli %mul3A_304, %scan3A_102 : i32
        %add3A_306 = arith.constant 4 : i32
        %add3A_307 = arith.addi %mul3A_305, %add3A_306 : i32
        %get3A_308 = arith.index_cast %add3A_307 : i32 to index
        %get3A_309 = arith.constant 0 : index
        %get3A_310 = tpu.vector_load %arg8[%get3A_308, %get3A_309] {strides = array<i32>} : memref<160x128xf32, #tpu.memory_space<vmem>>, vector<16xf32>,
        %get3A_311 = arith.index_cast %add3A_307 : i32 to index
        %get3A_312 = arith.constant 16 : index
        %get3A_313 = tpu.vector_load %arg8[%get3A_311, %get3A_312] {strides = array<i32>} : memref<160x128xf32, #tpu.memory_space<vmem>>, vector<16xf32>,
        %get3A_314 = arith.index_cast %add3A_307 : i32 to index
        %get3A_315 = arith.constant 32 : index
        %get3A_316 = tpu.vector_load %arg8[%get3A_314, %get3A_315] {strides = array<i32>} : memref<160x128xf32, #tpu.memory_space<vmem>>, vector<16xf32>,
        %get3A_317 = arith.index_cast %add3A_307 : i32 to index
        %get3A_318 = arith.constant 48 : index
        %get3A_319 = tpu.vector_load %arg8[%get3A_317, %get3A_318] {strides = array<i32>} : memref<160x128xf32, #tpu.memory_space<vmem>>, vector<16xf32>,
        %get3A_320 = arith.index_cast %add3A_307 : i32 to index
        %get3A_321 = arith.constant 64 : index
        %get3A_322 = tpu.vector_load %arg8[%get3A_320, %get3A_321] {strides = array<i32>} : memref<160x128xf32, #tpu.memory_space<vmem>>, vector<16xf32>,
        %get3A_323 = arith.index_cast %add3A_307 : i32 to index
        %get3A_324 = arith.constant 80 : index
        %get3A_325 = tpu.vector_load %arg8[%get3A_323, %get3A_324] {strides = array<i32>} : memref<160x128xf32, #tpu.memory_space<vmem>>, vector<16xf32>,
        %get3A_326 = arith.index_cast %add3A_307 : i32 to index
        %get3A_327 = arith.constant 96 : index
        %get3A_328 = tpu.vector_load %arg8[%get3A_326, %get3A_327] {strides = array<i32>} : memref<160x128xf32, #tpu.memory_space<vmem>>, vector<16xf32>,
        %get3A_329 = arith.index_cast %add3A_307 : i32 to index
        %get3A_330 = arith.constant 112 : index
        %get3A_331 = tpu.vector_load %arg8[%get3A_329, %get3A_330] {strides = array<i32>} : memref<160x128xf32, #tpu.memory_space<vmem>>, vector<16xf32>,
        %mul3A_332 = arith.mulf %get3A_310, %get3A_46 : vector<16xf32>
        %mul3A_333 = arith.mulf %get3A_313, %get3A_48 : vector<16xf32>
        %mul3A_334 = arith.mulf %get3A_316, %get3A_50 : vector<16xf32>
        %mul3A_335 = arith.mulf %get3A_319, %get3A_52 : vector<16xf32>
        %mul3A_336 = arith.mulf %get3A_322, %get3A_54 : vector<16xf32>
        %mul3A_337 = arith.mulf %get3A_325, %get3A_56 : vector<16xf32>
        %mul3A_338 = arith.mulf %get3A_328, %get3A_58 : vector<16xf32>
        %mul3A_339 = arith.mulf %get3A_331, %get3A_60 : vector<16xf32>
        %add3A_340 = arith.addf %mul3A_332, %mul3A_333 : vector<16xf32>
        %add3A_341 = arith.addf %mul3A_334, %mul3A_335 : vector<16xf32>
        %add3A_342 = arith.addf %mul3A_336, %mul3A_337 : vector<16xf32>
        %add3A_343 = arith.addf %mul3A_338, %mul3A_339 : vector<16xf32>
        %add3A_344 = arith.addf %add3A_340, %add3A_341 : vector<16xf32>
        %add3A_345 = arith.addf %add3A_342, %add3A_343 : vector<16xf32>
        %add3A_346 = arith.addf %add3A_344, %add3A_345 : vector<16xf32>
        %reduce_sum3A_347 = arith.constant true
        %reduce_sum3A_348 = vector.broadcast %reduce_sum3A_347 : i1 to vector<16xi1>
        %reduce_sum3A_349 = tpu.scan <sum>, %add3A_346 masked %reduce_sum3A_348 : vector<16xf32>, vector<16xi1> -> vector<16xf32>
        %reduce_sum3A_350 = vector.extract %reduce_sum3A_349[15] : f32 from vector<16xf32>
        %add3A_351 = arith.addf %reduce_sum3A_350, %squeeze3A : f32
        %mul3A_352 = arith.constant 16 : i32
        %mul3A_353 = arith.muli %mul3A_352, %scan3A_102 : i32
        %add3A_354 = arith.constant 5 : i32
        %add3A_355 = arith.addi %mul3A_353, %add3A_354 : i32
        %get3A_356 = arith.index_cast %add3A_355 : i32 to index
        %get3A_357 = arith.constant 0 : index
        %get3A_358 = tpu.vector_load %arg8[%get3A_356, %get3A_357] {strides = array<i32>} : memref<160x128xf32, #tpu.memory_space<vmem>>, vector<16xf32>,
        %get3A_359 = arith.index_cast %add3A_355 : i32 to index
        %get3A_360 = arith.constant 16 : index
        %get3A_361 = tpu.vector_load %arg8[%get3A_359, %get3A_360] {strides = array<i32>} : memref<160x128xf32, #tpu.memory_space<vmem>>, vector<16xf32>,
        %get3A_362 = arith.index_cast %add3A_355 : i32 to index
        %get3A_363 = arith.constant 32 : index
        %get3A_364 = tpu.vector_load %arg8[%get3A_362, %get3A_363] {strides = array<i32>} : memref<160x128xf32, #tpu.memory_space<vmem>>, vector<16xf32>,
        %get3A_365 = arith.index_cast %add3A_355 : i32 to index
        %get3A_366 = arith.constant 48 : index
        %get3A_367 = tpu.vector_load %arg8[%get3A_365, %get3A_366] {strides = array<i32>} : memref<160x128xf32, #tpu.memory_space<vmem>>, vector<16xf32>,
        %get3A_368 = arith.index_cast %add3A_355 : i32 to index
        %get3A_369 = arith.constant 64 : index
        %get3A_370 = tpu.vector_load %arg8[%get3A_368, %get3A_369] {strides = array<i32>} : memref<160x128xf32, #tpu.memory_space<vmem>>, vector<16xf32>,
        %get3A_371 = arith.index_cast %add3A_355 : i32 to index
        %get3A_372 = arith.constant 80 : index
        %get3A_373 = tpu.vector_load %arg8[%get3A_371, %get3A_372] {strides = array<i32>} : memref<160x128xf32, #tpu.memory_space<vmem>>, vector<16xf32>,
        %get3A_374 = arith.index_cast %add3A_355 : i32 to index
        %get3A_375 = arith.constant 96 : index
        %get3A_376 = tpu.vector_load %arg8[%get3A_374, %get3A_375] {strides = array<i32>} : memref<160x128xf32, #tpu.memory_space<vmem>>, vector<16xf32>,
        %get3A_377 = arith.index_cast %add3A_355 : i32 to index
        %get3A_378 = arith.constant 112 : index
        %get3A_379 = tpu.vector_load %arg8[%get3A_377, %get3A_378] {strides = array<i32>} : memref<160x128xf32, #tpu.memory_space<vmem>>, vector<16xf32>,
        %mul3A_380 = arith.mulf %get3A_358, %get3A_46 : vector<16xf32>
        %mul3A_381 = arith.mulf %get3A_361, %get3A_48 : vector<16xf32>
        %mul3A_382 = arith.mulf %get3A_364, %get3A_50 : vector<16xf32>
        %mul3A_383 = arith.mulf %get3A_367, %get3A_52 : vector<16xf32>
        %mul3A_384 = arith.mulf %get3A_370, %get3A_54 : vector<16xf32>
        %mul3A_385 = arith.mulf %get3A_373, %get3A_56 : vector<16xf32>
        %mul3A_386 = arith.mulf %get3A_376, %get3A_58 : vector<16xf32>
        %mul3A_387 = arith.mulf %get3A_379, %get3A_60 : vector<16xf32>
        %add3A_388 = arith.addf %mul3A_380, %mul3A_381 : vector<16xf32>
        %add3A_389 = arith.addf %mul3A_382, %mul3A_383 : vector<16xf32>
        %add3A_390 = arith.addf %mul3A_384, %mul3A_385 : vector<16xf32>
        %add3A_391 = arith.addf %mul3A_386, %mul3A_387 : vector<16xf32>
        %add3A_392 = arith.addf %add3A_388, %add3A_389 : vector<16xf32>
        %add3A_393 = arith.addf %add3A_390, %add3A_391 : vector<16xf32>
        %add3A_394 = arith.addf %add3A_392, %add3A_393 : vector<16xf32>
        %reduce_sum3A_395 = arith.constant true
        %reduce_sum3A_396 = vector.broadcast %reduce_sum3A_395 : i1 to vector<16xi1>
        %reduce_sum3A_397 = tpu.scan <sum>, %add3A_394 masked %reduce_sum3A_396 : vector<16xf32>, vector<16xi1> -> vector<16xf32>
        %reduce_sum3A_398 = vector.extract %reduce_sum3A_397[15] : f32 from vector<16xf32>
        %add3A_399 = arith.addf %reduce_sum3A_398, %squeeze3A : f32
        %mul3A_400 = arith.constant 16 : i32
        %mul3A_401 = arith.muli %mul3A_400, %scan3A_102 : i32
        %add3A_402 = arith.constant 6 : i32
        %add3A_403 = arith.addi %mul3A_401, %add3A_402 : i32
        %get3A_404 = arith.index_cast %add3A_403 : i32 to index
        %get3A_405 = arith.constant 0 : index
        %get3A_406 = tpu.vector_load %arg8[%get3A_404, %get3A_405] {strides = array<i32>} : memref<160x128xf32, #tpu.memory_space<vmem>>, vector<16xf32>,
        %get3A_407 = arith.index_cast %add3A_403 : i32 to index
        %get3A_408 = arith.constant 16 : index
        %get3A_409 = tpu.vector_load %arg8[%get3A_407, %get3A_408] {strides = array<i32>} : memref<160x128xf32, #tpu.memory_space<vmem>>, vector<16xf32>,
        %get3A_410 = arith.index_cast %add3A_403 : i32 to index
        %get3A_411 = arith.constant 32 : index
        %get3A_412 = tpu.vector_load %arg8[%get3A_410, %get3A_411] {strides = array<i32>} : memref<160x128xf32, #tpu.memory_space<vmem>>, vector<16xf32>,
        %get3A_413 = arith.index_cast %add3A_403 : i32 to index
        %get3A_414 = arith.constant 48 : index
        %get3A_415 = tpu.vector_load %arg8[%get3A_413, %get3A_414] {strides = array<i32>} : memref<160x128xf32, #tpu.memory_space<vmem>>, vector<16xf32>,
        %get3A_416 = arith.index_cast %add3A_403 : i32 to index
        %get3A_417 = arith.constant 64 : index
        %get3A_418 = tpu.vector_load %arg8[%get3A_416, %get3A_417] {strides = array<i32>} : memref<160x128xf32, #tpu.memory_space<vmem>>, vector<16xf32>,
        %get3A_419 = arith.index_cast %add3A_403 : i32 to index
        %get3A_420 = arith.constant 80 : index
        %get3A_421 = tpu.vector_load %arg8[%get3A_419, %get3A_420] {strides = array<i32>} : memref<160x128xf32, #tpu.memory_space<vmem>>, vector<16xf32>,
        %get3A_422 = arith.index_cast %add3A_403 : i32 to index
        %get3A_423 = arith.constant 96 : index
        %get3A_424 = tpu.vector_load %arg8[%get3A_422, %get3A_423] {strides = array<i32>} : memref<160x128xf32, #tpu.memory_space<vmem>>, vector<16xf32>,
        %get3A_425 = arith.index_cast %add3A_403 : i32 to index
        %get3A_426 = arith.constant 112 : index
        %get3A_427 = tpu.vector_load %arg8[%get3A_425, %get3A_426] {strides = array<i32>} : memref<160x128xf32, #tpu.memory_space<vmem>>, vector<16xf32>,
        %mul3A_428 = arith.mulf %get3A_406, %get3A_46 : vector<16xf32>
        %mul3A_429 = arith.mulf %get3A_409, %get3A_48 : vector<16xf32>
        %mul3A_430 = arith.mulf %get3A_412, %get3A_50 : vector<16xf32>
        %mul3A_431 = arith.mulf %get3A_415, %get3A_52 : vector<16xf32>
        %mul3A_432 = arith.mulf %get3A_418, %get3A_54 : vector<16xf32>
        %mul3A_433 = arith.mulf %get3A_421, %get3A_56 : vector<16xf32>
        %mul3A_434 = arith.mulf %get3A_424, %get3A_58 : vector<16xf32>
        %mul3A_435 = arith.mulf %get3A_427, %get3A_60 : vector<16xf32>
        %add3A_436 = arith.addf %mul3A_428, %mul3A_429 : vector<16xf32>
        %add3A_437 = arith.addf %mul3A_430, %mul3A_431 : vector<16xf32>
        %add3A_438 = arith.addf %mul3A_432, %mul3A_433 : vector<16xf32>
        %add3A_439 = arith.addf %mul3A_434, %mul3A_435 : vector<16xf32>
        %add3A_440 = arith.addf %add3A_436, %add3A_437 : vector<16xf32>
        %add3A_441 = arith.addf %add3A_438, %add3A_439 : vector<16xf32>
        %add3A_442 = arith.addf %add3A_440, %add3A_441 : vector<16xf32>
        %reduce_sum3A_443 = arith.constant true
        %reduce_sum3A_444 = vector.broadcast %reduce_sum3A_443 : i1 to vector<16xi1>
        %reduce_sum3A_445 = tpu.scan <sum>, %add3A_442 masked %reduce_sum3A_444 : vector<16xf32>, vector<16xi1> -> vector<16xf32>
        %reduce_sum3A_446 = vector.extract %reduce_sum3A_445[15] : f32 from vector<16xf32>
        %add3A_447 = arith.addf %reduce_sum3A_446, %squeeze3A : f32
        %mul3A_448 = arith.constant 16 : i32
        %mul3A_449 = arith.muli %mul3A_448, %scan3A_102 : i32
        %add3A_450 = arith.constant 7 : i32
        %add3A_451 = arith.addi %mul3A_449, %add3A_450 : i32
        %get3A_452 = arith.index_cast %add3A_451 : i32 to index
        %get3A_453 = arith.constant 0 : index
        %get3A_454 = tpu.vector_load %arg8[%get3A_452, %get3A_453] {strides = array<i32>} : memref<160x128xf32, #tpu.memory_space<vmem>>, vector<16xf32>,
        %get3A_455 = arith.index_cast %add3A_451 : i32 to index
        %get3A_456 = arith.constant 16 : index
        %get3A_457 = tpu.vector_load %arg8[%get3A_455, %get3A_456] {strides = array<i32>} : memref<160x128xf32, #tpu.memory_space<vmem>>, vector<16xf32>,
        %get3A_458 = arith.index_cast %add3A_451 : i32 to index
        %get3A_459 = arith.constant 32 : index
        %get3A_460 = tpu.vector_load %arg8[%get3A_458, %get3A_459] {strides = array<i32>} : memref<160x128xf32, #tpu.memory_space<vmem>>, vector<16xf32>,
        %get3A_461 = arith.index_cast %add3A_451 : i32 to index
        %get3A_462 = arith.constant 48 : index
        %get3A_463 = tpu.vector_load %arg8[%get3A_461, %get3A_462] {strides = array<i32>} : memref<160x128xf32, #tpu.memory_space<vmem>>, vector<16xf32>,
        %get3A_464 = arith.index_cast %add3A_451 : i32 to index
        %get3A_465 = arith.constant 64 : index
        %get3A_466 = tpu.vector_load %arg8[%get3A_464, %get3A_465] {strides = array<i32>} : memref<160x128xf32, #tpu.memory_space<vmem>>, vector<16xf32>,
        %get3A_467 = arith.index_cast %add3A_451 : i32 to index
        %get3A_468 = arith.constant 80 : index
        %get3A_469 = tpu.vector_load %arg8[%get3A_467, %get3A_468] {strides = array<i32>} : memref<160x128xf32, #tpu.memory_space<vmem>>, vector<16xf32>,
        %get3A_470 = arith.index_cast %add3A_451 : i32 to index
        %get3A_471 = arith.constant 96 : index
        %get3A_472 = tpu.vector_load %arg8[%get3A_470, %get3A_471] {strides = array<i32>} : memref<160x128xf32, #tpu.memory_space<vmem>>, vector<16xf32>,
        %get3A_473 = arith.index_cast %add3A_451 : i32 to index
        %get3A_474 = arith.constant 112 : index
        %get3A_475 = tpu.vector_load %arg8[%get3A_473, %get3A_474] {strides = array<i32>} : memref<160x128xf32, #tpu.memory_space<vmem>>, vector<16xf32>,
        %mul3A_476 = arith.mulf %get3A_454, %get3A_46 : vector<16xf32>
        %mul3A_477 = arith.mulf %get3A_457, %get3A_48 : vector<16xf32>
        %mul3A_478 = arith.mulf %get3A_460, %get3A_50 : vector<16xf32>
        %mul3A_479 = arith.mulf %get3A_463, %get3A_52 : vector<16xf32>
        %mul3A_480 = arith.mulf %get3A_466, %get3A_54 : vector<16xf32>
        %mul3A_481 = arith.mulf %get3A_469, %get3A_56 : vector<16xf32>
        %mul3A_482 = arith.mulf %get3A_472, %get3A_58 : vector<16xf32>
        %mul3A_483 = arith.mulf %get3A_475, %get3A_60 : vector<16xf32>
        %add3A_484 = arith.addf %mul3A_476, %mul3A_477 : vector<16xf32>
        %add3A_485 = arith.addf %mul3A_478, %mul3A_479 : vector<16xf32>
        %add3A_486 = arith.addf %mul3A_480, %mul3A_481 : vector<16xf32>
        %add3A_487 = arith.addf %mul3A_482, %mul3A_483 : vector<16xf32>
        %add3A_488 = arith.addf %add3A_484, %add3A_485 : vector<16xf32>
        %add3A_489 = arith.addf %add3A_486, %add3A_487 : vector<16xf32>
        %add3A_490 = arith.addf %add3A_488, %add3A_489 : vector<16xf32>
        %reduce_sum3A_491 = arith.constant true
        %reduce_sum3A_492 = vector.broadcast %reduce_sum3A_491 : i1 to vector<16xi1>
        %reduce_sum3A_493 = tpu.scan <sum>, %add3A_490 masked %reduce_sum3A_492 : vector<16xf32>, vector<16xi1> -> vector<16xf32>
        %reduce_sum3A_494 = vector.extract %reduce_sum3A_493[15] : f32 from vector<16xf32>
        %add3A_495 = arith.addf %reduce_sum3A_494, %squeeze3A : f32
        %mul3A_496 = arith.constant 16 : i32
        %mul3A_497 = arith.muli %mul3A_496, %scan3A_102 : i32
        %add3A_498 = arith.constant 8 : i32
        %add3A_499 = arith.addi %mul3A_497, %add3A_498 : i32
        %get3A_500 = arith.index_cast %add3A_499 : i32 to index
        %get3A_501 = arith.constant 0 : index
        %get3A_502 = tpu.vector_load %arg8[%get3A_500, %get3A_501] {strides = array<i32>} : memref<160x128xf32, #tpu.memory_space<vmem>>, vector<16xf32>,
        %get3A_503 = arith.index_cast %add3A_499 : i32 to index
        %get3A_504 = arith.constant 16 : index
        %get3A_505 = tpu.vector_load %arg8[%get3A_503, %get3A_504] {strides = array<i32>} : memref<160x128xf32, #tpu.memory_space<vmem>>, vector<16xf32>,
        %get3A_506 = arith.index_cast %add3A_499 : i32 to index
        %get3A_507 = arith.constant 32 : index
        %get3A_508 = tpu.vector_load %arg8[%get3A_506, %get3A_507] {strides = array<i32>} : memref<160x128xf32, #tpu.memory_space<vmem>>, vector<16xf32>,
        %get3A_509 = arith.index_cast %add3A_499 : i32 to index
        %get3A_510 = arith.constant 48 : index
        %get3A_511 = tpu.vector_load %arg8[%get3A_509, %get3A_510] {strides = array<i32>} : memref<160x128xf32, #tpu.memory_space<vmem>>, vector<16xf32>,
        %get3A_512 = arith.index_cast %add3A_499 : i32 to index
        %get3A_513 = arith.constant 64 : index
        %get3A_514 = tpu.vector_load %arg8[%get3A_512, %get3A_513] {strides = array<i32>} : memref<160x128xf32, #tpu.memory_space<vmem>>, vector<16xf32>,
        %get3A_515 = arith.index_cast %add3A_499 : i32 to index
        %get3A_516 = arith.constant 80 : index
        %get3A_517 = tpu.vector_load %arg8[%get3A_515, %get3A_516] {strides = array<i32>} : memref<160x128xf32, #tpu.memory_space<vmem>>, vector<16xf32>,
        %get3A_518 = arith.index_cast %add3A_499 : i32 to index
        %get3A_519 = arith.constant 96 : index
        %get3A_520 = tpu.vector_load %arg8[%get3A_518, %get3A_519] {strides = array<i32>} : memref<160x128xf32, #tpu.memory_space<vmem>>, vector<16xf32>,
        %get3A_521 = arith.index_cast %add3A_499 : i32 to index
        %get3A_522 = arith.constant 112 : index
        %get3A_523 = tpu.vector_load %arg8[%get3A_521, %get3A_522] {strides = array<i32>} : memref<160x128xf32, #tpu.memory_space<vmem>>, vector<16xf32>,
        %mul3A_524 = arith.mulf %get3A_502, %get3A_46 : vector<16xf32>
        %mul3A_525 = arith.mulf %get3A_505, %get3A_48 : vector<16xf32>
        %mul3A_526 = arith.mulf %get3A_508, %get3A_50 : vector<16xf32>
        %mul3A_527 = arith.mulf %get3A_511, %get3A_52 : vector<16xf32>
        %mul3A_528 = arith.mulf %get3A_514, %get3A_54 : vector<16xf32>
        %mul3A_529 = arith.mulf %get3A_517, %get3A_56 : vector<16xf32>
        %mul3A_530 = arith.mulf %get3A_520, %get3A_58 : vector<16xf32>
        %mul3A_531 = arith.mulf %get3A_523, %get3A_60 : vector<16xf32>
        %add3A_532 = arith.addf %mul3A_524, %mul3A_525 : vector<16xf32>
        %add3A_533 = arith.addf %mul3A_526, %mul3A_527 : vector<16xf32>
        %add3A_534 = arith.addf %mul3A_528, %mul3A_529 : vector<16xf32>
        %add3A_535 = arith.addf %mul3A_530, %mul3A_531 : vector<16xf32>
        %add3A_536 = arith.addf %add3A_532, %add3A_533 : vector<16xf32>
        %add3A_537 = arith.addf %add3A_534, %add3A_535 : vector<16xf32>
        %add3A_538 = arith.addf %add3A_536, %add3A_537 : vector<16xf32>
        %reduce_sum3A_539 = arith.constant true
        %reduce_sum3A_540 = vector.broadcast %reduce_sum3A_539 : i1 to vector<16xi1>
        %reduce_sum3A_541 = tpu.scan <sum>, %add3A_538 masked %reduce_sum3A_540 : vector<16xf32>, vector<16xi1> -> vector<16xf32>
        %reduce_sum3A_542 = vector.extract %reduce_sum3A_541[15] : f32 from vector<16xf32>
        %add3A_543 = arith.addf %reduce_sum3A_542, %squeeze3A : f32
        %mul3A_544 = arith.constant 16 : i32
        %mul3A_545 = arith.muli %mul3A_544, %scan3A_102 : i32
        %add3A_546 = arith.constant 9 : i32
        %add3A_547 = arith.addi %mul3A_545, %add3A_546 : i32
        %get3A_548 = arith.index_cast %add3A_547 : i32 to index
        %get3A_549 = arith.constant 0 : index
        %get3A_550 = tpu.vector_load %arg8[%get3A_548, %get3A_549] {strides = array<i32>} : memref<160x128xf32, #tpu.memory_space<vmem>>, vector<16xf32>,
        %get3A_551 = arith.index_cast %add3A_547 : i32 to index
        %get3A_552 = arith.constant 16 : index
        %get3A_553 = tpu.vector_load %arg8[%get3A_551, %get3A_552] {strides = array<i32>} : memref<160x128xf32, #tpu.memory_space<vmem>>, vector<16xf32>,
        %get3A_554 = arith.index_cast %add3A_547 : i32 to index
        %get3A_555 = arith.constant 32 : index
        %get3A_556 = tpu.vector_load %arg8[%get3A_554, %get3A_555] {strides = array<i32>} : memref<160x128xf32, #tpu.memory_space<vmem>>, vector<16xf32>,
        %get3A_557 = arith.index_cast %add3A_547 : i32 to index
        %get3A_558 = arith.constant 48 : index
        %get3A_559 = tpu.vector_load %arg8[%get3A_557, %get3A_558] {strides = array<i32>} : memref<160x128xf32, #tpu.memory_space<vmem>>, vector<16xf32>,
        %get3A_560 = arith.index_cast %add3A_547 : i32 to index
        %get3A_561 = arith.constant 64 : index
        %get3A_562 = tpu.vector_load %arg8[%get3A_560, %get3A_561] {strides = array<i32>} : memref<160x128xf32, #tpu.memory_space<vmem>>, vector<16xf32>,
        %get3A_563 = arith.index_cast %add3A_547 : i32 to index
        %get3A_564 = arith.constant 80 : index
        %get3A_565 = tpu.vector_load %arg8[%get3A_563, %get3A_564] {strides = array<i32>} : memref<160x128xf32, #tpu.memory_space<vmem>>, vector<16xf32>,
        %get3A_566 = arith.index_cast %add3A_547 : i32 to index
        %get3A_567 = arith.constant 96 : index
        %get3A_568 = tpu.vector_load %arg8[%get3A_566, %get3A_567] {strides = array<i32>} : memref<160x128xf32, #tpu.memory_space<vmem>>, vector<16xf32>,
        %get3A_569 = arith.index_cast %add3A_547 : i32 to index
        %get3A_570 = arith.constant 112 : index
        %get3A_571 = tpu.vector_load %arg8[%get3A_569, %get3A_570] {strides = array<i32>} : memref<160x128xf32, #tpu.memory_space<vmem>>, vector<16xf32>,
        %mul3A_572 = arith.mulf %get3A_550, %get3A_46 : vector<16xf32>
        %mul3A_573 = arith.mulf %get3A_553, %get3A_48 : vector<16xf32>
        %mul3A_574 = arith.mulf %get3A_556, %get3A_50 : vector<16xf32>
        %mul3A_575 = arith.mulf %get3A_559, %get3A_52 : vector<16xf32>
        %mul3A_576 = arith.mulf %get3A_562, %get3A_54 : vector<16xf32>
        %mul3A_577 = arith.mulf %get3A_565, %get3A_56 : vector<16xf32>
        %mul3A_578 = arith.mulf %get3A_568, %get3A_58 : vector<16xf32>
        %mul3A_579 = arith.mulf %get3A_571, %get3A_60 : vector<16xf32>
        %add3A_580 = arith.addf %mul3A_572, %mul3A_573 : vector<16xf32>
        %add3A_581 = arith.addf %mul3A_574, %mul3A_575 : vector<16xf32>
        %add3A_582 = arith.addf %mul3A_576, %mul3A_577 : vector<16xf32>
        %add3A_583 = arith.addf %mul3A_578, %mul3A_579 : vector<16xf32>
        %add3A_584 = arith.addf %add3A_580, %add3A_581 : vector<16xf32>
        %add3A_585 = arith.addf %add3A_582, %add3A_583 : vector<16xf32>
        %add3A_586 = arith.addf %add3A_584, %add3A_585 : vector<16xf32>
        %reduce_sum3A_587 = arith.constant true
        %reduce_sum3A_588 = vector.broadcast %reduce_sum3A_587 : i1 to vector<16xi1>
        %reduce_sum3A_589 = tpu.scan <sum>, %add3A_586 masked %reduce_sum3A_588 : vector<16xf32>, vector<16xi1> -> vector<16xf32>
        %reduce_sum3A_590 = vector.extract %reduce_sum3A_589[15] : f32 from vector<16xf32>
        %add3A_591 = arith.addf %reduce_sum3A_590, %squeeze3A : f32
        %mul3A_592 = arith.constant 16 : i32
        %mul3A_593 = arith.muli %mul3A_592, %scan3A_102 : i32
        %add3A_594 = arith.constant 10 : i32
        %add3A_595 = arith.addi %mul3A_593, %add3A_594 : i32
        %get3A_596 = arith.index_cast %add3A_595 : i32 to index
        %get3A_597 = arith.constant 0 : index
        %get3A_598 = tpu.vector_load %arg8[%get3A_596, %get3A_597] {strides = array<i32>} : memref<160x128xf32, #tpu.memory_space<vmem>>, vector<16xf32>,
        %get3A_599 = arith.index_cast %add3A_595 : i32 to index
        %get3A_600 = arith.constant 16 : index
        %get3A_601 = tpu.vector_load %arg8[%get3A_599, %get3A_600] {strides = array<i32>} : memref<160x128xf32, #tpu.memory_space<vmem>>, vector<16xf32>,
        %get3A_602 = arith.index_cast %add3A_595 : i32 to index
        %get3A_603 = arith.constant 32 : index
        %get3A_604 = tpu.vector_load %arg8[%get3A_602, %get3A_603] {strides = array<i32>} : memref<160x128xf32, #tpu.memory_space<vmem>>, vector<16xf32>,
        %get3A_605 = arith.index_cast %add3A_595 : i32 to index
        %get3A_606 = arith.constant 48 : index
        %get3A_607 = tpu.vector_load %arg8[%get3A_605, %get3A_606] {strides = array<i32>} : memref<160x128xf32, #tpu.memory_space<vmem>>, vector<16xf32>,
        %get3A_608 = arith.index_cast %add3A_595 : i32 to index
        %get3A_609 = arith.constant 64 : index
        %get3A_610 = tpu.vector_load %arg8[%get3A_608, %get3A_609] {strides = array<i32>} : memref<160x128xf32, #tpu.memory_space<vmem>>, vector<16xf32>,
        %get3A_611 = arith.index_cast %add3A_595 : i32 to index
        %get3A_612 = arith.constant 80 : index
        %get3A_613 = tpu.vector_load %arg8[%get3A_611, %get3A_612] {strides = array<i32>} : memref<160x128xf32, #tpu.memory_space<vmem>>, vector<16xf32>,
        %get3A_614 = arith.index_cast %add3A_595 : i32 to index
        %get3A_615 = arith.constant 96 : index
        %get3A_616 = tpu.vector_load %arg8[%get3A_614, %get3A_615] {strides = array<i32>} : memref<160x128xf32, #tpu.memory_space<vmem>>, vector<16xf32>,
        %get3A_617 = arith.index_cast %add3A_595 : i32 to index
        %get3A_618 = arith.constant 112 : index
        %get3A_619 = tpu.vector_load %arg8[%get3A_617, %get3A_618] {strides = array<i32>} : memref<160x128xf32, #tpu.memory_space<vmem>>, vector<16xf32>,
        %mul3A_620 = arith.mulf %get3A_598, %get3A_46 : vector<16xf32>
        %mul3A_621 = arith.mulf %get3A_601, %get3A_48 : vector<16xf32>
        %mul3A_622 = arith.mulf %get3A_604, %get3A_50 : vector<16xf32>
        %mul3A_623 = arith.mulf %get3A_607, %get3A_52 : vector<16xf32>
        %mul3A_624 = arith.mulf %get3A_610, %get3A_54 : vector<16xf32>
        %mul3A_625 = arith.mulf %get3A_613, %get3A_56 : vector<16xf32>
        %mul3A_626 = arith.mulf %get3A_616, %get3A_58 : vector<16xf32>
        %mul3A_627 = arith.mulf %get3A_619, %get3A_60 : vector<16xf32>
        %add3A_628 = arith.addf %mul3A_620, %mul3A_621 : vector<16xf32>
        %add3A_629 = arith.addf %mul3A_622, %mul3A_623 : vector<16xf32>
        %add3A_630 = arith.addf %mul3A_624, %mul3A_625 : vector<16xf32>
        %add3A_631 = arith.addf %mul3A_626, %mul3A_627 : vector<16xf32>
        %add3A_632 = arith.addf %add3A_628, %add3A_629 : vector<16xf32>
        %add3A_633 = arith.addf %add3A_630, %add3A_631 : vector<16xf32>
        %add3A_634 = arith.addf %add3A_632, %add3A_633 : vector<16xf32>
        %reduce_sum3A_635 = arith.constant true
        %reduce_sum3A_636 = vector.broadcast %reduce_sum3A_635 : i1 to vector<16xi1>
        %reduce_sum3A_637 = tpu.scan <sum>, %add3A_634 masked %reduce_sum3A_636 : vector<16xf32>, vector<16xi1> -> vector<16xf32>
        %reduce_sum3A_638 = vector.extract %reduce_sum3A_637[15] : f32 from vector<16xf32>
        %add3A_639 = arith.addf %reduce_sum3A_638, %squeeze3A : f32
        %mul3A_640 = arith.constant 16 : i32
        %mul3A_641 = arith.muli %mul3A_640, %scan3A_102 : i32
        %add3A_642 = arith.constant 11 : i32
        %add3A_643 = arith.addi %mul3A_641, %add3A_642 : i32
        %get3A_644 = arith.index_cast %add3A_643 : i32 to index
        %get3A_645 = arith.constant 0 : index
        %get3A_646 = tpu.vector_load %arg8[%get3A_644, %get3A_645] {strides = array<i32>} : memref<160x128xf32, #tpu.memory_space<vmem>>, vector<16xf32>,
        %get3A_647 = arith.index_cast %add3A_643 : i32 to index
        %get3A_648 = arith.constant 16 : index
        %get3A_649 = tpu.vector_load %arg8[%get3A_647, %get3A_648] {strides = array<i32>} : memref<160x128xf32, #tpu.memory_space<vmem>>, vector<16xf32>,
        %get3A_650 = arith.index_cast %add3A_643 : i32 to index
        %get3A_651 = arith.constant 32 : index
        %get3A_652 = tpu.vector_load %arg8[%get3A_650, %get3A_651] {strides = array<i32>} : memref<160x128xf32, #tpu.memory_space<vmem>>, vector<16xf32>,
        %get3A_653 = arith.index_cast %add3A_643 : i32 to index
        %get3A_654 = arith.constant 48 : index
        %get3A_655 = tpu.vector_load %arg8[%get3A_653, %get3A_654] {strides = array<i32>} : memref<160x128xf32, #tpu.memory_space<vmem>>, vector<16xf32>,
        %get3A_656 = arith.index_cast %add3A_643 : i32 to index
        %get3A_657 = arith.constant 64 : index
        %get3A_658 = tpu.vector_load %arg8[%get3A_656, %get3A_657] {strides = array<i32>} : memref<160x128xf32, #tpu.memory_space<vmem>>, vector<16xf32>,
        %get3A_659 = arith.index_cast %add3A_643 : i32 to index
        %get3A_660 = arith.constant 80 : index
        %get3A_661 = tpu.vector_load %arg8[%get3A_659, %get3A_660] {strides = array<i32>} : memref<160x128xf32, #tpu.memory_space<vmem>>, vector<16xf32>,
        %get3A_662 = arith.index_cast %add3A_643 : i32 to index
        %get3A_663 = arith.constant 96 : index
        %get3A_664 = tpu.vector_load %arg8[%get3A_662, %get3A_663] {strides = array<i32>} : memref<160x128xf32, #tpu.memory_space<vmem>>, vector<16xf32>,
        %get3A_665 = arith.index_cast %add3A_643 : i32 to index
        %get3A_666 = arith.constant 112 : index
        %get3A_667 = tpu.vector_load %arg8[%get3A_665, %get3A_666] {strides = array<i32>} : memref<160x128xf32, #tpu.memory_space<vmem>>, vector<16xf32>,
        %mul3A_668 = arith.mulf %get3A_646, %get3A_46 : vector<16xf32>
        %mul3A_669 = arith.mulf %get3A_649, %get3A_48 : vector<16xf32>
        %mul3A_670 = arith.mulf %get3A_652, %get3A_50 : vector<16xf32>
        %mul3A_671 = arith.mulf %get3A_655, %get3A_52 : vector<16xf32>
        %mul3A_672 = arith.mulf %get3A_658, %get3A_54 : vector<16xf32>
        %mul3A_673 = arith.mulf %get3A_661, %get3A_56 : vector<16xf32>
        %mul3A_674 = arith.mulf %get3A_664, %get3A_58 : vector<16xf32>
        %mul3A_675 = arith.mulf %get3A_667, %get3A_60 : vector<16xf32>
        %add3A_676 = arith.addf %mul3A_668, %mul3A_669 : vector<16xf32>
        %add3A_677 = arith.addf %mul3A_670, %mul3A_671 : vector<16xf32>
        %add3A_678 = arith.addf %mul3A_672, %mul3A_673 : vector<16xf32>
        %add3A_679 = arith.addf %mul3A_674, %mul3A_675 : vector<16xf32>
        %add3A_680 = arith.addf %add3A_676, %add3A_677 : vector<16xf32>
        %add3A_681 = arith.addf %add3A_678, %add3A_679 : vector<16xf32>
        %add3A_682 = arith.addf %add3A_680, %add3A_681 : vector<16xf32>
        %reduce_sum3A_683 = arith.constant true
        %reduce_sum3A_684 = vector.broadcast %reduce_sum3A_683 : i1 to vector<16xi1>
        %reduce_sum3A_685 = tpu.scan <sum>, %add3A_682 masked %reduce_sum3A_684 : vector<16xf32>, vector<16xi1> -> vector<16xf32>
        %reduce_sum3A_686 = vector.extract %reduce_sum3A_685[15] : f32 from vector<16xf32>
        %add3A_687 = arith.addf %reduce_sum3A_686, %squeeze3A : f32
        %mul3A_688 = arith.constant 16 : i32
        %mul3A_689 = arith.muli %mul3A_688, %scan3A_102 : i32
        %add3A_690 = arith.constant 12 : i32
        %add3A_691 = arith.addi %mul3A_689, %add3A_690 : i32
        %get3A_692 = arith.index_cast %add3A_691 : i32 to index
        %get3A_693 = arith.constant 0 : index
        %get3A_694 = tpu.vector_load %arg8[%get3A_692, %get3A_693] {strides = array<i32>} : memref<160x128xf32, #tpu.memory_space<vmem>>, vector<16xf32>,
        %get3A_695 = arith.index_cast %add3A_691 : i32 to index
        %get3A_696 = arith.constant 16 : index
        %get3A_697 = tpu.vector_load %arg8[%get3A_695, %get3A_696] {strides = array<i32>} : memref<160x128xf32, #tpu.memory_space<vmem>>, vector<16xf32>,
        %get3A_698 = arith.index_cast %add3A_691 : i32 to index
        %get3A_699 = arith.constant 32 : index
        %get3A_700 = tpu.vector_load %arg8[%get3A_698, %get3A_699] {strides = array<i32>} : memref<160x128xf32, #tpu.memory_space<vmem>>, vector<16xf32>,
        %get3A_701 = arith.index_cast %add3A_691 : i32 to index
        %get3A_702 = arith.constant 48 : index
        %get3A_703 = tpu.vector_load %arg8[%get3A_701, %get3A_702] {strides = array<i32>} : memref<160x128xf32, #tpu.memory_space<vmem>>, vector<16xf32>,
        %get3A_704 = arith.index_cast %add3A_691 : i32 to index
        %get3A_705 = arith.constant 64 : index
        %get3A_706 = tpu.vector_load %arg8[%get3A_704, %get3A_705] {strides = array<i32>} : memref<160x128xf32, #tpu.memory_space<vmem>>, vector<16xf32>,
        %get3A_707 = arith.index_cast %add3A_691 : i32 to index
        %get3A_708 = arith.constant 80 : index
        %get3A_709 = tpu.vector_load %arg8[%get3A_707, %get3A_708] {strides = array<i32>} : memref<160x128xf32, #tpu.memory_space<vmem>>, vector<16xf32>,
        %get3A_710 = arith.index_cast %add3A_691 : i32 to index
        %get3A_711 = arith.constant 96 : index
        %get3A_712 = tpu.vector_load %arg8[%get3A_710, %get3A_711] {strides = array<i32>} : memref<160x128xf32, #tpu.memory_space<vmem>>, vector<16xf32>,
        %get3A_713 = arith.index_cast %add3A_691 : i32 to index
        %get3A_714 = arith.constant 112 : index
        %get3A_715 = tpu.vector_load %arg8[%get3A_713, %get3A_714] {strides = array<i32>} : memref<160x128xf32, #tpu.memory_space<vmem>>, vector<16xf32>,
        %mul3A_716 = arith.mulf %get3A_694, %get3A_46 : vector<16xf32>
        %mul3A_717 = arith.mulf %get3A_697, %get3A_48 : vector<16xf32>
        %mul3A_718 = arith.mulf %get3A_700, %get3A_50 : vector<16xf32>
        %mul3A_719 = arith.mulf %get3A_703, %get3A_52 : vector<16xf32>
        %mul3A_720 = arith.mulf %get3A_706, %get3A_54 : vector<16xf32>
        %mul3A_721 = arith.mulf %get3A_709, %get3A_56 : vector<16xf32>
        %mul3A_722 = arith.mulf %get3A_712, %get3A_58 : vector<16xf32>
        %mul3A_723 = arith.mulf %get3A_715, %get3A_60 : vector<16xf32>
        %add3A_724 = arith.addf %mul3A_716, %mul3A_717 : vector<16xf32>
        %add3A_725 = arith.addf %mul3A_718, %mul3A_719 : vector<16xf32>
        %add3A_726 = arith.addf %mul3A_720, %mul3A_721 : vector<16xf32>
        %add3A_727 = arith.addf %mul3A_722, %mul3A_723 : vector<16xf32>
        %add3A_728 = arith.addf %add3A_724, %add3A_725 : vector<16xf32>
        %add3A_729 = arith.addf %add3A_726, %add3A_727 : vector<16xf32>
        %add3A_730 = arith.addf %add3A_728, %add3A_729 : vector<16xf32>
        %reduce_sum3A_731 = arith.constant true
        %reduce_sum3A_732 = vector.broadcast %reduce_sum3A_731 : i1 to vector<16xi1>
        %reduce_sum3A_733 = tpu.scan <sum>, %add3A_730 masked %reduce_sum3A_732 : vector<16xf32>, vector<16xi1> -> vector<16xf32>
        %reduce_sum3A_734 = vector.extract %reduce_sum3A_733[15] : f32 from vector<16xf32>
        %add3A_735 = arith.addf %reduce_sum3A_734, %squeeze3A : f32
        %mul3A_736 = arith.constant 16 : i32
        %mul3A_737 = arith.muli %mul3A_736, %scan3A_102 : i32
        %add3A_738 = arith.constant 13 : i32
        %add3A_739 = arith.addi %mul3A_737, %add3A_738 : i32
        %get3A_740 = arith.index_cast %add3A_739 : i32 to index
        %get3A_741 = arith.constant 0 : index
        %get3A_742 = tpu.vector_load %arg8[%get3A_740, %get3A_741] {strides = array<i32>} : memref<160x128xf32, #tpu.memory_space<vmem>>, vector<16xf32>,
        %get3A_743 = arith.index_cast %add3A_739 : i32 to index
        %get3A_744 = arith.constant 16 : index
        %get3A_745 = tpu.vector_load %arg8[%get3A_743, %get3A_744] {strides = array<i32>} : memref<160x128xf32, #tpu.memory_space<vmem>>, vector<16xf32>,
        %get3A_746 = arith.index_cast %add3A_739 : i32 to index
        %get3A_747 = arith.constant 32 : index
        %get3A_748 = tpu.vector_load %arg8[%get3A_746, %get3A_747] {strides = array<i32>} : memref<160x128xf32, #tpu.memory_space<vmem>>, vector<16xf32>,
        %get3A_749 = arith.index_cast %add3A_739 : i32 to index
        %get3A_750 = arith.constant 48 : index
        %get3A_751 = tpu.vector_load %arg8[%get3A_749, %get3A_750] {strides = array<i32>} : memref<160x128xf32, #tpu.memory_space<vmem>>, vector<16xf32>,
        %get3A_752 = arith.index_cast %add3A_739 : i32 to index
        %get3A_753 = arith.constant 64 : index
        %get3A_754 = tpu.vector_load %arg8[%get3A_752, %get3A_753] {strides = array<i32>} : memref<160x128xf32, #tpu.memory_space<vmem>>, vector<16xf32>,
        %get3A_755 = arith.index_cast %add3A_739 : i32 to index
        %get3A_756 = arith.constant 80 : index
        %get3A_757 = tpu.vector_load %arg8[%get3A_755, %get3A_756] {strides = array<i32>} : memref<160x128xf32, #tpu.memory_space<vmem>>, vector<16xf32>,
        %get3A_758 = arith.index_cast %add3A_739 : i32 to index
        %get3A_759 = arith.constant 96 : index
        %get3A_760 = tpu.vector_load %arg8[%get3A_758, %get3A_759] {strides = array<i32>} : memref<160x128xf32, #tpu.memory_space<vmem>>, vector<16xf32>,
        %get3A_761 = arith.index_cast %add3A_739 : i32 to index
        %get3A_762 = arith.constant 112 : index
        %get3A_763 = tpu.vector_load %arg8[%get3A_761, %get3A_762] {strides = array<i32>} : memref<160x128xf32, #tpu.memory_space<vmem>>, vector<16xf32>,
        %mul3A_764 = arith.mulf %get3A_742, %get3A_46 : vector<16xf32>
        %mul3A_765 = arith.mulf %get3A_745, %get3A_48 : vector<16xf32>
        %mul3A_766 = arith.mulf %get3A_748, %get3A_50 : vector<16xf32>
        %mul3A_767 = arith.mulf %get3A_751, %get3A_52 : vector<16xf32>
        %mul3A_768 = arith.mulf %get3A_754, %get3A_54 : vector<16xf32>
        %mul3A_769 = arith.mulf %get3A_757, %get3A_56 : vector<16xf32>
        %mul3A_770 = arith.mulf %get3A_760, %get3A_58 : vector<16xf32>
        %mul3A_771 = arith.mulf %get3A_763, %get3A_60 : vector<16xf32>
        %add3A_772 = arith.addf %mul3A_764, %mul3A_765 : vector<16xf32>
        %add3A_773 = arith.addf %mul3A_766, %mul3A_767 : vector<16xf32>
        %add3A_774 = arith.addf %mul3A_768, %mul3A_769 : vector<16xf32>
        %add3A_775 = arith.addf %mul3A_770, %mul3A_771 : vector<16xf32>
        %add3A_776 = arith.addf %add3A_772, %add3A_773 : vector<16xf32>
        %add3A_777 = arith.addf %add3A_774, %add3A_775 : vector<16xf32>
        %add3A_778 = arith.addf %add3A_776, %add3A_777 : vector<16xf32>
        %reduce_sum3A_779 = arith.constant true
        %reduce_sum3A_780 = vector.broadcast %reduce_sum3A_779 : i1 to vector<16xi1>
        %reduce_sum3A_781 = tpu.scan <sum>, %add3A_778 masked %reduce_sum3A_780 : vector<16xf32>, vector<16xi1> -> vector<16xf32>
        %reduce_sum3A_782 = vector.extract %reduce_sum3A_781[15] : f32 from vector<16xf32>
        %add3A_783 = arith.addf %reduce_sum3A_782, %squeeze3A : f32
        %mul3A_784 = arith.constant 16 : i32
        %mul3A_785 = arith.muli %mul3A_784, %scan3A_102 : i32
        %add3A_786 = arith.constant 14 : i32
        %add3A_787 = arith.addi %mul3A_785, %add3A_786 : i32
        %get3A_788 = arith.index_cast %add3A_787 : i32 to index
        %get3A_789 = arith.constant 0 : index
        %get3A_790 = tpu.vector_load %arg8[%get3A_788, %get3A_789] {strides = array<i32>} : memref<160x128xf32, #tpu.memory_space<vmem>>, vector<16xf32>,
        %get3A_791 = arith.index_cast %add3A_787 : i32 to index
        %get3A_792 = arith.constant 16 : index
        %get3A_793 = tpu.vector_load %arg8[%get3A_791, %get3A_792] {strides = array<i32>} : memref<160x128xf32, #tpu.memory_space<vmem>>, vector<16xf32>,
        %get3A_794 = arith.index_cast %add3A_787 : i32 to index
        %get3A_795 = arith.constant 32 : index
        %get3A_796 = tpu.vector_load %arg8[%get3A_794, %get3A_795] {strides = array<i32>} : memref<160x128xf32, #tpu.memory_space<vmem>>, vector<16xf32>,
        %get3A_797 = arith.index_cast %add3A_787 : i32 to index
        %get3A_798 = arith.constant 48 : index
        %get3A_799 = tpu.vector_load %arg8[%get3A_797, %get3A_798] {strides = array<i32>} : memref<160x128xf32, #tpu.memory_space<vmem>>, vector<16xf32>,
        %get3A_800 = arith.index_cast %add3A_787 : i32 to index
        %get3A_801 = arith.constant 64 : index
        %get3A_802 = tpu.vector_load %arg8[%get3A_800, %get3A_801] {strides = array<i32>} : memref<160x128xf32, #tpu.memory_space<vmem>>, vector<16xf32>,
        %get3A_803 = arith.index_cast %add3A_787 : i32 to index
        %get3A_804 = arith.constant 80 : index
        %get3A_805 = tpu.vector_load %arg8[%get3A_803, %get3A_804] {strides = array<i32>} : memref<160x128xf32, #tpu.memory_space<vmem>>, vector<16xf32>,
        %get3A_806 = arith.index_cast %add3A_787 : i32 to index
        %get3A_807 = arith.constant 96 : index
        %get3A_808 = tpu.vector_load %arg8[%get3A_806, %get3A_807] {strides = array<i32>} : memref<160x128xf32, #tpu.memory_space<vmem>>, vector<16xf32>,
        %get3A_809 = arith.index_cast %add3A_787 : i32 to index
        %get3A_810 = arith.constant 112 : index
        %get3A_811 = tpu.vector_load %arg8[%get3A_809, %get3A_810] {strides = array<i32>} : memref<160x128xf32, #tpu.memory_space<vmem>>, vector<16xf32>,
        %mul3A_812 = arith.mulf %get3A_790, %get3A_46 : vector<16xf32>
        %mul3A_813 = arith.mulf %get3A_793, %get3A_48 : vector<16xf32>
        %mul3A_814 = arith.mulf %get3A_796, %get3A_50 : vector<16xf32>
        %mul3A_815 = arith.mulf %get3A_799, %get3A_52 : vector<16xf32>
        %mul3A_816 = arith.mulf %get3A_802, %get3A_54 : vector<16xf32>
        %mul3A_817 = arith.mulf %get3A_805, %get3A_56 : vector<16xf32>
        %mul3A_818 = arith.mulf %get3A_808, %get3A_58 : vector<16xf32>
        %mul3A_819 = arith.mulf %get3A_811, %get3A_60 : vector<16xf32>
        %add3A_820 = arith.addf %mul3A_812, %mul3A_813 : vector<16xf32>
        %add3A_821 = arith.addf %mul3A_814, %mul3A_815 : vector<16xf32>
        %add3A_822 = arith.addf %mul3A_816, %mul3A_817 : vector<16xf32>
        %add3A_823 = arith.addf %mul3A_818, %mul3A_819 : vector<16xf32>
        %add3A_824 = arith.addf %add3A_820, %add3A_821 : vector<16xf32>
        %add3A_825 = arith.addf %add3A_822, %add3A_823 : vector<16xf32>
        %add3A_826 = arith.addf %add3A_824, %add3A_825 : vector<16xf32>
        %reduce_sum3A_827 = arith.constant true
        %reduce_sum3A_828 = vector.broadcast %reduce_sum3A_827 : i1 to vector<16xi1>
        %reduce_sum3A_829 = tpu.scan <sum>, %add3A_826 masked %reduce_sum3A_828 : vector<16xf32>, vector<16xi1> -> vector<16xf32>
        %reduce_sum3A_830 = vector.extract %reduce_sum3A_829[15] : f32 from vector<16xf32>
        %add3A_831 = arith.addf %reduce_sum3A_830, %squeeze3A : f32
        %mul3A_832 = arith.constant 16 : i32
        %mul3A_833 = arith.muli %mul3A_832, %scan3A_102 : i32
        %add3A_834 = arith.constant 15 : i32
        %add3A_835 = arith.addi %mul3A_833, %add3A_834 : i32
        %get3A_836 = arith.index_cast %add3A_835 : i32 to index
        %get3A_837 = arith.constant 0 : index
        %get3A_838 = tpu.vector_load %arg8[%get3A_836, %get3A_837] {strides = array<i32>} : memref<160x128xf32, #tpu.memory_space<vmem>>, vector<16xf32>,
        %get3A_839 = arith.index_cast %add3A_835 : i32 to index
        %get3A_840 = arith.constant 16 : index
        %get3A_841 = tpu.vector_load %arg8[%get3A_839, %get3A_840] {strides = array<i32>} : memref<160x128xf32, #tpu.memory_space<vmem>>, vector<16xf32>,
        %get3A_842 = arith.index_cast %add3A_835 : i32 to index
        %get3A_843 = arith.constant 32 : index
        %get3A_844 = tpu.vector_load %arg8[%get3A_842, %get3A_843] {strides = array<i32>} : memref<160x128xf32, #tpu.memory_space<vmem>>, vector<16xf32>,
        %get3A_845 = arith.index_cast %add3A_835 : i32 to index
        %get3A_846 = arith.constant 48 : index
        %get3A_847 = tpu.vector_load %arg8[%get3A_845, %get3A_846] {strides = array<i32>} : memref<160x128xf32, #tpu.memory_space<vmem>>, vector<16xf32>,
        %get3A_848 = arith.index_cast %add3A_835 : i32 to index
        %get3A_849 = arith.constant 64 : index
        %get3A_850 = tpu.vector_load %arg8[%get3A_848, %get3A_849] {strides = array<i32>} : memref<160x128xf32, #tpu.memory_space<vmem>>, vector<16xf32>,
        %get3A_851 = arith.index_cast %add3A_835 : i32 to index
        %get3A_852 = arith.constant 80 : index
        %get3A_853 = tpu.vector_load %arg8[%get3A_851, %get3A_852] {strides = array<i32>} : memref<160x128xf32, #tpu.memory_space<vmem>>, vector<16xf32>,
        %get3A_854 = arith.index_cast %add3A_835 : i32 to index
        %get3A_855 = arith.constant 96 : index
        %get3A_856 = tpu.vector_load %arg8[%get3A_854, %get3A_855] {strides = array<i32>} : memref<160x128xf32, #tpu.memory_space<vmem>>, vector<16xf32>,
        %get3A_857 = arith.index_cast %add3A_835 : i32 to index
        %get3A_858 = arith.constant 112 : index
        %get3A_859 = tpu.vector_load %arg8[%get3A_857, %get3A_858] {strides = array<i32>} : memref<160x128xf32, #tpu.memory_space<vmem>>, vector<16xf32>,
        %mul3A_860 = arith.mulf %get3A_838, %get3A_46 : vector<16xf32>
        %mul3A_861 = arith.mulf %get3A_841, %get3A_48 : vector<16xf32>
        %mul3A_862 = arith.mulf %get3A_844, %get3A_50 : vector<16xf32>
        %mul3A_863 = arith.mulf %get3A_847, %get3A_52 : vector<16xf32>
        %mul3A_864 = arith.mulf %get3A_850, %get3A_54 : vector<16xf32>
        %mul3A_865 = arith.mulf %get3A_853, %get3A_56 : vector<16xf32>
        %mul3A_866 = arith.mulf %get3A_856, %get3A_58 : vector<16xf32>
        %mul3A_867 = arith.mulf %get3A_859, %get3A_60 : vector<16xf32>
        %add3A_868 = arith.addf %mul3A_860, %mul3A_861 : vector<16xf32>
        %add3A_869 = arith.addf %mul3A_862, %mul3A_863 : vector<16xf32>
        %add3A_870 = arith.addf %mul3A_864, %mul3A_865 : vector<16xf32>
        %add3A_871 = arith.addf %mul3A_866, %mul3A_867 : vector<16xf32>
        %add3A_872 = arith.addf %add3A_868, %add3A_869 : vector<16xf32>
        %add3A_873 = arith.addf %add3A_870, %add3A_871 : vector<16xf32>
        %add3A_874 = arith.addf %add3A_872, %add3A_873 : vector<16xf32>
        %reduce_sum3A_875 = arith.constant true
        %reduce_sum3A_876 = vector.broadcast %reduce_sum3A_875 : i1 to vector<16xi1>
        %reduce_sum3A_877 = tpu.scan <sum>, %add3A_874 masked %reduce_sum3A_876 : vector<16xf32>, vector<16xi1> -> vector<16xf32>
        %reduce_sum3A_878 = vector.extract %reduce_sum3A_877[15] : f32 from vector<16xf32>
        %add3A_879 = arith.addf %reduce_sum3A_878, %squeeze3A : f32
        %broadcast_in_dim3A_880 = vector.broadcast %add3A_159 : f32 to vector<16xf32>
        %neg3A = arith.constant 0.000000e+00 : f32
        %neg3A_881 = vector.broadcast %neg3A : f32 to vector<16xf32>
        %neg3A_882 = arith.subf %neg3A_881, %broadcast_in_dim3A_880 : vector<16xf32>
        %exp3A = math.exp %neg3A_882 : vector<16xf32>
        %add3A_883 = arith.constant 1.000000e+00 : f32
        %add3A_884 = vector.broadcast %add3A_883 : f32 to vector<16xf32>
        %add3A_885 = arith.addf %add3A_884, %exp3A : vector<16xf32>
        %div3A_886 = arith.constant 1.000000e+00 : f32
        %div3A_887 = vector.broadcast %div3A_886 : f32 to vector<16xf32>
        %div3A_888 = arith.divf %div3A_887, %add3A_885 : vector<16xf32>
        %slice3A_889 = vector.extract_strided_slice %div3A_888 {offsets = [0], sizes = [1], strides = [1]} : vector<16xf32> to vector<1xf32>
        %squeeze3A_890 = vector.extract %slice3A_889[0] : f32 from vector<1xf32>
        %slice3A_891 = vector.extract_strided_slice %get3A_112 {offsets = [0], sizes = [1], strides = [1]} : vector<16xf32> to vector<1xf32>
        %squeeze3A_892 = vector.extract %slice3A_891[0] : f32 from vector<1xf32>
        %mul3A_893 = arith.mulf %squeeze3A_890, %squeeze3A_892 : f32
        %broadcast_in_dim3A_894 = vector.broadcast %add3A_207 : f32 to vector<16xf32>
        %neg3A_895 = arith.constant 0.000000e+00 : f32
        %neg3A_896 = vector.broadcast %neg3A_895 : f32 to vector<16xf32>
        %neg3A_897 = arith.subf %neg3A_896, %broadcast_in_dim3A_894 : vector<16xf32>
        %exp3A_898 = math.exp %neg3A_897 : vector<16xf32>
        %add3A_899 = arith.constant 1.000000e+00 : f32
        %add3A_900 = vector.broadcast %add3A_899 : f32 to vector<16xf32>
        %add3A_901 = arith.addf %add3A_900, %exp3A_898 : vector<16xf32>
        %div3A_902 = arith.constant 1.000000e+00 : f32
        %div3A_903 = vector.broadcast %div3A_902 : f32 to vector<16xf32>
        %div3A_904 = arith.divf %div3A_903, %add3A_901 : vector<16xf32>
        %slice3A_905 = vector.extract_strided_slice %div3A_904 {offsets = [0], sizes = [1], strides = [1]} : vector<16xf32> to vector<1xf32>
        %squeeze3A_906 = vector.extract %slice3A_905[0] : f32 from vector<1xf32>
        %slice3A_907 = vector.extract_strided_slice %get3A_112 {offsets = [1], sizes = [1], strides = [1]} : vector<16xf32> to vector<1xf32>
        %squeeze3A_908 = vector.extract %slice3A_907[0] : f32 from vector<1xf32>
        %mul3A_909 = arith.mulf %squeeze3A_906, %squeeze3A_908 : f32
        %broadcast_in_dim3A_910 = vector.broadcast %add3A_255 : f32 to vector<16xf32>
        %neg3A_911 = arith.constant 0.000000e+00 : f32
        %neg3A_912 = vector.broadcast %neg3A_911 : f32 to vector<16xf32>
        %neg3A_913 = arith.subf %neg3A_912, %broadcast_in_dim3A_910 : vector<16xf32>
        %exp3A_914 = math.exp %neg3A_913 : vector<16xf32>
        %add3A_915 = arith.constant 1.000000e+00 : f32
        %add3A_916 = vector.broadcast %add3A_915 : f32 to vector<16xf32>
        %add3A_917 = arith.addf %add3A_916, %exp3A_914 : vector<16xf32>
        %div3A_918 = arith.constant 1.000000e+00 : f32
        %div3A_919 = vector.broadcast %div3A_918 : f32 to vector<16xf32>
        %div3A_920 = arith.divf %div3A_919, %add3A_917 : vector<16xf32>
        %slice3A_921 = vector.extract_strided_slice %div3A_920 {offsets = [0], sizes = [1], strides = [1]} : vector<16xf32> to vector<1xf32>
        %squeeze3A_922 = vector.extract %slice3A_921[0] : f32 from vector<1xf32>
        %slice3A_923 = vector.extract_strided_slice %get3A_112 {offsets = [2], sizes = [1], strides = [1]} : vector<16xf32> to vector<1xf32>
        %squeeze3A_924 = vector.extract %slice3A_923[0] : f32 from vector<1xf32>
        %mul3A_925 = arith.mulf %squeeze3A_922, %squeeze3A_924 : f32
        %broadcast_in_dim3A_926 = vector.broadcast %add3A_303 : f32 to vector<16xf32>
        %neg3A_927 = arith.constant 0.000000e+00 : f32
        %neg3A_928 = vector.broadcast %neg3A_927 : f32 to vector<16xf32>
        %neg3A_929 = arith.subf %neg3A_928, %broadcast_in_dim3A_926 : vector<16xf32>
        %exp3A_930 = math.exp %neg3A_929 : vector<16xf32>
        %add3A_931 = arith.constant 1.000000e+00 : f32
        %add3A_932 = vector.broadcast %add3A_931 : f32 to vector<16xf32>
        %add3A_933 = arith.addf %add3A_932, %exp3A_930 : vector<16xf32>
        %div3A_934 = arith.constant 1.000000e+00 : f32
        %div3A_935 = vector.broadcast %div3A_934 : f32 to vector<16xf32>
        %div3A_936 = arith.divf %div3A_935, %add3A_933 : vector<16xf32>
        %slice3A_937 = vector.extract_strided_slice %div3A_936 {offsets = [0], sizes = [1], strides = [1]} : vector<16xf32> to vector<1xf32>
        %squeeze3A_938 = vector.extract %slice3A_937[0] : f32 from vector<1xf32>
        %slice3A_939 = vector.extract_strided_slice %get3A_112 {offsets = [3], sizes = [1], strides = [1]} : vector<16xf32> to vector<1xf32>
        %squeeze3A_940 = vector.extract %slice3A_939[0] : f32 from vector<1xf32>
        %mul3A_941 = arith.mulf %squeeze3A_938, %squeeze3A_940 : f32
        %broadcast_in_dim3A_942 = vector.broadcast %add3A_351 : f32 to vector<16xf32>
        %neg3A_943 = arith.constant 0.000000e+00 : f32
        %neg3A_944 = vector.broadcast %neg3A_943 : f32 to vector<16xf32>
        %neg3A_945 = arith.subf %neg3A_944, %broadcast_in_dim3A_942 : vector<16xf32>
        %exp3A_946 = math.exp %neg3A_945 : vector<16xf32>
        %add3A_947 = arith.constant 1.000000e+00 : f32
        %add3A_948 = vector.broadcast %add3A_947 : f32 to vector<16xf32>
        %add3A_949 = arith.addf %add3A_948, %exp3A_946 : vector<16xf32>
        %div3A_950 = arith.constant 1.000000e+00 : f32
        %div3A_951 = vector.broadcast %div3A_950 : f32 to vector<16xf32>
        %div3A_952 = arith.divf %div3A_951, %add3A_949 : vector<16xf32>
        %slice3A_953 = vector.extract_strided_slice %div3A_952 {offsets = [0], sizes = [1], strides = [1]} : vector<16xf32> to vector<1xf32>
        %squeeze3A_954 = vector.extract %slice3A_953[0] : f32 from vector<1xf32>
        %slice3A_955 = vector.extract_strided_slice %get3A_112 {offsets = [4], sizes = [1], strides = [1]} : vector<16xf32> to vector<1xf32>
        %squeeze3A_956 = vector.extract %slice3A_955[0] : f32 from vector<1xf32>
        %mul3A_957 = arith.mulf %squeeze3A_954, %squeeze3A_956 : f32
        %broadcast_in_dim3A_958 = vector.broadcast %add3A_399 : f32 to vector<16xf32>
        %neg3A_959 = arith.constant 0.000000e+00 : f32
        %neg3A_960 = vector.broadcast %neg3A_959 : f32 to vector<16xf32>
        %neg3A_961 = arith.subf %neg3A_960, %broadcast_in_dim3A_958 : vector<16xf32>
        %exp3A_962 = math.exp %neg3A_961 : vector<16xf32>
        %add3A_963 = arith.constant 1.000000e+00 : f32
        %add3A_964 = vector.broadcast %add3A_963 : f32 to vector<16xf32>
        %add3A_965 = arith.addf %add3A_964, %exp3A_962 : vector<16xf32>
        %div3A_966 = arith.constant 1.000000e+00 : f32
        %div3A_967 = vector.broadcast %div3A_966 : f32 to vector<16xf32>
        %div3A_968 = arith.divf %div3A_967, %add3A_965 : vector<16xf32>
        %slice3A_969 = vector.extract_strided_slice %div3A_968 {offsets = [0], sizes = [1], strides = [1]} : vector<16xf32> to vector<1xf32>
        %squeeze3A_970 = vector.extract %slice3A_969[0] : f32 from vector<1xf32>
        %slice3A_971 = vector.extract_strided_slice %get3A_112 {offsets = [5], sizes = [1], strides = [1]} : vector<16xf32> to vector<1xf32>
        %squeeze3A_972 = vector.extract %slice3A_971[0] : f32 from vector<1xf32>
        %mul3A_973 = arith.mulf %squeeze3A_970, %squeeze3A_972 : f32
        %broadcast_in_dim3A_974 = vector.broadcast %add3A_447 : f32 to vector<16xf32>
        %neg3A_975 = arith.constant 0.000000e+00 : f32
        %neg3A_976 = vector.broadcast %neg3A_975 : f32 to vector<16xf32>
        %neg3A_977 = arith.subf %neg3A_976, %broadcast_in_dim3A_974 : vector<16xf32>
        %exp3A_978 = math.exp %neg3A_977 : vector<16xf32>
        %add3A_979 = arith.constant 1.000000e+00 : f32
        %add3A_980 = vector.broadcast %add3A_979 : f32 to vector<16xf32>
        %add3A_981 = arith.addf %add3A_980, %exp3A_978 : vector<16xf32>
        %div3A_982 = arith.constant 1.000000e+00 : f32
        %div3A_983 = vector.broadcast %div3A_982 : f32 to vector<16xf32>
        %div3A_984 = arith.divf %div3A_983, %add3A_981 : vector<16xf32>
        %slice3A_985 = vector.extract_strided_slice %div3A_984 {offsets = [0], sizes = [1], strides = [1]} : vector<16xf32> to vector<1xf32>
        %squeeze3A_986 = vector.extract %slice3A_985[0] : f32 from vector<1xf32>
        %slice3A_987 = vector.extract_strided_slice %get3A_112 {offsets = [6], sizes = [1], strides = [1]} : vector<16xf32> to vector<1xf32>
        %squeeze3A_988 = vector.extract %slice3A_987[0] : f32 from vector<1xf32>
        %mul3A_989 = arith.mulf %squeeze3A_986, %squeeze3A_988 : f32
        %broadcast_in_dim3A_990 = vector.broadcast %add3A_495 : f32 to vector<16xf32>
        %neg3A_991 = arith.constant 0.000000e+00 : f32
        %neg3A_992 = vector.broadcast %neg3A_991 : f32 to vector<16xf32>
        %neg3A_993 = arith.subf %neg3A_992, %broadcast_in_dim3A_990 : vector<16xf32>
        %exp3A_994 = math.exp %neg3A_993 : vector<16xf32>
        %add3A_995 = arith.constant 1.000000e+00 : f32
        %add3A_996 = vector.broadcast %add3A_995 : f32 to vector<16xf32>
        %add3A_997 = arith.addf %add3A_996, %exp3A_994 : vector<16xf32>
        %div3A_998 = arith.constant 1.000000e+00 : f32
        %div3A_999 = vector.broadcast %div3A_998 : f32 to vector<16xf32>
        %div3A_1000 = arith.divf %div3A_999, %add3A_997 : vector<16xf32>
        %slice3A_1001 = vector.extract_strided_slice %div3A_1000 {offsets = [0], sizes = [1], strides = [1]} : vector<16xf32> to vector<1xf32>
        %squeeze3A_1002 = vector.extract %slice3A_1001[0] : f32 from vector<1xf32>
        %slice3A_1003 = vector.extract_strided_slice %get3A_112 {offsets = [7], sizes = [1], strides = [1]} : vector<16xf32> to vector<1xf32>
        %squeeze3A_1004 = vector.extract %slice3A_1003[0] : f32 from vector<1xf32>
        %mul3A_1005 = arith.mulf %squeeze3A_1002, %squeeze3A_1004 : f32
        %broadcast_in_dim3A_1006 = vector.broadcast %add3A_543 : f32 to vector<16xf32>
        %neg3A_1007 = arith.constant 0.000000e+00 : f32
        %neg3A_1008 = vector.broadcast %neg3A_1007 : f32 to vector<16xf32>
        %neg3A_1009 = arith.subf %neg3A_1008, %broadcast_in_dim3A_1006 : vector<16xf32>
        %exp3A_1010 = math.exp %neg3A_1009 : vector<16xf32>
        %add3A_1011 = arith.constant 1.000000e+00 : f32
        %add3A_1012 = vector.broadcast %add3A_1011 : f32 to vector<16xf32>
        %add3A_1013 = arith.addf %add3A_1012, %exp3A_1010 : vector<16xf32>
        %div3A_1014 = arith.constant 1.000000e+00 : f32
        %div3A_1015 = vector.broadcast %div3A_1014 : f32 to vector<16xf32>
        %div3A_1016 = arith.divf %div3A_1015, %add3A_1013 : vector<16xf32>
        %slice3A_1017 = vector.extract_strided_slice %div3A_1016 {offsets = [0], sizes = [1], strides = [1]} : vector<16xf32> to vector<1xf32>
        %squeeze3A_1018 = vector.extract %slice3A_1017[0] : f32 from vector<1xf32>
        %slice3A_1019 = vector.extract_strided_slice %get3A_112 {offsets = [8], sizes = [1], strides = [1]} : vector<16xf32> to vector<1xf32>
        %squeeze3A_1020 = vector.extract %slice3A_1019[0] : f32 from vector<1xf32>
        %mul3A_1021 = arith.mulf %squeeze3A_1018, %squeeze3A_1020 : f32
        %broadcast_in_dim3A_1022 = vector.broadcast %add3A_591 : f32 to vector<16xf32>
        %neg3A_1023 = arith.constant 0.000000e+00 : f32
        %neg3A_1024 = vector.broadcast %neg3A_1023 : f32 to vector<16xf32>
        %neg3A_1025 = arith.subf %neg3A_1024, %broadcast_in_dim3A_1022 : vector<16xf32>
        %exp3A_1026 = math.exp %neg3A_1025 : vector<16xf32>
        %add3A_1027 = arith.constant 1.000000e+00 : f32
        %add3A_1028 = vector.broadcast %add3A_1027 : f32 to vector<16xf32>
        %add3A_1029 = arith.addf %add3A_1028, %exp3A_1026 : vector<16xf32>
        %div3A_1030 = arith.constant 1.000000e+00 : f32
        %div3A_1031 = vector.broadcast %div3A_1030 : f32 to vector<16xf32>
        %div3A_1032 = arith.divf %div3A_1031, %add3A_1029 : vector<16xf32>
        %slice3A_1033 = vector.extract_strided_slice %div3A_1032 {offsets = [0], sizes = [1], strides = [1]} : vector<16xf32> to vector<1xf32>
        %squeeze3A_1034 = vector.extract %slice3A_1033[0] : f32 from vector<1xf32>
        %slice3A_1035 = vector.extract_strided_slice %get3A_112 {offsets = [9], sizes = [1], strides = [1]} : vector<16xf32> to vector<1xf32>
        %squeeze3A_1036 = vector.extract %slice3A_1035[0] : f32 from vector<1xf32>
        %mul3A_1037 = arith.mulf %squeeze3A_1034, %squeeze3A_1036 : f32
        %broadcast_in_dim3A_1038 = vector.broadcast %add3A_639 : f32 to vector<16xf32>
        %neg3A_1039 = arith.constant 0.000000e+00 : f32
        %neg3A_1040 = vector.broadcast %neg3A_1039 : f32 to vector<16xf32>
        %neg3A_1041 = arith.subf %neg3A_1040, %broadcast_in_dim3A_1038 : vector<16xf32>
        %exp3A_1042 = math.exp %neg3A_1041 : vector<16xf32>
        %add3A_1043 = arith.constant 1.000000e+00 : f32
        %add3A_1044 = vector.broadcast %add3A_1043 : f32 to vector<16xf32>
        %add3A_1045 = arith.addf %add3A_1044, %exp3A_1042 : vector<16xf32>
        %div3A_1046 = arith.constant 1.000000e+00 : f32
        %div3A_1047 = vector.broadcast %div3A_1046 : f32 to vector<16xf32>
        %div3A_1048 = arith.divf %div3A_1047, %add3A_1045 : vector<16xf32>
        %slice3A_1049 = vector.extract_strided_slice %div3A_1048 {offsets = [0], sizes = [1], strides = [1]} : vector<16xf32> to vector<1xf32>
        %squeeze3A_1050 = vector.extract %slice3A_1049[0] : f32 from vector<1xf32>
        %slice3A_1051 = vector.extract_strided_slice %get3A_112 {offsets = [10], sizes = [1], strides = [1]} : vector<16xf32> to vector<1xf32>
        %squeeze3A_1052 = vector.extract %slice3A_1051[0] : f32 from vector<1xf32>
        %mul3A_1053 = arith.mulf %squeeze3A_1050, %squeeze3A_1052 : f32
        %broadcast_in_dim3A_1054 = vector.broadcast %add3A_687 : f32 to vector<16xf32>
        %neg3A_1055 = arith.constant 0.000000e+00 : f32
        %neg3A_1056 = vector.broadcast %neg3A_1055 : f32 to vector<16xf32>
        %neg3A_1057 = arith.subf %neg3A_1056, %broadcast_in_dim3A_1054 : vector<16xf32>
        %exp3A_1058 = math.exp %neg3A_1057 : vector<16xf32>
        %add3A_1059 = arith.constant 1.000000e+00 : f32
        %add3A_1060 = vector.broadcast %add3A_1059 : f32 to vector<16xf32>
        %add3A_1061 = arith.addf %add3A_1060, %exp3A_1058 : vector<16xf32>
        %div3A_1062 = arith.constant 1.000000e+00 : f32
        %div3A_1063 = vector.broadcast %div3A_1062 : f32 to vector<16xf32>
        %div3A_1064 = arith.divf %div3A_1063, %add3A_1061 : vector<16xf32>
        %slice3A_1065 = vector.extract_strided_slice %div3A_1064 {offsets = [0], sizes = [1], strides = [1]} : vector<16xf32> to vector<1xf32>
        %squeeze3A_1066 = vector.extract %slice3A_1065[0] : f32 from vector<1xf32>
        %slice3A_1067 = vector.extract_strided_slice %get3A_112 {offsets = [11], sizes = [1], strides = [1]} : vector<16xf32> to vector<1xf32>
        %squeeze3A_1068 = vector.extract %slice3A_1067[0] : f32 from vector<1xf32>
        %mul3A_1069 = arith.mulf %squeeze3A_1066, %squeeze3A_1068 : f32
        %broadcast_in_dim3A_1070 = vector.broadcast %add3A_735 : f32 to vector<16xf32>
        %neg3A_1071 = arith.constant 0.000000e+00 : f32
        %neg3A_1072 = vector.broadcast %neg3A_1071 : f32 to vector<16xf32>
        %neg3A_1073 = arith.subf %neg3A_1072, %broadcast_in_dim3A_1070 : vector<16xf32>
        %exp3A_1074 = math.exp %neg3A_1073 : vector<16xf32>
        %add3A_1075 = arith.constant 1.000000e+00 : f32
        %add3A_1076 = vector.broadcast %add3A_1075 : f32 to vector<16xf32>
        %add3A_1077 = arith.addf %add3A_1076, %exp3A_1074 : vector<16xf32>
        %div3A_1078 = arith.constant 1.000000e+00 : f32
        %div3A_1079 = vector.broadcast %div3A_1078 : f32 to vector<16xf32>
        %div3A_1080 = arith.divf %div3A_1079, %add3A_1077 : vector<16xf32>
        %slice3A_1081 = vector.extract_strided_slice %div3A_1080 {offsets = [0], sizes = [1], strides = [1]} : vector<16xf32> to vector<1xf32>
        %squeeze3A_1082 = vector.extract %slice3A_1081[0] : f32 from vector<1xf32>
        %slice3A_1083 = vector.extract_strided_slice %get3A_112 {offsets = [12], sizes = [1], strides = [1]} : vector<16xf32> to vector<1xf32>
        %squeeze3A_1084 = vector.extract %slice3A_1083[0] : f32 from vector<1xf32>
        %mul3A_1085 = arith.mulf %squeeze3A_1082, %squeeze3A_1084 : f32
        %broadcast_in_dim3A_1086 = vector.broadcast %add3A_783 : f32 to vector<16xf32>
        %neg3A_1087 = arith.constant 0.000000e+00 : f32
        %neg3A_1088 = vector.broadcast %neg3A_1087 : f32 to vector<16xf32>
        %neg3A_1089 = arith.subf %neg3A_1088, %broadcast_in_dim3A_1086 : vector<16xf32>
        %exp3A_1090 = math.exp %neg3A_1089 : vector<16xf32>
        %add3A_1091 = arith.constant 1.000000e+00 : f32
        %add3A_1092 = vector.broadcast %add3A_1091 : f32 to vector<16xf32>
        %add3A_1093 = arith.addf %add3A_1092, %exp3A_1090 : vector<16xf32>
        %div3A_1094 = arith.constant 1.000000e+00 : f32
        %div3A_1095 = vector.broadcast %div3A_1094 : f32 to vector<16xf32>
        %div3A_1096 = arith.divf %div3A_1095, %add3A_1093 : vector<16xf32>
        %slice3A_1097 = vector.extract_strided_slice %div3A_1096 {offsets = [0], sizes = [1], strides = [1]} : vector<16xf32> to vector<1xf32>
        %squeeze3A_1098 = vector.extract %slice3A_1097[0] : f32 from vector<1xf32>
        %slice3A_1099 = vector.extract_strided_slice %get3A_112 {offsets = [13], sizes = [1], strides = [1]} : vector<16xf32> to vector<1xf32>
        %squeeze3A_1100 = vector.extract %slice3A_1099[0] : f32 from vector<1xf32>
        %mul3A_1101 = arith.mulf %squeeze3A_1098, %squeeze3A_1100 : f32
        %broadcast_in_dim3A_1102 = vector.broadcast %add3A_831 : f32 to vector<16xf32>
        %neg3A_1103 = arith.constant 0.000000e+00 : f32
        %neg3A_1104 = vector.broadcast %neg3A_1103 : f32 to vector<16xf32>
        %neg3A_1105 = arith.subf %neg3A_1104, %broadcast_in_dim3A_1102 : vector<16xf32>
        %exp3A_1106 = math.exp %neg3A_1105 : vector<16xf32>
        %add3A_1107 = arith.constant 1.000000e+00 : f32
        %add3A_1108 = vector.broadcast %add3A_1107 : f32 to vector<16xf32>
        %add3A_1109 = arith.addf %add3A_1108, %exp3A_1106 : vector<16xf32>
        %div3A_1110 = arith.constant 1.000000e+00 : f32
        %div3A_1111 = vector.broadcast %div3A_1110 : f32 to vector<16xf32>
        %div3A_1112 = arith.divf %div3A_1111, %add3A_1109 : vector<16xf32>
        %slice3A_1113 = vector.extract_strided_slice %div3A_1112 {offsets = [0], sizes = [1], strides = [1]} : vector<16xf32> to vector<1xf32>
        %squeeze3A_1114 = vector.extract %slice3A_1113[0] : f32 from vector<1xf32>
        %slice3A_1115 = vector.extract_strided_slice %get3A_112 {offsets = [14], sizes = [1], strides = [1]} : vector<16xf32> to vector<1xf32>
        %squeeze3A_1116 = vector.extract %slice3A_1115[0] : f32 from vector<1xf32>
        %mul3A_1117 = arith.mulf %squeeze3A_1114, %squeeze3A_1116 : f32
        %broadcast_in_dim3A_1118 = vector.broadcast %add3A_879 : f32 to vector<16xf32>
        %neg3A_1119 = arith.constant 0.000000e+00 : f32
        %neg3A_1120 = vector.broadcast %neg3A_1119 : f32 to vector<16xf32>
        %neg3A_1121 = arith.subf %neg3A_1120, %broadcast_in_dim3A_1118 : vector<16xf32>
        %exp3A_1122 = math.exp %neg3A_1121 : vector<16xf32>
        %add3A_1123 = arith.constant 1.000000e+00 : f32
        %add3A_1124 = vector.broadcast %add3A_1123 : f32 to vector<16xf32>
        %add3A_1125 = arith.addf %add3A_1124, %exp3A_1122 : vector<16xf32>
        %div3A_1126 = arith.constant 1.000000e+00 : f32
        %div3A_1127 = vector.broadcast %div3A_1126 : f32 to vector<16xf32>
        %div3A_1128 = arith.divf %div3A_1127, %add3A_1125 : vector<16xf32>
        %slice3A_1129 = vector.extract_strided_slice %div3A_1128 {offsets = [0], sizes = [1], strides = [1]} : vector<16xf32> to vector<1xf32>
        %squeeze3A_1130 = vector.extract %slice3A_1129[0] : f32 from vector<1xf32>
        %slice3A_1131 = vector.extract_strided_slice %get3A_112 {offsets = [15], sizes = [1], strides = [1]} : vector<16xf32> to vector<1xf32>
        %squeeze3A_1132 = vector.extract %slice3A_1131[0] : f32 from vector<1xf32>
        %mul3A_1133 = arith.mulf %squeeze3A_1130, %squeeze3A_1132 : f32
        %mul3A_1134 = arith.constant 16 : i32
        %mul3A_1135 = arith.muli %mul3A_1134, %scan3A_102 : i32
        %add3A_1136 = arith.constant 0 : i32
        %add3A_1137 = arith.addi %mul3A_1135, %add3A_1136 : i32
        %slice3A_1138 = vector.extract_strided_slice %get3A_107 {offsets = [0], sizes = [1], strides = [1]} : vector<16xi32> to vector<1xi32>
        %squeeze3A_1139 = vector.extract %slice3A_1138[0] : i32 from vector<1xi32>
        %broadcast_in_dim3A_1140 = vector.broadcast %mul3A_893 : f32 to vector<16xf32>
        %get3A_1141 = arith.index_cast %add3A_1137 : i32 to index
        %get3A_1142 = arith.constant 0 : index
        %get3A_1143 = tpu.vector_load %arg8[%get3A_1141, %get3A_1142] {strides = array<i32>} : memref<160x128xf32, #tpu.memory_space<vmem>>, vector<16xf32>,
        %mul3A_1144 = arith.mulf %broadcast_in_dim3A_1140, %get3A_1143 : vector<16xf32>
        %get3A_1145 = arith.index_cast %add3A_1137 : i32 to index
        %get3A_1146 = arith.constant 16 : index
        %get3A_1147 = tpu.vector_load %arg8[%get3A_1145, %get3A_1146] {strides = array<i32>} : memref<160x128xf32, #tpu.memory_space<vmem>>, vector<16xf32>,
        %mul3A_1148 = arith.mulf %broadcast_in_dim3A_1140, %get3A_1147 : vector<16xf32>
        %get3A_1149 = arith.index_cast %add3A_1137 : i32 to index
        %get3A_1150 = arith.constant 32 : index
        %get3A_1151 = tpu.vector_load %arg8[%get3A_1149, %get3A_1150] {strides = array<i32>} : memref<160x128xf32, #tpu.memory_space<vmem>>, vector<16xf32>,
        %mul3A_1152 = arith.mulf %broadcast_in_dim3A_1140, %get3A_1151 : vector<16xf32>
        %get3A_1153 = arith.index_cast %add3A_1137 : i32 to index
        %get3A_1154 = arith.constant 48 : index
        %get3A_1155 = tpu.vector_load %arg8[%get3A_1153, %get3A_1154] {strides = array<i32>} : memref<160x128xf32, #tpu.memory_space<vmem>>, vector<16xf32>,
        %mul3A_1156 = arith.mulf %broadcast_in_dim3A_1140, %get3A_1155 : vector<16xf32>
        %get3A_1157 = arith.index_cast %add3A_1137 : i32 to index
        %get3A_1158 = arith.constant 64 : index
        %get3A_1159 = tpu.vector_load %arg8[%get3A_1157, %get3A_1158] {strides = array<i32>} : memref<160x128xf32, #tpu.memory_space<vmem>>, vector<16xf32>,
        %mul3A_1160 = arith.mulf %broadcast_in_dim3A_1140, %get3A_1159 : vector<16xf32>
        %get3A_1161 = arith.index_cast %add3A_1137 : i32 to index
        %get3A_1162 = arith.constant 80 : index
        %get3A_1163 = tpu.vector_load %arg8[%get3A_1161, %get3A_1162] {strides = array<i32>} : memref<160x128xf32, #tpu.memory_space<vmem>>, vector<16xf32>,
        %mul3A_1164 = arith.mulf %broadcast_in_dim3A_1140, %get3A_1163 : vector<16xf32>
        %get3A_1165 = arith.index_cast %add3A_1137 : i32 to index
        %get3A_1166 = arith.constant 96 : index
        %get3A_1167 = tpu.vector_load %arg8[%get3A_1165, %get3A_1166] {strides = array<i32>} : memref<160x128xf32, #tpu.memory_space<vmem>>, vector<16xf32>,
        %mul3A_1168 = arith.mulf %broadcast_in_dim3A_1140, %get3A_1167 : vector<16xf32>
        %get3A_1169 = arith.index_cast %add3A_1137 : i32 to index
        %get3A_1170 = arith.constant 112 : index
        %get3A_1171 = tpu.vector_load %arg8[%get3A_1169, %get3A_1170] {strides = array<i32>} : memref<160x128xf32, #tpu.memory_space<vmem>>, vector<16xf32>,
        %mul3A_1172 = arith.mulf %broadcast_in_dim3A_1140, %get3A_1171 : vector<16xf32>
        %swap3A = arith.index_cast %squeeze3A_1139 : i32 to index
        %swap3A_1173 = arith.constant 0 : index
        %swap3A_1174 = tpu.vector_load %arg12[%swap3A, %swap3A_1173] {strides = array<i32>} : memref<512x128xf32, #tpu.memory_space<vmem>>, vector<16xf32>,
        tpu.vector_store %arg12[%swap3A, %swap3A_1173], %mul3A_1144 {add = true, strides = array<i32>} : memref<512x128xf32, #tpu.memory_space<vmem>>, vector<16xf32>,
        %swap3A_1175 = arith.index_cast %squeeze3A_1139 : i32 to index
        %swap3A_1176 = arith.constant 16 : index
        %swap3A_1177 = tpu.vector_load %arg12[%swap3A_1175, %swap3A_1176] {strides = array<i32>} : memref<512x128xf32, #tpu.memory_space<vmem>>, vector<16xf32>,
        tpu.vector_store %arg12[%swap3A_1175, %swap3A_1176], %mul3A_1148 {add = true, strides = array<i32>} : memref<512x128xf32, #tpu.memory_space<vmem>>, vector<16xf32>,
        %swap3A_1178 = arith.index_cast %squeeze3A_1139 : i32 to index
        %swap3A_1179 = arith.constant 32 : index
        %swap3A_1180 = tpu.vector_load %arg12[%swap3A_1178, %swap3A_1179] {strides = array<i32>} : memref<512x128xf32, #tpu.memory_space<vmem>>, vector<16xf32>,
        tpu.vector_store %arg12[%swap3A_1178, %swap3A_1179], %mul3A_1152 {add = true, strides = array<i32>} : memref<512x128xf32, #tpu.memory_space<vmem>>, vector<16xf32>,
        %swap3A_1181 = arith.index_cast %squeeze3A_1139 : i32 to index
        %swap3A_1182 = arith.constant 48 : index
        %swap3A_1183 = tpu.vector_load %arg12[%swap3A_1181, %swap3A_1182] {strides = array<i32>} : memref<512x128xf32, #tpu.memory_space<vmem>>, vector<16xf32>,
        tpu.vector_store %arg12[%swap3A_1181, %swap3A_1182], %mul3A_1156 {add = true, strides = array<i32>} : memref<512x128xf32, #tpu.memory_space<vmem>>, vector<16xf32>,
        %swap3A_1184 = arith.index_cast %squeeze3A_1139 : i32 to index
        %swap3A_1185 = arith.constant 64 : index
        %swap3A_1186 = tpu.vector_load %arg12[%swap3A_1184, %swap3A_1185] {strides = array<i32>} : memref<512x128xf32, #tpu.memory_space<vmem>>, vector<16xf32>,
        tpu.vector_store %arg12[%swap3A_1184, %swap3A_1185], %mul3A_1160 {add = true, strides = array<i32>} : memref<512x128xf32, #tpu.memory_space<vmem>>, vector<16xf32>,
        %swap3A_1187 = arith.index_cast %squeeze3A_1139 : i32 to index
        %swap3A_1188 = arith.constant 80 : index
        %swap3A_1189 = tpu.vector_load %arg12[%swap3A_1187, %swap3A_1188] {strides = array<i32>} : memref<512x128xf32, #tpu.memory_space<vmem>>, vector<16xf32>,
        tpu.vector_store %arg12[%swap3A_1187, %swap3A_1188], %mul3A_1164 {add = true, strides = array<i32>} : memref<512x128xf32, #tpu.memory_space<vmem>>, vector<16xf32>,
        %swap3A_1190 = arith.index_cast %squeeze3A_1139 : i32 to index
        %swap3A_1191 = arith.constant 96 : index
        %swap3A_1192 = tpu.vector_load %arg12[%swap3A_1190, %swap3A_1191] {strides = array<i32>} : memref<512x128xf32, #tpu.memory_space<vmem>>, vector<16xf32>,
        tpu.vector_store %arg12[%swap3A_1190, %swap3A_1191], %mul3A_1168 {add = true, strides = array<i32>} : memref<512x128xf32, #tpu.memory_space<vmem>>, vector<16xf32>,
        %swap3A_1193 = arith.index_cast %squeeze3A_1139 : i32 to index
        %swap3A_1194 = arith.constant 112 : index
        %swap3A_1195 = tpu.vector_load %arg12[%swap3A_1193, %swap3A_1194] {strides = array<i32>} : memref<512x128xf32, #tpu.memory_space<vmem>>, vector<16xf32>,
        tpu.vector_store %arg12[%swap3A_1193, %swap3A_1194], %mul3A_1172 {add = true, strides = array<i32>} : memref<512x128xf32, #tpu.memory_space<vmem>>, vector<16xf32>,
        %mul3A_1196 = arith.constant 16 : i32
        %mul3A_1197 = arith.muli %mul3A_1196, %scan3A_102 : i32
        %add3A_1198 = arith.constant 1 : i32
        %add3A_1199 = arith.addi %mul3A_1197, %add3A_1198 : i32
        %slice3A_1200 = vector.extract_strided_slice %get3A_107 {offsets = [1], sizes = [1], strides = [1]} : vector<16xi32> to vector<1xi32>
        %squeeze3A_1201 = vector.extract %slice3A_1200[0] : i32 from vector<1xi32>
        %broadcast_in_dim3A_1202 = vector.broadcast %mul3A_909 : f32 to vector<16xf32>
        %get3A_1203 = arith.index_cast %add3A_1199 : i32 to index
        %get3A_1204 = arith.constant 0 : index
        %get3A_1205 = tpu.vector_load %arg8[%get3A_1203, %get3A_1204] {strides = array<i32>} : memref<160x128xf32, #tpu.memory_space<vmem>>, vector<16xf32>,
        %mul3A_1206 = arith.mulf %broadcast_in_dim3A_1202, %get3A_1205 : vector<16xf32>
        %get3A_1207 = arith.index_cast %add3A_1199 : i32 to index
        %get3A_1208 = arith.constant 16 : index
        %get3A_1209 = tpu.vector_load %arg8[%get3A_1207, %get3A_1208] {strides = array<i32>} : memref<160x128xf32, #tpu.memory_space<vmem>>, vector<16xf32>,
        %mul3A_1210 = arith.mulf %broadcast_in_dim3A_1202, %get3A_1209 : vector<16xf32>
        %get3A_1211 = arith.index_cast %add3A_1199 : i32 to index
        %get3A_1212 = arith.constant 32 : index
        %get3A_1213 = tpu.vector_load %arg8[%get3A_1211, %get3A_1212] {strides = array<i32>} : memref<160x128xf32, #tpu.memory_space<vmem>>, vector<16xf32>,
        %mul3A_1214 = arith.mulf %broadcast_in_dim3A_1202, %get3A_1213 : vector<16xf32>
        %get3A_1215 = arith.index_cast %add3A_1199 : i32 to index
        %get3A_1216 = arith.constant 48 : index
        %get3A_1217 = tpu.vector_load %arg8[%get3A_1215, %get3A_1216] {strides = array<i32>} : memref<160x128xf32, #tpu.memory_space<vmem>>, vector<16xf32>,
        %mul3A_1218 = arith.mulf %broadcast_in_dim3A_1202, %get3A_1217 : vector<16xf32>
        %get3A_1219 = arith.index_cast %add3A_1199 : i32 to index
        %get3A_1220 = arith.constant 64 : index
        %get3A_1221 = tpu.vector_load %arg8[%get3A_1219, %get3A_1220] {strides = array<i32>} : memref<160x128xf32, #tpu.memory_space<vmem>>, vector<16xf32>,
        %mul3A_1222 = arith.mulf %broadcast_in_dim3A_1202, %get3A_1221 : vector<16xf32>
        %get3A_1223 = arith.index_cast %add3A_1199 : i32 to index
        %get3A_1224 = arith.constant 80 : index
        %get3A_1225 = tpu.vector_load %arg8[%get3A_1223, %get3A_1224] {strides = array<i32>} : memref<160x128xf32, #tpu.memory_space<vmem>>, vector<16xf32>,
        %mul3A_1226 = arith.mulf %broadcast_in_dim3A_1202, %get3A_1225 : vector<16xf32>
        %get3A_1227 = arith.index_cast %add3A_1199 : i32 to index
        %get3A_1228 = arith.constant 96 : index
        %get3A_1229 = tpu.vector_load %arg8[%get3A_1227, %get3A_1228] {strides = array<i32>} : memref<160x128xf32, #tpu.memory_space<vmem>>, vector<16xf32>,
        %mul3A_1230 = arith.mulf %broadcast_in_dim3A_1202, %get3A_1229 : vector<16xf32>
        %get3A_1231 = arith.index_cast %add3A_1199 : i32 to index
        %get3A_1232 = arith.constant 112 : index
        %get3A_1233 = tpu.vector_load %arg8[%get3A_1231, %get3A_1232] {strides = array<i32>} : memref<160x128xf32, #tpu.memory_space<vmem>>, vector<16xf32>,
        %mul3A_1234 = arith.mulf %broadcast_in_dim3A_1202, %get3A_1233 : vector<16xf32>
        %swap3A_1235 = arith.index_cast %squeeze3A_1201 : i32 to index
        %swap3A_1236 = arith.constant 0 : index
        %swap3A_1237 = tpu.vector_load %arg12[%swap3A_1235, %swap3A_1236] {strides = array<i32>} : memref<512x128xf32, #tpu.memory_space<vmem>>, vector<16xf32>,
        tpu.vector_store %arg12[%swap3A_1235, %swap3A_1236], %mul3A_1206 {add = true, strides = array<i32>} : memref<512x128xf32, #tpu.memory_space<vmem>>, vector<16xf32>,
        %swap3A_1238 = arith.index_cast %squeeze3A_1201 : i32 to index
        %swap3A_1239 = arith.constant 16 : index
        %swap3A_1240 = tpu.vector_load %arg12[%swap3A_1238, %swap3A_1239] {strides = array<i32>} : memref<512x128xf32, #tpu.memory_space<vmem>>, vector<16xf32>,
        tpu.vector_store %arg12[%swap3A_1238, %swap3A_1239], %mul3A_1210 {add = true, strides = array<i32>} : memref<512x128xf32, #tpu.memory_space<vmem>>, vector<16xf32>,
        %swap3A_1241 = arith.index_cast %squeeze3A_1201 : i32 to index
        %swap3A_1242 = arith.constant 32 : index
        %swap3A_1243 = tpu.vector_load %arg12[%swap3A_1241, %swap3A_1242] {strides = array<i32>} : memref<512x128xf32, #tpu.memory_space<vmem>>, vector<16xf32>,
        tpu.vector_store %arg12[%swap3A_1241, %swap3A_1242], %mul3A_1214 {add = true, strides = array<i32>} : memref<512x128xf32, #tpu.memory_space<vmem>>, vector<16xf32>,
        %swap3A_1244 = arith.index_cast %squeeze3A_1201 : i32 to index
        %swap3A_1245 = arith.constant 48 : index
        %swap3A_1246 = tpu.vector_load %arg12[%swap3A_1244, %swap3A_1245] {strides = array<i32>} : memref<512x128xf32, #tpu.memory_space<vmem>>, vector<16xf32>,
        tpu.vector_store %arg12[%swap3A_1244, %swap3A_1245], %mul3A_1218 {add = true, strides = array<i32>} : memref<512x128xf32, #tpu.memory_space<vmem>>, vector<16xf32>,
        %swap3A_1247 = arith.index_cast %squeeze3A_1201 : i32 to index
        %swap3A_1248 = arith.constant 64 : index
        %swap3A_1249 = tpu.vector_load %arg12[%swap3A_1247, %swap3A_1248] {strides = array<i32>} : memref<512x128xf32, #tpu.memory_space<vmem>>, vector<16xf32>,
        tpu.vector_store %arg12[%swap3A_1247, %swap3A_1248], %mul3A_1222 {add = true, strides = array<i32>} : memref<512x128xf32, #tpu.memory_space<vmem>>, vector<16xf32>,
        %swap3A_1250 = arith.index_cast %squeeze3A_1201 : i32 to index
        %swap3A_1251 = arith.constant 80 : index
        %swap3A_1252 = tpu.vector_load %arg12[%swap3A_1250, %swap3A_1251] {strides = array<i32>} : memref<512x128xf32, #tpu.memory_space<vmem>>, vector<16xf32>,
        tpu.vector_store %arg12[%swap3A_1250, %swap3A_1251], %mul3A_1226 {add = true, strides = array<i32>} : memref<512x128xf32, #tpu.memory_space<vmem>>, vector<16xf32>,
        %swap3A_1253 = arith.index_cast %squeeze3A_1201 : i32 to index
        %swap3A_1254 = arith.constant 96 : index
        %swap3A_1255 = tpu.vector_load %arg12[%swap3A_1253, %swap3A_1254] {strides = array<i32>} : memref<512x128xf32, #tpu.memory_space<vmem>>, vector<16xf32>,
        tpu.vector_store %arg12[%swap3A_1253, %swap3A_1254], %mul3A_1230 {add = true, strides = array<i32>} : memref<512x128xf32, #tpu.memory_space<vmem>>, vector<16xf32>,
        %swap3A_1256 = arith.index_cast %squeeze3A_1201 : i32 to index
        %swap3A_1257 = arith.constant 112 : index
        %swap3A_1258 = tpu.vector_load %arg12[%swap3A_1256, %swap3A_1257] {strides = array<i32>} : memref<512x128xf32, #tpu.memory_space<vmem>>, vector<16xf32>,
        tpu.vector_store %arg12[%swap3A_1256, %swap3A_1257], %mul3A_1234 {add = true, strides = array<i32>} : memref<512x128xf32, #tpu.memory_space<vmem>>, vector<16xf32>,
        %mul3A_1259 = arith.constant 16 : i32
        %mul3A_1260 = arith.muli %mul3A_1259, %scan3A_102 : i32
        %add3A_1261 = arith.constant 2 : i32
        %add3A_1262 = arith.addi %mul3A_1260, %add3A_1261 : i32
        %slice3A_1263 = vector.extract_strided_slice %get3A_107 {offsets = [2], sizes = [1], strides = [1]} : vector<16xi32> to vector<1xi32>
        %squeeze3A_1264 = vector.extract %slice3A_1263[0] : i32 from vector<1xi32>
        %broadcast_in_dim3A_1265 = vector.broadcast %mul3A_925 : f32 to vector<16xf32>
        %get3A_1266 = arith.index_cast %add3A_1262 : i32 to index
        %get3A_1267 = arith.constant 0 : index
        %get3A_1268 = tpu.vector_load %arg8[%get3A_1266, %get3A_1267] {strides = array<i32>} : memref<160x128xf32, #tpu.memory_space<vmem>>, vector<16xf32>,
        %mul3A_1269 = arith.mulf %broadcast_in_dim3A_1265, %get3A_1268 : vector<16xf32>
        %get3A_1270 = arith.index_cast %add3A_1262 : i32 to index
        %get3A_1271 = arith.constant 16 : index
        %get3A_1272 = tpu.vector_load %arg8[%get3A_1270, %get3A_1271] {strides = array<i32>} : memref<160x128xf32, #tpu.memory_space<vmem>>, vector<16xf32>,
        %mul3A_1273 = arith.mulf %broadcast_in_dim3A_1265, %get3A_1272 : vector<16xf32>
        %get3A_1274 = arith.index_cast %add3A_1262 : i32 to index
        %get3A_1275 = arith.constant 32 : index
        %get3A_1276 = tpu.vector_load %arg8[%get3A_1274, %get3A_1275] {strides = array<i32>} : memref<160x128xf32, #tpu.memory_space<vmem>>, vector<16xf32>,
        %mul3A_1277 = arith.mulf %broadcast_in_dim3A_1265, %get3A_1276 : vector<16xf32>
        %get3A_1278 = arith.index_cast %add3A_1262 : i32 to index
        %get3A_1279 = arith.constant 48 : index
        %get3A_1280 = tpu.vector_load %arg8[%get3A_1278, %get3A_1279] {strides = array<i32>} : memref<160x128xf32, #tpu.memory_space<vmem>>, vector<16xf32>,
        %mul3A_1281 = arith.mulf %broadcast_in_dim3A_1265, %get3A_1280 : vector<16xf32>
        %get3A_1282 = arith.index_cast %add3A_1262 : i32 to index
        %get3A_1283 = arith.constant 64 : index
        %get3A_1284 = tpu.vector_load %arg8[%get3A_1282, %get3A_1283] {strides = array<i32>} : memref<160x128xf32, #tpu.memory_space<vmem>>, vector<16xf32>,
        %mul3A_1285 = arith.mulf %broadcast_in_dim3A_1265, %get3A_1284 : vector<16xf32>
        %get3A_1286 = arith.index_cast %add3A_1262 : i32 to index
        %get3A_1287 = arith.constant 80 : index
        %get3A_1288 = tpu.vector_load %arg8[%get3A_1286, %get3A_1287] {strides = array<i32>} : memref<160x128xf32, #tpu.memory_space<vmem>>, vector<16xf32>,
        %mul3A_1289 = arith.mulf %broadcast_in_dim3A_1265, %get3A_1288 : vector<16xf32>
        %get3A_1290 = arith.index_cast %add3A_1262 : i32 to index
        %get3A_1291 = arith.constant 96 : index
        %get3A_1292 = tpu.vector_load %arg8[%get3A_1290, %get3A_1291] {strides = array<i32>} : memref<160x128xf32, #tpu.memory_space<vmem>>, vector<16xf32>,
        %mul3A_1293 = arith.mulf %broadcast_in_dim3A_1265, %get3A_1292 : vector<16xf32>
        %get3A_1294 = arith.index_cast %add3A_1262 : i32 to index
        %get3A_1295 = arith.constant 112 : index
        %get3A_1296 = tpu.vector_load %arg8[%get3A_1294, %get3A_1295] {strides = array<i32>} : memref<160x128xf32, #tpu.memory_space<vmem>>, vector<16xf32>,
        %mul3A_1297 = arith.mulf %broadcast_in_dim3A_1265, %get3A_1296 : vector<16xf32>
        %swap3A_1298 = arith.index_cast %squeeze3A_1264 : i32 to index
        %swap3A_1299 = arith.constant 0 : index
        %swap3A_1300 = tpu.vector_load %arg12[%swap3A_1298, %swap3A_1299] {strides = array<i32>} : memref<512x128xf32, #tpu.memory_space<vmem>>, vector<16xf32>,
        tpu.vector_store %arg12[%swap3A_1298, %swap3A_1299], %mul3A_1269 {add = true, strides = array<i32>} : memref<512x128xf32, #tpu.memory_space<vmem>>, vector<16xf32>,
        %swap3A_1301 = arith.index_cast %squeeze3A_1264 : i32 to index
        %swap3A_1302 = arith.constant 16 : index
        %swap3A_1303 = tpu.vector_load %arg12[%swap3A_1301, %swap3A_1302] {strides = array<i32>} : memref<512x128xf32, #tpu.memory_space<vmem>>, vector<16xf32>,
        tpu.vector_store %arg12[%swap3A_1301, %swap3A_1302], %mul3A_1273 {add = true, strides = array<i32>} : memref<512x128xf32, #tpu.memory_space<vmem>>, vector<16xf32>,
        %swap3A_1304 = arith.index_cast %squeeze3A_1264 : i32 to index
        %swap3A_1305 = arith.constant 32 : index
        %swap3A_1306 = tpu.vector_load %arg12[%swap3A_1304, %swap3A_1305] {strides = array<i32>} : memref<512x128xf32, #tpu.memory_space<vmem>>, vector<16xf32>,
        tpu.vector_store %arg12[%swap3A_1304, %swap3A_1305], %mul3A_1277 {add = true, strides = array<i32>} : memref<512x128xf32, #tpu.memory_space<vmem>>, vector<16xf32>,
        %swap3A_1307 = arith.index_cast %squeeze3A_1264 : i32 to index
        %swap3A_1308 = arith.constant 48 : index
        %swap3A_1309 = tpu.vector_load %arg12[%swap3A_1307, %swap3A_1308] {strides = array<i32>} : memref<512x128xf32, #tpu.memory_space<vmem>>, vector<16xf32>,
        tpu.vector_store %arg12[%swap3A_1307, %swap3A_1308], %mul3A_1281 {add = true, strides = array<i32>} : memref<512x128xf32, #tpu.memory_space<vmem>>, vector<16xf32>,
        %swap3A_1310 = arith.index_cast %squeeze3A_1264 : i32 to index
        %swap3A_1311 = arith.constant 64 : index
        %swap3A_1312 = tpu.vector_load %arg12[%swap3A_1310, %swap3A_1311] {strides = array<i32>} : memref<512x128xf32, #tpu.memory_space<vmem>>, vector<16xf32>,
        tpu.vector_store %arg12[%swap3A_1310, %swap3A_1311], %mul3A_1285 {add = true, strides = array<i32>} : memref<512x128xf32, #tpu.memory_space<vmem>>, vector<16xf32>,
        %swap3A_1313 = arith.index_cast %squeeze3A_1264 : i32 to index
        %swap3A_1314 = arith.constant 80 : index
        %swap3A_1315 = tpu.vector_load %arg12[%swap3A_1313, %swap3A_1314] {strides = array<i32>} : memref<512x128xf32, #tpu.memory_space<vmem>>, vector<16xf32>,
        tpu.vector_store %arg12[%swap3A_1313, %swap3A_1314], %mul3A_1289 {add = true, strides = array<i32>} : memref<512x128xf32, #tpu.memory_space<vmem>>, vector<16xf32>,
        %swap3A_1316 = arith.index_cast %squeeze3A_1264 : i32 to index
        %swap3A_1317 = arith.constant 96 : index
        %swap3A_1318 = tpu.vector_load %arg12[%swap3A_1316, %swap3A_1317] {strides = array<i32>} : memref<512x128xf32, #tpu.memory_space<vmem>>, vector<16xf32>,
        tpu.vector_store %arg12[%swap3A_1316, %swap3A_1317], %mul3A_1293 {add = true, strides = array<i32>} : memref<512x128xf32, #tpu.memory_space<vmem>>, vector<16xf32>,
        %swap3A_1319 = arith.index_cast %squeeze3A_1264 : i32 to index
        %swap3A_1320 = arith.constant 112 : index
        %swap3A_1321 = tpu.vector_load %arg12[%swap3A_1319, %swap3A_1320] {strides = array<i32>} : memref<512x128xf32, #tpu.memory_space<vmem>>, vector<16xf32>,
        tpu.vector_store %arg12[%swap3A_1319, %swap3A_1320], %mul3A_1297 {add = true, strides = array<i32>} : memref<512x128xf32, #tpu.memory_space<vmem>>, vector<16xf32>,
        %mul3A_1322 = arith.constant 16 : i32
        %mul3A_1323 = arith.muli %mul3A_1322, %scan3A_102 : i32
        %add3A_1324 = arith.constant 3 : i32
        %add3A_1325 = arith.addi %mul3A_1323, %add3A_1324 : i32
        %slice3A_1326 = vector.extract_strided_slice %get3A_107 {offsets = [3], sizes = [1], strides = [1]} : vector<16xi32> to vector<1xi32>
        %squeeze3A_1327 = vector.extract %slice3A_1326[0] : i32 from vector<1xi32>
        %broadcast_in_dim3A_1328 = vector.broadcast %mul3A_941 : f32 to vector<16xf32>
        %get3A_1329 = arith.index_cast %add3A_1325 : i32 to index
        %get3A_1330 = arith.constant 0 : index
        %get3A_1331 = tpu.vector_load %arg8[%get3A_1329, %get3A_1330] {strides = array<i32>} : memref<160x128xf32, #tpu.memory_space<vmem>>, vector<16xf32>,
        %mul3A_1332 = arith.mulf %broadcast_in_dim3A_1328, %get3A_1331 : vector<16xf32>
        %get3A_1333 = arith.index_cast %add3A_1325 : i32 to index
        %get3A_1334 = arith.constant 16 : index
        %get3A_1335 = tpu.vector_load %arg8[%get3A_1333, %get3A_1334] {strides = array<i32>} : memref<160x128xf32, #tpu.memory_space<vmem>>, vector<16xf32>,
        %mul3A_1336 = arith.mulf %broadcast_in_dim3A_1328, %get3A_1335 : vector<16xf32>
        %get3A_1337 = arith.index_cast %add3A_1325 : i32 to index
        %get3A_1338 = arith.constant 32 : index
        %get3A_1339 = tpu.vector_load %arg8[%get3A_1337, %get3A_1338] {strides = array<i32>} : memref<160x128xf32, #tpu.memory_space<vmem>>, vector<16xf32>,
        %mul3A_1340 = arith.mulf %broadcast_in_dim3A_1328, %get3A_1339 : vector<16xf32>
        %get3A_1341 = arith.index_cast %add3A_1325 : i32 to index
        %get3A_1342 = arith.constant 48 : index
        %get3A_1343 = tpu.vector_load %arg8[%get3A_1341, %get3A_1342] {strides = array<i32>} : memref<160x128xf32, #tpu.memory_space<vmem>>, vector<16xf32>,
        %mul3A_1344 = arith.mulf %broadcast_in_dim3A_1328, %get3A_1343 : vector<16xf32>
        %get3A_1345 = arith.index_cast %add3A_1325 : i32 to index
        %get3A_1346 = arith.constant 64 : index
        %get3A_1347 = tpu.vector_load %arg8[%get3A_1345, %get3A_1346] {strides = array<i32>} : memref<160x128xf32, #tpu.memory_space<vmem>>, vector<16xf32>,
        %mul3A_1348 = arith.mulf %broadcast_in_dim3A_1328, %get3A_1347 : vector<16xf32>
        %get3A_1349 = arith.index_cast %add3A_1325 : i32 to index
        %get3A_1350 = arith.constant 80 : index
        %get3A_1351 = tpu.vector_load %arg8[%get3A_1349, %get3A_1350] {strides = array<i32>} : memref<160x128xf32, #tpu.memory_space<vmem>>, vector<16xf32>,
        %mul3A_1352 = arith.mulf %broadcast_in_dim3A_1328, %get3A_1351 : vector<16xf32>
        %get3A_1353 = arith.index_cast %add3A_1325 : i32 to index
        %get3A_1354 = arith.constant 96 : index
        %get3A_1355 = tpu.vector_load %arg8[%get3A_1353, %get3A_1354] {strides = array<i32>} : memref<160x128xf32, #tpu.memory_space<vmem>>, vector<16xf32>,
        %mul3A_1356 = arith.mulf %broadcast_in_dim3A_1328, %get3A_1355 : vector<16xf32>
        %get3A_1357 = arith.index_cast %add3A_1325 : i32 to index
        %get3A_1358 = arith.constant 112 : index
        %get3A_1359 = tpu.vector_load %arg8[%get3A_1357, %get3A_1358] {strides = array<i32>} : memref<160x128xf32, #tpu.memory_space<vmem>>, vector<16xf32>,
        %mul3A_1360 = arith.mulf %broadcast_in_dim3A_1328, %get3A_1359 : vector<16xf32>
        %swap3A_1361 = arith.index_cast %squeeze3A_1327 : i32 to index
        %swap3A_1362 = arith.constant 0 : index
        %swap3A_1363 = tpu.vector_load %arg12[%swap3A_1361, %swap3A_1362] {strides = array<i32>} : memref<512x128xf32, #tpu.memory_space<vmem>>, vector<16xf32>,
        tpu.vector_store %arg12[%swap3A_1361, %swap3A_1362], %mul3A_1332 {add = true, strides = array<i32>} : memref<512x128xf32, #tpu.memory_space<vmem>>, vector<16xf32>,
        %swap3A_1364 = arith.index_cast %squeeze3A_1327 : i32 to index
        %swap3A_1365 = arith.constant 16 : index
        %swap3A_1366 = tpu.vector_load %arg12[%swap3A_1364, %swap3A_1365] {strides = array<i32>} : memref<512x128xf32, #tpu.memory_space<vmem>>, vector<16xf32>,
        tpu.vector_store %arg12[%swap3A_1364, %swap3A_1365], %mul3A_1336 {add = true, strides = array<i32>} : memref<512x128xf32, #tpu.memory_space<vmem>>, vector<16xf32>,
        %swap3A_1367 = arith.index_cast %squeeze3A_1327 : i32 to index
        %swap3A_1368 = arith.constant 32 : index
        %swap3A_1369 = tpu.vector_load %arg12[%swap3A_1367, %swap3A_1368] {strides = array<i32>} : memref<512x128xf32, #tpu.memory_space<vmem>>, vector<16xf32>,
        tpu.vector_store %arg12[%swap3A_1367, %swap3A_1368], %mul3A_1340 {add = true, strides = array<i32>} : memref<512x128xf32, #tpu.memory_space<vmem>>, vector<16xf32>,
        %swap3A_1370 = arith.index_cast %squeeze3A_1327 : i32 to index
        %swap3A_1371 = arith.constant 48 : index
        %swap3A_1372 = tpu.vector_load %arg12[%swap3A_1370, %swap3A_1371] {strides = array<i32>} : memref<512x128xf32, #tpu.memory_space<vmem>>, vector<16xf32>,
        tpu.vector_store %arg12[%swap3A_1370, %swap3A_1371], %mul3A_1344 {add = true, strides = array<i32>} : memref<512x128xf32, #tpu.memory_space<vmem>>, vector<16xf32>,
        %swap3A_1373 = arith.index_cast %squeeze3A_1327 : i32 to index
        %swap3A_1374 = arith.constant 64 : index
        %swap3A_1375 = tpu.vector_load %arg12[%swap3A_1373, %swap3A_1374] {strides = array<i32>} : memref<512x128xf32, #tpu.memory_space<vmem>>, vector<16xf32>,
        tpu.vector_store %arg12[%swap3A_1373, %swap3A_1374], %mul3A_1348 {add = true, strides = array<i32>} : memref<512x128xf32, #tpu.memory_space<vmem>>, vector<16xf32>,
        %swap3A_1376 = arith.index_cast %squeeze3A_1327 : i32 to index
        %swap3A_1377 = arith.constant 80 : index
        %swap3A_1378 = tpu.vector_load %arg12[%swap3A_1376, %swap3A_1377] {strides = array<i32>} : memref<512x128xf32, #tpu.memory_space<vmem>>, vector<16xf32>,
        tpu.vector_store %arg12[%swap3A_1376, %swap3A_1377], %mul3A_1352 {add = true, strides = array<i32>} : memref<512x128xf32, #tpu.memory_space<vmem>>, vector<16xf32>,
        %swap3A_1379 = arith.index_cast %squeeze3A_1327 : i32 to index
        %swap3A_1380 = arith.constant 96 : index
        %swap3A_1381 = tpu.vector_load %arg12[%swap3A_1379, %swap3A_1380] {strides = array<i32>} : memref<512x128xf32, #tpu.memory_space<vmem>>, vector<16xf32>,
        tpu.vector_store %arg12[%swap3A_1379, %swap3A_1380], %mul3A_1356 {add = true, strides = array<i32>} : memref<512x128xf32, #tpu.memory_space<vmem>>, vector<16xf32>,
        %swap3A_1382 = arith.index_cast %squeeze3A_1327 : i32 to index
        %swap3A_1383 = arith.constant 112 : index
        %swap3A_1384 = tpu.vector_load %arg12[%swap3A_1382, %swap3A_1383] {strides = array<i32>} : memref<512x128xf32, #tpu.memory_space<vmem>>, vector<16xf32>,
        tpu.vector_store %arg12[%swap3A_1382, %swap3A_1383], %mul3A_1360 {add = true, strides = array<i32>} : memref<512x128xf32, #tpu.memory_space<vmem>>, vector<16xf32>,
        %mul3A_1385 = arith.constant 16 : i32
        %mul3A_1386 = arith.muli %mul3A_1385, %scan3A_102 : i32
        %add3A_1387 = arith.constant 4 : i32
        %add3A_1388 = arith.addi %mul3A_1386, %add3A_1387 : i32
        %slice3A_1389 = vector.extract_strided_slice %get3A_107 {offsets = [4], sizes = [1], strides = [1]} : vector<16xi32> to vector<1xi32>
        %squeeze3A_1390 = vector.extract %slice3A_1389[0] : i32 from vector<1xi32>
        %broadcast_in_dim3A_1391 = vector.broadcast %mul3A_957 : f32 to vector<16xf32>
        %get3A_1392 = arith.index_cast %add3A_1388 : i32 to index
        %get3A_1393 = arith.constant 0 : index
        %get3A_1394 = tpu.vector_load %arg8[%get3A_1392, %get3A_1393] {strides = array<i32>} : memref<160x128xf32, #tpu.memory_space<vmem>>, vector<16xf32>,
        %mul3A_1395 = arith.mulf %broadcast_in_dim3A_1391, %get3A_1394 : vector<16xf32>
        %get3A_1396 = arith.index_cast %add3A_1388 : i32 to index
        %get3A_1397 = arith.constant 16 : index
        %get3A_1398 = tpu.vector_load %arg8[%get3A_1396, %get3A_1397] {strides = array<i32>} : memref<160x128xf32, #tpu.memory_space<vmem>>, vector<16xf32>,
        %mul3A_1399 = arith.mulf %broadcast_in_dim3A_1391, %get3A_1398 : vector<16xf32>
        %get3A_1400 = arith.index_cast %add3A_1388 : i32 to index
        %get3A_1401 = arith.constant 32 : index
        %get3A_1402 = tpu.vector_load %arg8[%get3A_1400, %get3A_1401] {strides = array<i32>} : memref<160x128xf32, #tpu.memory_space<vmem>>, vector<16xf32>,
        %mul3A_1403 = arith.mulf %broadcast_in_dim3A_1391, %get3A_1402 : vector<16xf32>
        %get3A_1404 = arith.index_cast %add3A_1388 : i32 to index
        %get3A_1405 = arith.constant 48 : index
        %get3A_1406 = tpu.vector_load %arg8[%get3A_1404, %get3A_1405] {strides = array<i32>} : memref<160x128xf32, #tpu.memory_space<vmem>>, vector<16xf32>,
        %mul3A_1407 = arith.mulf %broadcast_in_dim3A_1391, %get3A_1406 : vector<16xf32>
        %get3A_1408 = arith.index_cast %add3A_1388 : i32 to index
        %get3A_1409 = arith.constant 64 : index
        %get3A_1410 = tpu.vector_load %arg8[%get3A_1408, %get3A_1409] {strides = array<i32>} : memref<160x128xf32, #tpu.memory_space<vmem>>, vector<16xf32>,
        %mul3A_1411 = arith.mulf %broadcast_in_dim3A_1391, %get3A_1410 : vector<16xf32>
        %get3A_1412 = arith.index_cast %add3A_1388 : i32 to index
        %get3A_1413 = arith.constant 80 : index
        %get3A_1414 = tpu.vector_load %arg8[%get3A_1412, %get3A_1413] {strides = array<i32>} : memref<160x128xf32, #tpu.memory_space<vmem>>, vector<16xf32>,
        %mul3A_1415 = arith.mulf %broadcast_in_dim3A_1391, %get3A_1414 : vector<16xf32>
        %get3A_1416 = arith.index_cast %add3A_1388 : i32 to index
        %get3A_1417 = arith.constant 96 : index
        %get3A_1418 = tpu.vector_load %arg8[%get3A_1416, %get3A_1417] {strides = array<i32>} : memref<160x128xf32, #tpu.memory_space<vmem>>, vector<16xf32>,
        %mul3A_1419 = arith.mulf %broadcast_in_dim3A_1391, %get3A_1418 : vector<16xf32>
        %get3A_1420 = arith.index_cast %add3A_1388 : i32 to index
        %get3A_1421 = arith.constant 112 : index
        %get3A_1422 = tpu.vector_load %arg8[%get3A_1420, %get3A_1421] {strides = array<i32>} : memref<160x128xf32, #tpu.memory_space<vmem>>, vector<16xf32>,
        %mul3A_1423 = arith.mulf %broadcast_in_dim3A_1391, %get3A_1422 : vector<16xf32>
        %swap3A_1424 = arith.index_cast %squeeze3A_1390 : i32 to index
        %swap3A_1425 = arith.constant 0 : index
        %swap3A_1426 = tpu.vector_load %arg12[%swap3A_1424, %swap3A_1425] {strides = array<i32>} : memref<512x128xf32, #tpu.memory_space<vmem>>, vector<16xf32>,
        tpu.vector_store %arg12[%swap3A_1424, %swap3A_1425], %mul3A_1395 {add = true, strides = array<i32>} : memref<512x128xf32, #tpu.memory_space<vmem>>, vector<16xf32>,
        %swap3A_1427 = arith.index_cast %squeeze3A_1390 : i32 to index
        %swap3A_1428 = arith.constant 16 : index
        %swap3A_1429 = tpu.vector_load %arg12[%swap3A_1427, %swap3A_1428] {strides = array<i32>} : memref<512x128xf32, #tpu.memory_space<vmem>>, vector<16xf32>,
        tpu.vector_store %arg12[%swap3A_1427, %swap3A_1428], %mul3A_1399 {add = true, strides = array<i32>} : memref<512x128xf32, #tpu.memory_space<vmem>>, vector<16xf32>,
        %swap3A_1430 = arith.index_cast %squeeze3A_1390 : i32 to index
        %swap3A_1431 = arith.constant 32 : index
        %swap3A_1432 = tpu.vector_load %arg12[%swap3A_1430, %swap3A_1431] {strides = array<i32>} : memref<512x128xf32, #tpu.memory_space<vmem>>, vector<16xf32>,
        tpu.vector_store %arg12[%swap3A_1430, %swap3A_1431], %mul3A_1403 {add = true, strides = array<i32>} : memref<512x128xf32, #tpu.memory_space<vmem>>, vector<16xf32>,
        %swap3A_1433 = arith.index_cast %squeeze3A_1390 : i32 to index
        %swap3A_1434 = arith.constant 48 : index
        %swap3A_1435 = tpu.vector_load %arg12[%swap3A_1433, %swap3A_1434] {strides = array<i32>} : memref<512x128xf32, #tpu.memory_space<vmem>>, vector<16xf32>,
        tpu.vector_store %arg12[%swap3A_1433, %swap3A_1434], %mul3A_1407 {add = true, strides = array<i32>} : memref<512x128xf32, #tpu.memory_space<vmem>>, vector<16xf32>,
        %swap3A_1436 = arith.index_cast %squeeze3A_1390 : i32 to index
        %swap3A_1437 = arith.constant 64 : index
        %swap3A_1438 = tpu.vector_load %arg12[%swap3A_1436, %swap3A_1437] {strides = array<i32>} : memref<512x128xf32, #tpu.memory_space<vmem>>, vector<16xf32>,
        tpu.vector_store %arg12[%swap3A_1436, %swap3A_1437], %mul3A_1411 {add = true, strides = array<i32>} : memref<512x128xf32, #tpu.memory_space<vmem>>, vector<16xf32>,
        %swap3A_1439 = arith.index_cast %squeeze3A_1390 : i32 to index
        %swap3A_1440 = arith.constant 80 : index
        %swap3A_1441 = tpu.vector_load %arg12[%swap3A_1439, %swap3A_1440] {strides = array<i32>} : memref<512x128xf32, #tpu.memory_space<vmem>>, vector<16xf32>,
        tpu.vector_store %arg12[%swap3A_1439, %swap3A_1440], %mul3A_1415 {add = true, strides = array<i32>} : memref<512x128xf32, #tpu.memory_space<vmem>>, vector<16xf32>,
        %swap3A_1442 = arith.index_cast %squeeze3A_1390 : i32 to index
        %swap3A_1443 = arith.constant 96 : index
        %swap3A_1444 = tpu.vector_load %arg12[%swap3A_1442, %swap3A_1443] {strides = array<i32>} : memref<512x128xf32, #tpu.memory_space<vmem>>, vector<16xf32>,
        tpu.vector_store %arg12[%swap3A_1442, %swap3A_1443], %mul3A_1419 {add = true, strides = array<i32>} : memref<512x128xf32, #tpu.memory_space<vmem>>, vector<16xf32>,
        %swap3A_1445 = arith.index_cast %squeeze3A_1390 : i32 to index
        %swap3A_1446 = arith.constant 112 : index
        %swap3A_1447 = tpu.vector_load %arg12[%swap3A_1445, %swap3A_1446] {strides = array<i32>} : memref<512x128xf32, #tpu.memory_space<vmem>>, vector<16xf32>,
        tpu.vector_store %arg12[%swap3A_1445, %swap3A_1446], %mul3A_1423 {add = true, strides = array<i32>} : memref<512x128xf32, #tpu.memory_space<vmem>>, vector<16xf32>,
        %mul3A_1448 = arith.constant 16 : i32
        %mul3A_1449 = arith.muli %mul3A_1448, %scan3A_102 : i32
        %add3A_1450 = arith.constant 5 : i32
        %add3A_1451 = arith.addi %mul3A_1449, %add3A_1450 : i32
        %slice3A_1452 = vector.extract_strided_slice %get3A_107 {offsets = [5], sizes = [1], strides = [1]} : vector<16xi32> to vector<1xi32>
        %squeeze3A_1453 = vector.extract %slice3A_1452[0] : i32 from vector<1xi32>
        %broadcast_in_dim3A_1454 = vector.broadcast %mul3A_973 : f32 to vector<16xf32>
        %get3A_1455 = arith.index_cast %add3A_1451 : i32 to index
        %get3A_1456 = arith.constant 0 : index
        %get3A_1457 = tpu.vector_load %arg8[%get3A_1455, %get3A_1456] {strides = array<i32>} : memref<160x128xf32, #tpu.memory_space<vmem>>, vector<16xf32>,
        %mul3A_1458 = arith.mulf %broadcast_in_dim3A_1454, %get3A_1457 : vector<16xf32>
        %get3A_1459 = arith.index_cast %add3A_1451 : i32 to index
        %get3A_1460 = arith.constant 16 : index
        %get3A_1461 = tpu.vector_load %arg8[%get3A_1459, %get3A_1460] {strides = array<i32>} : memref<160x128xf32, #tpu.memory_space<vmem>>, vector<16xf32>,
        %mul3A_1462 = arith.mulf %broadcast_in_dim3A_1454, %get3A_1461 : vector<16xf32>
        %get3A_1463 = arith.index_cast %add3A_1451 : i32 to index
        %get3A_1464 = arith.constant 32 : index
        %get3A_1465 = tpu.vector_load %arg8[%get3A_1463, %get3A_1464] {strides = array<i32>} : memref<160x128xf32, #tpu.memory_space<vmem>>, vector<16xf32>,
        %mul3A_1466 = arith.mulf %broadcast_in_dim3A_1454, %get3A_1465 : vector<16xf32>
        %get3A_1467 = arith.index_cast %add3A_1451 : i32 to index
        %get3A_1468 = arith.constant 48 : index
        %get3A_1469 = tpu.vector_load %arg8[%get3A_1467, %get3A_1468] {strides = array<i32>} : memref<160x128xf32, #tpu.memory_space<vmem>>, vector<16xf32>,
        %mul3A_1470 = arith.mulf %broadcast_in_dim3A_1454, %get3A_1469 : vector<16xf32>
        %get3A_1471 = arith.index_cast %add3A_1451 : i32 to index
        %get3A_1472 = arith.constant 64 : index
        %get3A_1473 = tpu.vector_load %arg8[%get3A_1471, %get3A_1472] {strides = array<i32>} : memref<160x128xf32, #tpu.memory_space<vmem>>, vector<16xf32>,
        %mul3A_1474 = arith.mulf %broadcast_in_dim3A_1454, %get3A_1473 : vector<16xf32>
        %get3A_1475 = arith.index_cast %add3A_1451 : i32 to index
        %get3A_1476 = arith.constant 80 : index
        %get3A_1477 = tpu.vector_load %arg8[%get3A_1475, %get3A_1476] {strides = array<i32>} : memref<160x128xf32, #tpu.memory_space<vmem>>, vector<16xf32>,
        %mul3A_1478 = arith.mulf %broadcast_in_dim3A_1454, %get3A_1477 : vector<16xf32>
        %get3A_1479 = arith.index_cast %add3A_1451 : i32 to index
        %get3A_1480 = arith.constant 96 : index
        %get3A_1481 = tpu.vector_load %arg8[%get3A_1479, %get3A_1480] {strides = array<i32>} : memref<160x128xf32, #tpu.memory_space<vmem>>, vector<16xf32>,
        %mul3A_1482 = arith.mulf %broadcast_in_dim3A_1454, %get3A_1481 : vector<16xf32>
        %get3A_1483 = arith.index_cast %add3A_1451 : i32 to index
        %get3A_1484 = arith.constant 112 : index
        %get3A_1485 = tpu.vector_load %arg8[%get3A_1483, %get3A_1484] {strides = array<i32>} : memref<160x128xf32, #tpu.memory_space<vmem>>, vector<16xf32>,
        %mul3A_1486 = arith.mulf %broadcast_in_dim3A_1454, %get3A_1485 : vector<16xf32>
        %swap3A_1487 = arith.index_cast %squeeze3A_1453 : i32 to index
        %swap3A_1488 = arith.constant 0 : index
        %swap3A_1489 = tpu.vector_load %arg12[%swap3A_1487, %swap3A_1488] {strides = array<i32>} : memref<512x128xf32, #tpu.memory_space<vmem>>, vector<16xf32>,
        tpu.vector_store %arg12[%swap3A_1487, %swap3A_1488], %mul3A_1458 {add = true, strides = array<i32>} : memref<512x128xf32, #tpu.memory_space<vmem>>, vector<16xf32>,
        %swap3A_1490 = arith.index_cast %squeeze3A_1453 : i32 to index
        %swap3A_1491 = arith.constant 16 : index
        %swap3A_1492 = tpu.vector_load %arg12[%swap3A_1490, %swap3A_1491] {strides = array<i32>} : memref<512x128xf32, #tpu.memory_space<vmem>>, vector<16xf32>,
        tpu.vector_store %arg12[%swap3A_1490, %swap3A_1491], %mul3A_1462 {add = true, strides = array<i32>} : memref<512x128xf32, #tpu.memory_space<vmem>>, vector<16xf32>,
        %swap3A_1493 = arith.index_cast %squeeze3A_1453 : i32 to index
        %swap3A_1494 = arith.constant 32 : index
        %swap3A_1495 = tpu.vector_load %arg12[%swap3A_1493, %swap3A_1494] {strides = array<i32>} : memref<512x128xf32, #tpu.memory_space<vmem>>, vector<16xf32>,
        tpu.vector_store %arg12[%swap3A_1493, %swap3A_1494], %mul3A_1466 {add = true, strides = array<i32>} : memref<512x128xf32, #tpu.memory_space<vmem>>, vector<16xf32>,
        %swap3A_1496 = arith.index_cast %squeeze3A_1453 : i32 to index
        %swap3A_1497 = arith.constant 48 : index
        %swap3A_1498 = tpu.vector_load %arg12[%swap3A_1496, %swap3A_1497] {strides = array<i32>} : memref<512x128xf32, #tpu.memory_space<vmem>>, vector<16xf32>,
        tpu.vector_store %arg12[%swap3A_1496, %swap3A_1497], %mul3A_1470 {add = true, strides = array<i32>} : memref<512x128xf32, #tpu.memory_space<vmem>>, vector<16xf32>,
        %swap3A_1499 = arith.index_cast %squeeze3A_1453 : i32 to index
        %swap3A_1500 = arith.constant 64 : index
        %swap3A_1501 = tpu.vector_load %arg12[%swap3A_1499, %swap3A_1500] {strides = array<i32>} : memref<512x128xf32, #tpu.memory_space<vmem>>, vector<16xf32>,
        tpu.vector_store %arg12[%swap3A_1499, %swap3A_1500], %mul3A_1474 {add = true, strides = array<i32>} : memref<512x128xf32, #tpu.memory_space<vmem>>, vector<16xf32>,
        %swap3A_1502 = arith.index_cast %squeeze3A_1453 : i32 to index
        %swap3A_1503 = arith.constant 80 : index
        %swap3A_1504 = tpu.vector_load %arg12[%swap3A_1502, %swap3A_1503] {strides = array<i32>} : memref<512x128xf32, #tpu.memory_space<vmem>>, vector<16xf32>,
        tpu.vector_store %arg12[%swap3A_1502, %swap3A_1503], %mul3A_1478 {add = true, strides = array<i32>} : memref<512x128xf32, #tpu.memory_space<vmem>>, vector<16xf32>,
        %swap3A_1505 = arith.index_cast %squeeze3A_1453 : i32 to index
        %swap3A_1506 = arith.constant 96 : index
        %swap3A_1507 = tpu.vector_load %arg12[%swap3A_1505, %swap3A_1506] {strides = array<i32>} : memref<512x128xf32, #tpu.memory_space<vmem>>, vector<16xf32>,
        tpu.vector_store %arg12[%swap3A_1505, %swap3A_1506], %mul3A_1482 {add = true, strides = array<i32>} : memref<512x128xf32, #tpu.memory_space<vmem>>, vector<16xf32>,
        %swap3A_1508 = arith.index_cast %squeeze3A_1453 : i32 to index
        %swap3A_1509 = arith.constant 112 : index
        %swap3A_1510 = tpu.vector_load %arg12[%swap3A_1508, %swap3A_1509] {strides = array<i32>} : memref<512x128xf32, #tpu.memory_space<vmem>>, vector<16xf32>,
        tpu.vector_store %arg12[%swap3A_1508, %swap3A_1509], %mul3A_1486 {add = true, strides = array<i32>} : memref<512x128xf32, #tpu.memory_space<vmem>>, vector<16xf32>,
        %mul3A_1511 = arith.constant 16 : i32
        %mul3A_1512 = arith.muli %mul3A_1511, %scan3A_102 : i32
        %add3A_1513 = arith.constant 6 : i32
        %add3A_1514 = arith.addi %mul3A_1512, %add3A_1513 : i32
        %slice3A_1515 = vector.extract_strided_slice %get3A_107 {offsets = [6], sizes = [1], strides = [1]} : vector<16xi32> to vector<1xi32>
        %squeeze3A_1516 = vector.extract %slice3A_1515[0] : i32 from vector<1xi32>
        %broadcast_in_dim3A_1517 = vector.broadcast %mul3A_989 : f32 to vector<16xf32>
        %get3A_1518 = arith.index_cast %add3A_1514 : i32 to index
        %get3A_1519 = arith.constant 0 : index
        %get3A_1520 = tpu.vector_load %arg8[%get3A_1518, %get3A_1519] {strides = array<i32>} : memref<160x128xf32, #tpu.memory_space<vmem>>, vector<16xf32>,
        %mul3A_1521 = arith.mulf %broadcast_in_dim3A_1517, %get3A_1520 : vector<16xf32>
        %get3A_1522 = arith.index_cast %add3A_1514 : i32 to index
        %get3A_1523 = arith.constant 16 : index
        %get3A_1524 = tpu.vector_load %arg8[%get3A_1522, %get3A_1523] {strides = array<i32>} : memref<160x128xf32, #tpu.memory_space<vmem>>, vector<16xf32>,
        %mul3A_1525 = arith.mulf %broadcast_in_dim3A_1517, %get3A_1524 : vector<16xf32>
        %get3A_1526 = arith.index_cast %add3A_1514 : i32 to index
        %get3A_1527 = arith.constant 32 : index
        %get3A_1528 = tpu.vector_load %arg8[%get3A_1526, %get3A_1527] {strides = array<i32>} : memref<160x128xf32, #tpu.memory_space<vmem>>, vector<16xf32>,
        %mul3A_1529 = arith.mulf %broadcast_in_dim3A_1517, %get3A_1528 : vector<16xf32>
        %get3A_1530 = arith.index_cast %add3A_1514 : i32 to index
        %get3A_1531 = arith.constant 48 : index
        %get3A_1532 = tpu.vector_load %arg8[%get3A_1530, %get3A_1531] {strides = array<i32>} : memref<160x128xf32, #tpu.memory_space<vmem>>, vector<16xf32>,
        %mul3A_1533 = arith.mulf %broadcast_in_dim3A_1517, %get3A_1532 : vector<16xf32>
        %get3A_1534 = arith.index_cast %add3A_1514 : i32 to index
        %get3A_1535 = arith.constant 64 : index
        %get3A_1536 = tpu.vector_load %arg8[%get3A_1534, %get3A_1535] {strides = array<i32>} : memref<160x128xf32, #tpu.memory_space<vmem>>, vector<16xf32>,
        %mul3A_1537 = arith.mulf %broadcast_in_dim3A_1517, %get3A_1536 : vector<16xf32>
        %get3A_1538 = arith.index_cast %add3A_1514 : i32 to index
        %get3A_1539 = arith.constant 80 : index
        %get3A_1540 = tpu.vector_load %arg8[%get3A_1538, %get3A_1539] {strides = array<i32>} : memref<160x128xf32, #tpu.memory_space<vmem>>, vector<16xf32>,
        %mul3A_1541 = arith.mulf %broadcast_in_dim3A_1517, %get3A_1540 : vector<16xf32>
        %get3A_1542 = arith.index_cast %add3A_1514 : i32 to index
        %get3A_1543 = arith.constant 96 : index
        %get3A_1544 = tpu.vector_load %arg8[%get3A_1542, %get3A_1543] {strides = array<i32>} : memref<160x128xf32, #tpu.memory_space<vmem>>, vector<16xf32>,
        %mul3A_1545 = arith.mulf %broadcast_in_dim3A_1517, %get3A_1544 : vector<16xf32>
        %get3A_1546 = arith.index_cast %add3A_1514 : i32 to index
        %get3A_1547 = arith.constant 112 : index
        %get3A_1548 = tpu.vector_load %arg8[%get3A_1546, %get3A_1547] {strides = array<i32>} : memref<160x128xf32, #tpu.memory_space<vmem>>, vector<16xf32>,
        %mul3A_1549 = arith.mulf %broadcast_in_dim3A_1517, %get3A_1548 : vector<16xf32>
        %swap3A_1550 = arith.index_cast %squeeze3A_1516 : i32 to index
        %swap3A_1551 = arith.constant 0 : index
        %swap3A_1552 = tpu.vector_load %arg12[%swap3A_1550, %swap3A_1551] {strides = array<i32>} : memref<512x128xf32, #tpu.memory_space<vmem>>, vector<16xf32>,
        tpu.vector_store %arg12[%swap3A_1550, %swap3A_1551], %mul3A_1521 {add = true, strides = array<i32>} : memref<512x128xf32, #tpu.memory_space<vmem>>, vector<16xf32>,
        %swap3A_1553 = arith.index_cast %squeeze3A_1516 : i32 to index
        %swap3A_1554 = arith.constant 16 : index
        %swap3A_1555 = tpu.vector_load %arg12[%swap3A_1553, %swap3A_1554] {strides = array<i32>} : memref<512x128xf32, #tpu.memory_space<vmem>>, vector<16xf32>,
        tpu.vector_store %arg12[%swap3A_1553, %swap3A_1554], %mul3A_1525 {add = true, strides = array<i32>} : memref<512x128xf32, #tpu.memory_space<vmem>>, vector<16xf32>,
        %swap3A_1556 = arith.index_cast %squeeze3A_1516 : i32 to index
        %swap3A_1557 = arith.constant 32 : index
        %swap3A_1558 = tpu.vector_load %arg12[%swap3A_1556, %swap3A_1557] {strides = array<i32>} : memref<512x128xf32, #tpu.memory_space<vmem>>, vector<16xf32>,
        tpu.vector_store %arg12[%swap3A_1556, %swap3A_1557], %mul3A_1529 {add = true, strides = array<i32>} : memref<512x128xf32, #tpu.memory_space<vmem>>, vector<16xf32>,
        %swap3A_1559 = arith.index_cast %squeeze3A_1516 : i32 to index
        %swap3A_1560 = arith.constant 48 : index
        %swap3A_1561 = tpu.vector_load %arg12[%swap3A_1559, %swap3A_1560] {strides = array<i32>} : memref<512x128xf32, #tpu.memory_space<vmem>>, vector<16xf32>,
        tpu.vector_store %arg12[%swap3A_1559, %swap3A_1560], %mul3A_1533 {add = true, strides = array<i32>} : memref<512x128xf32, #tpu.memory_space<vmem>>, vector<16xf32>,
        %swap3A_1562 = arith.index_cast %squeeze3A_1516 : i32 to index
        %swap3A_1563 = arith.constant 64 : index
        %swap3A_1564 = tpu.vector_load %arg12[%swap3A_1562, %swap3A_1563] {strides = array<i32>} : memref<512x128xf32, #tpu.memory_space<vmem>>, vector<16xf32>,
        tpu.vector_store %arg12[%swap3A_1562, %swap3A_1563], %mul3A_1537 {add = true, strides = array<i32>} : memref<512x128xf32, #tpu.memory_space<vmem>>, vector<16xf32>,
        %swap3A_1565 = arith.index_cast %squeeze3A_1516 : i32 to index
        %swap3A_1566 = arith.constant 80 : index
        %swap3A_1567 = tpu.vector_load %arg12[%swap3A_1565, %swap3A_1566] {strides = array<i32>} : memref<512x128xf32, #tpu.memory_space<vmem>>, vector<16xf32>,
        tpu.vector_store %arg12[%swap3A_1565, %swap3A_1566], %mul3A_1541 {add = true, strides = array<i32>} : memref<512x128xf32, #tpu.memory_space<vmem>>, vector<16xf32>,
        %swap3A_1568 = arith.index_cast %squeeze3A_1516 : i32 to index
        %swap3A_1569 = arith.constant 96 : index
        %swap3A_1570 = tpu.vector_load %arg12[%swap3A_1568, %swap3A_1569] {strides = array<i32>} : memref<512x128xf32, #tpu.memory_space<vmem>>, vector<16xf32>,
        tpu.vector_store %arg12[%swap3A_1568, %swap3A_1569], %mul3A_1545 {add = true, strides = array<i32>} : memref<512x128xf32, #tpu.memory_space<vmem>>, vector<16xf32>,
        %swap3A_1571 = arith.index_cast %squeeze3A_1516 : i32 to index
        %swap3A_1572 = arith.constant 112 : index
        %swap3A_1573 = tpu.vector_load %arg12[%swap3A_1571, %swap3A_1572] {strides = array<i32>} : memref<512x128xf32, #tpu.memory_space<vmem>>, vector<16xf32>,
        tpu.vector_store %arg12[%swap3A_1571, %swap3A_1572], %mul3A_1549 {add = true, strides = array<i32>} : memref<512x128xf32, #tpu.memory_space<vmem>>, vector<16xf32>,
        %mul3A_1574 = arith.constant 16 : i32
        %mul3A_1575 = arith.muli %mul3A_1574, %scan3A_102 : i32
        %add3A_1576 = arith.constant 7 : i32
        %add3A_1577 = arith.addi %mul3A_1575, %add3A_1576 : i32
        %slice3A_1578 = vector.extract_strided_slice %get3A_107 {offsets = [7], sizes = [1], strides = [1]} : vector<16xi32> to vector<1xi32>
        %squeeze3A_1579 = vector.extract %slice3A_1578[0] : i32 from vector<1xi32>
        %broadcast_in_dim3A_1580 = vector.broadcast %mul3A_1005 : f32 to vector<16xf32>
        %get3A_1581 = arith.index_cast %add3A_1577 : i32 to index
        %get3A_1582 = arith.constant 0 : index
        %get3A_1583 = tpu.vector_load %arg8[%get3A_1581, %get3A_1582] {strides = array<i32>} : memref<160x128xf32, #tpu.memory_space<vmem>>, vector<16xf32>,
        %mul3A_1584 = arith.mulf %broadcast_in_dim3A_1580, %get3A_1583 : vector<16xf32>
        %get3A_1585 = arith.index_cast %add3A_1577 : i32 to index
        %get3A_1586 = arith.constant 16 : index
        %get3A_1587 = tpu.vector_load %arg8[%get3A_1585, %get3A_1586] {strides = array<i32>} : memref<160x128xf32, #tpu.memory_space<vmem>>, vector<16xf32>,
        %mul3A_1588 = arith.mulf %broadcast_in_dim3A_1580, %get3A_1587 : vector<16xf32>
        %get3A_1589 = arith.index_cast %add3A_1577 : i32 to index
        %get3A_1590 = arith.constant 32 : index
        %get3A_1591 = tpu.vector_load %arg8[%get3A_1589, %get3A_1590] {strides = array<i32>} : memref<160x128xf32, #tpu.memory_space<vmem>>, vector<16xf32>,
        %mul3A_1592 = arith.mulf %broadcast_in_dim3A_1580, %get3A_1591 : vector<16xf32>
        %get3A_1593 = arith.index_cast %add3A_1577 : i32 to index
        %get3A_1594 = arith.constant 48 : index
        %get3A_1595 = tpu.vector_load %arg8[%get3A_1593, %get3A_1594] {strides = array<i32>} : memref<160x128xf32, #tpu.memory_space<vmem>>, vector<16xf32>,
        %mul3A_1596 = arith.mulf %broadcast_in_dim3A_1580, %get3A_1595 : vector<16xf32>
        %get3A_1597 = arith.index_cast %add3A_1577 : i32 to index
        %get3A_1598 = arith.constant 64 : index
        %get3A_1599 = tpu.vector_load %arg8[%get3A_1597, %get3A_1598] {strides = array<i32>} : memref<160x128xf32, #tpu.memory_space<vmem>>, vector<16xf32>,
        %mul3A_1600 = arith.mulf %broadcast_in_dim3A_1580, %get3A_1599 : vector<16xf32>
        %get3A_1601 = arith.index_cast %add3A_1577 : i32 to index
        %get3A_1602 = arith.constant 80 : index
        %get3A_1603 = tpu.vector_load %arg8[%get3A_1601, %get3A_1602] {strides = array<i32>} : memref<160x128xf32, #tpu.memory_space<vmem>>, vector<16xf32>,
        %mul3A_1604 = arith.mulf %broadcast_in_dim3A_1580, %get3A_1603 : vector<16xf32>
        %get3A_1605 = arith.index_cast %add3A_1577 : i32 to index
        %get3A_1606 = arith.constant 96 : index
        %get3A_1607 = tpu.vector_load %arg8[%get3A_1605, %get3A_1606] {strides = array<i32>} : memref<160x128xf32, #tpu.memory_space<vmem>>, vector<16xf32>,
        %mul3A_1608 = arith.mulf %broadcast_in_dim3A_1580, %get3A_1607 : vector<16xf32>
        %get3A_1609 = arith.index_cast %add3A_1577 : i32 to index
        %get3A_1610 = arith.constant 112 : index
        %get3A_1611 = tpu.vector_load %arg8[%get3A_1609, %get3A_1610] {strides = array<i32>} : memref<160x128xf32, #tpu.memory_space<vmem>>, vector<16xf32>,
        %mul3A_1612 = arith.mulf %broadcast_in_dim3A_1580, %get3A_1611 : vector<16xf32>
        %swap3A_1613 = arith.index_cast %squeeze3A_1579 : i32 to index
        %swap3A_1614 = arith.constant 0 : index
        %swap3A_1615 = tpu.vector_load %arg12[%swap3A_1613, %swap3A_1614] {strides = array<i32>} : memref<512x128xf32, #tpu.memory_space<vmem>>, vector<16xf32>,
        tpu.vector_store %arg12[%swap3A_1613, %swap3A_1614], %mul3A_1584 {add = true, strides = array<i32>} : memref<512x128xf32, #tpu.memory_space<vmem>>, vector<16xf32>,
        %swap3A_1616 = arith.index_cast %squeeze3A_1579 : i32 to index
        %swap3A_1617 = arith.constant 16 : index
        %swap3A_1618 = tpu.vector_load %arg12[%swap3A_1616, %swap3A_1617] {strides = array<i32>} : memref<512x128xf32, #tpu.memory_space<vmem>>, vector<16xf32>,
        tpu.vector_store %arg12[%swap3A_1616, %swap3A_1617], %mul3A_1588 {add = true, strides = array<i32>} : memref<512x128xf32, #tpu.memory_space<vmem>>, vector<16xf32>,
        %swap3A_1619 = arith.index_cast %squeeze3A_1579 : i32 to index
        %swap3A_1620 = arith.constant 32 : index
        %swap3A_1621 = tpu.vector_load %arg12[%swap3A_1619, %swap3A_1620] {strides = array<i32>} : memref<512x128xf32, #tpu.memory_space<vmem>>, vector<16xf32>,
        tpu.vector_store %arg12[%swap3A_1619, %swap3A_1620], %mul3A_1592 {add = true, strides = array<i32>} : memref<512x128xf32, #tpu.memory_space<vmem>>, vector<16xf32>,
        %swap3A_1622 = arith.index_cast %squeeze3A_1579 : i32 to index
        %swap3A_1623 = arith.constant 48 : index
        %swap3A_1624 = tpu.vector_load %arg12[%swap3A_1622, %swap3A_1623] {strides = array<i32>} : memref<512x128xf32, #tpu.memory_space<vmem>>, vector<16xf32>,
        tpu.vector_store %arg12[%swap3A_1622, %swap3A_1623], %mul3A_1596 {add = true, strides = array<i32>} : memref<512x128xf32, #tpu.memory_space<vmem>>, vector<16xf32>,
        %swap3A_1625 = arith.index_cast %squeeze3A_1579 : i32 to index
        %swap3A_1626 = arith.constant 64 : index
        %swap3A_1627 = tpu.vector_load %arg12[%swap3A_1625, %swap3A_1626] {strides = array<i32>} : memref<512x128xf32, #tpu.memory_space<vmem>>, vector<16xf32>,
        tpu.vector_store %arg12[%swap3A_1625, %swap3A_1626], %mul3A_1600 {add = true, strides = array<i32>} : memref<512x128xf32, #tpu.memory_space<vmem>>, vector<16xf32>,
        %swap3A_1628 = arith.index_cast %squeeze3A_1579 : i32 to index
        %swap3A_1629 = arith.constant 80 : index
        %swap3A_1630 = tpu.vector_load %arg12[%swap3A_1628, %swap3A_1629] {strides = array<i32>} : memref<512x128xf32, #tpu.memory_space<vmem>>, vector<16xf32>,
        tpu.vector_store %arg12[%swap3A_1628, %swap3A_1629], %mul3A_1604 {add = true, strides = array<i32>} : memref<512x128xf32, #tpu.memory_space<vmem>>, vector<16xf32>,
        %swap3A_1631 = arith.index_cast %squeeze3A_1579 : i32 to index
        %swap3A_1632 = arith.constant 96 : index
        %swap3A_1633 = tpu.vector_load %arg12[%swap3A_1631, %swap3A_1632] {strides = array<i32>} : memref<512x128xf32, #tpu.memory_space<vmem>>, vector<16xf32>,
        tpu.vector_store %arg12[%swap3A_1631, %swap3A_1632], %mul3A_1608 {add = true, strides = array<i32>} : memref<512x128xf32, #tpu.memory_space<vmem>>, vector<16xf32>,
        %swap3A_1634 = arith.index_cast %squeeze3A_1579 : i32 to index
        %swap3A_1635 = arith.constant 112 : index
        %swap3A_1636 = tpu.vector_load %arg12[%swap3A_1634, %swap3A_1635] {strides = array<i32>} : memref<512x128xf32, #tpu.memory_space<vmem>>, vector<16xf32>,
        tpu.vector_store %arg12[%swap3A_1634, %swap3A_1635], %mul3A_1612 {add = true, strides = array<i32>} : memref<512x128xf32, #tpu.memory_space<vmem>>, vector<16xf32>,
        %mul3A_1637 = arith.constant 16 : i32
        %mul3A_1638 = arith.muli %mul3A_1637, %scan3A_102 : i32
        %add3A_1639 = arith.constant 8 : i32
        %add3A_1640 = arith.addi %mul3A_1638, %add3A_1639 : i32
        %slice3A_1641 = vector.extract_strided_slice %get3A_107 {offsets = [8], sizes = [1], strides = [1]} : vector<16xi32> to vector<1xi32>
        %squeeze3A_1642 = vector.extract %slice3A_1641[0] : i32 from vector<1xi32>
        %broadcast_in_dim3A_1643 = vector.broadcast %mul3A_1021 : f32 to vector<16xf32>
        %get3A_1644 = arith.index_cast %add3A_1640 : i32 to index
        %get3A_1645 = arith.constant 0 : index
        %get3A_1646 = tpu.vector_load %arg8[%get3A_1644, %get3A_1645] {strides = array<i32>} : memref<160x128xf32, #tpu.memory_space<vmem>>, vector<16xf32>,
        %mul3A_1647 = arith.mulf %broadcast_in_dim3A_1643, %get3A_1646 : vector<16xf32>
        %get3A_1648 = arith.index_cast %add3A_1640 : i32 to index
        %get3A_1649 = arith.constant 16 : index
        %get3A_1650 = tpu.vector_load %arg8[%get3A_1648, %get3A_1649] {strides = array<i32>} : memref<160x128xf32, #tpu.memory_space<vmem>>, vector<16xf32>,
        %mul3A_1651 = arith.mulf %broadcast_in_dim3A_1643, %get3A_1650 : vector<16xf32>
        %get3A_1652 = arith.index_cast %add3A_1640 : i32 to index
        %get3A_1653 = arith.constant 32 : index
        %get3A_1654 = tpu.vector_load %arg8[%get3A_1652, %get3A_1653] {strides = array<i32>} : memref<160x128xf32, #tpu.memory_space<vmem>>, vector<16xf32>,
        %mul3A_1655 = arith.mulf %broadcast_in_dim3A_1643, %get3A_1654 : vector<16xf32>
        %get3A_1656 = arith.index_cast %add3A_1640 : i32 to index
        %get3A_1657 = arith.constant 48 : index
        %get3A_1658 = tpu.vector_load %arg8[%get3A_1656, %get3A_1657] {strides = array<i32>} : memref<160x128xf32, #tpu.memory_space<vmem>>, vector<16xf32>,
        %mul3A_1659 = arith.mulf %broadcast_in_dim3A_1643, %get3A_1658 : vector<16xf32>
        %get3A_1660 = arith.index_cast %add3A_1640 : i32 to index
        %get3A_1661 = arith.constant 64 : index
        %get3A_1662 = tpu.vector_load %arg8[%get3A_1660, %get3A_1661] {strides = array<i32>} : memref<160x128xf32, #tpu.memory_space<vmem>>, vector<16xf32>,
        %mul3A_1663 = arith.mulf %broadcast_in_dim3A_1643, %get3A_1662 : vector<16xf32>
        %get3A_1664 = arith.index_cast %add3A_1640 : i32 to index
        %get3A_1665 = arith.constant 80 : index
        %get3A_1666 = tpu.vector_load %arg8[%get3A_1664, %get3A_1665] {strides = array<i32>} : memref<160x128xf32, #tpu.memory_space<vmem>>, vector<16xf32>,
        %mul3A_1667 = arith.mulf %broadcast_in_dim3A_1643, %get3A_1666 : vector<16xf32>
        %get3A_1668 = arith.index_cast %add3A_1640 : i32 to index
        %get3A_1669 = arith.constant 96 : index
        %get3A_1670 = tpu.vector_load %arg8[%get3A_1668, %get3A_1669] {strides = array<i32>} : memref<160x128xf32, #tpu.memory_space<vmem>>, vector<16xf32>,
        %mul3A_1671 = arith.mulf %broadcast_in_dim3A_1643, %get3A_1670 : vector<16xf32>
        %get3A_1672 = arith.index_cast %add3A_1640 : i32 to index
        %get3A_1673 = arith.constant 112 : index
        %get3A_1674 = tpu.vector_load %arg8[%get3A_1672, %get3A_1673] {strides = array<i32>} : memref<160x128xf32, #tpu.memory_space<vmem>>, vector<16xf32>,
        %mul3A_1675 = arith.mulf %broadcast_in_dim3A_1643, %get3A_1674 : vector<16xf32>
        %swap3A_1676 = arith.index_cast %squeeze3A_1642 : i32 to index
        %swap3A_1677 = arith.constant 0 : index
        %swap3A_1678 = tpu.vector_load %arg12[%swap3A_1676, %swap3A_1677] {strides = array<i32>} : memref<512x128xf32, #tpu.memory_space<vmem>>, vector<16xf32>,
        tpu.vector_store %arg12[%swap3A_1676, %swap3A_1677], %mul3A_1647 {add = true, strides = array<i32>} : memref<512x128xf32, #tpu.memory_space<vmem>>, vector<16xf32>,
        %swap3A_1679 = arith.index_cast %squeeze3A_1642 : i32 to index
        %swap3A_1680 = arith.constant 16 : index
        %swap3A_1681 = tpu.vector_load %arg12[%swap3A_1679, %swap3A_1680] {strides = array<i32>} : memref<512x128xf32, #tpu.memory_space<vmem>>, vector<16xf32>,
        tpu.vector_store %arg12[%swap3A_1679, %swap3A_1680], %mul3A_1651 {add = true, strides = array<i32>} : memref<512x128xf32, #tpu.memory_space<vmem>>, vector<16xf32>,
        %swap3A_1682 = arith.index_cast %squeeze3A_1642 : i32 to index
        %swap3A_1683 = arith.constant 32 : index
        %swap3A_1684 = tpu.vector_load %arg12[%swap3A_1682, %swap3A_1683] {strides = array<i32>} : memref<512x128xf32, #tpu.memory_space<vmem>>, vector<16xf32>,
        tpu.vector_store %arg12[%swap3A_1682, %swap3A_1683], %mul3A_1655 {add = true, strides = array<i32>} : memref<512x128xf32, #tpu.memory_space<vmem>>, vector<16xf32>,
        %swap3A_1685 = arith.index_cast %squeeze3A_1642 : i32 to index
        %swap3A_1686 = arith.constant 48 : index
        %swap3A_1687 = tpu.vector_load %arg12[%swap3A_1685, %swap3A_1686] {strides = array<i32>} : memref<512x128xf32, #tpu.memory_space<vmem>>, vector<16xf32>,
        tpu.vector_store %arg12[%swap3A_1685, %swap3A_1686], %mul3A_1659 {add = true, strides = array<i32>} : memref<512x128xf32, #tpu.memory_space<vmem>>, vector<16xf32>,
        %swap3A_1688 = arith.index_cast %squeeze3A_1642 : i32 to index
        %swap3A_1689 = arith.constant 64 : index
        %swap3A_1690 = tpu.vector_load %arg12[%swap3A_1688, %swap3A_1689] {strides = array<i32>} : memref<512x128xf32, #tpu.memory_space<vmem>>, vector<16xf32>,
        tpu.vector_store %arg12[%swap3A_1688, %swap3A_1689], %mul3A_1663 {add = true, strides = array<i32>} : memref<512x128xf32, #tpu.memory_space<vmem>>, vector<16xf32>,
        %swap3A_1691 = arith.index_cast %squeeze3A_1642 : i32 to index
        %swap3A_1692 = arith.constant 80 : index
        %swap3A_1693 = tpu.vector_load %arg12[%swap3A_1691, %swap3A_1692] {strides = array<i32>} : memref<512x128xf32, #tpu.memory_space<vmem>>, vector<16xf32>,
        tpu.vector_store %arg12[%swap3A_1691, %swap3A_1692], %mul3A_1667 {add = true, strides = array<i32>} : memref<512x128xf32, #tpu.memory_space<vmem>>, vector<16xf32>,
        %swap3A_1694 = arith.index_cast %squeeze3A_1642 : i32 to index
        %swap3A_1695 = arith.constant 96 : index
        %swap3A_1696 = tpu.vector_load %arg12[%swap3A_1694, %swap3A_1695] {strides = array<i32>} : memref<512x128xf32, #tpu.memory_space<vmem>>, vector<16xf32>,
        tpu.vector_store %arg12[%swap3A_1694, %swap3A_1695], %mul3A_1671 {add = true, strides = array<i32>} : memref<512x128xf32, #tpu.memory_space<vmem>>, vector<16xf32>,
        %swap3A_1697 = arith.index_cast %squeeze3A_1642 : i32 to index
        %swap3A_1698 = arith.constant 112 : index
        %swap3A_1699 = tpu.vector_load %arg12[%swap3A_1697, %swap3A_1698] {strides = array<i32>} : memref<512x128xf32, #tpu.memory_space<vmem>>, vector<16xf32>,
        tpu.vector_store %arg12[%swap3A_1697, %swap3A_1698], %mul3A_1675 {add = true, strides = array<i32>} : memref<512x128xf32, #tpu.memory_space<vmem>>, vector<16xf32>,
        %mul3A_1700 = arith.constant 16 : i32
        %mul3A_1701 = arith.muli %mul3A_1700, %scan3A_102 : i32
        %add3A_1702 = arith.constant 9 : i32
        %add3A_1703 = arith.addi %mul3A_1701, %add3A_1702 : i32
        %slice3A_1704 = vector.extract_strided_slice %get3A_107 {offsets = [9], sizes = [1], strides = [1]} : vector<16xi32> to vector<1xi32>
        %squeeze3A_1705 = vector.extract %slice3A_1704[0] : i32 from vector<1xi32>
        %broadcast_in_dim3A_1706 = vector.broadcast %mul3A_1037 : f32 to vector<16xf32>
        %get3A_1707 = arith.index_cast %add3A_1703 : i32 to index
        %get3A_1708 = arith.constant 0 : index
        %get3A_1709 = tpu.vector_load %arg8[%get3A_1707, %get3A_1708] {strides = array<i32>} : memref<160x128xf32, #tpu.memory_space<vmem>>, vector<16xf32>,
        %mul3A_1710 = arith.mulf %broadcast_in_dim3A_1706, %get3A_1709 : vector<16xf32>
        %get3A_1711 = arith.index_cast %add3A_1703 : i32 to index
        %get3A_1712 = arith.constant 16 : index
        %get3A_1713 = tpu.vector_load %arg8[%get3A_1711, %get3A_1712] {strides = array<i32>} : memref<160x128xf32, #tpu.memory_space<vmem>>, vector<16xf32>,
        %mul3A_1714 = arith.mulf %broadcast_in_dim3A_1706, %get3A_1713 : vector<16xf32>
        %get3A_1715 = arith.index_cast %add3A_1703 : i32 to index
        %get3A_1716 = arith.constant 32 : index
        %get3A_1717 = tpu.vector_load %arg8[%get3A_1715, %get3A_1716] {strides = array<i32>} : memref<160x128xf32, #tpu.memory_space<vmem>>, vector<16xf32>,
        %mul3A_1718 = arith.mulf %broadcast_in_dim3A_1706, %get3A_1717 : vector<16xf32>
        %get3A_1719 = arith.index_cast %add3A_1703 : i32 to index
        %get3A_1720 = arith.constant 48 : index
        %get3A_1721 = tpu.vector_load %arg8[%get3A_1719, %get3A_1720] {strides = array<i32>} : memref<160x128xf32, #tpu.memory_space<vmem>>, vector<16xf32>,
        %mul3A_1722 = arith.mulf %broadcast_in_dim3A_1706, %get3A_1721 : vector<16xf32>
        %get3A_1723 = arith.index_cast %add3A_1703 : i32 to index
        %get3A_1724 = arith.constant 64 : index
        %get3A_1725 = tpu.vector_load %arg8[%get3A_1723, %get3A_1724] {strides = array<i32>} : memref<160x128xf32, #tpu.memory_space<vmem>>, vector<16xf32>,
        %mul3A_1726 = arith.mulf %broadcast_in_dim3A_1706, %get3A_1725 : vector<16xf32>
        %get3A_1727 = arith.index_cast %add3A_1703 : i32 to index
        %get3A_1728 = arith.constant 80 : index
        %get3A_1729 = tpu.vector_load %arg8[%get3A_1727, %get3A_1728] {strides = array<i32>} : memref<160x128xf32, #tpu.memory_space<vmem>>, vector<16xf32>,
        %mul3A_1730 = arith.mulf %broadcast_in_dim3A_1706, %get3A_1729 : vector<16xf32>
        %get3A_1731 = arith.index_cast %add3A_1703 : i32 to index
        %get3A_1732 = arith.constant 96 : index
        %get3A_1733 = tpu.vector_load %arg8[%get3A_1731, %get3A_1732] {strides = array<i32>} : memref<160x128xf32, #tpu.memory_space<vmem>>, vector<16xf32>,
        %mul3A_1734 = arith.mulf %broadcast_in_dim3A_1706, %get3A_1733 : vector<16xf32>
        %get3A_1735 = arith.index_cast %add3A_1703 : i32 to index
        %get3A_1736 = arith.constant 112 : index
        %get3A_1737 = tpu.vector_load %arg8[%get3A_1735, %get3A_1736] {strides = array<i32>} : memref<160x128xf32, #tpu.memory_space<vmem>>, vector<16xf32>,
        %mul3A_1738 = arith.mulf %broadcast_in_dim3A_1706, %get3A_1737 : vector<16xf32>
        %swap3A_1739 = arith.index_cast %squeeze3A_1705 : i32 to index
        %swap3A_1740 = arith.constant 0 : index
        %swap3A_1741 = tpu.vector_load %arg12[%swap3A_1739, %swap3A_1740] {strides = array<i32>} : memref<512x128xf32, #tpu.memory_space<vmem>>, vector<16xf32>,
        tpu.vector_store %arg12[%swap3A_1739, %swap3A_1740], %mul3A_1710 {add = true, strides = array<i32>} : memref<512x128xf32, #tpu.memory_space<vmem>>, vector<16xf32>,
        %swap3A_1742 = arith.index_cast %squeeze3A_1705 : i32 to index
        %swap3A_1743 = arith.constant 16 : index
        %swap3A_1744 = tpu.vector_load %arg12[%swap3A_1742, %swap3A_1743] {strides = array<i32>} : memref<512x128xf32, #tpu.memory_space<vmem>>, vector<16xf32>,
        tpu.vector_store %arg12[%swap3A_1742, %swap3A_1743], %mul3A_1714 {add = true, strides = array<i32>} : memref<512x128xf32, #tpu.memory_space<vmem>>, vector<16xf32>,
        %swap3A_1745 = arith.index_cast %squeeze3A_1705 : i32 to index
        %swap3A_1746 = arith.constant 32 : index
        %swap3A_1747 = tpu.vector_load %arg12[%swap3A_1745, %swap3A_1746] {strides = array<i32>} : memref<512x128xf32, #tpu.memory_space<vmem>>, vector<16xf32>,
        tpu.vector_store %arg12[%swap3A_1745, %swap3A_1746], %mul3A_1718 {add = true, strides = array<i32>} : memref<512x128xf32, #tpu.memory_space<vmem>>, vector<16xf32>,
        %swap3A_1748 = arith.index_cast %squeeze3A_1705 : i32 to index
        %swap3A_1749 = arith.constant 48 : index
        %swap3A_1750 = tpu.vector_load %arg12[%swap3A_1748, %swap3A_1749] {strides = array<i32>} : memref<512x128xf32, #tpu.memory_space<vmem>>, vector<16xf32>,
        tpu.vector_store %arg12[%swap3A_1748, %swap3A_1749], %mul3A_1722 {add = true, strides = array<i32>} : memref<512x128xf32, #tpu.memory_space<vmem>>, vector<16xf32>,
        %swap3A_1751 = arith.index_cast %squeeze3A_1705 : i32 to index
        %swap3A_1752 = arith.constant 64 : index
        %swap3A_1753 = tpu.vector_load %arg12[%swap3A_1751, %swap3A_1752] {strides = array<i32>} : memref<512x128xf32, #tpu.memory_space<vmem>>, vector<16xf32>,
        tpu.vector_store %arg12[%swap3A_1751, %swap3A_1752], %mul3A_1726 {add = true, strides = array<i32>} : memref<512x128xf32, #tpu.memory_space<vmem>>, vector<16xf32>,
        %swap3A_1754 = arith.index_cast %squeeze3A_1705 : i32 to index
        %swap3A_1755 = arith.constant 80 : index
        %swap3A_1756 = tpu.vector_load %arg12[%swap3A_1754, %swap3A_1755] {strides = array<i32>} : memref<512x128xf32, #tpu.memory_space<vmem>>, vector<16xf32>,
        tpu.vector_store %arg12[%swap3A_1754, %swap3A_1755], %mul3A_1730 {add = true, strides = array<i32>} : memref<512x128xf32, #tpu.memory_space<vmem>>, vector<16xf32>,
        %swap3A_1757 = arith.index_cast %squeeze3A_1705 : i32 to index
        %swap3A_1758 = arith.constant 96 : index
        %swap3A_1759 = tpu.vector_load %arg12[%swap3A_1757, %swap3A_1758] {strides = array<i32>} : memref<512x128xf32, #tpu.memory_space<vmem>>, vector<16xf32>,
        tpu.vector_store %arg12[%swap3A_1757, %swap3A_1758], %mul3A_1734 {add = true, strides = array<i32>} : memref<512x128xf32, #tpu.memory_space<vmem>>, vector<16xf32>,
        %swap3A_1760 = arith.index_cast %squeeze3A_1705 : i32 to index
        %swap3A_1761 = arith.constant 112 : index
        %swap3A_1762 = tpu.vector_load %arg12[%swap3A_1760, %swap3A_1761] {strides = array<i32>} : memref<512x128xf32, #tpu.memory_space<vmem>>, vector<16xf32>,
        tpu.vector_store %arg12[%swap3A_1760, %swap3A_1761], %mul3A_1738 {add = true, strides = array<i32>} : memref<512x128xf32, #tpu.memory_space<vmem>>, vector<16xf32>,
        %mul3A_1763 = arith.constant 16 : i32
        %mul3A_1764 = arith.muli %mul3A_1763, %scan3A_102 : i32
        %add3A_1765 = arith.constant 10 : i32
        %add3A_1766 = arith.addi %mul3A_1764, %add3A_1765 : i32
        %slice3A_1767 = vector.extract_strided_slice %get3A_107 {offsets = [10], sizes = [1], strides = [1]} : vector<16xi32> to vector<1xi32>
        %squeeze3A_1768 = vector.extract %slice3A_1767[0] : i32 from vector<1xi32>
        %broadcast_in_dim3A_1769 = vector.broadcast %mul3A_1053 : f32 to vector<16xf32>
        %get3A_1770 = arith.index_cast %add3A_1766 : i32 to index
        %get3A_1771 = arith.constant 0 : index
        %get3A_1772 = tpu.vector_load %arg8[%get3A_1770, %get3A_1771] {strides = array<i32>} : memref<160x128xf32, #tpu.memory_space<vmem>>, vector<16xf32>,
        %mul3A_1773 = arith.mulf %broadcast_in_dim3A_1769, %get3A_1772 : vector<16xf32>
        %get3A_1774 = arith.index_cast %add3A_1766 : i32 to index
        %get3A_1775 = arith.constant 16 : index
        %get3A_1776 = tpu.vector_load %arg8[%get3A_1774, %get3A_1775] {strides = array<i32>} : memref<160x128xf32, #tpu.memory_space<vmem>>, vector<16xf32>,
        %mul3A_1777 = arith.mulf %broadcast_in_dim3A_1769, %get3A_1776 : vector<16xf32>
        %get3A_1778 = arith.index_cast %add3A_1766 : i32 to index
        %get3A_1779 = arith.constant 32 : index
        %get3A_1780 = tpu.vector_load %arg8[%get3A_1778, %get3A_1779] {strides = array<i32>} : memref<160x128xf32, #tpu.memory_space<vmem>>, vector<16xf32>,
        %mul3A_1781 = arith.mulf %broadcast_in_dim3A_1769, %get3A_1780 : vector<16xf32>
        %get3A_1782 = arith.index_cast %add3A_1766 : i32 to index
        %get3A_1783 = arith.constant 48 : index
        %get3A_1784 = tpu.vector_load %arg8[%get3A_1782, %get3A_1783] {strides = array<i32>} : memref<160x128xf32, #tpu.memory_space<vmem>>, vector<16xf32>,
        %mul3A_1785 = arith.mulf %broadcast_in_dim3A_1769, %get3A_1784 : vector<16xf32>
        %get3A_1786 = arith.index_cast %add3A_1766 : i32 to index
        %get3A_1787 = arith.constant 64 : index
        %get3A_1788 = tpu.vector_load %arg8[%get3A_1786, %get3A_1787] {strides = array<i32>} : memref<160x128xf32, #tpu.memory_space<vmem>>, vector<16xf32>,
        %mul3A_1789 = arith.mulf %broadcast_in_dim3A_1769, %get3A_1788 : vector<16xf32>
        %get3A_1790 = arith.index_cast %add3A_1766 : i32 to index
        %get3A_1791 = arith.constant 80 : index
        %get3A_1792 = tpu.vector_load %arg8[%get3A_1790, %get3A_1791] {strides = array<i32>} : memref<160x128xf32, #tpu.memory_space<vmem>>, vector<16xf32>,
        %mul3A_1793 = arith.mulf %broadcast_in_dim3A_1769, %get3A_1792 : vector<16xf32>
        %get3A_1794 = arith.index_cast %add3A_1766 : i32 to index
        %get3A_1795 = arith.constant 96 : index
        %get3A_1796 = tpu.vector_load %arg8[%get3A_1794, %get3A_1795] {strides = array<i32>} : memref<160x128xf32, #tpu.memory_space<vmem>>, vector<16xf32>,
        %mul3A_1797 = arith.mulf %broadcast_in_dim3A_1769, %get3A_1796 : vector<16xf32>
        %get3A_1798 = arith.index_cast %add3A_1766 : i32 to index
        %get3A_1799 = arith.constant 112 : index
        %get3A_1800 = tpu.vector_load %arg8[%get3A_1798, %get3A_1799] {strides = array<i32>} : memref<160x128xf32, #tpu.memory_space<vmem>>, vector<16xf32>,
        %mul3A_1801 = arith.mulf %broadcast_in_dim3A_1769, %get3A_1800 : vector<16xf32>
        %swap3A_1802 = arith.index_cast %squeeze3A_1768 : i32 to index
        %swap3A_1803 = arith.constant 0 : index
        %swap3A_1804 = tpu.vector_load %arg12[%swap3A_1802, %swap3A_1803] {strides = array<i32>} : memref<512x128xf32, #tpu.memory_space<vmem>>, vector<16xf32>,
        tpu.vector_store %arg12[%swap3A_1802, %swap3A_1803], %mul3A_1773 {add = true, strides = array<i32>} : memref<512x128xf32, #tpu.memory_space<vmem>>, vector<16xf32>,
        %swap3A_1805 = arith.index_cast %squeeze3A_1768 : i32 to index
        %swap3A_1806 = arith.constant 16 : index
        %swap3A_1807 = tpu.vector_load %arg12[%swap3A_1805, %swap3A_1806] {strides = array<i32>} : memref<512x128xf32, #tpu.memory_space<vmem>>, vector<16xf32>,
        tpu.vector_store %arg12[%swap3A_1805, %swap3A_1806], %mul3A_1777 {add = true, strides = array<i32>} : memref<512x128xf32, #tpu.memory_space<vmem>>, vector<16xf32>,
        %swap3A_1808 = arith.index_cast %squeeze3A_1768 : i32 to index
        %swap3A_1809 = arith.constant 32 : index
        %swap3A_1810 = tpu.vector_load %arg12[%swap3A_1808, %swap3A_1809] {strides = array<i32>} : memref<512x128xf32, #tpu.memory_space<vmem>>, vector<16xf32>,
        tpu.vector_store %arg12[%swap3A_1808, %swap3A_1809], %mul3A_1781 {add = true, strides = array<i32>} : memref<512x128xf32, #tpu.memory_space<vmem>>, vector<16xf32>,
        %swap3A_1811 = arith.index_cast %squeeze3A_1768 : i32 to index
        %swap3A_1812 = arith.constant 48 : index
        %swap3A_1813 = tpu.vector_load %arg12[%swap3A_1811, %swap3A_1812] {strides = array<i32>} : memref<512x128xf32, #tpu.memory_space<vmem>>, vector<16xf32>,
        tpu.vector_store %arg12[%swap3A_1811, %swap3A_1812], %mul3A_1785 {add = true, strides = array<i32>} : memref<512x128xf32, #tpu.memory_space<vmem>>, vector<16xf32>,
        %swap3A_1814 = arith.index_cast %squeeze3A_1768 : i32 to index
        %swap3A_1815 = arith.constant 64 : index
        %swap3A_1816 = tpu.vector_load %arg12[%swap3A_1814, %swap3A_1815] {strides = array<i32>} : memref<512x128xf32, #tpu.memory_space<vmem>>, vector<16xf32>,
        tpu.vector_store %arg12[%swap3A_1814, %swap3A_1815], %mul3A_1789 {add = true, strides = array<i32>} : memref<512x128xf32, #tpu.memory_space<vmem>>, vector<16xf32>,
        %swap3A_1817 = arith.index_cast %squeeze3A_1768 : i32 to index
        %swap3A_1818 = arith.constant 80 : index
        %swap3A_1819 = tpu.vector_load %arg12[%swap3A_1817, %swap3A_1818] {strides = array<i32>} : memref<512x128xf32, #tpu.memory_space<vmem>>, vector<16xf32>,
        tpu.vector_store %arg12[%swap3A_1817, %swap3A_1818], %mul3A_1793 {add = true, strides = array<i32>} : memref<512x128xf32, #tpu.memory_space<vmem>>, vector<16xf32>,
        %swap3A_1820 = arith.index_cast %squeeze3A_1768 : i32 to index
        %swap3A_1821 = arith.constant 96 : index
        %swap3A_1822 = tpu.vector_load %arg12[%swap3A_1820, %swap3A_1821] {strides = array<i32>} : memref<512x128xf32, #tpu.memory_space<vmem>>, vector<16xf32>,
        tpu.vector_store %arg12[%swap3A_1820, %swap3A_1821], %mul3A_1797 {add = true, strides = array<i32>} : memref<512x128xf32, #tpu.memory_space<vmem>>, vector<16xf32>,
        %swap3A_1823 = arith.index_cast %squeeze3A_1768 : i32 to index
        %swap3A_1824 = arith.constant 112 : index
        %swap3A_1825 = tpu.vector_load %arg12[%swap3A_1823, %swap3A_1824] {strides = array<i32>} : memref<512x128xf32, #tpu.memory_space<vmem>>, vector<16xf32>,
        tpu.vector_store %arg12[%swap3A_1823, %swap3A_1824], %mul3A_1801 {add = true, strides = array<i32>} : memref<512x128xf32, #tpu.memory_space<vmem>>, vector<16xf32>,
        %mul3A_1826 = arith.constant 16 : i32
        %mul3A_1827 = arith.muli %mul3A_1826, %scan3A_102 : i32
        %add3A_1828 = arith.constant 11 : i32
        %add3A_1829 = arith.addi %mul3A_1827, %add3A_1828 : i32
        %slice3A_1830 = vector.extract_strided_slice %get3A_107 {offsets = [11], sizes = [1], strides = [1]} : vector<16xi32> to vector<1xi32>
        %squeeze3A_1831 = vector.extract %slice3A_1830[0] : i32 from vector<1xi32>
        %broadcast_in_dim3A_1832 = vector.broadcast %mul3A_1069 : f32 to vector<16xf32>
        %get3A_1833 = arith.index_cast %add3A_1829 : i32 to index
        %get3A_1834 = arith.constant 0 : index
        %get3A_1835 = tpu.vector_load %arg8[%get3A_1833, %get3A_1834] {strides = array<i32>} : memref<160x128xf32, #tpu.memory_space<vmem>>, vector<16xf32>,
        %mul3A_1836 = arith.mulf %broadcast_in_dim3A_1832, %get3A_1835 : vector<16xf32>
        %get3A_1837 = arith.index_cast %add3A_1829 : i32 to index
        %get3A_1838 = arith.constant 16 : index
        %get3A_1839 = tpu.vector_load %arg8[%get3A_1837, %get3A_1838] {strides = array<i32>} : memref<160x128xf32, #tpu.memory_space<vmem>>, vector<16xf32>,
        %mul3A_1840 = arith.mulf %broadcast_in_dim3A_1832, %get3A_1839 : vector<16xf32>
        %get3A_1841 = arith.index_cast %add3A_1829 : i32 to index
        %get3A_1842 = arith.constant 32 : index
        %get3A_1843 = tpu.vector_load %arg8[%get3A_1841, %get3A_1842] {strides = array<i32>} : memref<160x128xf32, #tpu.memory_space<vmem>>, vector<16xf32>,
        %mul3A_1844 = arith.mulf %broadcast_in_dim3A_1832, %get3A_1843 : vector<16xf32>
        %get3A_1845 = arith.index_cast %add3A_1829 : i32 to index
        %get3A_1846 = arith.constant 48 : index
        %get3A_1847 = tpu.vector_load %arg8[%get3A_1845, %get3A_1846] {strides = array<i32>} : memref<160x128xf32, #tpu.memory_space<vmem>>, vector<16xf32>,
        %mul3A_1848 = arith.mulf %broadcast_in_dim3A_1832, %get3A_1847 : vector<16xf32>
        %get3A_1849 = arith.index_cast %add3A_1829 : i32 to index
        %get3A_1850 = arith.constant 64 : index
        %get3A_1851 = tpu.vector_load %arg8[%get3A_1849, %get3A_1850] {strides = array<i32>} : memref<160x128xf32, #tpu.memory_space<vmem>>, vector<16xf32>,
        %mul3A_1852 = arith.mulf %broadcast_in_dim3A_1832, %get3A_1851 : vector<16xf32>
        %get3A_1853 = arith.index_cast %add3A_1829 : i32 to index
        %get3A_1854 = arith.constant 80 : index
        %get3A_1855 = tpu.vector_load %arg8[%get3A_1853, %get3A_1854] {strides = array<i32>} : memref<160x128xf32, #tpu.memory_space<vmem>>, vector<16xf32>,
        %mul3A_1856 = arith.mulf %broadcast_in_dim3A_1832, %get3A_1855 : vector<16xf32>
        %get3A_1857 = arith.index_cast %add3A_1829 : i32 to index
        %get3A_1858 = arith.constant 96 : index
        %get3A_1859 = tpu.vector_load %arg8[%get3A_1857, %get3A_1858] {strides = array<i32>} : memref<160x128xf32, #tpu.memory_space<vmem>>, vector<16xf32>,
        %mul3A_1860 = arith.mulf %broadcast_in_dim3A_1832, %get3A_1859 : vector<16xf32>
        %get3A_1861 = arith.index_cast %add3A_1829 : i32 to index
        %get3A_1862 = arith.constant 112 : index
        %get3A_1863 = tpu.vector_load %arg8[%get3A_1861, %get3A_1862] {strides = array<i32>} : memref<160x128xf32, #tpu.memory_space<vmem>>, vector<16xf32>,
        %mul3A_1864 = arith.mulf %broadcast_in_dim3A_1832, %get3A_1863 : vector<16xf32>
        %swap3A_1865 = arith.index_cast %squeeze3A_1831 : i32 to index
        %swap3A_1866 = arith.constant 0 : index
        %swap3A_1867 = tpu.vector_load %arg12[%swap3A_1865, %swap3A_1866] {strides = array<i32>} : memref<512x128xf32, #tpu.memory_space<vmem>>, vector<16xf32>,
        tpu.vector_store %arg12[%swap3A_1865, %swap3A_1866], %mul3A_1836 {add = true, strides = array<i32>} : memref<512x128xf32, #tpu.memory_space<vmem>>, vector<16xf32>,
        %swap3A_1868 = arith.index_cast %squeeze3A_1831 : i32 to index
        %swap3A_1869 = arith.constant 16 : index
        %swap3A_1870 = tpu.vector_load %arg12[%swap3A_1868, %swap3A_1869] {strides = array<i32>} : memref<512x128xf32, #tpu.memory_space<vmem>>, vector<16xf32>,
        tpu.vector_store %arg12[%swap3A_1868, %swap3A_1869], %mul3A_1840 {add = true, strides = array<i32>} : memref<512x128xf32, #tpu.memory_space<vmem>>, vector<16xf32>,
        %swap3A_1871 = arith.index_cast %squeeze3A_1831 : i32 to index
        %swap3A_1872 = arith.constant 32 : index
        %swap3A_1873 = tpu.vector_load %arg12[%swap3A_1871, %swap3A_1872] {strides = array<i32>} : memref<512x128xf32, #tpu.memory_space<vmem>>, vector<16xf32>,
        tpu.vector_store %arg12[%swap3A_1871, %swap3A_1872], %mul3A_1844 {add = true, strides = array<i32>} : memref<512x128xf32, #tpu.memory_space<vmem>>, vector<16xf32>,
        %swap3A_1874 = arith.index_cast %squeeze3A_1831 : i32 to index
        %swap3A_1875 = arith.constant 48 : index
        %swap3A_1876 = tpu.vector_load %arg12[%swap3A_1874, %swap3A_1875] {strides = array<i32>} : memref<512x128xf32, #tpu.memory_space<vmem>>, vector<16xf32>,
        tpu.vector_store %arg12[%swap3A_1874, %swap3A_1875], %mul3A_1848 {add = true, strides = array<i32>} : memref<512x128xf32, #tpu.memory_space<vmem>>, vector<16xf32>,
        %swap3A_1877 = arith.index_cast %squeeze3A_1831 : i32 to index
        %swap3A_1878 = arith.constant 64 : index
        %swap3A_1879 = tpu.vector_load %arg12[%swap3A_1877, %swap3A_1878] {strides = array<i32>} : memref<512x128xf32, #tpu.memory_space<vmem>>, vector<16xf32>,
        tpu.vector_store %arg12[%swap3A_1877, %swap3A_1878], %mul3A_1852 {add = true, strides = array<i32>} : memref<512x128xf32, #tpu.memory_space<vmem>>, vector<16xf32>,
        %swap3A_1880 = arith.index_cast %squeeze3A_1831 : i32 to index
        %swap3A_1881 = arith.constant 80 : index
        %swap3A_1882 = tpu.vector_load %arg12[%swap3A_1880, %swap3A_1881] {strides = array<i32>} : memref<512x128xf32, #tpu.memory_space<vmem>>, vector<16xf32>,
        tpu.vector_store %arg12[%swap3A_1880, %swap3A_1881], %mul3A_1856 {add = true, strides = array<i32>} : memref<512x128xf32, #tpu.memory_space<vmem>>, vector<16xf32>,
        %swap3A_1883 = arith.index_cast %squeeze3A_1831 : i32 to index
        %swap3A_1884 = arith.constant 96 : index
        %swap3A_1885 = tpu.vector_load %arg12[%swap3A_1883, %swap3A_1884] {strides = array<i32>} : memref<512x128xf32, #tpu.memory_space<vmem>>, vector<16xf32>,
        tpu.vector_store %arg12[%swap3A_1883, %swap3A_1884], %mul3A_1860 {add = true, strides = array<i32>} : memref<512x128xf32, #tpu.memory_space<vmem>>, vector<16xf32>,
        %swap3A_1886 = arith.index_cast %squeeze3A_1831 : i32 to index
        %swap3A_1887 = arith.constant 112 : index
        %swap3A_1888 = tpu.vector_load %arg12[%swap3A_1886, %swap3A_1887] {strides = array<i32>} : memref<512x128xf32, #tpu.memory_space<vmem>>, vector<16xf32>,
        tpu.vector_store %arg12[%swap3A_1886, %swap3A_1887], %mul3A_1864 {add = true, strides = array<i32>} : memref<512x128xf32, #tpu.memory_space<vmem>>, vector<16xf32>,
        %mul3A_1889 = arith.constant 16 : i32
        %mul3A_1890 = arith.muli %mul3A_1889, %scan3A_102 : i32
        %add3A_1891 = arith.constant 12 : i32
        %add3A_1892 = arith.addi %mul3A_1890, %add3A_1891 : i32
        %slice3A_1893 = vector.extract_strided_slice %get3A_107 {offsets = [12], sizes = [1], strides = [1]} : vector<16xi32> to vector<1xi32>
        %squeeze3A_1894 = vector.extract %slice3A_1893[0] : i32 from vector<1xi32>
        %broadcast_in_dim3A_1895 = vector.broadcast %mul3A_1085 : f32 to vector<16xf32>
        %get3A_1896 = arith.index_cast %add3A_1892 : i32 to index
        %get3A_1897 = arith.constant 0 : index
        %get3A_1898 = tpu.vector_load %arg8[%get3A_1896, %get3A_1897] {strides = array<i32>} : memref<160x128xf32, #tpu.memory_space<vmem>>, vector<16xf32>,
        %mul3A_1899 = arith.mulf %broadcast_in_dim3A_1895, %get3A_1898 : vector<16xf32>
        %get3A_1900 = arith.index_cast %add3A_1892 : i32 to index
        %get3A_1901 = arith.constant 16 : index
        %get3A_1902 = tpu.vector_load %arg8[%get3A_1900, %get3A_1901] {strides = array<i32>} : memref<160x128xf32, #tpu.memory_space<vmem>>, vector<16xf32>,
        %mul3A_1903 = arith.mulf %broadcast_in_dim3A_1895, %get3A_1902 : vector<16xf32>
        %get3A_1904 = arith.index_cast %add3A_1892 : i32 to index
        %get3A_1905 = arith.constant 32 : index
        %get3A_1906 = tpu.vector_load %arg8[%get3A_1904, %get3A_1905] {strides = array<i32>} : memref<160x128xf32, #tpu.memory_space<vmem>>, vector<16xf32>,
        %mul3A_1907 = arith.mulf %broadcast_in_dim3A_1895, %get3A_1906 : vector<16xf32>
        %get3A_1908 = arith.index_cast %add3A_1892 : i32 to index
        %get3A_1909 = arith.constant 48 : index
        %get3A_1910 = tpu.vector_load %arg8[%get3A_1908, %get3A_1909] {strides = array<i32>} : memref<160x128xf32, #tpu.memory_space<vmem>>, vector<16xf32>,
        %mul3A_1911 = arith.mulf %broadcast_in_dim3A_1895, %get3A_1910 : vector<16xf32>
        %get3A_1912 = arith.index_cast %add3A_1892 : i32 to index
        %get3A_1913 = arith.constant 64 : index
        %get3A_1914 = tpu.vector_load %arg8[%get3A_1912, %get3A_1913] {strides = array<i32>} : memref<160x128xf32, #tpu.memory_space<vmem>>, vector<16xf32>,
        %mul3A_1915 = arith.mulf %broadcast_in_dim3A_1895, %get3A_1914 : vector<16xf32>
        %get3A_1916 = arith.index_cast %add3A_1892 : i32 to index
        %get3A_1917 = arith.constant 80 : index
        %get3A_1918 = tpu.vector_load %arg8[%get3A_1916, %get3A_1917] {strides = array<i32>} : memref<160x128xf32, #tpu.memory_space<vmem>>, vector<16xf32>,
        %mul3A_1919 = arith.mulf %broadcast_in_dim3A_1895, %get3A_1918 : vector<16xf32>
        %get3A_1920 = arith.index_cast %add3A_1892 : i32 to index
        %get3A_1921 = arith.constant 96 : index
        %get3A_1922 = tpu.vector_load %arg8[%get3A_1920, %get3A_1921] {strides = array<i32>} : memref<160x128xf32, #tpu.memory_space<vmem>>, vector<16xf32>,
        %mul3A_1923 = arith.mulf %broadcast_in_dim3A_1895, %get3A_1922 : vector<16xf32>
        %get3A_1924 = arith.index_cast %add3A_1892 : i32 to index
        %get3A_1925 = arith.constant 112 : index
        %get3A_1926 = tpu.vector_load %arg8[%get3A_1924, %get3A_1925] {strides = array<i32>} : memref<160x128xf32, #tpu.memory_space<vmem>>, vector<16xf32>,
        %mul3A_1927 = arith.mulf %broadcast_in_dim3A_1895, %get3A_1926 : vector<16xf32>
        %swap3A_1928 = arith.index_cast %squeeze3A_1894 : i32 to index
        %swap3A_1929 = arith.constant 0 : index
        %swap3A_1930 = tpu.vector_load %arg12[%swap3A_1928, %swap3A_1929] {strides = array<i32>} : memref<512x128xf32, #tpu.memory_space<vmem>>, vector<16xf32>,
        tpu.vector_store %arg12[%swap3A_1928, %swap3A_1929], %mul3A_1899 {add = true, strides = array<i32>} : memref<512x128xf32, #tpu.memory_space<vmem>>, vector<16xf32>,
        %swap3A_1931 = arith.index_cast %squeeze3A_1894 : i32 to index
        %swap3A_1932 = arith.constant 16 : index
        %swap3A_1933 = tpu.vector_load %arg12[%swap3A_1931, %swap3A_1932] {strides = array<i32>} : memref<512x128xf32, #tpu.memory_space<vmem>>, vector<16xf32>,
        tpu.vector_store %arg12[%swap3A_1931, %swap3A_1932], %mul3A_1903 {add = true, strides = array<i32>} : memref<512x128xf32, #tpu.memory_space<vmem>>, vector<16xf32>,
        %swap3A_1934 = arith.index_cast %squeeze3A_1894 : i32 to index
        %swap3A_1935 = arith.constant 32 : index
        %swap3A_1936 = tpu.vector_load %arg12[%swap3A_1934, %swap3A_1935] {strides = array<i32>} : memref<512x128xf32, #tpu.memory_space<vmem>>, vector<16xf32>,
        tpu.vector_store %arg12[%swap3A_1934, %swap3A_1935], %mul3A_1907 {add = true, strides = array<i32>} : memref<512x128xf32, #tpu.memory_space<vmem>>, vector<16xf32>,
        %swap3A_1937 = arith.index_cast %squeeze3A_1894 : i32 to index
        %swap3A_1938 = arith.constant 48 : index
        %swap3A_1939 = tpu.vector_load %arg12[%swap3A_1937, %swap3A_1938] {strides = array<i32>} : memref<512x128xf32, #tpu.memory_space<vmem>>, vector<16xf32>,
        tpu.vector_store %arg12[%swap3A_1937, %swap3A_1938], %mul3A_1911 {add = true, strides = array<i32>} : memref<512x128xf32, #tpu.memory_space<vmem>>, vector<16xf32>,
        %swap3A_1940 = arith.index_cast %squeeze3A_1894 : i32 to index
        %swap3A_1941 = arith.constant 64 : index
        %swap3A_1942 = tpu.vector_load %arg12[%swap3A_1940, %swap3A_1941] {strides = array<i32>} : memref<512x128xf32, #tpu.memory_space<vmem>>, vector<16xf32>,
        tpu.vector_store %arg12[%swap3A_1940, %swap3A_1941], %mul3A_1915 {add = true, strides = array<i32>} : memref<512x128xf32, #tpu.memory_space<vmem>>, vector<16xf32>,
        %swap3A_1943 = arith.index_cast %squeeze3A_1894 : i32 to index
        %swap3A_1944 = arith.constant 80 : index
        %swap3A_1945 = tpu.vector_load %arg12[%swap3A_1943, %swap3A_1944] {strides = array<i32>} : memref<512x128xf32, #tpu.memory_space<vmem>>, vector<16xf32>,
        tpu.vector_store %arg12[%swap3A_1943, %swap3A_1944], %mul3A_1919 {add = true, strides = array<i32>} : memref<512x128xf32, #tpu.memory_space<vmem>>, vector<16xf32>,
        %swap3A_1946 = arith.index_cast %squeeze3A_1894 : i32 to index
        %swap3A_1947 = arith.constant 96 : index
        %swap3A_1948 = tpu.vector_load %arg12[%swap3A_1946, %swap3A_1947] {strides = array<i32>} : memref<512x128xf32, #tpu.memory_space<vmem>>, vector<16xf32>,
        tpu.vector_store %arg12[%swap3A_1946, %swap3A_1947], %mul3A_1923 {add = true, strides = array<i32>} : memref<512x128xf32, #tpu.memory_space<vmem>>, vector<16xf32>,
        %swap3A_1949 = arith.index_cast %squeeze3A_1894 : i32 to index
        %swap3A_1950 = arith.constant 112 : index
        %swap3A_1951 = tpu.vector_load %arg12[%swap3A_1949, %swap3A_1950] {strides = array<i32>} : memref<512x128xf32, #tpu.memory_space<vmem>>, vector<16xf32>,
        tpu.vector_store %arg12[%swap3A_1949, %swap3A_1950], %mul3A_1927 {add = true, strides = array<i32>} : memref<512x128xf32, #tpu.memory_space<vmem>>, vector<16xf32>,
        %mul3A_1952 = arith.constant 16 : i32
        %mul3A_1953 = arith.muli %mul3A_1952, %scan3A_102 : i32
        %add3A_1954 = arith.constant 13 : i32
        %add3A_1955 = arith.addi %mul3A_1953, %add3A_1954 : i32
        %slice3A_1956 = vector.extract_strided_slice %get3A_107 {offsets = [13], sizes = [1], strides = [1]} : vector<16xi32> to vector<1xi32>
        %squeeze3A_1957 = vector.extract %slice3A_1956[0] : i32 from vector<1xi32>
        %broadcast_in_dim3A_1958 = vector.broadcast %mul3A_1101 : f32 to vector<16xf32>
        %get3A_1959 = arith.index_cast %add3A_1955 : i32 to index
        %get3A_1960 = arith.constant 0 : index
        %get3A_1961 = tpu.vector_load %arg8[%get3A_1959, %get3A_1960] {strides = array<i32>} : memref<160x128xf32, #tpu.memory_space<vmem>>, vector<16xf32>,
        %mul3A_1962 = arith.mulf %broadcast_in_dim3A_1958, %get3A_1961 : vector<16xf32>
        %get3A_1963 = arith.index_cast %add3A_1955 : i32 to index
        %get3A_1964 = arith.constant 16 : index
        %get3A_1965 = tpu.vector_load %arg8[%get3A_1963, %get3A_1964] {strides = array<i32>} : memref<160x128xf32, #tpu.memory_space<vmem>>, vector<16xf32>,
        %mul3A_1966 = arith.mulf %broadcast_in_dim3A_1958, %get3A_1965 : vector<16xf32>
        %get3A_1967 = arith.index_cast %add3A_1955 : i32 to index
        %get3A_1968 = arith.constant 32 : index
        %get3A_1969 = tpu.vector_load %arg8[%get3A_1967, %get3A_1968] {strides = array<i32>} : memref<160x128xf32, #tpu.memory_space<vmem>>, vector<16xf32>,
        %mul3A_1970 = arith.mulf %broadcast_in_dim3A_1958, %get3A_1969 : vector<16xf32>
        %get3A_1971 = arith.index_cast %add3A_1955 : i32 to index
        %get3A_1972 = arith.constant 48 : index
        %get3A_1973 = tpu.vector_load %arg8[%get3A_1971, %get3A_1972] {strides = array<i32>} : memref<160x128xf32, #tpu.memory_space<vmem>>, vector<16xf32>,
        %mul3A_1974 = arith.mulf %broadcast_in_dim3A_1958, %get3A_1973 : vector<16xf32>
        %get3A_1975 = arith.index_cast %add3A_1955 : i32 to index
        %get3A_1976 = arith.constant 64 : index
        %get3A_1977 = tpu.vector_load %arg8[%get3A_1975, %get3A_1976] {strides = array<i32>} : memref<160x128xf32, #tpu.memory_space<vmem>>, vector<16xf32>,
        %mul3A_1978 = arith.mulf %broadcast_in_dim3A_1958, %get3A_1977 : vector<16xf32>
        %get3A_1979 = arith.index_cast %add3A_1955 : i32 to index
        %get3A_1980 = arith.constant 80 : index
        %get3A_1981 = tpu.vector_load %arg8[%get3A_1979, %get3A_1980] {strides = array<i32>} : memref<160x128xf32, #tpu.memory_space<vmem>>, vector<16xf32>,
        %mul3A_1982 = arith.mulf %broadcast_in_dim3A_1958, %get3A_1981 : vector<16xf32>
        %get3A_1983 = arith.index_cast %add3A_1955 : i32 to index
        %get3A_1984 = arith.constant 96 : index
        %get3A_1985 = tpu.vector_load %arg8[%get3A_1983, %get3A_1984] {strides = array<i32>} : memref<160x128xf32, #tpu.memory_space<vmem>>, vector<16xf32>,
        %mul3A_1986 = arith.mulf %broadcast_in_dim3A_1958, %get3A_1985 : vector<16xf32>
        %get3A_1987 = arith.index_cast %add3A_1955 : i32 to index
        %get3A_1988 = arith.constant 112 : index
        %get3A_1989 = tpu.vector_load %arg8[%get3A_1987, %get3A_1988] {strides = array<i32>} : memref<160x128xf32, #tpu.memory_space<vmem>>, vector<16xf32>,
        %mul3A_1990 = arith.mulf %broadcast_in_dim3A_1958, %get3A_1989 : vector<16xf32>
        %swap3A_1991 = arith.index_cast %squeeze3A_1957 : i32 to index
        %swap3A_1992 = arith.constant 0 : index
        %swap3A_1993 = tpu.vector_load %arg12[%swap3A_1991, %swap3A_1992] {strides = array<i32>} : memref<512x128xf32, #tpu.memory_space<vmem>>, vector<16xf32>,
        tpu.vector_store %arg12[%swap3A_1991, %swap3A_1992], %mul3A_1962 {add = true, strides = array<i32>} : memref<512x128xf32, #tpu.memory_space<vmem>>, vector<16xf32>,
        %swap3A_1994 = arith.index_cast %squeeze3A_1957 : i32 to index
        %swap3A_1995 = arith.constant 16 : index
        %swap3A_1996 = tpu.vector_load %arg12[%swap3A_1994, %swap3A_1995] {strides = array<i32>} : memref<512x128xf32, #tpu.memory_space<vmem>>, vector<16xf32>,
        tpu.vector_store %arg12[%swap3A_1994, %swap3A_1995], %mul3A_1966 {add = true, strides = array<i32>} : memref<512x128xf32, #tpu.memory_space<vmem>>, vector<16xf32>,
        %swap3A_1997 = arith.index_cast %squeeze3A_1957 : i32 to index
        %swap3A_1998 = arith.constant 32 : index
        %swap3A_1999 = tpu.vector_load %arg12[%swap3A_1997, %swap3A_1998] {strides = array<i32>} : memref<512x128xf32, #tpu.memory_space<vmem>>, vector<16xf32>,
        tpu.vector_store %arg12[%swap3A_1997, %swap3A_1998], %mul3A_1970 {add = true, strides = array<i32>} : memref<512x128xf32, #tpu.memory_space<vmem>>, vector<16xf32>,
        %swap3A_2000 = arith.index_cast %squeeze3A_1957 : i32 to index
        %swap3A_2001 = arith.constant 48 : index
        %swap3A_2002 = tpu.vector_load %arg12[%swap3A_2000, %swap3A_2001] {strides = array<i32>} : memref<512x128xf32, #tpu.memory_space<vmem>>, vector<16xf32>,
        tpu.vector_store %arg12[%swap3A_2000, %swap3A_2001], %mul3A_1974 {add = true, strides = array<i32>} : memref<512x128xf32, #tpu.memory_space<vmem>>, vector<16xf32>,
        %swap3A_2003 = arith.index_cast %squeeze3A_1957 : i32 to index
        %swap3A_2004 = arith.constant 64 : index
        %swap3A_2005 = tpu.vector_load %arg12[%swap3A_2003, %swap3A_2004] {strides = array<i32>} : memref<512x128xf32, #tpu.memory_space<vmem>>, vector<16xf32>,
        tpu.vector_store %arg12[%swap3A_2003, %swap3A_2004], %mul3A_1978 {add = true, strides = array<i32>} : memref<512x128xf32, #tpu.memory_space<vmem>>, vector<16xf32>,
        %swap3A_2006 = arith.index_cast %squeeze3A_1957 : i32 to index
        %swap3A_2007 = arith.constant 80 : index
        %swap3A_2008 = tpu.vector_load %arg12[%swap3A_2006, %swap3A_2007] {strides = array<i32>} : memref<512x128xf32, #tpu.memory_space<vmem>>, vector<16xf32>,
        tpu.vector_store %arg12[%swap3A_2006, %swap3A_2007], %mul3A_1982 {add = true, strides = array<i32>} : memref<512x128xf32, #tpu.memory_space<vmem>>, vector<16xf32>,
        %swap3A_2009 = arith.index_cast %squeeze3A_1957 : i32 to index
        %swap3A_2010 = arith.constant 96 : index
        %swap3A_2011 = tpu.vector_load %arg12[%swap3A_2009, %swap3A_2010] {strides = array<i32>} : memref<512x128xf32, #tpu.memory_space<vmem>>, vector<16xf32>,
        tpu.vector_store %arg12[%swap3A_2009, %swap3A_2010], %mul3A_1986 {add = true, strides = array<i32>} : memref<512x128xf32, #tpu.memory_space<vmem>>, vector<16xf32>,
        %swap3A_2012 = arith.index_cast %squeeze3A_1957 : i32 to index
        %swap3A_2013 = arith.constant 112 : index
        %swap3A_2014 = tpu.vector_load %arg12[%swap3A_2012, %swap3A_2013] {strides = array<i32>} : memref<512x128xf32, #tpu.memory_space<vmem>>, vector<16xf32>,
        tpu.vector_store %arg12[%swap3A_2012, %swap3A_2013], %mul3A_1990 {add = true, strides = array<i32>} : memref<512x128xf32, #tpu.memory_space<vmem>>, vector<16xf32>,
        %mul3A_2015 = arith.constant 16 : i32
        %mul3A_2016 = arith.muli %mul3A_2015, %scan3A_102 : i32
        %add3A_2017 = arith.constant 14 : i32
        %add3A_2018 = arith.addi %mul3A_2016, %add3A_2017 : i32
        %slice3A_2019 = vector.extract_strided_slice %get3A_107 {offsets = [14], sizes = [1], strides = [1]} : vector<16xi32> to vector<1xi32>
        %squeeze3A_2020 = vector.extract %slice3A_2019[0] : i32 from vector<1xi32>
        %broadcast_in_dim3A_2021 = vector.broadcast %mul3A_1117 : f32 to vector<16xf32>
        %get3A_2022 = arith.index_cast %add3A_2018 : i32 to index
        %get3A_2023 = arith.constant 0 : index
        %get3A_2024 = tpu.vector_load %arg8[%get3A_2022, %get3A_2023] {strides = array<i32>} : memref<160x128xf32, #tpu.memory_space<vmem>>, vector<16xf32>,
        %mul3A_2025 = arith.mulf %broadcast_in_dim3A_2021, %get3A_2024 : vector<16xf32>
        %get3A_2026 = arith.index_cast %add3A_2018 : i32 to index
        %get3A_2027 = arith.constant 16 : index
        %get3A_2028 = tpu.vector_load %arg8[%get3A_2026, %get3A_2027] {strides = array<i32>} : memref<160x128xf32, #tpu.memory_space<vmem>>, vector<16xf32>,
        %mul3A_2029 = arith.mulf %broadcast_in_dim3A_2021, %get3A_2028 : vector<16xf32>
        %get3A_2030 = arith.index_cast %add3A_2018 : i32 to index
        %get3A_2031 = arith.constant 32 : index
        %get3A_2032 = tpu.vector_load %arg8[%get3A_2030, %get3A_2031] {strides = array<i32>} : memref<160x128xf32, #tpu.memory_space<vmem>>, vector<16xf32>,
        %mul3A_2033 = arith.mulf %broadcast_in_dim3A_2021, %get3A_2032 : vector<16xf32>
        %get3A_2034 = arith.index_cast %add3A_2018 : i32 to index
        %get3A_2035 = arith.constant 48 : index
        %get3A_2036 = tpu.vector_load %arg8[%get3A_2034, %get3A_2035] {strides = array<i32>} : memref<160x128xf32, #tpu.memory_space<vmem>>, vector<16xf32>,
        %mul3A_2037 = arith.mulf %broadcast_in_dim3A_2021, %get3A_2036 : vector<16xf32>
        %get3A_2038 = arith.index_cast %add3A_2018 : i32 to index
        %get3A_2039 = arith.constant 64 : index
        %get3A_2040 = tpu.vector_load %arg8[%get3A_2038, %get3A_2039] {strides = array<i32>} : memref<160x128xf32, #tpu.memory_space<vmem>>, vector<16xf32>,
        %mul3A_2041 = arith.mulf %broadcast_in_dim3A_2021, %get3A_2040 : vector<16xf32>
        %get3A_2042 = arith.index_cast %add3A_2018 : i32 to index
        %get3A_2043 = arith.constant 80 : index
        %get3A_2044 = tpu.vector_load %arg8[%get3A_2042, %get3A_2043] {strides = array<i32>} : memref<160x128xf32, #tpu.memory_space<vmem>>, vector<16xf32>,
        %mul3A_2045 = arith.mulf %broadcast_in_dim3A_2021, %get3A_2044 : vector<16xf32>
        %get3A_2046 = arith.index_cast %add3A_2018 : i32 to index
        %get3A_2047 = arith.constant 96 : index
        %get3A_2048 = tpu.vector_load %arg8[%get3A_2046, %get3A_2047] {strides = array<i32>} : memref<160x128xf32, #tpu.memory_space<vmem>>, vector<16xf32>,
        %mul3A_2049 = arith.mulf %broadcast_in_dim3A_2021, %get3A_2048 : vector<16xf32>
        %get3A_2050 = arith.index_cast %add3A_2018 : i32 to index
        %get3A_2051 = arith.constant 112 : index
        %get3A_2052 = tpu.vector_load %arg8[%get3A_2050, %get3A_2051] {strides = array<i32>} : memref<160x128xf32, #tpu.memory_space<vmem>>, vector<16xf32>,
        %mul3A_2053 = arith.mulf %broadcast_in_dim3A_2021, %get3A_2052 : vector<16xf32>
        %swap3A_2054 = arith.index_cast %squeeze3A_2020 : i32 to index
        %swap3A_2055 = arith.constant 0 : index
        %swap3A_2056 = tpu.vector_load %arg12[%swap3A_2054, %swap3A_2055] {strides = array<i32>} : memref<512x128xf32, #tpu.memory_space<vmem>>, vector<16xf32>,
        tpu.vector_store %arg12[%swap3A_2054, %swap3A_2055], %mul3A_2025 {add = true, strides = array<i32>} : memref<512x128xf32, #tpu.memory_space<vmem>>, vector<16xf32>,
        %swap3A_2057 = arith.index_cast %squeeze3A_2020 : i32 to index
        %swap3A_2058 = arith.constant 16 : index
        %swap3A_2059 = tpu.vector_load %arg12[%swap3A_2057, %swap3A_2058] {strides = array<i32>} : memref<512x128xf32, #tpu.memory_space<vmem>>, vector<16xf32>,
        tpu.vector_store %arg12[%swap3A_2057, %swap3A_2058], %mul3A_2029 {add = true, strides = array<i32>} : memref<512x128xf32, #tpu.memory_space<vmem>>, vector<16xf32>,
        %swap3A_2060 = arith.index_cast %squeeze3A_2020 : i32 to index
        %swap3A_2061 = arith.constant 32 : index
        %swap3A_2062 = tpu.vector_load %arg12[%swap3A_2060, %swap3A_2061] {strides = array<i32>} : memref<512x128xf32, #tpu.memory_space<vmem>>, vector<16xf32>,
        tpu.vector_store %arg12[%swap3A_2060, %swap3A_2061], %mul3A_2033 {add = true, strides = array<i32>} : memref<512x128xf32, #tpu.memory_space<vmem>>, vector<16xf32>,
        %swap3A_2063 = arith.index_cast %squeeze3A_2020 : i32 to index
        %swap3A_2064 = arith.constant 48 : index
        %swap3A_2065 = tpu.vector_load %arg12[%swap3A_2063, %swap3A_2064] {strides = array<i32>} : memref<512x128xf32, #tpu.memory_space<vmem>>, vector<16xf32>,
        tpu.vector_store %arg12[%swap3A_2063, %swap3A_2064], %mul3A_2037 {add = true, strides = array<i32>} : memref<512x128xf32, #tpu.memory_space<vmem>>, vector<16xf32>,
        %swap3A_2066 = arith.index_cast %squeeze3A_2020 : i32 to index
        %swap3A_2067 = arith.constant 64 : index
        %swap3A_2068 = tpu.vector_load %arg12[%swap3A_2066, %swap3A_2067] {strides = array<i32>} : memref<512x128xf32, #tpu.memory_space<vmem>>, vector<16xf32>,
        tpu.vector_store %arg12[%swap3A_2066, %swap3A_2067], %mul3A_2041 {add = true, strides = array<i32>} : memref<512x128xf32, #tpu.memory_space<vmem>>, vector<16xf32>,
        %swap3A_2069 = arith.index_cast %squeeze3A_2020 : i32 to index
        %swap3A_2070 = arith.constant 80 : index
        %swap3A_2071 = tpu.vector_load %arg12[%swap3A_2069, %swap3A_2070] {strides = array<i32>} : memref<512x128xf32, #tpu.memory_space<vmem>>, vector<16xf32>,
        tpu.vector_store %arg12[%swap3A_2069, %swap3A_2070], %mul3A_2045 {add = true, strides = array<i32>} : memref<512x128xf32, #tpu.memory_space<vmem>>, vector<16xf32>,
        %swap3A_2072 = arith.index_cast %squeeze3A_2020 : i32 to index
        %swap3A_2073 = arith.constant 96 : index
        %swap3A_2074 = tpu.vector_load %arg12[%swap3A_2072, %swap3A_2073] {strides = array<i32>} : memref<512x128xf32, #tpu.memory_space<vmem>>, vector<16xf32>,
        tpu.vector_store %arg12[%swap3A_2072, %swap3A_2073], %mul3A_2049 {add = true, strides = array<i32>} : memref<512x128xf32, #tpu.memory_space<vmem>>, vector<16xf32>,
        %swap3A_2075 = arith.index_cast %squeeze3A_2020 : i32 to index
        %swap3A_2076 = arith.constant 112 : index
        %swap3A_2077 = tpu.vector_load %arg12[%swap3A_2075, %swap3A_2076] {strides = array<i32>} : memref<512x128xf32, #tpu.memory_space<vmem>>, vector<16xf32>,
        tpu.vector_store %arg12[%swap3A_2075, %swap3A_2076], %mul3A_2053 {add = true, strides = array<i32>} : memref<512x128xf32, #tpu.memory_space<vmem>>, vector<16xf32>,
        %mul3A_2078 = arith.constant 16 : i32
        %mul3A_2079 = arith.muli %mul3A_2078, %scan3A_102 : i32
        %add3A_2080 = arith.constant 15 : i32
        %add3A_2081 = arith.addi %mul3A_2079, %add3A_2080 : i32
        %slice3A_2082 = vector.extract_strided_slice %get3A_107 {offsets = [15], sizes = [1], strides = [1]} : vector<16xi32> to vector<1xi32>
        %squeeze3A_2083 = vector.extract %slice3A_2082[0] : i32 from vector<1xi32>
        %broadcast_in_dim3A_2084 = vector.broadcast %mul3A_1133 : f32 to vector<16xf32>
        %get3A_2085 = arith.index_cast %add3A_2081 : i32 to index
        %get3A_2086 = arith.constant 0 : index
        %get3A_2087 = tpu.vector_load %arg8[%get3A_2085, %get3A_2086] {strides = array<i32>} : memref<160x128xf32, #tpu.memory_space<vmem>>, vector<16xf32>,
        %mul3A_2088 = arith.mulf %broadcast_in_dim3A_2084, %get3A_2087 : vector<16xf32>
        %get3A_2089 = arith.index_cast %add3A_2081 : i32 to index
        %get3A_2090 = arith.constant 16 : index
        %get3A_2091 = tpu.vector_load %arg8[%get3A_2089, %get3A_2090] {strides = array<i32>} : memref<160x128xf32, #tpu.memory_space<vmem>>, vector<16xf32>,
        %mul3A_2092 = arith.mulf %broadcast_in_dim3A_2084, %get3A_2091 : vector<16xf32>
        %get3A_2093 = arith.index_cast %add3A_2081 : i32 to index
        %get3A_2094 = arith.constant 32 : index
        %get3A_2095 = tpu.vector_load %arg8[%get3A_2093, %get3A_2094] {strides = array<i32>} : memref<160x128xf32, #tpu.memory_space<vmem>>, vector<16xf32>,
        %mul3A_2096 = arith.mulf %broadcast_in_dim3A_2084, %get3A_2095 : vector<16xf32>
        %get3A_2097 = arith.index_cast %add3A_2081 : i32 to index
        %get3A_2098 = arith.constant 48 : index
        %get3A_2099 = tpu.vector_load %arg8[%get3A_2097, %get3A_2098] {strides = array<i32>} : memref<160x128xf32, #tpu.memory_space<vmem>>, vector<16xf32>,
        %mul3A_2100 = arith.mulf %broadcast_in_dim3A_2084, %get3A_2099 : vector<16xf32>
        %get3A_2101 = arith.index_cast %add3A_2081 : i32 to index
        %get3A_2102 = arith.constant 64 : index
        %get3A_2103 = tpu.vector_load %arg8[%get3A_2101, %get3A_2102] {strides = array<i32>} : memref<160x128xf32, #tpu.memory_space<vmem>>, vector<16xf32>,
        %mul3A_2104 = arith.mulf %broadcast_in_dim3A_2084, %get3A_2103 : vector<16xf32>
        %get3A_2105 = arith.index_cast %add3A_2081 : i32 to index
        %get3A_2106 = arith.constant 80 : index
        %get3A_2107 = tpu.vector_load %arg8[%get3A_2105, %get3A_2106] {strides = array<i32>} : memref<160x128xf32, #tpu.memory_space<vmem>>, vector<16xf32>,
        %mul3A_2108 = arith.mulf %broadcast_in_dim3A_2084, %get3A_2107 : vector<16xf32>
        %get3A_2109 = arith.index_cast %add3A_2081 : i32 to index
        %get3A_2110 = arith.constant 96 : index
        %get3A_2111 = tpu.vector_load %arg8[%get3A_2109, %get3A_2110] {strides = array<i32>} : memref<160x128xf32, #tpu.memory_space<vmem>>, vector<16xf32>,
        %mul3A_2112 = arith.mulf %broadcast_in_dim3A_2084, %get3A_2111 : vector<16xf32>
        %get3A_2113 = arith.index_cast %add3A_2081 : i32 to index
        %get3A_2114 = arith.constant 112 : index
        %get3A_2115 = tpu.vector_load %arg8[%get3A_2113, %get3A_2114] {strides = array<i32>} : memref<160x128xf32, #tpu.memory_space<vmem>>, vector<16xf32>,
        %mul3A_2116 = arith.mulf %broadcast_in_dim3A_2084, %get3A_2115 : vector<16xf32>
        %swap3A_2117 = arith.index_cast %squeeze3A_2083 : i32 to index
        %swap3A_2118 = arith.constant 0 : index
        %swap3A_2119 = tpu.vector_load %arg12[%swap3A_2117, %swap3A_2118] {strides = array<i32>} : memref<512x128xf32, #tpu.memory_space<vmem>>, vector<16xf32>,
        tpu.vector_store %arg12[%swap3A_2117, %swap3A_2118], %mul3A_2088 {add = true, strides = array<i32>} : memref<512x128xf32, #tpu.memory_space<vmem>>, vector<16xf32>,
        %swap3A_2120 = arith.index_cast %squeeze3A_2083 : i32 to index
        %swap3A_2121 = arith.constant 16 : index
        %swap3A_2122 = tpu.vector_load %arg12[%swap3A_2120, %swap3A_2121] {strides = array<i32>} : memref<512x128xf32, #tpu.memory_space<vmem>>, vector<16xf32>,
        tpu.vector_store %arg12[%swap3A_2120, %swap3A_2121], %mul3A_2092 {add = true, strides = array<i32>} : memref<512x128xf32, #tpu.memory_space<vmem>>, vector<16xf32>,
        %swap3A_2123 = arith.index_cast %squeeze3A_2083 : i32 to index
        %swap3A_2124 = arith.constant 32 : index
        %swap3A_2125 = tpu.vector_load %arg12[%swap3A_2123, %swap3A_2124] {strides = array<i32>} : memref<512x128xf32, #tpu.memory_space<vmem>>, vector<16xf32>,
        tpu.vector_store %arg12[%swap3A_2123, %swap3A_2124], %mul3A_2096 {add = true, strides = array<i32>} : memref<512x128xf32, #tpu.memory_space<vmem>>, vector<16xf32>,
        %swap3A_2126 = arith.index_cast %squeeze3A_2083 : i32 to index
        %swap3A_2127 = arith.constant 48 : index
        %swap3A_2128 = tpu.vector_load %arg12[%swap3A_2126, %swap3A_2127] {strides = array<i32>} : memref<512x128xf32, #tpu.memory_space<vmem>>, vector<16xf32>,
        tpu.vector_store %arg12[%swap3A_2126, %swap3A_2127], %mul3A_2100 {add = true, strides = array<i32>} : memref<512x128xf32, #tpu.memory_space<vmem>>, vector<16xf32>,
        %swap3A_2129 = arith.index_cast %squeeze3A_2083 : i32 to index
        %swap3A_2130 = arith.constant 64 : index
        %swap3A_2131 = tpu.vector_load %arg12[%swap3A_2129, %swap3A_2130] {strides = array<i32>} : memref<512x128xf32, #tpu.memory_space<vmem>>, vector<16xf32>,
        tpu.vector_store %arg12[%swap3A_2129, %swap3A_2130], %mul3A_2104 {add = true, strides = array<i32>} : memref<512x128xf32, #tpu.memory_space<vmem>>, vector<16xf32>,
        %swap3A_2132 = arith.index_cast %squeeze3A_2083 : i32 to index
        %swap3A_2133 = arith.constant 80 : index
        %swap3A_2134 = tpu.vector_load %arg12[%swap3A_2132, %swap3A_2133] {strides = array<i32>} : memref<512x128xf32, #tpu.memory_space<vmem>>, vector<16xf32>,
        tpu.vector_store %arg12[%swap3A_2132, %swap3A_2133], %mul3A_2108 {add = true, strides = array<i32>} : memref<512x128xf32, #tpu.memory_space<vmem>>, vector<16xf32>,
        %swap3A_2135 = arith.index_cast %squeeze3A_2083 : i32 to index
        %swap3A_2136 = arith.constant 96 : index
        %swap3A_2137 = tpu.vector_load %arg12[%swap3A_2135, %swap3A_2136] {strides = array<i32>} : memref<512x128xf32, #tpu.memory_space<vmem>>, vector<16xf32>,
        tpu.vector_store %arg12[%swap3A_2135, %swap3A_2136], %mul3A_2112 {add = true, strides = array<i32>} : memref<512x128xf32, #tpu.memory_space<vmem>>, vector<16xf32>,
        %swap3A_2138 = arith.index_cast %squeeze3A_2083 : i32 to index
        %swap3A_2139 = arith.constant 112 : index
        %swap3A_2140 = tpu.vector_load %arg12[%swap3A_2138, %swap3A_2139] {strides = array<i32>} : memref<512x128xf32, #tpu.memory_space<vmem>>, vector<16xf32>,
        tpu.vector_store %arg12[%swap3A_2138, %swap3A_2139], %mul3A_2116 {add = true, strides = array<i32>} : memref<512x128xf32, #tpu.memory_space<vmem>>, vector<16xf32>,
      }
      %scan3A_91 = arith.constant 10 : i32
      %add3A_92 = arith.constant 1 : i32
      %add3A_93 = arith.addi %add3A_73, %add3A_92 : i32
      %lt3A_94 = arith.cmpi slt, %add3A_93, %select_n3A : i32
      %convert_element_type3A_95 = arith.extui %lt3A_94 : i1 to i32
      %cond3A_96 = arith.constant 0 : i32
      %cond3A_97 = arith.cmpi ne, %convert_element_type3A_95, %cond3A_96 : i32
      scf.if %cond3A_97 {
        %add3A_102 = arith.constant 1 : i32
        %add3A_103 = arith.addi %add3A_73, %add3A_102 : i32
        %add3A_104 = arith.addi %sub3A_28, %add3A_103 : i32
        %mul3A_105 = arith.constant 160 : i32
        %mul3A_106 = arith.muli %add3A_104, %mul3A_105 : i32
        %dma_start3A_107 = arith.constant 0 : i32
        %dma_start3A_108 = tpu.memref_slice %arg2[%mul3A_106, %dma_start3A_107] : memref<100000x128xf32, #tpu.memory_space<hbm>> -> memref<160x128xf32, #tpu.memory_space<hbm>>
        %dma_start3A_109 = arith.constant 0 : i32
        %dma_start3A_110 = tpu.memref_slice %arg2[%mul3A_106, %dma_start3A_109] : memref<100000x128xf32, #tpu.memory_space<hbm>> -> memref<160x128xf32, #tpu.memory_space<hbm>>
        tpu.enqueue_dma source(%dma_start3A_110 : memref<160x128xf32, #tpu.memory_space<hbm>>) target(%arg8 : memref<160x128xf32, #tpu.memory_space<vmem>>) target_semaphore(%arg15 : memref<!tpu.dma_semaphore, #tpu.memory_space<semaphore_mem>>)
      } else {
      }
      %lt3A_98 = arith.cmpi slt, %add3A_73, %select_n3A : i32
      %convert_element_type3A_99 = arith.extui %lt3A_98 : i1 to i32
      %cond3A_100 = arith.constant 0 : i32
      %cond3A_101 = arith.cmpi ne, %convert_element_type3A_99, %cond3A_100 : i32
      scf.if %cond3A_101 {
        %dma_wait3A_102 = arith.constant 0 : i32
        %dma_wait3A_103 = arith.constant 0 : i32
        %dma_wait3A_104 = tpu.memref_slice %arg2[%dma_wait3A_102, %dma_wait3A_103] : memref<100000x128xf32, #tpu.memory_space<hbm>> -> memref<160x128xf32, #tpu.memory_space<hbm>>
        %dma_wait3A_105 = arith.constant 0 : i32
        %dma_wait3A_106 = arith.constant 0 : i32
        %dma_wait3A_107 = tpu.memref_slice %arg2[%dma_wait3A_105, %dma_wait3A_106] : memref<100000x128xf32, #tpu.memory_space<hbm>> -> memref<160x128xf32, #tpu.memory_space<hbm>>
        tpu.wait_dma2 semaphore(%arg16 : memref<!tpu.dma_semaphore, #tpu.memory_space<semaphore_mem>>) src(%dma_wait3A_107 : memref<160x128xf32, #tpu.memory_space<hbm>>) dst(%arg9 : memref<160x128xf32, #tpu.memory_space<vmem>>)
        %mul3A_108 = arith.constant 160 : i32
        %mul3A_109 = arith.muli %add3A_73, %mul3A_108 : i32
        %scan3A_110 = arith.constant 0 : i32
        %scan3A_111 = arith.constant 0 : i32
        %scan3A_112 = arith.constant 10 : i32
        %scan3A_113 = arith.addi %scan3A_111, %scan3A_112 : i32
        %scan3A_114 = arith.constant 1 : i32
        scf.for %scan3A_116 = %scan3A_111 to %scan3A_113 step %scan3A_114  : i32 {
          %mul3A_117 = arith.constant 16 : i32
          %mul3A_118 = arith.muli %mul3A_117, %scan3A_116 : i32
          %add3A_119 = arith.addi %mul3A_109, %mul3A_118 : i32
          %get3A_120 = arith.index_cast %add3A_119 : i32 to index
          %get3A_121 = tpu.vector_load %arg10[%get3A_120] {strides = array<i32>} : memref<3200xi32, #tpu.memory_space<vmem>>, vector<16xi32>,
          %mul3A_122 = arith.constant 16 : i32
          %mul3A_123 = arith.muli %mul3A_122, %scan3A_116 : i32
          %add3A_124 = arith.addi %mul3A_109, %mul3A_123 : i32
          %get3A_125 = arith.index_cast %add3A_124 : i32 to index
          %get3A_126 = tpu.vector_load %arg11[%get3A_125] {strides = array<i32>} : memref<3200xf32, #tpu.memory_space<vmem>>, vector<16xf32>,
          %mul3A_127 = arith.constant 16 : i32
          %mul3A_128 = arith.muli %mul3A_127, %scan3A_116 : i32
          %add3A_129 = arith.constant 0 : i32
          %add3A_130 = arith.addi %mul3A_128, %add3A_129 : i32
          %get3A_131 = arith.index_cast %add3A_130 : i32 to index
          %get3A_132 = arith.constant 0 : index
          %get3A_133 = tpu.vector_load %arg9[%get3A_131, %get3A_132] {strides = array<i32>} : memref<160x128xf32, #tpu.memory_space<vmem>>, vector<16xf32>,
          %get3A_134 = arith.index_cast %add3A_130 : i32 to index
          %get3A_135 = arith.constant 16 : index
          %get3A_136 = tpu.vector_load %arg9[%get3A_134, %get3A_135] {strides = array<i32>} : memref<160x128xf32, #tpu.memory_space<vmem>>, vector<16xf32>,
          %get3A_137 = arith.index_cast %add3A_130 : i32 to index
          %get3A_138 = arith.constant 32 : index
          %get3A_139 = tpu.vector_load %arg9[%get3A_137, %get3A_138] {strides = array<i32>} : memref<160x128xf32, #tpu.memory_space<vmem>>, vector<16xf32>,
          %get3A_140 = arith.index_cast %add3A_130 : i32 to index
          %get3A_141 = arith.constant 48 : index
          %get3A_142 = tpu.vector_load %arg9[%get3A_140, %get3A_141] {strides = array<i32>} : memref<160x128xf32, #tpu.memory_space<vmem>>, vector<16xf32>,
          %get3A_143 = arith.index_cast %add3A_130 : i32 to index
          %get3A_144 = arith.constant 64 : index
          %get3A_145 = tpu.vector_load %arg9[%get3A_143, %get3A_144] {strides = array<i32>} : memref<160x128xf32, #tpu.memory_space<vmem>>, vector<16xf32>,
          %get3A_146 = arith.index_cast %add3A_130 : i32 to index
          %get3A_147 = arith.constant 80 : index
          %get3A_148 = tpu.vector_load %arg9[%get3A_146, %get3A_147] {strides = array<i32>} : memref<160x128xf32, #tpu.memory_space<vmem>>, vector<16xf32>,
          %get3A_149 = arith.index_cast %add3A_130 : i32 to index
          %get3A_150 = arith.constant 96 : index
          %get3A_151 = tpu.vector_load %arg9[%get3A_149, %get3A_150] {strides = array<i32>} : memref<160x128xf32, #tpu.memory_space<vmem>>, vector<16xf32>,
          %get3A_152 = arith.index_cast %add3A_130 : i32 to index
          %get3A_153 = arith.constant 112 : index
          %get3A_154 = tpu.vector_load %arg9[%get3A_152, %get3A_153] {strides = array<i32>} : memref<160x128xf32, #tpu.memory_space<vmem>>, vector<16xf32>,
          %mul3A_155 = arith.mulf %get3A_133, %get3A_46 : vector<16xf32>
          %mul3A_156 = arith.mulf %get3A_136, %get3A_48 : vector<16xf32>
          %mul3A_157 = arith.mulf %get3A_139, %get3A_50 : vector<16xf32>
          %mul3A_158 = arith.mulf %get3A_142, %get3A_52 : vector<16xf32>
          %mul3A_159 = arith.mulf %get3A_145, %get3A_54 : vector<16xf32>
          %mul3A_160 = arith.mulf %get3A_148, %get3A_56 : vector<16xf32>
          %mul3A_161 = arith.mulf %get3A_151, %get3A_58 : vector<16xf32>
          %mul3A_162 = arith.mulf %get3A_154, %get3A_60 : vector<16xf32>
          %add3A_163 = arith.addf %mul3A_155, %mul3A_156 : vector<16xf32>
          %add3A_164 = arith.addf %mul3A_157, %mul3A_158 : vector<16xf32>
          %add3A_165 = arith.addf %mul3A_159, %mul3A_160 : vector<16xf32>
          %add3A_166 = arith.addf %mul3A_161, %mul3A_162 : vector<16xf32>
          %add3A_167 = arith.addf %add3A_163, %add3A_164 : vector<16xf32>
          %add3A_168 = arith.addf %add3A_165, %add3A_166 : vector<16xf32>
          %add3A_169 = arith.addf %add3A_167, %add3A_168 : vector<16xf32>
          %reduce_sum3A = arith.constant true
          %reduce_sum3A_170 = vector.broadcast %reduce_sum3A : i1 to vector<16xi1>
          %reduce_sum3A_171 = tpu.scan <sum>, %add3A_169 masked %reduce_sum3A_170 : vector<16xf32>, vector<16xi1> -> vector<16xf32>
          %reduce_sum3A_172 = vector.extract %reduce_sum3A_171[15] : f32 from vector<16xf32>
          %add3A_173 = arith.addf %reduce_sum3A_172, %squeeze3A : f32
          %mul3A_174 = arith.constant 16 : i32
          %mul3A_175 = arith.muli %mul3A_174, %scan3A_116 : i32
          %add3A_176 = arith.constant 1 : i32
          %add3A_177 = arith.addi %mul3A_175, %add3A_176 : i32
          %get3A_178 = arith.index_cast %add3A_177 : i32 to index
          %get3A_179 = arith.constant 0 : index
          %get3A_180 = tpu.vector_load %arg9[%get3A_178, %get3A_179] {strides = array<i32>} : memref<160x128xf32, #tpu.memory_space<vmem>>, vector<16xf32>,
          %get3A_181 = arith.index_cast %add3A_177 : i32 to index
          %get3A_182 = arith.constant 16 : index
          %get3A_183 = tpu.vector_load %arg9[%get3A_181, %get3A_182] {strides = array<i32>} : memref<160x128xf32, #tpu.memory_space<vmem>>, vector<16xf32>,
          %get3A_184 = arith.index_cast %add3A_177 : i32 to index
          %get3A_185 = arith.constant 32 : index
          %get3A_186 = tpu.vector_load %arg9[%get3A_184, %get3A_185] {strides = array<i32>} : memref<160x128xf32, #tpu.memory_space<vmem>>, vector<16xf32>,
          %get3A_187 = arith.index_cast %add3A_177 : i32 to index
          %get3A_188 = arith.constant 48 : index
          %get3A_189 = tpu.vector_load %arg9[%get3A_187, %get3A_188] {strides = array<i32>} : memref<160x128xf32, #tpu.memory_space<vmem>>, vector<16xf32>,
          %get3A_190 = arith.index_cast %add3A_177 : i32 to index
          %get3A_191 = arith.constant 64 : index
          %get3A_192 = tpu.vector_load %arg9[%get3A_190, %get3A_191] {strides = array<i32>} : memref<160x128xf32, #tpu.memory_space<vmem>>, vector<16xf32>,
          %get3A_193 = arith.index_cast %add3A_177 : i32 to index
          %get3A_194 = arith.constant 80 : index
          %get3A_195 = tpu.vector_load %arg9[%get3A_193, %get3A_194] {strides = array<i32>} : memref<160x128xf32, #tpu.memory_space<vmem>>, vector<16xf32>,
          %get3A_196 = arith.index_cast %add3A_177 : i32 to index
          %get3A_197 = arith.constant 96 : index
          %get3A_198 = tpu.vector_load %arg9[%get3A_196, %get3A_197] {strides = array<i32>} : memref<160x128xf32, #tpu.memory_space<vmem>>, vector<16xf32>,
          %get3A_199 = arith.index_cast %add3A_177 : i32 to index
          %get3A_200 = arith.constant 112 : index
          %get3A_201 = tpu.vector_load %arg9[%get3A_199, %get3A_200] {strides = array<i32>} : memref<160x128xf32, #tpu.memory_space<vmem>>, vector<16xf32>,
          %mul3A_202 = arith.mulf %get3A_180, %get3A_46 : vector<16xf32>
          %mul3A_203 = arith.mulf %get3A_183, %get3A_48 : vector<16xf32>
          %mul3A_204 = arith.mulf %get3A_186, %get3A_50 : vector<16xf32>
          %mul3A_205 = arith.mulf %get3A_189, %get3A_52 : vector<16xf32>
          %mul3A_206 = arith.mulf %get3A_192, %get3A_54 : vector<16xf32>
          %mul3A_207 = arith.mulf %get3A_195, %get3A_56 : vector<16xf32>
          %mul3A_208 = arith.mulf %get3A_198, %get3A_58 : vector<16xf32>
          %mul3A_209 = arith.mulf %get3A_201, %get3A_60 : vector<16xf32>
          %add3A_210 = arith.addf %mul3A_202, %mul3A_203 : vector<16xf32>
          %add3A_211 = arith.addf %mul3A_204, %mul3A_205 : vector<16xf32>
          %add3A_212 = arith.addf %mul3A_206, %mul3A_207 : vector<16xf32>
          %add3A_213 = arith.addf %mul3A_208, %mul3A_209 : vector<16xf32>
          %add3A_214 = arith.addf %add3A_210, %add3A_211 : vector<16xf32>
          %add3A_215 = arith.addf %add3A_212, %add3A_213 : vector<16xf32>
          %add3A_216 = arith.addf %add3A_214, %add3A_215 : vector<16xf32>
          %reduce_sum3A_217 = arith.constant true
          %reduce_sum3A_218 = vector.broadcast %reduce_sum3A_217 : i1 to vector<16xi1>
          %reduce_sum3A_219 = tpu.scan <sum>, %add3A_216 masked %reduce_sum3A_218 : vector<16xf32>, vector<16xi1> -> vector<16xf32>
          %reduce_sum3A_220 = vector.extract %reduce_sum3A_219[15] : f32 from vector<16xf32>
          %add3A_221 = arith.addf %reduce_sum3A_220, %squeeze3A : f32
          %mul3A_222 = arith.constant 16 : i32
          %mul3A_223 = arith.muli %mul3A_222, %scan3A_116 : i32
          %add3A_224 = arith.constant 2 : i32
          %add3A_225 = arith.addi %mul3A_223, %add3A_224 : i32
          %get3A_226 = arith.index_cast %add3A_225 : i32 to index
          %get3A_227 = arith.constant 0 : index
          %get3A_228 = tpu.vector_load %arg9[%get3A_226, %get3A_227] {strides = array<i32>} : memref<160x128xf32, #tpu.memory_space<vmem>>, vector<16xf32>,
          %get3A_229 = arith.index_cast %add3A_225 : i32 to index
          %get3A_230 = arith.constant 16 : index
          %get3A_231 = tpu.vector_load %arg9[%get3A_229, %get3A_230] {strides = array<i32>} : memref<160x128xf32, #tpu.memory_space<vmem>>, vector<16xf32>,
          %get3A_232 = arith.index_cast %add3A_225 : i32 to index
          %get3A_233 = arith.constant 32 : index
          %get3A_234 = tpu.vector_load %arg9[%get3A_232, %get3A_233] {strides = array<i32>} : memref<160x128xf32, #tpu.memory_space<vmem>>, vector<16xf32>,
          %get3A_235 = arith.index_cast %add3A_225 : i32 to index
          %get3A_236 = arith.constant 48 : index
          %get3A_237 = tpu.vector_load %arg9[%get3A_235, %get3A_236] {strides = array<i32>} : memref<160x128xf32, #tpu.memory_space<vmem>>, vector<16xf32>,
          %get3A_238 = arith.index_cast %add3A_225 : i32 to index
          %get3A_239 = arith.constant 64 : index
          %get3A_240 = tpu.vector_load %arg9[%get3A_238, %get3A_239] {strides = array<i32>} : memref<160x128xf32, #tpu.memory_space<vmem>>, vector<16xf32>,
          %get3A_241 = arith.index_cast %add3A_225 : i32 to index
          %get3A_242 = arith.constant 80 : index
          %get3A_243 = tpu.vector_load %arg9[%get3A_241, %get3A_242] {strides = array<i32>} : memref<160x128xf32, #tpu.memory_space<vmem>>, vector<16xf32>,
          %get3A_244 = arith.index_cast %add3A_225 : i32 to index
          %get3A_245 = arith.constant 96 : index
          %get3A_246 = tpu.vector_load %arg9[%get3A_244, %get3A_245] {strides = array<i32>} : memref<160x128xf32, #tpu.memory_space<vmem>>, vector<16xf32>,
          %get3A_247 = arith.index_cast %add3A_225 : i32 to index
          %get3A_248 = arith.constant 112 : index
          %get3A_249 = tpu.vector_load %arg9[%get3A_247, %get3A_248] {strides = array<i32>} : memref<160x128xf32, #tpu.memory_space<vmem>>, vector<16xf32>,
          %mul3A_250 = arith.mulf %get3A_228, %get3A_46 : vector<16xf32>
          %mul3A_251 = arith.mulf %get3A_231, %get3A_48 : vector<16xf32>
          %mul3A_252 = arith.mulf %get3A_234, %get3A_50 : vector<16xf32>
          %mul3A_253 = arith.mulf %get3A_237, %get3A_52 : vector<16xf32>
          %mul3A_254 = arith.mulf %get3A_240, %get3A_54 : vector<16xf32>
          %mul3A_255 = arith.mulf %get3A_243, %get3A_56 : vector<16xf32>
          %mul3A_256 = arith.mulf %get3A_246, %get3A_58 : vector<16xf32>
          %mul3A_257 = arith.mulf %get3A_249, %get3A_60 : vector<16xf32>
          %add3A_258 = arith.addf %mul3A_250, %mul3A_251 : vector<16xf32>
          %add3A_259 = arith.addf %mul3A_252, %mul3A_253 : vector<16xf32>
          %add3A_260 = arith.addf %mul3A_254, %mul3A_255 : vector<16xf32>
          %add3A_261 = arith.addf %mul3A_256, %mul3A_257 : vector<16xf32>
          %add3A_262 = arith.addf %add3A_258, %add3A_259 : vector<16xf32>
          %add3A_263 = arith.addf %add3A_260, %add3A_261 : vector<16xf32>
          %add3A_264 = arith.addf %add3A_262, %add3A_263 : vector<16xf32>
          %reduce_sum3A_265 = arith.constant true
          %reduce_sum3A_266 = vector.broadcast %reduce_sum3A_265 : i1 to vector<16xi1>
          %reduce_sum3A_267 = tpu.scan <sum>, %add3A_264 masked %reduce_sum3A_266 : vector<16xf32>, vector<16xi1> -> vector<16xf32>
          %reduce_sum3A_268 = vector.extract %reduce_sum3A_267[15] : f32 from vector<16xf32>
          %add3A_269 = arith.addf %reduce_sum3A_268, %squeeze3A : f32
          %mul3A_270 = arith.constant 16 : i32
          %mul3A_271 = arith.muli %mul3A_270, %scan3A_116 : i32
          %add3A_272 = arith.constant 3 : i32
          %add3A_273 = arith.addi %mul3A_271, %add3A_272 : i32
          %get3A_274 = arith.index_cast %add3A_273 : i32 to index
          %get3A_275 = arith.constant 0 : index
          %get3A_276 = tpu.vector_load %arg9[%get3A_274, %get3A_275] {strides = array<i32>} : memref<160x128xf32, #tpu.memory_space<vmem>>, vector<16xf32>,
          %get3A_277 = arith.index_cast %add3A_273 : i32 to index
          %get3A_278 = arith.constant 16 : index
          %get3A_279 = tpu.vector_load %arg9[%get3A_277, %get3A_278] {strides = array<i32>} : memref<160x128xf32, #tpu.memory_space<vmem>>, vector<16xf32>,
          %get3A_280 = arith.index_cast %add3A_273 : i32 to index
          %get3A_281 = arith.constant 32 : index
          %get3A_282 = tpu.vector_load %arg9[%get3A_280, %get3A_281] {strides = array<i32>} : memref<160x128xf32, #tpu.memory_space<vmem>>, vector<16xf32>,
          %get3A_283 = arith.index_cast %add3A_273 : i32 to index
          %get3A_284 = arith.constant 48 : index
          %get3A_285 = tpu.vector_load %arg9[%get3A_283, %get3A_284] {strides = array<i32>} : memref<160x128xf32, #tpu.memory_space<vmem>>, vector<16xf32>,
          %get3A_286 = arith.index_cast %add3A_273 : i32 to index
          %get3A_287 = arith.constant 64 : index
          %get3A_288 = tpu.vector_load %arg9[%get3A_286, %get3A_287] {strides = array<i32>} : memref<160x128xf32, #tpu.memory_space<vmem>>, vector<16xf32>,
          %get3A_289 = arith.index_cast %add3A_273 : i32 to index
          %get3A_290 = arith.constant 80 : index
          %get3A_291 = tpu.vector_load %arg9[%get3A_289, %get3A_290] {strides = array<i32>} : memref<160x128xf32, #tpu.memory_space<vmem>>, vector<16xf32>,
          %get3A_292 = arith.index_cast %add3A_273 : i32 to index
          %get3A_293 = arith.constant 96 : index
          %get3A_294 = tpu.vector_load %arg9[%get3A_292, %get3A_293] {strides = array<i32>} : memref<160x128xf32, #tpu.memory_space<vmem>>, vector<16xf32>,
          %get3A_295 = arith.index_cast %add3A_273 : i32 to index
          %get3A_296 = arith.constant 112 : index
          %get3A_297 = tpu.vector_load %arg9[%get3A_295, %get3A_296] {strides = array<i32>} : memref<160x128xf32, #tpu.memory_space<vmem>>, vector<16xf32>,
          %mul3A_298 = arith.mulf %get3A_276, %get3A_46 : vector<16xf32>
          %mul3A_299 = arith.mulf %get3A_279, %get3A_48 : vector<16xf32>
          %mul3A_300 = arith.mulf %get3A_282, %get3A_50 : vector<16xf32>
          %mul3A_301 = arith.mulf %get3A_285, %get3A_52 : vector<16xf32>
          %mul3A_302 = arith.mulf %get3A_288, %get3A_54 : vector<16xf32>
          %mul3A_303 = arith.mulf %get3A_291, %get3A_56 : vector<16xf32>
          %mul3A_304 = arith.mulf %get3A_294, %get3A_58 : vector<16xf32>
          %mul3A_305 = arith.mulf %get3A_297, %get3A_60 : vector<16xf32>
          %add3A_306 = arith.addf %mul3A_298, %mul3A_299 : vector<16xf32>
          %add3A_307 = arith.addf %mul3A_300, %mul3A_301 : vector<16xf32>
          %add3A_308 = arith.addf %mul3A_302, %mul3A_303 : vector<16xf32>
          %add3A_309 = arith.addf %mul3A_304, %mul3A_305 : vector<16xf32>
          %add3A_310 = arith.addf %add3A_306, %add3A_307 : vector<16xf32>
          %add3A_311 = arith.addf %add3A_308, %add3A_309 : vector<16xf32>
          %add3A_312 = arith.addf %add3A_310, %add3A_311 : vector<16xf32>
          %reduce_sum3A_313 = arith.constant true
          %reduce_sum3A_314 = vector.broadcast %reduce_sum3A_313 : i1 to vector<16xi1>
          %reduce_sum3A_315 = tpu.scan <sum>, %add3A_312 masked %reduce_sum3A_314 : vector<16xf32>, vector<16xi1> -> vector<16xf32>
          %reduce_sum3A_316 = vector.extract %reduce_sum3A_315[15] : f32 from vector<16xf32>
          %add3A_317 = arith.addf %reduce_sum3A_316, %squeeze3A : f32
          %mul3A_318 = arith.constant 16 : i32
          %mul3A_319 = arith.muli %mul3A_318, %scan3A_116 : i32
          %add3A_320 = arith.constant 4 : i32
          %add3A_321 = arith.addi %mul3A_319, %add3A_320 : i32
          %get3A_322 = arith.index_cast %add3A_321 : i32 to index
          %get3A_323 = arith.constant 0 : index
          %get3A_324 = tpu.vector_load %arg9[%get3A_322, %get3A_323] {strides = array<i32>} : memref<160x128xf32, #tpu.memory_space<vmem>>, vector<16xf32>,
          %get3A_325 = arith.index_cast %add3A_321 : i32 to index
          %get3A_326 = arith.constant 16 : index
          %get3A_327 = tpu.vector_load %arg9[%get3A_325, %get3A_326] {strides = array<i32>} : memref<160x128xf32, #tpu.memory_space<vmem>>, vector<16xf32>,
          %get3A_328 = arith.index_cast %add3A_321 : i32 to index
          %get3A_329 = arith.constant 32 : index
          %get3A_330 = tpu.vector_load %arg9[%get3A_328, %get3A_329] {strides = array<i32>} : memref<160x128xf32, #tpu.memory_space<vmem>>, vector<16xf32>,
          %get3A_331 = arith.index_cast %add3A_321 : i32 to index
          %get3A_332 = arith.constant 48 : index
          %get3A_333 = tpu.vector_load %arg9[%get3A_331, %get3A_332] {strides = array<i32>} : memref<160x128xf32, #tpu.memory_space<vmem>>, vector<16xf32>,
          %get3A_334 = arith.index_cast %add3A_321 : i32 to index
          %get3A_335 = arith.constant 64 : index
          %get3A_336 = tpu.vector_load %arg9[%get3A_334, %get3A_335] {strides = array<i32>} : memref<160x128xf32, #tpu.memory_space<vmem>>, vector<16xf32>,
          %get3A_337 = arith.index_cast %add3A_321 : i32 to index
          %get3A_338 = arith.constant 80 : index
          %get3A_339 = tpu.vector_load %arg9[%get3A_337, %get3A_338] {strides = array<i32>} : memref<160x128xf32, #tpu.memory_space<vmem>>, vector<16xf32>,
          %get3A_340 = arith.index_cast %add3A_321 : i32 to index
          %get3A_341 = arith.constant 96 : index
          %get3A_342 = tpu.vector_load %arg9[%get3A_340, %get3A_341] {strides = array<i32>} : memref<160x128xf32, #tpu.memory_space<vmem>>, vector<16xf32>,
          %get3A_343 = arith.index_cast %add3A_321 : i32 to index
          %get3A_344 = arith.constant 112 : index
          %get3A_345 = tpu.vector_load %arg9[%get3A_343, %get3A_344] {strides = array<i32>} : memref<160x128xf32, #tpu.memory_space<vmem>>, vector<16xf32>,
          %mul3A_346 = arith.mulf %get3A_324, %get3A_46 : vector<16xf32>
          %mul3A_347 = arith.mulf %get3A_327, %get3A_48 : vector<16xf32>
          %mul3A_348 = arith.mulf %get3A_330, %get3A_50 : vector<16xf32>
          %mul3A_349 = arith.mulf %get3A_333, %get3A_52 : vector<16xf32>
          %mul3A_350 = arith.mulf %get3A_336, %get3A_54 : vector<16xf32>
          %mul3A_351 = arith.mulf %get3A_339, %get3A_56 : vector<16xf32>
          %mul3A_352 = arith.mulf %get3A_342, %get3A_58 : vector<16xf32>
          %mul3A_353 = arith.mulf %get3A_345, %get3A_60 : vector<16xf32>
          %add3A_354 = arith.addf %mul3A_346, %mul3A_347 : vector<16xf32>
          %add3A_355 = arith.addf %mul3A_348, %mul3A_349 : vector<16xf32>
          %add3A_356 = arith.addf %mul3A_350, %mul3A_351 : vector<16xf32>
          %add3A_357 = arith.addf %mul3A_352, %mul3A_353 : vector<16xf32>
          %add3A_358 = arith.addf %add3A_354, %add3A_355 : vector<16xf32>
          %add3A_359 = arith.addf %add3A_356, %add3A_357 : vector<16xf32>
          %add3A_360 = arith.addf %add3A_358, %add3A_359 : vector<16xf32>
          %reduce_sum3A_361 = arith.constant true
          %reduce_sum3A_362 = vector.broadcast %reduce_sum3A_361 : i1 to vector<16xi1>
          %reduce_sum3A_363 = tpu.scan <sum>, %add3A_360 masked %reduce_sum3A_362 : vector<16xf32>, vector<16xi1> -> vector<16xf32>
          %reduce_sum3A_364 = vector.extract %reduce_sum3A_363[15] : f32 from vector<16xf32>
          %add3A_365 = arith.addf %reduce_sum3A_364, %squeeze3A : f32
          %mul3A_366 = arith.constant 16 : i32
          %mul3A_367 = arith.muli %mul3A_366, %scan3A_116 : i32
          %add3A_368 = arith.constant 5 : i32
          %add3A_369 = arith.addi %mul3A_367, %add3A_368 : i32
          %get3A_370 = arith.index_cast %add3A_369 : i32 to index
          %get3A_371 = arith.constant 0 : index
          %get3A_372 = tpu.vector_load %arg9[%get3A_370, %get3A_371] {strides = array<i32>} : memref<160x128xf32, #tpu.memory_space<vmem>>, vector<16xf32>,
          %get3A_373 = arith.index_cast %add3A_369 : i32 to index
          %get3A_374 = arith.constant 16 : index
          %get3A_375 = tpu.vector_load %arg9[%get3A_373, %get3A_374] {strides = array<i32>} : memref<160x128xf32, #tpu.memory_space<vmem>>, vector<16xf32>,
          %get3A_376 = arith.index_cast %add3A_369 : i32 to index
          %get3A_377 = arith.constant 32 : index
          %get3A_378 = tpu.vector_load %arg9[%get3A_376, %get3A_377] {strides = array<i32>} : memref<160x128xf32, #tpu.memory_space<vmem>>, vector<16xf32>,
          %get3A_379 = arith.index_cast %add3A_369 : i32 to index
          %get3A_380 = arith.constant 48 : index
          %get3A_381 = tpu.vector_load %arg9[%get3A_379, %get3A_380] {strides = array<i32>} : memref<160x128xf32, #tpu.memory_space<vmem>>, vector<16xf32>,
          %get3A_382 = arith.index_cast %add3A_369 : i32 to index
          %get3A_383 = arith.constant 64 : index
          %get3A_384 = tpu.vector_load %arg9[%get3A_382, %get3A_383] {strides = array<i32>} : memref<160x128xf32, #tpu.memory_space<vmem>>, vector<16xf32>,
          %get3A_385 = arith.index_cast %add3A_369 : i32 to index
          %get3A_386 = arith.constant 80 : index
          %get3A_387 = tpu.vector_load %arg9[%get3A_385, %get3A_386] {strides = array<i32>} : memref<160x128xf32, #tpu.memory_space<vmem>>, vector<16xf32>,
          %get3A_388 = arith.index_cast %add3A_369 : i32 to index
          %get3A_389 = arith.constant 96 : index
          %get3A_390 = tpu.vector_load %arg9[%get3A_388, %get3A_389] {strides = array<i32>} : memref<160x128xf32, #tpu.memory_space<vmem>>, vector<16xf32>,
          %get3A_391 = arith.index_cast %add3A_369 : i32 to index
          %get3A_392 = arith.constant 112 : index
          %get3A_393 = tpu.vector_load %arg9[%get3A_391, %get3A_392] {strides = array<i32>} : memref<160x128xf32, #tpu.memory_space<vmem>>, vector<16xf32>,
          %mul3A_394 = arith.mulf %get3A_372, %get3A_46 : vector<16xf32>
          %mul3A_395 = arith.mulf %get3A_375, %get3A_48 : vector<16xf32>
          %mul3A_396 = arith.mulf %get3A_378, %get3A_50 : vector<16xf32>
          %mul3A_397 = arith.mulf %get3A_381, %get3A_52 : vector<16xf32>
          %mul3A_398 = arith.mulf %get3A_384, %get3A_54 : vector<16xf32>
          %mul3A_399 = arith.mulf %get3A_387, %get3A_56 : vector<16xf32>
          %mul3A_400 = arith.mulf %get3A_390, %get3A_58 : vector<16xf32>
          %mul3A_401 = arith.mulf %get3A_393, %get3A_60 : vector<16xf32>
          %add3A_402 = arith.addf %mul3A_394, %mul3A_395 : vector<16xf32>
          %add3A_403 = arith.addf %mul3A_396, %mul3A_397 : vector<16xf32>
          %add3A_404 = arith.addf %mul3A_398, %mul3A_399 : vector<16xf32>
          %add3A_405 = arith.addf %mul3A_400, %mul3A_401 : vector<16xf32>
          %add3A_406 = arith.addf %add3A_402, %add3A_403 : vector<16xf32>
          %add3A_407 = arith.addf %add3A_404, %add3A_405 : vector<16xf32>
          %add3A_408 = arith.addf %add3A_406, %add3A_407 : vector<16xf32>
          %reduce_sum3A_409 = arith.constant true
          %reduce_sum3A_410 = vector.broadcast %reduce_sum3A_409 : i1 to vector<16xi1>
          %reduce_sum3A_411 = tpu.scan <sum>, %add3A_408 masked %reduce_sum3A_410 : vector<16xf32>, vector<16xi1> -> vector<16xf32>
          %reduce_sum3A_412 = vector.extract %reduce_sum3A_411[15] : f32 from vector<16xf32>
          %add3A_413 = arith.addf %reduce_sum3A_412, %squeeze3A : f32
          %mul3A_414 = arith.constant 16 : i32
          %mul3A_415 = arith.muli %mul3A_414, %scan3A_116 : i32
          %add3A_416 = arith.constant 6 : i32
          %add3A_417 = arith.addi %mul3A_415, %add3A_416 : i32
          %get3A_418 = arith.index_cast %add3A_417 : i32 to index
          %get3A_419 = arith.constant 0 : index
          %get3A_420 = tpu.vector_load %arg9[%get3A_418, %get3A_419] {strides = array<i32>} : memref<160x128xf32, #tpu.memory_space<vmem>>, vector<16xf32>,
          %get3A_421 = arith.index_cast %add3A_417 : i32 to index
          %get3A_422 = arith.constant 16 : index
          %get3A_423 = tpu.vector_load %arg9[%get3A_421, %get3A_422] {strides = array<i32>} : memref<160x128xf32, #tpu.memory_space<vmem>>, vector<16xf32>,
          %get3A_424 = arith.index_cast %add3A_417 : i32 to index
          %get3A_425 = arith.constant 32 : index
          %get3A_426 = tpu.vector_load %arg9[%get3A_424, %get3A_425] {strides = array<i32>} : memref<160x128xf32, #tpu.memory_space<vmem>>, vector<16xf32>,
          %get3A_427 = arith.index_cast %add3A_417 : i32 to index
          %get3A_428 = arith.constant 48 : index
          %get3A_429 = tpu.vector_load %arg9[%get3A_427, %get3A_428] {strides = array<i32>} : memref<160x128xf32, #tpu.memory_space<vmem>>, vector<16xf32>,
          %get3A_430 = arith.index_cast %add3A_417 : i32 to index
          %get3A_431 = arith.constant 64 : index
          %get3A_432 = tpu.vector_load %arg9[%get3A_430, %get3A_431] {strides = array<i32>} : memref<160x128xf32, #tpu.memory_space<vmem>>, vector<16xf32>,
          %get3A_433 = arith.index_cast %add3A_417 : i32 to index
          %get3A_434 = arith.constant 80 : index
          %get3A_435 = tpu.vector_load %arg9[%get3A_433, %get3A_434] {strides = array<i32>} : memref<160x128xf32, #tpu.memory_space<vmem>>, vector<16xf32>,
          %get3A_436 = arith.index_cast %add3A_417 : i32 to index
          %get3A_437 = arith.constant 96 : index
          %get3A_438 = tpu.vector_load %arg9[%get3A_436, %get3A_437] {strides = array<i32>} : memref<160x128xf32, #tpu.memory_space<vmem>>, vector<16xf32>,
          %get3A_439 = arith.index_cast %add3A_417 : i32 to index
          %get3A_440 = arith.constant 112 : index
          %get3A_441 = tpu.vector_load %arg9[%get3A_439, %get3A_440] {strides = array<i32>} : memref<160x128xf32, #tpu.memory_space<vmem>>, vector<16xf32>,
          %mul3A_442 = arith.mulf %get3A_420, %get3A_46 : vector<16xf32>
          %mul3A_443 = arith.mulf %get3A_423, %get3A_48 : vector<16xf32>
          %mul3A_444 = arith.mulf %get3A_426, %get3A_50 : vector<16xf32>
          %mul3A_445 = arith.mulf %get3A_429, %get3A_52 : vector<16xf32>
          %mul3A_446 = arith.mulf %get3A_432, %get3A_54 : vector<16xf32>
          %mul3A_447 = arith.mulf %get3A_435, %get3A_56 : vector<16xf32>
          %mul3A_448 = arith.mulf %get3A_438, %get3A_58 : vector<16xf32>
          %mul3A_449 = arith.mulf %get3A_441, %get3A_60 : vector<16xf32>
          %add3A_450 = arith.addf %mul3A_442, %mul3A_443 : vector<16xf32>
          %add3A_451 = arith.addf %mul3A_444, %mul3A_445 : vector<16xf32>
          %add3A_452 = arith.addf %mul3A_446, %mul3A_447 : vector<16xf32>
          %add3A_453 = arith.addf %mul3A_448, %mul3A_449 : vector<16xf32>
          %add3A_454 = arith.addf %add3A_450, %add3A_451 : vector<16xf32>
          %add3A_455 = arith.addf %add3A_452, %add3A_453 : vector<16xf32>
          %add3A_456 = arith.addf %add3A_454, %add3A_455 : vector<16xf32>
          %reduce_sum3A_457 = arith.constant true
          %reduce_sum3A_458 = vector.broadcast %reduce_sum3A_457 : i1 to vector<16xi1>
          %reduce_sum3A_459 = tpu.scan <sum>, %add3A_456 masked %reduce_sum3A_458 : vector<16xf32>, vector<16xi1> -> vector<16xf32>
          %reduce_sum3A_460 = vector.extract %reduce_sum3A_459[15] : f32 from vector<16xf32>
          %add3A_461 = arith.addf %reduce_sum3A_460, %squeeze3A : f32
          %mul3A_462 = arith.constant 16 : i32
          %mul3A_463 = arith.muli %mul3A_462, %scan3A_116 : i32
          %add3A_464 = arith.constant 7 : i32
          %add3A_465 = arith.addi %mul3A_463, %add3A_464 : i32
          %get3A_466 = arith.index_cast %add3A_465 : i32 to index
          %get3A_467 = arith.constant 0 : index
          %get3A_468 = tpu.vector_load %arg9[%get3A_466, %get3A_467] {strides = array<i32>} : memref<160x128xf32, #tpu.memory_space<vmem>>, vector<16xf32>,
          %get3A_469 = arith.index_cast %add3A_465 : i32 to index
          %get3A_470 = arith.constant 16 : index
          %get3A_471 = tpu.vector_load %arg9[%get3A_469, %get3A_470] {strides = array<i32>} : memref<160x128xf32, #tpu.memory_space<vmem>>, vector<16xf32>,
          %get3A_472 = arith.index_cast %add3A_465 : i32 to index
          %get3A_473 = arith.constant 32 : index
          %get3A_474 = tpu.vector_load %arg9[%get3A_472, %get3A_473] {strides = array<i32>} : memref<160x128xf32, #tpu.memory_space<vmem>>, vector<16xf32>,
          %get3A_475 = arith.index_cast %add3A_465 : i32 to index
          %get3A_476 = arith.constant 48 : index
          %get3A_477 = tpu.vector_load %arg9[%get3A_475, %get3A_476] {strides = array<i32>} : memref<160x128xf32, #tpu.memory_space<vmem>>, vector<16xf32>,
          %get3A_478 = arith.index_cast %add3A_465 : i32 to index
          %get3A_479 = arith.constant 64 : index
          %get3A_480 = tpu.vector_load %arg9[%get3A_478, %get3A_479] {strides = array<i32>} : memref<160x128xf32, #tpu.memory_space<vmem>>, vector<16xf32>,
          %get3A_481 = arith.index_cast %add3A_465 : i32 to index
          %get3A_482 = arith.constant 80 : index
          %get3A_483 = tpu.vector_load %arg9[%get3A_481, %get3A_482] {strides = array<i32>} : memref<160x128xf32, #tpu.memory_space<vmem>>, vector<16xf32>,
          %get3A_484 = arith.index_cast %add3A_465 : i32 to index
          %get3A_485 = arith.constant 96 : index
          %get3A_486 = tpu.vector_load %arg9[%get3A_484, %get3A_485] {strides = array<i32>} : memref<160x128xf32, #tpu.memory_space<vmem>>, vector<16xf32>,
          %get3A_487 = arith.index_cast %add3A_465 : i32 to index
          %get3A_488 = arith.constant 112 : index
          %get3A_489 = tpu.vector_load %arg9[%get3A_487, %get3A_488] {strides = array<i32>} : memref<160x128xf32, #tpu.memory_space<vmem>>, vector<16xf32>,
          %mul3A_490 = arith.mulf %get3A_468, %get3A_46 : vector<16xf32>
          %mul3A_491 = arith.mulf %get3A_471, %get3A_48 : vector<16xf32>
          %mul3A_492 = arith.mulf %get3A_474, %get3A_50 : vector<16xf32>
          %mul3A_493 = arith.mulf %get3A_477, %get3A_52 : vector<16xf32>
          %mul3A_494 = arith.mulf %get3A_480, %get3A_54 : vector<16xf32>
          %mul3A_495 = arith.mulf %get3A_483, %get3A_56 : vector<16xf32>
          %mul3A_496 = arith.mulf %get3A_486, %get3A_58 : vector<16xf32>
          %mul3A_497 = arith.mulf %get3A_489, %get3A_60 : vector<16xf32>
          %add3A_498 = arith.addf %mul3A_490, %mul3A_491 : vector<16xf32>
          %add3A_499 = arith.addf %mul3A_492, %mul3A_493 : vector<16xf32>
          %add3A_500 = arith.addf %mul3A_494, %mul3A_495 : vector<16xf32>
          %add3A_501 = arith.addf %mul3A_496, %mul3A_497 : vector<16xf32>
          %add3A_502 = arith.addf %add3A_498, %add3A_499 : vector<16xf32>
          %add3A_503 = arith.addf %add3A_500, %add3A_501 : vector<16xf32>
          %add3A_504 = arith.addf %add3A_502, %add3A_503 : vector<16xf32>
          %reduce_sum3A_505 = arith.constant true
          %reduce_sum3A_506 = vector.broadcast %reduce_sum3A_505 : i1 to vector<16xi1>
          %reduce_sum3A_507 = tpu.scan <sum>, %add3A_504 masked %reduce_sum3A_506 : vector<16xf32>, vector<16xi1> -> vector<16xf32>
          %reduce_sum3A_508 = vector.extract %reduce_sum3A_507[15] : f32 from vector<16xf32>
          %add3A_509 = arith.addf %reduce_sum3A_508, %squeeze3A : f32
          %mul3A_510 = arith.constant 16 : i32
          %mul3A_511 = arith.muli %mul3A_510, %scan3A_116 : i32
          %add3A_512 = arith.constant 8 : i32
          %add3A_513 = arith.addi %mul3A_511, %add3A_512 : i32
          %get3A_514 = arith.index_cast %add3A_513 : i32 to index
          %get3A_515 = arith.constant 0 : index
          %get3A_516 = tpu.vector_load %arg9[%get3A_514, %get3A_515] {strides = array<i32>} : memref<160x128xf32, #tpu.memory_space<vmem>>, vector<16xf32>,
          %get3A_517 = arith.index_cast %add3A_513 : i32 to index
          %get3A_518 = arith.constant 16 : index
          %get3A_519 = tpu.vector_load %arg9[%get3A_517, %get3A_518] {strides = array<i32>} : memref<160x128xf32, #tpu.memory_space<vmem>>, vector<16xf32>,
          %get3A_520 = arith.index_cast %add3A_513 : i32 to index
          %get3A_521 = arith.constant 32 : index
          %get3A_522 = tpu.vector_load %arg9[%get3A_520, %get3A_521] {strides = array<i32>} : memref<160x128xf32, #tpu.memory_space<vmem>>, vector<16xf32>,
          %get3A_523 = arith.index_cast %add3A_513 : i32 to index
          %get3A_524 = arith.constant 48 : index
          %get3A_525 = tpu.vector_load %arg9[%get3A_523, %get3A_524] {strides = array<i32>} : memref<160x128xf32, #tpu.memory_space<vmem>>, vector<16xf32>,
          %get3A_526 = arith.index_cast %add3A_513 : i32 to index
          %get3A_527 = arith.constant 64 : index
          %get3A_528 = tpu.vector_load %arg9[%get3A_526, %get3A_527] {strides = array<i32>} : memref<160x128xf32, #tpu.memory_space<vmem>>, vector<16xf32>,
          %get3A_529 = arith.index_cast %add3A_513 : i32 to index
          %get3A_530 = arith.constant 80 : index
          %get3A_531 = tpu.vector_load %arg9[%get3A_529, %get3A_530] {strides = array<i32>} : memref<160x128xf32, #tpu.memory_space<vmem>>, vector<16xf32>,
          %get3A_532 = arith.index_cast %add3A_513 : i32 to index
          %get3A_533 = arith.constant 96 : index
          %get3A_534 = tpu.vector_load %arg9[%get3A_532, %get3A_533] {strides = array<i32>} : memref<160x128xf32, #tpu.memory_space<vmem>>, vector<16xf32>,
          %get3A_535 = arith.index_cast %add3A_513 : i32 to index
          %get3A_536 = arith.constant 112 : index
          %get3A_537 = tpu.vector_load %arg9[%get3A_535, %get3A_536] {strides = array<i32>} : memref<160x128xf32, #tpu.memory_space<vmem>>, vector<16xf32>,
          %mul3A_538 = arith.mulf %get3A_516, %get3A_46 : vector<16xf32>
          %mul3A_539 = arith.mulf %get3A_519, %get3A_48 : vector<16xf32>
          %mul3A_540 = arith.mulf %get3A_522, %get3A_50 : vector<16xf32>
          %mul3A_541 = arith.mulf %get3A_525, %get3A_52 : vector<16xf32>
          %mul3A_542 = arith.mulf %get3A_528, %get3A_54 : vector<16xf32>
          %mul3A_543 = arith.mulf %get3A_531, %get3A_56 : vector<16xf32>
          %mul3A_544 = arith.mulf %get3A_534, %get3A_58 : vector<16xf32>
          %mul3A_545 = arith.mulf %get3A_537, %get3A_60 : vector<16xf32>
          %add3A_546 = arith.addf %mul3A_538, %mul3A_539 : vector<16xf32>
          %add3A_547 = arith.addf %mul3A_540, %mul3A_541 : vector<16xf32>
          %add3A_548 = arith.addf %mul3A_542, %mul3A_543 : vector<16xf32>
          %add3A_549 = arith.addf %mul3A_544, %mul3A_545 : vector<16xf32>
          %add3A_550 = arith.addf %add3A_546, %add3A_547 : vector<16xf32>
          %add3A_551 = arith.addf %add3A_548, %add3A_549 : vector<16xf32>
          %add3A_552 = arith.addf %add3A_550, %add3A_551 : vector<16xf32>
          %reduce_sum3A_553 = arith.constant true
          %reduce_sum3A_554 = vector.broadcast %reduce_sum3A_553 : i1 to vector<16xi1>
          %reduce_sum3A_555 = tpu.scan <sum>, %add3A_552 masked %reduce_sum3A_554 : vector<16xf32>, vector<16xi1> -> vector<16xf32>
          %reduce_sum3A_556 = vector.extract %reduce_sum3A_555[15] : f32 from vector<16xf32>
          %add3A_557 = arith.addf %reduce_sum3A_556, %squeeze3A : f32
          %mul3A_558 = arith.constant 16 : i32
          %mul3A_559 = arith.muli %mul3A_558, %scan3A_116 : i32
          %add3A_560 = arith.constant 9 : i32
          %add3A_561 = arith.addi %mul3A_559, %add3A_560 : i32
          %get3A_562 = arith.index_cast %add3A_561 : i32 to index
          %get3A_563 = arith.constant 0 : index
          %get3A_564 = tpu.vector_load %arg9[%get3A_562, %get3A_563] {strides = array<i32>} : memref<160x128xf32, #tpu.memory_space<vmem>>, vector<16xf32>,
          %get3A_565 = arith.index_cast %add3A_561 : i32 to index
          %get3A_566 = arith.constant 16 : index
          %get3A_567 = tpu.vector_load %arg9[%get3A_565, %get3A_566] {strides = array<i32>} : memref<160x128xf32, #tpu.memory_space<vmem>>, vector<16xf32>,
          %get3A_568 = arith.index_cast %add3A_561 : i32 to index
          %get3A_569 = arith.constant 32 : index
          %get3A_570 = tpu.vector_load %arg9[%get3A_568, %get3A_569] {strides = array<i32>} : memref<160x128xf32, #tpu.memory_space<vmem>>, vector<16xf32>,
          %get3A_571 = arith.index_cast %add3A_561 : i32 to index
          %get3A_572 = arith.constant 48 : index
          %get3A_573 = tpu.vector_load %arg9[%get3A_571, %get3A_572] {strides = array<i32>} : memref<160x128xf32, #tpu.memory_space<vmem>>, vector<16xf32>,
          %get3A_574 = arith.index_cast %add3A_561 : i32 to index
          %get3A_575 = arith.constant 64 : index
          %get3A_576 = tpu.vector_load %arg9[%get3A_574, %get3A_575] {strides = array<i32>} : memref<160x128xf32, #tpu.memory_space<vmem>>, vector<16xf32>,
          %get3A_577 = arith.index_cast %add3A_561 : i32 to index
          %get3A_578 = arith.constant 80 : index
          %get3A_579 = tpu.vector_load %arg9[%get3A_577, %get3A_578] {strides = array<i32>} : memref<160x128xf32, #tpu.memory_space<vmem>>, vector<16xf32>,
          %get3A_580 = arith.index_cast %add3A_561 : i32 to index
          %get3A_581 = arith.constant 96 : index
          %get3A_582 = tpu.vector_load %arg9[%get3A_580, %get3A_581] {strides = array<i32>} : memref<160x128xf32, #tpu.memory_space<vmem>>, vector<16xf32>,
          %get3A_583 = arith.index_cast %add3A_561 : i32 to index
          %get3A_584 = arith.constant 112 : index
          %get3A_585 = tpu.vector_load %arg9[%get3A_583, %get3A_584] {strides = array<i32>} : memref<160x128xf32, #tpu.memory_space<vmem>>, vector<16xf32>,
          %mul3A_586 = arith.mulf %get3A_564, %get3A_46 : vector<16xf32>
          %mul3A_587 = arith.mulf %get3A_567, %get3A_48 : vector<16xf32>
          %mul3A_588 = arith.mulf %get3A_570, %get3A_50 : vector<16xf32>
          %mul3A_589 = arith.mulf %get3A_573, %get3A_52 : vector<16xf32>
          %mul3A_590 = arith.mulf %get3A_576, %get3A_54 : vector<16xf32>
          %mul3A_591 = arith.mulf %get3A_579, %get3A_56 : vector<16xf32>
          %mul3A_592 = arith.mulf %get3A_582, %get3A_58 : vector<16xf32>
          %mul3A_593 = arith.mulf %get3A_585, %get3A_60 : vector<16xf32>
          %add3A_594 = arith.addf %mul3A_586, %mul3A_587 : vector<16xf32>
          %add3A_595 = arith.addf %mul3A_588, %mul3A_589 : vector<16xf32>
          %add3A_596 = arith.addf %mul3A_590, %mul3A_591 : vector<16xf32>
          %add3A_597 = arith.addf %mul3A_592, %mul3A_593 : vector<16xf32>
          %add3A_598 = arith.addf %add3A_594, %add3A_595 : vector<16xf32>
          %add3A_599 = arith.addf %add3A_596, %add3A_597 : vector<16xf32>
          %add3A_600 = arith.addf %add3A_598, %add3A_599 : vector<16xf32>
          %reduce_sum3A_601 = arith.constant true
          %reduce_sum3A_602 = vector.broadcast %reduce_sum3A_601 : i1 to vector<16xi1>
          %reduce_sum3A_603 = tpu.scan <sum>, %add3A_600 masked %reduce_sum3A_602 : vector<16xf32>, vector<16xi1> -> vector<16xf32>
          %reduce_sum3A_604 = vector.extract %reduce_sum3A_603[15] : f32 from vector<16xf32>
          %add3A_605 = arith.addf %reduce_sum3A_604, %squeeze3A : f32
          %mul3A_606 = arith.constant 16 : i32
          %mul3A_607 = arith.muli %mul3A_606, %scan3A_116 : i32
          %add3A_608 = arith.constant 10 : i32
          %add3A_609 = arith.addi %mul3A_607, %add3A_608 : i32
          %get3A_610 = arith.index_cast %add3A_609 : i32 to index
          %get3A_611 = arith.constant 0 : index
          %get3A_612 = tpu.vector_load %arg9[%get3A_610, %get3A_611] {strides = array<i32>} : memref<160x128xf32, #tpu.memory_space<vmem>>, vector<16xf32>,
          %get3A_613 = arith.index_cast %add3A_609 : i32 to index
          %get3A_614 = arith.constant 16 : index
          %get3A_615 = tpu.vector_load %arg9[%get3A_613, %get3A_614] {strides = array<i32>} : memref<160x128xf32, #tpu.memory_space<vmem>>, vector<16xf32>,
          %get3A_616 = arith.index_cast %add3A_609 : i32 to index
          %get3A_617 = arith.constant 32 : index
          %get3A_618 = tpu.vector_load %arg9[%get3A_616, %get3A_617] {strides = array<i32>} : memref<160x128xf32, #tpu.memory_space<vmem>>, vector<16xf32>,
          %get3A_619 = arith.index_cast %add3A_609 : i32 to index
          %get3A_620 = arith.constant 48 : index
          %get3A_621 = tpu.vector_load %arg9[%get3A_619, %get3A_620] {strides = array<i32>} : memref<160x128xf32, #tpu.memory_space<vmem>>, vector<16xf32>,
          %get3A_622 = arith.index_cast %add3A_609 : i32 to index
          %get3A_623 = arith.constant 64 : index
          %get3A_624 = tpu.vector_load %arg9[%get3A_622, %get3A_623] {strides = array<i32>} : memref<160x128xf32, #tpu.memory_space<vmem>>, vector<16xf32>,
          %get3A_625 = arith.index_cast %add3A_609 : i32 to index
          %get3A_626 = arith.constant 80 : index
          %get3A_627 = tpu.vector_load %arg9[%get3A_625, %get3A_626] {strides = array<i32>} : memref<160x128xf32, #tpu.memory_space<vmem>>, vector<16xf32>,
          %get3A_628 = arith.index_cast %add3A_609 : i32 to index
          %get3A_629 = arith.constant 96 : index
          %get3A_630 = tpu.vector_load %arg9[%get3A_628, %get3A_629] {strides = array<i32>} : memref<160x128xf32, #tpu.memory_space<vmem>>, vector<16xf32>,
          %get3A_631 = arith.index_cast %add3A_609 : i32 to index
          %get3A_632 = arith.constant 112 : index
          %get3A_633 = tpu.vector_load %arg9[%get3A_631, %get3A_632] {strides = array<i32>} : memref<160x128xf32, #tpu.memory_space<vmem>>, vector<16xf32>,
          %mul3A_634 = arith.mulf %get3A_612, %get3A_46 : vector<16xf32>
          %mul3A_635 = arith.mulf %get3A_615, %get3A_48 : vector<16xf32>
          %mul3A_636 = arith.mulf %get3A_618, %get3A_50 : vector<16xf32>
          %mul3A_637 = arith.mulf %get3A_621, %get3A_52 : vector<16xf32>
          %mul3A_638 = arith.mulf %get3A_624, %get3A_54 : vector<16xf32>
          %mul3A_639 = arith.mulf %get3A_627, %get3A_56 : vector<16xf32>
          %mul3A_640 = arith.mulf %get3A_630, %get3A_58 : vector<16xf32>
          %mul3A_641 = arith.mulf %get3A_633, %get3A_60 : vector<16xf32>
          %add3A_642 = arith.addf %mul3A_634, %mul3A_635 : vector<16xf32>
          %add3A_643 = arith.addf %mul3A_636, %mul3A_637 : vector<16xf32>
          %add3A_644 = arith.addf %mul3A_638, %mul3A_639 : vector<16xf32>
          %add3A_645 = arith.addf %mul3A_640, %mul3A_641 : vector<16xf32>
          %add3A_646 = arith.addf %add3A_642, %add3A_643 : vector<16xf32>
          %add3A_647 = arith.addf %add3A_644, %add3A_645 : vector<16xf32>
          %add3A_648 = arith.addf %add3A_646, %add3A_647 : vector<16xf32>
          %reduce_sum3A_649 = arith.constant true
          %reduce_sum3A_650 = vector.broadcast %reduce_sum3A_649 : i1 to vector<16xi1>
          %reduce_sum3A_651 = tpu.scan <sum>, %add3A_648 masked %reduce_sum3A_650 : vector<16xf32>, vector<16xi1> -> vector<16xf32>
          %reduce_sum3A_652 = vector.extract %reduce_sum3A_651[15] : f32 from vector<16xf32>
          %add3A_653 = arith.addf %reduce_sum3A_652, %squeeze3A : f32
          %mul3A_654 = arith.constant 16 : i32
          %mul3A_655 = arith.muli %mul3A_654, %scan3A_116 : i32
          %add3A_656 = arith.constant 11 : i32
          %add3A_657 = arith.addi %mul3A_655, %add3A_656 : i32
          %get3A_658 = arith.index_cast %add3A_657 : i32 to index
          %get3A_659 = arith.constant 0 : index
          %get3A_660 = tpu.vector_load %arg9[%get3A_658, %get3A_659] {strides = array<i32>} : memref<160x128xf32, #tpu.memory_space<vmem>>, vector<16xf32>,
          %get3A_661 = arith.index_cast %add3A_657 : i32 to index
          %get3A_662 = arith.constant 16 : index
          %get3A_663 = tpu.vector_load %arg9[%get3A_661, %get3A_662] {strides = array<i32>} : memref<160x128xf32, #tpu.memory_space<vmem>>, vector<16xf32>,
          %get3A_664 = arith.index_cast %add3A_657 : i32 to index
          %get3A_665 = arith.constant 32 : index
          %get3A_666 = tpu.vector_load %arg9[%get3A_664, %get3A_665] {strides = array<i32>} : memref<160x128xf32, #tpu.memory_space<vmem>>, vector<16xf32>,
          %get3A_667 = arith.index_cast %add3A_657 : i32 to index
          %get3A_668 = arith.constant 48 : index
          %get3A_669 = tpu.vector_load %arg9[%get3A_667, %get3A_668] {strides = array<i32>} : memref<160x128xf32, #tpu.memory_space<vmem>>, vector<16xf32>,
          %get3A_670 = arith.index_cast %add3A_657 : i32 to index
          %get3A_671 = arith.constant 64 : index
          %get3A_672 = tpu.vector_load %arg9[%get3A_670, %get3A_671] {strides = array<i32>} : memref<160x128xf32, #tpu.memory_space<vmem>>, vector<16xf32>,
          %get3A_673 = arith.index_cast %add3A_657 : i32 to index
          %get3A_674 = arith.constant 80 : index
          %get3A_675 = tpu.vector_load %arg9[%get3A_673, %get3A_674] {strides = array<i32>} : memref<160x128xf32, #tpu.memory_space<vmem>>, vector<16xf32>,
          %get3A_676 = arith.index_cast %add3A_657 : i32 to index
          %get3A_677 = arith.constant 96 : index
          %get3A_678 = tpu.vector_load %arg9[%get3A_676, %get3A_677] {strides = array<i32>} : memref<160x128xf32, #tpu.memory_space<vmem>>, vector<16xf32>,
          %get3A_679 = arith.index_cast %add3A_657 : i32 to index
          %get3A_680 = arith.constant 112 : index
          %get3A_681 = tpu.vector_load %arg9[%get3A_679, %get3A_680] {strides = array<i32>} : memref<160x128xf32, #tpu.memory_space<vmem>>, vector<16xf32>,
          %mul3A_682 = arith.mulf %get3A_660, %get3A_46 : vector<16xf32>
          %mul3A_683 = arith.mulf %get3A_663, %get3A_48 : vector<16xf32>
          %mul3A_684 = arith.mulf %get3A_666, %get3A_50 : vector<16xf32>
          %mul3A_685 = arith.mulf %get3A_669, %get3A_52 : vector<16xf32>
          %mul3A_686 = arith.mulf %get3A_672, %get3A_54 : vector<16xf32>
          %mul3A_687 = arith.mulf %get3A_675, %get3A_56 : vector<16xf32>
          %mul3A_688 = arith.mulf %get3A_678, %get3A_58 : vector<16xf32>
          %mul3A_689 = arith.mulf %get3A_681, %get3A_60 : vector<16xf32>
          %add3A_690 = arith.addf %mul3A_682, %mul3A_683 : vector<16xf32>
          %add3A_691 = arith.addf %mul3A_684, %mul3A_685 : vector<16xf32>
          %add3A_692 = arith.addf %mul3A_686, %mul3A_687 : vector<16xf32>
          %add3A_693 = arith.addf %mul3A_688, %mul3A_689 : vector<16xf32>
          %add3A_694 = arith.addf %add3A_690, %add3A_691 : vector<16xf32>
          %add3A_695 = arith.addf %add3A_692, %add3A_693 : vector<16xf32>
          %add3A_696 = arith.addf %add3A_694, %add3A_695 : vector<16xf32>
          %reduce_sum3A_697 = arith.constant true
          %reduce_sum3A_698 = vector.broadcast %reduce_sum3A_697 : i1 to vector<16xi1>
          %reduce_sum3A_699 = tpu.scan <sum>, %add3A_696 masked %reduce_sum3A_698 : vector<16xf32>, vector<16xi1> -> vector<16xf32>
          %reduce_sum3A_700 = vector.extract %reduce_sum3A_699[15] : f32 from vector<16xf32>
          %add3A_701 = arith.addf %reduce_sum3A_700, %squeeze3A : f32
          %mul3A_702 = arith.constant 16 : i32
          %mul3A_703 = arith.muli %mul3A_702, %scan3A_116 : i32
          %add3A_704 = arith.constant 12 : i32
          %add3A_705 = arith.addi %mul3A_703, %add3A_704 : i32
          %get3A_706 = arith.index_cast %add3A_705 : i32 to index
          %get3A_707 = arith.constant 0 : index
          %get3A_708 = tpu.vector_load %arg9[%get3A_706, %get3A_707] {strides = array<i32>} : memref<160x128xf32, #tpu.memory_space<vmem>>, vector<16xf32>,
          %get3A_709 = arith.index_cast %add3A_705 : i32 to index
          %get3A_710 = arith.constant 16 : index
          %get3A_711 = tpu.vector_load %arg9[%get3A_709, %get3A_710] {strides = array<i32>} : memref<160x128xf32, #tpu.memory_space<vmem>>, vector<16xf32>,
          %get3A_712 = arith.index_cast %add3A_705 : i32 to index
          %get3A_713 = arith.constant 32 : index
          %get3A_714 = tpu.vector_load %arg9[%get3A_712, %get3A_713] {strides = array<i32>} : memref<160x128xf32, #tpu.memory_space<vmem>>, vector<16xf32>,
          %get3A_715 = arith.index_cast %add3A_705 : i32 to index
          %get3A_716 = arith.constant 48 : index
          %get3A_717 = tpu.vector_load %arg9[%get3A_715, %get3A_716] {strides = array<i32>} : memref<160x128xf32, #tpu.memory_space<vmem>>, vector<16xf32>,
          %get3A_718 = arith.index_cast %add3A_705 : i32 to index
          %get3A_719 = arith.constant 64 : index
          %get3A_720 = tpu.vector_load %arg9[%get3A_718, %get3A_719] {strides = array<i32>} : memref<160x128xf32, #tpu.memory_space<vmem>>, vector<16xf32>,
          %get3A_721 = arith.index_cast %add3A_705 : i32 to index
          %get3A_722 = arith.constant 80 : index
          %get3A_723 = tpu.vector_load %arg9[%get3A_721, %get3A_722] {strides = array<i32>} : memref<160x128xf32, #tpu.memory_space<vmem>>, vector<16xf32>,
          %get3A_724 = arith.index_cast %add3A_705 : i32 to index
          %get3A_725 = arith.constant 96 : index
          %get3A_726 = tpu.vector_load %arg9[%get3A_724, %get3A_725] {strides = array<i32>} : memref<160x128xf32, #tpu.memory_space<vmem>>, vector<16xf32>,
          %get3A_727 = arith.index_cast %add3A_705 : i32 to index
          %get3A_728 = arith.constant 112 : index
          %get3A_729 = tpu.vector_load %arg9[%get3A_727, %get3A_728] {strides = array<i32>} : memref<160x128xf32, #tpu.memory_space<vmem>>, vector<16xf32>,
          %mul3A_730 = arith.mulf %get3A_708, %get3A_46 : vector<16xf32>
          %mul3A_731 = arith.mulf %get3A_711, %get3A_48 : vector<16xf32>
          %mul3A_732 = arith.mulf %get3A_714, %get3A_50 : vector<16xf32>
          %mul3A_733 = arith.mulf %get3A_717, %get3A_52 : vector<16xf32>
          %mul3A_734 = arith.mulf %get3A_720, %get3A_54 : vector<16xf32>
          %mul3A_735 = arith.mulf %get3A_723, %get3A_56 : vector<16xf32>
          %mul3A_736 = arith.mulf %get3A_726, %get3A_58 : vector<16xf32>
          %mul3A_737 = arith.mulf %get3A_729, %get3A_60 : vector<16xf32>
          %add3A_738 = arith.addf %mul3A_730, %mul3A_731 : vector<16xf32>
          %add3A_739 = arith.addf %mul3A_732, %mul3A_733 : vector<16xf32>
          %add3A_740 = arith.addf %mul3A_734, %mul3A_735 : vector<16xf32>
          %add3A_741 = arith.addf %mul3A_736, %mul3A_737 : vector<16xf32>
          %add3A_742 = arith.addf %add3A_738, %add3A_739 : vector<16xf32>
          %add3A_743 = arith.addf %add3A_740, %add3A_741 : vector<16xf32>
          %add3A_744 = arith.addf %add3A_742, %add3A_743 : vector<16xf32>
          %reduce_sum3A_745 = arith.constant true
          %reduce_sum3A_746 = vector.broadcast %reduce_sum3A_745 : i1 to vector<16xi1>
          %reduce_sum3A_747 = tpu.scan <sum>, %add3A_744 masked %reduce_sum3A_746 : vector<16xf32>, vector<16xi1> -> vector<16xf32>
          %reduce_sum3A_748 = vector.extract %reduce_sum3A_747[15] : f32 from vector<16xf32>
          %add3A_749 = arith.addf %reduce_sum3A_748, %squeeze3A : f32
          %mul3A_750 = arith.constant 16 : i32
          %mul3A_751 = arith.muli %mul3A_750, %scan3A_116 : i32
          %add3A_752 = arith.constant 13 : i32
          %add3A_753 = arith.addi %mul3A_751, %add3A_752 : i32
          %get3A_754 = arith.index_cast %add3A_753 : i32 to index
          %get3A_755 = arith.constant 0 : index
          %get3A_756 = tpu.vector_load %arg9[%get3A_754, %get3A_755] {strides = array<i32>} : memref<160x128xf32, #tpu.memory_space<vmem>>, vector<16xf32>,
          %get3A_757 = arith.index_cast %add3A_753 : i32 to index
          %get3A_758 = arith.constant 16 : index
          %get3A_759 = tpu.vector_load %arg9[%get3A_757, %get3A_758] {strides = array<i32>} : memref<160x128xf32, #tpu.memory_space<vmem>>, vector<16xf32>,
          %get3A_760 = arith.index_cast %add3A_753 : i32 to index
          %get3A_761 = arith.constant 32 : index
          %get3A_762 = tpu.vector_load %arg9[%get3A_760, %get3A_761] {strides = array<i32>} : memref<160x128xf32, #tpu.memory_space<vmem>>, vector<16xf32>,
          %get3A_763 = arith.index_cast %add3A_753 : i32 to index
          %get3A_764 = arith.constant 48 : index
          %get3A_765 = tpu.vector_load %arg9[%get3A_763, %get3A_764] {strides = array<i32>} : memref<160x128xf32, #tpu.memory_space<vmem>>, vector<16xf32>,
          %get3A_766 = arith.index_cast %add3A_753 : i32 to index
          %get3A_767 = arith.constant 64 : index
          %get3A_768 = tpu.vector_load %arg9[%get3A_766, %get3A_767] {strides = array<i32>} : memref<160x128xf32, #tpu.memory_space<vmem>>, vector<16xf32>,
          %get3A_769 = arith.index_cast %add3A_753 : i32 to index
          %get3A_770 = arith.constant 80 : index
          %get3A_771 = tpu.vector_load %arg9[%get3A_769, %get3A_770] {strides = array<i32>} : memref<160x128xf32, #tpu.memory_space<vmem>>, vector<16xf32>,
          %get3A_772 = arith.index_cast %add3A_753 : i32 to index
          %get3A_773 = arith.constant 96 : index
          %get3A_774 = tpu.vector_load %arg9[%get3A_772, %get3A_773] {strides = array<i32>} : memref<160x128xf32, #tpu.memory_space<vmem>>, vector<16xf32>,
          %get3A_775 = arith.index_cast %add3A_753 : i32 to index
          %get3A_776 = arith.constant 112 : index
          %get3A_777 = tpu.vector_load %arg9[%get3A_775, %get3A_776] {strides = array<i32>} : memref<160x128xf32, #tpu.memory_space<vmem>>, vector<16xf32>,
          %mul3A_778 = arith.mulf %get3A_756, %get3A_46 : vector<16xf32>
          %mul3A_779 = arith.mulf %get3A_759, %get3A_48 : vector<16xf32>
          %mul3A_780 = arith.mulf %get3A_762, %get3A_50 : vector<16xf32>
          %mul3A_781 = arith.mulf %get3A_765, %get3A_52 : vector<16xf32>
          %mul3A_782 = arith.mulf %get3A_768, %get3A_54 : vector<16xf32>
          %mul3A_783 = arith.mulf %get3A_771, %get3A_56 : vector<16xf32>
          %mul3A_784 = arith.mulf %get3A_774, %get3A_58 : vector<16xf32>
          %mul3A_785 = arith.mulf %get3A_777, %get3A_60 : vector<16xf32>
          %add3A_786 = arith.addf %mul3A_778, %mul3A_779 : vector<16xf32>
          %add3A_787 = arith.addf %mul3A_780, %mul3A_781 : vector<16xf32>
          %add3A_788 = arith.addf %mul3A_782, %mul3A_783 : vector<16xf32>
          %add3A_789 = arith.addf %mul3A_784, %mul3A_785 : vector<16xf32>
          %add3A_790 = arith.addf %add3A_786, %add3A_787 : vector<16xf32>
          %add3A_791 = arith.addf %add3A_788, %add3A_789 : vector<16xf32>
          %add3A_792 = arith.addf %add3A_790, %add3A_791 : vector<16xf32>
          %reduce_sum3A_793 = arith.constant true
          %reduce_sum3A_794 = vector.broadcast %reduce_sum3A_793 : i1 to vector<16xi1>
          %reduce_sum3A_795 = tpu.scan <sum>, %add3A_792 masked %reduce_sum3A_794 : vector<16xf32>, vector<16xi1> -> vector<16xf32>
          %reduce_sum3A_796 = vector.extract %reduce_sum3A_795[15] : f32 from vector<16xf32>
          %add3A_797 = arith.addf %reduce_sum3A_796, %squeeze3A : f32
          %mul3A_798 = arith.constant 16 : i32
          %mul3A_799 = arith.muli %mul3A_798, %scan3A_116 : i32
          %add3A_800 = arith.constant 14 : i32
          %add3A_801 = arith.addi %mul3A_799, %add3A_800 : i32
          %get3A_802 = arith.index_cast %add3A_801 : i32 to index
          %get3A_803 = arith.constant 0 : index
          %get3A_804 = tpu.vector_load %arg9[%get3A_802, %get3A_803] {strides = array<i32>} : memref<160x128xf32, #tpu.memory_space<vmem>>, vector<16xf32>,
          %get3A_805 = arith.index_cast %add3A_801 : i32 to index
          %get3A_806 = arith.constant 16 : index
          %get3A_807 = tpu.vector_load %arg9[%get3A_805, %get3A_806] {strides = array<i32>} : memref<160x128xf32, #tpu.memory_space<vmem>>, vector<16xf32>,
          %get3A_808 = arith.index_cast %add3A_801 : i32 to index
          %get3A_809 = arith.constant 32 : index
          %get3A_810 = tpu.vector_load %arg9[%get3A_808, %get3A_809] {strides = array<i32>} : memref<160x128xf32, #tpu.memory_space<vmem>>, vector<16xf32>,
          %get3A_811 = arith.index_cast %add3A_801 : i32 to index
          %get3A_812 = arith.constant 48 : index
          %get3A_813 = tpu.vector_load %arg9[%get3A_811, %get3A_812] {strides = array<i32>} : memref<160x128xf32, #tpu.memory_space<vmem>>, vector<16xf32>,
          %get3A_814 = arith.index_cast %add3A_801 : i32 to index
          %get3A_815 = arith.constant 64 : index
          %get3A_816 = tpu.vector_load %arg9[%get3A_814, %get3A_815] {strides = array<i32>} : memref<160x128xf32, #tpu.memory_space<vmem>>, vector<16xf32>,
          %get3A_817 = arith.index_cast %add3A_801 : i32 to index
          %get3A_818 = arith.constant 80 : index
          %get3A_819 = tpu.vector_load %arg9[%get3A_817, %get3A_818] {strides = array<i32>} : memref<160x128xf32, #tpu.memory_space<vmem>>, vector<16xf32>,
          %get3A_820 = arith.index_cast %add3A_801 : i32 to index
          %get3A_821 = arith.constant 96 : index
          %get3A_822 = tpu.vector_load %arg9[%get3A_820, %get3A_821] {strides = array<i32>} : memref<160x128xf32, #tpu.memory_space<vmem>>, vector<16xf32>,
          %get3A_823 = arith.index_cast %add3A_801 : i32 to index
          %get3A_824 = arith.constant 112 : index
          %get3A_825 = tpu.vector_load %arg9[%get3A_823, %get3A_824] {strides = array<i32>} : memref<160x128xf32, #tpu.memory_space<vmem>>, vector<16xf32>,
          %mul3A_826 = arith.mulf %get3A_804, %get3A_46 : vector<16xf32>
          %mul3A_827 = arith.mulf %get3A_807, %get3A_48 : vector<16xf32>
          %mul3A_828 = arith.mulf %get3A_810, %get3A_50 : vector<16xf32>
          %mul3A_829 = arith.mulf %get3A_813, %get3A_52 : vector<16xf32>
          %mul3A_830 = arith.mulf %get3A_816, %get3A_54 : vector<16xf32>
          %mul3A_831 = arith.mulf %get3A_819, %get3A_56 : vector<16xf32>
          %mul3A_832 = arith.mulf %get3A_822, %get3A_58 : vector<16xf32>
          %mul3A_833 = arith.mulf %get3A_825, %get3A_60 : vector<16xf32>
          %add3A_834 = arith.addf %mul3A_826, %mul3A_827 : vector<16xf32>
          %add3A_835 = arith.addf %mul3A_828, %mul3A_829 : vector<16xf32>
          %add3A_836 = arith.addf %mul3A_830, %mul3A_831 : vector<16xf32>
          %add3A_837 = arith.addf %mul3A_832, %mul3A_833 : vector<16xf32>
          %add3A_838 = arith.addf %add3A_834, %add3A_835 : vector<16xf32>
          %add3A_839 = arith.addf %add3A_836, %add3A_837 : vector<16xf32>
          %add3A_840 = arith.addf %add3A_838, %add3A_839 : vector<16xf32>
          %reduce_sum3A_841 = arith.constant true
          %reduce_sum3A_842 = vector.broadcast %reduce_sum3A_841 : i1 to vector<16xi1>
          %reduce_sum3A_843 = tpu.scan <sum>, %add3A_840 masked %reduce_sum3A_842 : vector<16xf32>, vector<16xi1> -> vector<16xf32>
          %reduce_sum3A_844 = vector.extract %reduce_sum3A_843[15] : f32 from vector<16xf32>
          %add3A_845 = arith.addf %reduce_sum3A_844, %squeeze3A : f32
          %mul3A_846 = arith.constant 16 : i32
          %mul3A_847 = arith.muli %mul3A_846, %scan3A_116 : i32
          %add3A_848 = arith.constant 15 : i32
          %add3A_849 = arith.addi %mul3A_847, %add3A_848 : i32
          %get3A_850 = arith.index_cast %add3A_849 : i32 to index
          %get3A_851 = arith.constant 0 : index
          %get3A_852 = tpu.vector_load %arg9[%get3A_850, %get3A_851] {strides = array<i32>} : memref<160x128xf32, #tpu.memory_space<vmem>>, vector<16xf32>,
          %get3A_853 = arith.index_cast %add3A_849 : i32 to index
          %get3A_854 = arith.constant 16 : index
          %get3A_855 = tpu.vector_load %arg9[%get3A_853, %get3A_854] {strides = array<i32>} : memref<160x128xf32, #tpu.memory_space<vmem>>, vector<16xf32>,
          %get3A_856 = arith.index_cast %add3A_849 : i32 to index
          %get3A_857 = arith.constant 32 : index
          %get3A_858 = tpu.vector_load %arg9[%get3A_856, %get3A_857] {strides = array<i32>} : memref<160x128xf32, #tpu.memory_space<vmem>>, vector<16xf32>,
          %get3A_859 = arith.index_cast %add3A_849 : i32 to index
          %get3A_860 = arith.constant 48 : index
          %get3A_861 = tpu.vector_load %arg9[%get3A_859, %get3A_860] {strides = array<i32>} : memref<160x128xf32, #tpu.memory_space<vmem>>, vector<16xf32>,
          %get3A_862 = arith.index_cast %add3A_849 : i32 to index
          %get3A_863 = arith.constant 64 : index
          %get3A_864 = tpu.vector_load %arg9[%get3A_862, %get3A_863] {strides = array<i32>} : memref<160x128xf32, #tpu.memory_space<vmem>>, vector<16xf32>,
          %get3A_865 = arith.index_cast %add3A_849 : i32 to index
          %get3A_866 = arith.constant 80 : index
          %get3A_867 = tpu.vector_load %arg9[%get3A_865, %get3A_866] {strides = array<i32>} : memref<160x128xf32, #tpu.memory_space<vmem>>, vector<16xf32>,
          %get3A_868 = arith.index_cast %add3A_849 : i32 to index
          %get3A_869 = arith.constant 96 : index
          %get3A_870 = tpu.vector_load %arg9[%get3A_868, %get3A_869] {strides = array<i32>} : memref<160x128xf32, #tpu.memory_space<vmem>>, vector<16xf32>,
          %get3A_871 = arith.index_cast %add3A_849 : i32 to index
          %get3A_872 = arith.constant 112 : index
          %get3A_873 = tpu.vector_load %arg9[%get3A_871, %get3A_872] {strides = array<i32>} : memref<160x128xf32, #tpu.memory_space<vmem>>, vector<16xf32>,
          %mul3A_874 = arith.mulf %get3A_852, %get3A_46 : vector<16xf32>
          %mul3A_875 = arith.mulf %get3A_855, %get3A_48 : vector<16xf32>
          %mul3A_876 = arith.mulf %get3A_858, %get3A_50 : vector<16xf32>
          %mul3A_877 = arith.mulf %get3A_861, %get3A_52 : vector<16xf32>
          %mul3A_878 = arith.mulf %get3A_864, %get3A_54 : vector<16xf32>
          %mul3A_879 = arith.mulf %get3A_867, %get3A_56 : vector<16xf32>
          %mul3A_880 = arith.mulf %get3A_870, %get3A_58 : vector<16xf32>
          %mul3A_881 = arith.mulf %get3A_873, %get3A_60 : vector<16xf32>
          %add3A_882 = arith.addf %mul3A_874, %mul3A_875 : vector<16xf32>
          %add3A_883 = arith.addf %mul3A_876, %mul3A_877 : vector<16xf32>
          %add3A_884 = arith.addf %mul3A_878, %mul3A_879 : vector<16xf32>
          %add3A_885 = arith.addf %mul3A_880, %mul3A_881 : vector<16xf32>
          %add3A_886 = arith.addf %add3A_882, %add3A_883 : vector<16xf32>
          %add3A_887 = arith.addf %add3A_884, %add3A_885 : vector<16xf32>
          %add3A_888 = arith.addf %add3A_886, %add3A_887 : vector<16xf32>
          %reduce_sum3A_889 = arith.constant true
          %reduce_sum3A_890 = vector.broadcast %reduce_sum3A_889 : i1 to vector<16xi1>
          %reduce_sum3A_891 = tpu.scan <sum>, %add3A_888 masked %reduce_sum3A_890 : vector<16xf32>, vector<16xi1> -> vector<16xf32>
          %reduce_sum3A_892 = vector.extract %reduce_sum3A_891[15] : f32 from vector<16xf32>
          %add3A_893 = arith.addf %reduce_sum3A_892, %squeeze3A : f32
          %broadcast_in_dim3A_894 = vector.broadcast %add3A_173 : f32 to vector<16xf32>
          %neg3A = arith.constant 0.000000e+00 : f32
          %neg3A_895 = vector.broadcast %neg3A : f32 to vector<16xf32>
          %neg3A_896 = arith.subf %neg3A_895, %broadcast_in_dim3A_894 : vector<16xf32>
          %exp3A = math.exp %neg3A_896 : vector<16xf32>
          %add3A_897 = arith.constant 1.000000e+00 : f32
          %add3A_898 = vector.broadcast %add3A_897 : f32 to vector<16xf32>
          %add3A_899 = arith.addf %add3A_898, %exp3A : vector<16xf32>
          %div3A_900 = arith.constant 1.000000e+00 : f32
          %div3A_901 = vector.broadcast %div3A_900 : f32 to vector<16xf32>
          %div3A_902 = arith.divf %div3A_901, %add3A_899 : vector<16xf32>
          %slice3A_903 = vector.extract_strided_slice %div3A_902 {offsets = [0], sizes = [1], strides = [1]} : vector<16xf32> to vector<1xf32>
          %squeeze3A_904 = vector.extract %slice3A_903[0] : f32 from vector<1xf32>
          %slice3A_905 = vector.extract_strided_slice %get3A_126 {offsets = [0], sizes = [1], strides = [1]} : vector<16xf32> to vector<1xf32>
          %squeeze3A_906 = vector.extract %slice3A_905[0] : f32 from vector<1xf32>
          %mul3A_907 = arith.mulf %squeeze3A_904, %squeeze3A_906 : f32
          %broadcast_in_dim3A_908 = vector.broadcast %add3A_221 : f32 to vector<16xf32>
          %neg3A_909 = arith.constant 0.000000e+00 : f32
          %neg3A_910 = vector.broadcast %neg3A_909 : f32 to vector<16xf32>
          %neg3A_911 = arith.subf %neg3A_910, %broadcast_in_dim3A_908 : vector<16xf32>
          %exp3A_912 = math.exp %neg3A_911 : vector<16xf32>
          %add3A_913 = arith.constant 1.000000e+00 : f32
          %add3A_914 = vector.broadcast %add3A_913 : f32 to vector<16xf32>
          %add3A_915 = arith.addf %add3A_914, %exp3A_912 : vector<16xf32>
          %div3A_916 = arith.constant 1.000000e+00 : f32
          %div3A_917 = vector.broadcast %div3A_916 : f32 to vector<16xf32>
          %div3A_918 = arith.divf %div3A_917, %add3A_915 : vector<16xf32>
          %slice3A_919 = vector.extract_strided_slice %div3A_918 {offsets = [0], sizes = [1], strides = [1]} : vector<16xf32> to vector<1xf32>
          %squeeze3A_920 = vector.extract %slice3A_919[0] : f32 from vector<1xf32>
          %slice3A_921 = vector.extract_strided_slice %get3A_126 {offsets = [1], sizes = [1], strides = [1]} : vector<16xf32> to vector<1xf32>
          %squeeze3A_922 = vector.extract %slice3A_921[0] : f32 from vector<1xf32>
          %mul3A_923 = arith.mulf %squeeze3A_920, %squeeze3A_922 : f32
          %broadcast_in_dim3A_924 = vector.broadcast %add3A_269 : f32 to vector<16xf32>
          %neg3A_925 = arith.constant 0.000000e+00 : f32
          %neg3A_926 = vector.broadcast %neg3A_925 : f32 to vector<16xf32>
          %neg3A_927 = arith.subf %neg3A_926, %broadcast_in_dim3A_924 : vector<16xf32>
          %exp3A_928 = math.exp %neg3A_927 : vector<16xf32>
          %add3A_929 = arith.constant 1.000000e+00 : f32
          %add3A_930 = vector.broadcast %add3A_929 : f32 to vector<16xf32>
          %add3A_931 = arith.addf %add3A_930, %exp3A_928 : vector<16xf32>
          %div3A_932 = arith.constant 1.000000e+00 : f32
          %div3A_933 = vector.broadcast %div3A_932 : f32 to vector<16xf32>
          %div3A_934 = arith.divf %div3A_933, %add3A_931 : vector<16xf32>
          %slice3A_935 = vector.extract_strided_slice %div3A_934 {offsets = [0], sizes = [1], strides = [1]} : vector<16xf32> to vector<1xf32>
          %squeeze3A_936 = vector.extract %slice3A_935[0] : f32 from vector<1xf32>
          %slice3A_937 = vector.extract_strided_slice %get3A_126 {offsets = [2], sizes = [1], strides = [1]} : vector<16xf32> to vector<1xf32>
          %squeeze3A_938 = vector.extract %slice3A_937[0] : f32 from vector<1xf32>
          %mul3A_939 = arith.mulf %squeeze3A_936, %squeeze3A_938 : f32
          %broadcast_in_dim3A_940 = vector.broadcast %add3A_317 : f32 to vector<16xf32>
          %neg3A_941 = arith.constant 0.000000e+00 : f32
          %neg3A_942 = vector.broadcast %neg3A_941 : f32 to vector<16xf32>
          %neg3A_943 = arith.subf %neg3A_942, %broadcast_in_dim3A_940 : vector<16xf32>
          %exp3A_944 = math.exp %neg3A_943 : vector<16xf32>
          %add3A_945 = arith.constant 1.000000e+00 : f32
          %add3A_946 = vector.broadcast %add3A_945 : f32 to vector<16xf32>
          %add3A_947 = arith.addf %add3A_946, %exp3A_944 : vector<16xf32>
          %div3A_948 = arith.constant 1.000000e+00 : f32
          %div3A_949 = vector.broadcast %div3A_948 : f32 to vector<16xf32>
          %div3A_950 = arith.divf %div3A_949, %add3A_947 : vector<16xf32>
          %slice3A_951 = vector.extract_strided_slice %div3A_950 {offsets = [0], sizes = [1], strides = [1]} : vector<16xf32> to vector<1xf32>
          %squeeze3A_952 = vector.extract %slice3A_951[0] : f32 from vector<1xf32>
          %slice3A_953 = vector.extract_strided_slice %get3A_126 {offsets = [3], sizes = [1], strides = [1]} : vector<16xf32> to vector<1xf32>
          %squeeze3A_954 = vector.extract %slice3A_953[0] : f32 from vector<1xf32>
          %mul3A_955 = arith.mulf %squeeze3A_952, %squeeze3A_954 : f32
          %broadcast_in_dim3A_956 = vector.broadcast %add3A_365 : f32 to vector<16xf32>
          %neg3A_957 = arith.constant 0.000000e+00 : f32
          %neg3A_958 = vector.broadcast %neg3A_957 : f32 to vector<16xf32>
          %neg3A_959 = arith.subf %neg3A_958, %broadcast_in_dim3A_956 : vector<16xf32>
          %exp3A_960 = math.exp %neg3A_959 : vector<16xf32>
          %add3A_961 = arith.constant 1.000000e+00 : f32
          %add3A_962 = vector.broadcast %add3A_961 : f32 to vector<16xf32>
          %add3A_963 = arith.addf %add3A_962, %exp3A_960 : vector<16xf32>
          %div3A_964 = arith.constant 1.000000e+00 : f32
          %div3A_965 = vector.broadcast %div3A_964 : f32 to vector<16xf32>
          %div3A_966 = arith.divf %div3A_965, %add3A_963 : vector<16xf32>
          %slice3A_967 = vector.extract_strided_slice %div3A_966 {offsets = [0], sizes = [1], strides = [1]} : vector<16xf32> to vector<1xf32>
          %squeeze3A_968 = vector.extract %slice3A_967[0] : f32 from vector<1xf32>
          %slice3A_969 = vector.extract_strided_slice %get3A_126 {offsets = [4], sizes = [1], strides = [1]} : vector<16xf32> to vector<1xf32>
          %squeeze3A_970 = vector.extract %slice3A_969[0] : f32 from vector<1xf32>
          %mul3A_971 = arith.mulf %squeeze3A_968, %squeeze3A_970 : f32
          %broadcast_in_dim3A_972 = vector.broadcast %add3A_413 : f32 to vector<16xf32>
          %neg3A_973 = arith.constant 0.000000e+00 : f32
          %neg3A_974 = vector.broadcast %neg3A_973 : f32 to vector<16xf32>
          %neg3A_975 = arith.subf %neg3A_974, %broadcast_in_dim3A_972 : vector<16xf32>
          %exp3A_976 = math.exp %neg3A_975 : vector<16xf32>
          %add3A_977 = arith.constant 1.000000e+00 : f32
          %add3A_978 = vector.broadcast %add3A_977 : f32 to vector<16xf32>
          %add3A_979 = arith.addf %add3A_978, %exp3A_976 : vector<16xf32>
          %div3A_980 = arith.constant 1.000000e+00 : f32
          %div3A_981 = vector.broadcast %div3A_980 : f32 to vector<16xf32>
          %div3A_982 = arith.divf %div3A_981, %add3A_979 : vector<16xf32>
          %slice3A_983 = vector.extract_strided_slice %div3A_982 {offsets = [0], sizes = [1], strides = [1]} : vector<16xf32> to vector<1xf32>
          %squeeze3A_984 = vector.extract %slice3A_983[0] : f32 from vector<1xf32>
          %slice3A_985 = vector.extract_strided_slice %get3A_126 {offsets = [5], sizes = [1], strides = [1]} : vector<16xf32> to vector<1xf32>
          %squeeze3A_986 = vector.extract %slice3A_985[0] : f32 from vector<1xf32>
          %mul3A_987 = arith.mulf %squeeze3A_984, %squeeze3A_986 : f32
          %broadcast_in_dim3A_988 = vector.broadcast %add3A_461 : f32 to vector<16xf32>
          %neg3A_989 = arith.constant 0.000000e+00 : f32
          %neg3A_990 = vector.broadcast %neg3A_989 : f32 to vector<16xf32>
          %neg3A_991 = arith.subf %neg3A_990, %broadcast_in_dim3A_988 : vector<16xf32>
          %exp3A_992 = math.exp %neg3A_991 : vector<16xf32>
          %add3A_993 = arith.constant 1.000000e+00 : f32
          %add3A_994 = vector.broadcast %add3A_993 : f32 to vector<16xf32>
          %add3A_995 = arith.addf %add3A_994, %exp3A_992 : vector<16xf32>
          %div3A_996 = arith.constant 1.000000e+00 : f32
          %div3A_997 = vector.broadcast %div3A_996 : f32 to vector<16xf32>
          %div3A_998 = arith.divf %div3A_997, %add3A_995 : vector<16xf32>
          %slice3A_999 = vector.extract_strided_slice %div3A_998 {offsets = [0], sizes = [1], strides = [1]} : vector<16xf32> to vector<1xf32>
          %squeeze3A_1000 = vector.extract %slice3A_999[0] : f32 from vector<1xf32>
          %slice3A_1001 = vector.extract_strided_slice %get3A_126 {offsets = [6], sizes = [1], strides = [1]} : vector<16xf32> to vector<1xf32>
          %squeeze3A_1002 = vector.extract %slice3A_1001[0] : f32 from vector<1xf32>
          %mul3A_1003 = arith.mulf %squeeze3A_1000, %squeeze3A_1002 : f32
          %broadcast_in_dim3A_1004 = vector.broadcast %add3A_509 : f32 to vector<16xf32>
          %neg3A_1005 = arith.constant 0.000000e+00 : f32
          %neg3A_1006 = vector.broadcast %neg3A_1005 : f32 to vector<16xf32>
          %neg3A_1007 = arith.subf %neg3A_1006, %broadcast_in_dim3A_1004 : vector<16xf32>
          %exp3A_1008 = math.exp %neg3A_1007 : vector<16xf32>
          %add3A_1009 = arith.constant 1.000000e+00 : f32
          %add3A_1010 = vector.broadcast %add3A_1009 : f32 to vector<16xf32>
          %add3A_1011 = arith.addf %add3A_1010, %exp3A_1008 : vector<16xf32>
          %div3A_1012 = arith.constant 1.000000e+00 : f32
          %div3A_1013 = vector.broadcast %div3A_1012 : f32 to vector<16xf32>
          %div3A_1014 = arith.divf %div3A_1013, %add3A_1011 : vector<16xf32>
          %slice3A_1015 = vector.extract_strided_slice %div3A_1014 {offsets = [0], sizes = [1], strides = [1]} : vector<16xf32> to vector<1xf32>
          %squeeze3A_1016 = vector.extract %slice3A_1015[0] : f32 from vector<1xf32>
          %slice3A_1017 = vector.extract_strided_slice %get3A_126 {offsets = [7], sizes = [1], strides = [1]} : vector<16xf32> to vector<1xf32>
          %squeeze3A_1018 = vector.extract %slice3A_1017[0] : f32 from vector<1xf32>
          %mul3A_1019 = arith.mulf %squeeze3A_1016, %squeeze3A_1018 : f32
          %broadcast_in_dim3A_1020 = vector.broadcast %add3A_557 : f32 to vector<16xf32>
          %neg3A_1021 = arith.constant 0.000000e+00 : f32
          %neg3A_1022 = vector.broadcast %neg3A_1021 : f32 to vector<16xf32>
          %neg3A_1023 = arith.subf %neg3A_1022, %broadcast_in_dim3A_1020 : vector<16xf32>
          %exp3A_1024 = math.exp %neg3A_1023 : vector<16xf32>
          %add3A_1025 = arith.constant 1.000000e+00 : f32
          %add3A_1026 = vector.broadcast %add3A_1025 : f32 to vector<16xf32>
          %add3A_1027 = arith.addf %add3A_1026, %exp3A_1024 : vector<16xf32>
          %div3A_1028 = arith.constant 1.000000e+00 : f32
          %div3A_1029 = vector.broadcast %div3A_1028 : f32 to vector<16xf32>
          %div3A_1030 = arith.divf %div3A_1029, %add3A_1027 : vector<16xf32>
          %slice3A_1031 = vector.extract_strided_slice %div3A_1030 {offsets = [0], sizes = [1], strides = [1]} : vector<16xf32> to vector<1xf32>
          %squeeze3A_1032 = vector.extract %slice3A_1031[0] : f32 from vector<1xf32>
          %slice3A_1033 = vector.extract_strided_slice %get3A_126 {offsets = [8], sizes = [1], strides = [1]} : vector<16xf32> to vector<1xf32>
          %squeeze3A_1034 = vector.extract %slice3A_1033[0] : f32 from vector<1xf32>
          %mul3A_1035 = arith.mulf %squeeze3A_1032, %squeeze3A_1034 : f32
          %broadcast_in_dim3A_1036 = vector.broadcast %add3A_605 : f32 to vector<16xf32>
          %neg3A_1037 = arith.constant 0.000000e+00 : f32
          %neg3A_1038 = vector.broadcast %neg3A_1037 : f32 to vector<16xf32>
          %neg3A_1039 = arith.subf %neg3A_1038, %broadcast_in_dim3A_1036 : vector<16xf32>
          %exp3A_1040 = math.exp %neg3A_1039 : vector<16xf32>
          %add3A_1041 = arith.constant 1.000000e+00 : f32
          %add3A_1042 = vector.broadcast %add3A_1041 : f32 to vector<16xf32>
          %add3A_1043 = arith.addf %add3A_1042, %exp3A_1040 : vector<16xf32>
          %div3A_1044 = arith.constant 1.000000e+00 : f32
          %div3A_1045 = vector.broadcast %div3A_1044 : f32 to vector<16xf32>
          %div3A_1046 = arith.divf %div3A_1045, %add3A_1043 : vector<16xf32>
          %slice3A_1047 = vector.extract_strided_slice %div3A_1046 {offsets = [0], sizes = [1], strides = [1]} : vector<16xf32> to vector<1xf32>
          %squeeze3A_1048 = vector.extract %slice3A_1047[0] : f32 from vector<1xf32>
          %slice3A_1049 = vector.extract_strided_slice %get3A_126 {offsets = [9], sizes = [1], strides = [1]} : vector<16xf32> to vector<1xf32>
          %squeeze3A_1050 = vector.extract %slice3A_1049[0] : f32 from vector<1xf32>
          %mul3A_1051 = arith.mulf %squeeze3A_1048, %squeeze3A_1050 : f32
          %broadcast_in_dim3A_1052 = vector.broadcast %add3A_653 : f32 to vector<16xf32>
          %neg3A_1053 = arith.constant 0.000000e+00 : f32
          %neg3A_1054 = vector.broadcast %neg3A_1053 : f32 to vector<16xf32>
          %neg3A_1055 = arith.subf %neg3A_1054, %broadcast_in_dim3A_1052 : vector<16xf32>
          %exp3A_1056 = math.exp %neg3A_1055 : vector<16xf32>
          %add3A_1057 = arith.constant 1.000000e+00 : f32
          %add3A_1058 = vector.broadcast %add3A_1057 : f32 to vector<16xf32>
          %add3A_1059 = arith.addf %add3A_1058, %exp3A_1056 : vector<16xf32>
          %div3A_1060 = arith.constant 1.000000e+00 : f32
          %div3A_1061 = vector.broadcast %div3A_1060 : f32 to vector<16xf32>
          %div3A_1062 = arith.divf %div3A_1061, %add3A_1059 : vector<16xf32>
          %slice3A_1063 = vector.extract_strided_slice %div3A_1062 {offsets = [0], sizes = [1], strides = [1]} : vector<16xf32> to vector<1xf32>
          %squeeze3A_1064 = vector.extract %slice3A_1063[0] : f32 from vector<1xf32>
          %slice3A_1065 = vector.extract_strided_slice %get3A_126 {offsets = [10], sizes = [1], strides = [1]} : vector<16xf32> to vector<1xf32>
          %squeeze3A_1066 = vector.extract %slice3A_1065[0] : f32 from vector<1xf32>
          %mul3A_1067 = arith.mulf %squeeze3A_1064, %squeeze3A_1066 : f32
          %broadcast_in_dim3A_1068 = vector.broadcast %add3A_701 : f32 to vector<16xf32>
          %neg3A_1069 = arith.constant 0.000000e+00 : f32
          %neg3A_1070 = vector.broadcast %neg3A_1069 : f32 to vector<16xf32>
          %neg3A_1071 = arith.subf %neg3A_1070, %broadcast_in_dim3A_1068 : vector<16xf32>
          %exp3A_1072 = math.exp %neg3A_1071 : vector<16xf32>
          %add3A_1073 = arith.constant 1.000000e+00 : f32
          %add3A_1074 = vector.broadcast %add3A_1073 : f32 to vector<16xf32>
          %add3A_1075 = arith.addf %add3A_1074, %exp3A_1072 : vector<16xf32>
          %div3A_1076 = arith.constant 1.000000e+00 : f32
          %div3A_1077 = vector.broadcast %div3A_1076 : f32 to vector<16xf32>
          %div3A_1078 = arith.divf %div3A_1077, %add3A_1075 : vector<16xf32>
          %slice3A_1079 = vector.extract_strided_slice %div3A_1078 {offsets = [0], sizes = [1], strides = [1]} : vector<16xf32> to vector<1xf32>
          %squeeze3A_1080 = vector.extract %slice3A_1079[0] : f32 from vector<1xf32>
          %slice3A_1081 = vector.extract_strided_slice %get3A_126 {offsets = [11], sizes = [1], strides = [1]} : vector<16xf32> to vector<1xf32>
          %squeeze3A_1082 = vector.extract %slice3A_1081[0] : f32 from vector<1xf32>
          %mul3A_1083 = arith.mulf %squeeze3A_1080, %squeeze3A_1082 : f32
          %broadcast_in_dim3A_1084 = vector.broadcast %add3A_749 : f32 to vector<16xf32>
          %neg3A_1085 = arith.constant 0.000000e+00 : f32
          %neg3A_1086 = vector.broadcast %neg3A_1085 : f32 to vector<16xf32>
          %neg3A_1087 = arith.subf %neg3A_1086, %broadcast_in_dim3A_1084 : vector<16xf32>
          %exp3A_1088 = math.exp %neg3A_1087 : vector<16xf32>
          %add3A_1089 = arith.constant 1.000000e+00 : f32
          %add3A_1090 = vector.broadcast %add3A_1089 : f32 to vector<16xf32>
          %add3A_1091 = arith.addf %add3A_1090, %exp3A_1088 : vector<16xf32>
          %div3A_1092 = arith.constant 1.000000e+00 : f32
          %div3A_1093 = vector.broadcast %div3A_1092 : f32 to vector<16xf32>
          %div3A_1094 = arith.divf %div3A_1093, %add3A_1091 : vector<16xf32>
          %slice3A_1095 = vector.extract_strided_slice %div3A_1094 {offsets = [0], sizes = [1], strides = [1]} : vector<16xf32> to vector<1xf32>
          %squeeze3A_1096 = vector.extract %slice3A_1095[0] : f32 from vector<1xf32>
          %slice3A_1097 = vector.extract_strided_slice %get3A_126 {offsets = [12], sizes = [1], strides = [1]} : vector<16xf32> to vector<1xf32>
          %squeeze3A_1098 = vector.extract %slice3A_1097[0] : f32 from vector<1xf32>
          %mul3A_1099 = arith.mulf %squeeze3A_1096, %squeeze3A_1098 : f32
          %broadcast_in_dim3A_1100 = vector.broadcast %add3A_797 : f32 to vector<16xf32>
          %neg3A_1101 = arith.constant 0.000000e+00 : f32
          %neg3A_1102 = vector.broadcast %neg3A_1101 : f32 to vector<16xf32>
          %neg3A_1103 = arith.subf %neg3A_1102, %broadcast_in_dim3A_1100 : vector<16xf32>
          %exp3A_1104 = math.exp %neg3A_1103 : vector<16xf32>
          %add3A_1105 = arith.constant 1.000000e+00 : f32
          %add3A_1106 = vector.broadcast %add3A_1105 : f32 to vector<16xf32>
          %add3A_1107 = arith.addf %add3A_1106, %exp3A_1104 : vector<16xf32>
          %div3A_1108 = arith.constant 1.000000e+00 : f32
          %div3A_1109 = vector.broadcast %div3A_1108 : f32 to vector<16xf32>
          %div3A_1110 = arith.divf %div3A_1109, %add3A_1107 : vector<16xf32>
          %slice3A_1111 = vector.extract_strided_slice %div3A_1110 {offsets = [0], sizes = [1], strides = [1]} : vector<16xf32> to vector<1xf32>
          %squeeze3A_1112 = vector.extract %slice3A_1111[0] : f32 from vector<1xf32>
          %slice3A_1113 = vector.extract_strided_slice %get3A_126 {offsets = [13], sizes = [1], strides = [1]} : vector<16xf32> to vector<1xf32>
          %squeeze3A_1114 = vector.extract %slice3A_1113[0] : f32 from vector<1xf32>
          %mul3A_1115 = arith.mulf %squeeze3A_1112, %squeeze3A_1114 : f32
          %broadcast_in_dim3A_1116 = vector.broadcast %add3A_845 : f32 to vector<16xf32>
          %neg3A_1117 = arith.constant 0.000000e+00 : f32
          %neg3A_1118 = vector.broadcast %neg3A_1117 : f32 to vector<16xf32>
          %neg3A_1119 = arith.subf %neg3A_1118, %broadcast_in_dim3A_1116 : vector<16xf32>
          %exp3A_1120 = math.exp %neg3A_1119 : vector<16xf32>
          %add3A_1121 = arith.constant 1.000000e+00 : f32
          %add3A_1122 = vector.broadcast %add3A_1121 : f32 to vector<16xf32>
          %add3A_1123 = arith.addf %add3A_1122, %exp3A_1120 : vector<16xf32>
          %div3A_1124 = arith.constant 1.000000e+00 : f32
          %div3A_1125 = vector.broadcast %div3A_1124 : f32 to vector<16xf32>
          %div3A_1126 = arith.divf %div3A_1125, %add3A_1123 : vector<16xf32>
          %slice3A_1127 = vector.extract_strided_slice %div3A_1126 {offsets = [0], sizes = [1], strides = [1]} : vector<16xf32> to vector<1xf32>
          %squeeze3A_1128 = vector.extract %slice3A_1127[0] : f32 from vector<1xf32>
          %slice3A_1129 = vector.extract_strided_slice %get3A_126 {offsets = [14], sizes = [1], strides = [1]} : vector<16xf32> to vector<1xf32>
          %squeeze3A_1130 = vector.extract %slice3A_1129[0] : f32 from vector<1xf32>
          %mul3A_1131 = arith.mulf %squeeze3A_1128, %squeeze3A_1130 : f32
          %broadcast_in_dim3A_1132 = vector.broadcast %add3A_893 : f32 to vector<16xf32>
          %neg3A_1133 = arith.constant 0.000000e+00 : f32
          %neg3A_1134 = vector.broadcast %neg3A_1133 : f32 to vector<16xf32>
          %neg3A_1135 = arith.subf %neg3A_1134, %broadcast_in_dim3A_1132 : vector<16xf32>
          %exp3A_1136 = math.exp %neg3A_1135 : vector<16xf32>
          %add3A_1137 = arith.constant 1.000000e+00 : f32
          %add3A_1138 = vector.broadcast %add3A_1137 : f32 to vector<16xf32>
          %add3A_1139 = arith.addf %add3A_1138, %exp3A_1136 : vector<16xf32>
          %div3A_1140 = arith.constant 1.000000e+00 : f32
          %div3A_1141 = vector.broadcast %div3A_1140 : f32 to vector<16xf32>
          %div3A_1142 = arith.divf %div3A_1141, %add3A_1139 : vector<16xf32>
          %slice3A_1143 = vector.extract_strided_slice %div3A_1142 {offsets = [0], sizes = [1], strides = [1]} : vector<16xf32> to vector<1xf32>
          %squeeze3A_1144 = vector.extract %slice3A_1143[0] : f32 from vector<1xf32>
          %slice3A_1145 = vector.extract_strided_slice %get3A_126 {offsets = [15], sizes = [1], strides = [1]} : vector<16xf32> to vector<1xf32>
          %squeeze3A_1146 = vector.extract %slice3A_1145[0] : f32 from vector<1xf32>
          %mul3A_1147 = arith.mulf %squeeze3A_1144, %squeeze3A_1146 : f32
          %mul3A_1148 = arith.constant 16 : i32
          %mul3A_1149 = arith.muli %mul3A_1148, %scan3A_116 : i32
          %add3A_1150 = arith.constant 0 : i32
          %add3A_1151 = arith.addi %mul3A_1149, %add3A_1150 : i32
          %slice3A_1152 = vector.extract_strided_slice %get3A_121 {offsets = [0], sizes = [1], strides = [1]} : vector<16xi32> to vector<1xi32>
          %squeeze3A_1153 = vector.extract %slice3A_1152[0] : i32 from vector<1xi32>
          %broadcast_in_dim3A_1154 = vector.broadcast %mul3A_907 : f32 to vector<16xf32>
          %get3A_1155 = arith.index_cast %add3A_1151 : i32 to index
          %get3A_1156 = arith.constant 0 : index
          %get3A_1157 = tpu.vector_load %arg9[%get3A_1155, %get3A_1156] {strides = array<i32>} : memref<160x128xf32, #tpu.memory_space<vmem>>, vector<16xf32>,
          %mul3A_1158 = arith.mulf %broadcast_in_dim3A_1154, %get3A_1157 : vector<16xf32>
          %get3A_1159 = arith.index_cast %add3A_1151 : i32 to index
          %get3A_1160 = arith.constant 16 : index
          %get3A_1161 = tpu.vector_load %arg9[%get3A_1159, %get3A_1160] {strides = array<i32>} : memref<160x128xf32, #tpu.memory_space<vmem>>, vector<16xf32>,
          %mul3A_1162 = arith.mulf %broadcast_in_dim3A_1154, %get3A_1161 : vector<16xf32>
          %get3A_1163 = arith.index_cast %add3A_1151 : i32 to index
          %get3A_1164 = arith.constant 32 : index
          %get3A_1165 = tpu.vector_load %arg9[%get3A_1163, %get3A_1164] {strides = array<i32>} : memref<160x128xf32, #tpu.memory_space<vmem>>, vector<16xf32>,
          %mul3A_1166 = arith.mulf %broadcast_in_dim3A_1154, %get3A_1165 : vector<16xf32>
          %get3A_1167 = arith.index_cast %add3A_1151 : i32 to index
          %get3A_1168 = arith.constant 48 : index
          %get3A_1169 = tpu.vector_load %arg9[%get3A_1167, %get3A_1168] {strides = array<i32>} : memref<160x128xf32, #tpu.memory_space<vmem>>, vector<16xf32>,
          %mul3A_1170 = arith.mulf %broadcast_in_dim3A_1154, %get3A_1169 : vector<16xf32>
          %get3A_1171 = arith.index_cast %add3A_1151 : i32 to index
          %get3A_1172 = arith.constant 64 : index
          %get3A_1173 = tpu.vector_load %arg9[%get3A_1171, %get3A_1172] {strides = array<i32>} : memref<160x128xf32, #tpu.memory_space<vmem>>, vector<16xf32>,
          %mul3A_1174 = arith.mulf %broadcast_in_dim3A_1154, %get3A_1173 : vector<16xf32>
          %get3A_1175 = arith.index_cast %add3A_1151 : i32 to index
          %get3A_1176 = arith.constant 80 : index
          %get3A_1177 = tpu.vector_load %arg9[%get3A_1175, %get3A_1176] {strides = array<i32>} : memref<160x128xf32, #tpu.memory_space<vmem>>, vector<16xf32>,
          %mul3A_1178 = arith.mulf %broadcast_in_dim3A_1154, %get3A_1177 : vector<16xf32>
          %get3A_1179 = arith.index_cast %add3A_1151 : i32 to index
          %get3A_1180 = arith.constant 96 : index
          %get3A_1181 = tpu.vector_load %arg9[%get3A_1179, %get3A_1180] {strides = array<i32>} : memref<160x128xf32, #tpu.memory_space<vmem>>, vector<16xf32>,
          %mul3A_1182 = arith.mulf %broadcast_in_dim3A_1154, %get3A_1181 : vector<16xf32>
          %get3A_1183 = arith.index_cast %add3A_1151 : i32 to index
          %get3A_1184 = arith.constant 112 : index
          %get3A_1185 = tpu.vector_load %arg9[%get3A_1183, %get3A_1184] {strides = array<i32>} : memref<160x128xf32, #tpu.memory_space<vmem>>, vector<16xf32>,
          %mul3A_1186 = arith.mulf %broadcast_in_dim3A_1154, %get3A_1185 : vector<16xf32>
          %swap3A = arith.index_cast %squeeze3A_1153 : i32 to index
          %swap3A_1187 = arith.constant 0 : index
          %swap3A_1188 = tpu.vector_load %arg12[%swap3A, %swap3A_1187] {strides = array<i32>} : memref<512x128xf32, #tpu.memory_space<vmem>>, vector<16xf32>,
          tpu.vector_store %arg12[%swap3A, %swap3A_1187], %mul3A_1158 {add = true, strides = array<i32>} : memref<512x128xf32, #tpu.memory_space<vmem>>, vector<16xf32>,
          %swap3A_1189 = arith.index_cast %squeeze3A_1153 : i32 to index
          %swap3A_1190 = arith.constant 16 : index
          %swap3A_1191 = tpu.vector_load %arg12[%swap3A_1189, %swap3A_1190] {strides = array<i32>} : memref<512x128xf32, #tpu.memory_space<vmem>>, vector<16xf32>,
          tpu.vector_store %arg12[%swap3A_1189, %swap3A_1190], %mul3A_1162 {add = true, strides = array<i32>} : memref<512x128xf32, #tpu.memory_space<vmem>>, vector<16xf32>,
          %swap3A_1192 = arith.index_cast %squeeze3A_1153 : i32 to index
          %swap3A_1193 = arith.constant 32 : index
          %swap3A_1194 = tpu.vector_load %arg12[%swap3A_1192, %swap3A_1193] {strides = array<i32>} : memref<512x128xf32, #tpu.memory_space<vmem>>, vector<16xf32>,
          tpu.vector_store %arg12[%swap3A_1192, %swap3A_1193], %mul3A_1166 {add = true, strides = array<i32>} : memref<512x128xf32, #tpu.memory_space<vmem>>, vector<16xf32>,
          %swap3A_1195 = arith.index_cast %squeeze3A_1153 : i32 to index
          %swap3A_1196 = arith.constant 48 : index
          %swap3A_1197 = tpu.vector_load %arg12[%swap3A_1195, %swap3A_1196] {strides = array<i32>} : memref<512x128xf32, #tpu.memory_space<vmem>>, vector<16xf32>,
          tpu.vector_store %arg12[%swap3A_1195, %swap3A_1196], %mul3A_1170 {add = true, strides = array<i32>} : memref<512x128xf32, #tpu.memory_space<vmem>>, vector<16xf32>,
          %swap3A_1198 = arith.index_cast %squeeze3A_1153 : i32 to index
          %swap3A_1199 = arith.constant 64 : index
          %swap3A_1200 = tpu.vector_load %arg12[%swap3A_1198, %swap3A_1199] {strides = array<i32>} : memref<512x128xf32, #tpu.memory_space<vmem>>, vector<16xf32>,
          tpu.vector_store %arg12[%swap3A_1198, %swap3A_1199], %mul3A_1174 {add = true, strides = array<i32>} : memref<512x128xf32, #tpu.memory_space<vmem>>, vector<16xf32>,
          %swap3A_1201 = arith.index_cast %squeeze3A_1153 : i32 to index
          %swap3A_1202 = arith.constant 80 : index
          %swap3A_1203 = tpu.vector_load %arg12[%swap3A_1201, %swap3A_1202] {strides = array<i32>} : memref<512x128xf32, #tpu.memory_space<vmem>>, vector<16xf32>,
          tpu.vector_store %arg12[%swap3A_1201, %swap3A_1202], %mul3A_1178 {add = true, strides = array<i32>} : memref<512x128xf32, #tpu.memory_space<vmem>>, vector<16xf32>,
          %swap3A_1204 = arith.index_cast %squeeze3A_1153 : i32 to index
          %swap3A_1205 = arith.constant 96 : index
          %swap3A_1206 = tpu.vector_load %arg12[%swap3A_1204, %swap3A_1205] {strides = array<i32>} : memref<512x128xf32, #tpu.memory_space<vmem>>, vector<16xf32>,
          tpu.vector_store %arg12[%swap3A_1204, %swap3A_1205], %mul3A_1182 {add = true, strides = array<i32>} : memref<512x128xf32, #tpu.memory_space<vmem>>, vector<16xf32>,
          %swap3A_1207 = arith.index_cast %squeeze3A_1153 : i32 to index
          %swap3A_1208 = arith.constant 112 : index
          %swap3A_1209 = tpu.vector_load %arg12[%swap3A_1207, %swap3A_1208] {strides = array<i32>} : memref<512x128xf32, #tpu.memory_space<vmem>>, vector<16xf32>,
          tpu.vector_store %arg12[%swap3A_1207, %swap3A_1208], %mul3A_1186 {add = true, strides = array<i32>} : memref<512x128xf32, #tpu.memory_space<vmem>>, vector<16xf32>,
          %mul3A_1210 = arith.constant 16 : i32
          %mul3A_1211 = arith.muli %mul3A_1210, %scan3A_116 : i32
          %add3A_1212 = arith.constant 1 : i32
          %add3A_1213 = arith.addi %mul3A_1211, %add3A_1212 : i32
          %slice3A_1214 = vector.extract_strided_slice %get3A_121 {offsets = [1], sizes = [1], strides = [1]} : vector<16xi32> to vector<1xi32>
          %squeeze3A_1215 = vector.extract %slice3A_1214[0] : i32 from vector<1xi32>
          %broadcast_in_dim3A_1216 = vector.broadcast %mul3A_923 : f32 to vector<16xf32>
          %get3A_1217 = arith.index_cast %add3A_1213 : i32 to index
          %get3A_1218 = arith.constant 0 : index
          %get3A_1219 = tpu.vector_load %arg9[%get3A_1217, %get3A_1218] {strides = array<i32>} : memref<160x128xf32, #tpu.memory_space<vmem>>, vector<16xf32>,
          %mul3A_1220 = arith.mulf %broadcast_in_dim3A_1216, %get3A_1219 : vector<16xf32>
          %get3A_1221 = arith.index_cast %add3A_1213 : i32 to index
          %get3A_1222 = arith.constant 16 : index
          %get3A_1223 = tpu.vector_load %arg9[%get3A_1221, %get3A_1222] {strides = array<i32>} : memref<160x128xf32, #tpu.memory_space<vmem>>, vector<16xf32>,
          %mul3A_1224 = arith.mulf %broadcast_in_dim3A_1216, %get3A_1223 : vector<16xf32>
          %get3A_1225 = arith.index_cast %add3A_1213 : i32 to index
          %get3A_1226 = arith.constant 32 : index
          %get3A_1227 = tpu.vector_load %arg9[%get3A_1225, %get3A_1226] {strides = array<i32>} : memref<160x128xf32, #tpu.memory_space<vmem>>, vector<16xf32>,
          %mul3A_1228 = arith.mulf %broadcast_in_dim3A_1216, %get3A_1227 : vector<16xf32>
          %get3A_1229 = arith.index_cast %add3A_1213 : i32 to index
          %get3A_1230 = arith.constant 48 : index
          %get3A_1231 = tpu.vector_load %arg9[%get3A_1229, %get3A_1230] {strides = array<i32>} : memref<160x128xf32, #tpu.memory_space<vmem>>, vector<16xf32>,
          %mul3A_1232 = arith.mulf %broadcast_in_dim3A_1216, %get3A_1231 : vector<16xf32>
          %get3A_1233 = arith.index_cast %add3A_1213 : i32 to index
          %get3A_1234 = arith.constant 64 : index
          %get3A_1235 = tpu.vector_load %arg9[%get3A_1233, %get3A_1234] {strides = array<i32>} : memref<160x128xf32, #tpu.memory_space<vmem>>, vector<16xf32>,
          %mul3A_1236 = arith.mulf %broadcast_in_dim3A_1216, %get3A_1235 : vector<16xf32>
          %get3A_1237 = arith.index_cast %add3A_1213 : i32 to index
          %get3A_1238 = arith.constant 80 : index
          %get3A_1239 = tpu.vector_load %arg9[%get3A_1237, %get3A_1238] {strides = array<i32>} : memref<160x128xf32, #tpu.memory_space<vmem>>, vector<16xf32>,
          %mul3A_1240 = arith.mulf %broadcast_in_dim3A_1216, %get3A_1239 : vector<16xf32>
          %get3A_1241 = arith.index_cast %add3A_1213 : i32 to index
          %get3A_1242 = arith.constant 96 : index
          %get3A_1243 = tpu.vector_load %arg9[%get3A_1241, %get3A_1242] {strides = array<i32>} : memref<160x128xf32, #tpu.memory_space<vmem>>, vector<16xf32>,
          %mul3A_1244 = arith.mulf %broadcast_in_dim3A_1216, %get3A_1243 : vector<16xf32>
          %get3A_1245 = arith.index_cast %add3A_1213 : i32 to index
          %get3A_1246 = arith.constant 112 : index
          %get3A_1247 = tpu.vector_load %arg9[%get3A_1245, %get3A_1246] {strides = array<i32>} : memref<160x128xf32, #tpu.memory_space<vmem>>, vector<16xf32>,
          %mul3A_1248 = arith.mulf %broadcast_in_dim3A_1216, %get3A_1247 : vector<16xf32>
          %swap3A_1249 = arith.index_cast %squeeze3A_1215 : i32 to index
          %swap3A_1250 = arith.constant 0 : index
          %swap3A_1251 = tpu.vector_load %arg12[%swap3A_1249, %swap3A_1250] {strides = array<i32>} : memref<512x128xf32, #tpu.memory_space<vmem>>, vector<16xf32>,
          tpu.vector_store %arg12[%swap3A_1249, %swap3A_1250], %mul3A_1220 {add = true, strides = array<i32>} : memref<512x128xf32, #tpu.memory_space<vmem>>, vector<16xf32>,
          %swap3A_1252 = arith.index_cast %squeeze3A_1215 : i32 to index
          %swap3A_1253 = arith.constant 16 : index
          %swap3A_1254 = tpu.vector_load %arg12[%swap3A_1252, %swap3A_1253] {strides = array<i32>} : memref<512x128xf32, #tpu.memory_space<vmem>>, vector<16xf32>,
          tpu.vector_store %arg12[%swap3A_1252, %swap3A_1253], %mul3A_1224 {add = true, strides = array<i32>} : memref<512x128xf32, #tpu.memory_space<vmem>>, vector<16xf32>,
          %swap3A_1255 = arith.index_cast %squeeze3A_1215 : i32 to index
          %swap3A_1256 = arith.constant 32 : index
          %swap3A_1257 = tpu.vector_load %arg12[%swap3A_1255, %swap3A_1256] {strides = array<i32>} : memref<512x128xf32, #tpu.memory_space<vmem>>, vector<16xf32>,
          tpu.vector_store %arg12[%swap3A_1255, %swap3A_1256], %mul3A_1228 {add = true, strides = array<i32>} : memref<512x128xf32, #tpu.memory_space<vmem>>, vector<16xf32>,
          %swap3A_1258 = arith.index_cast %squeeze3A_1215 : i32 to index
          %swap3A_1259 = arith.constant 48 : index
          %swap3A_1260 = tpu.vector_load %arg12[%swap3A_1258, %swap3A_1259] {strides = array<i32>} : memref<512x128xf32, #tpu.memory_space<vmem>>, vector<16xf32>,
          tpu.vector_store %arg12[%swap3A_1258, %swap3A_1259], %mul3A_1232 {add = true, strides = array<i32>} : memref<512x128xf32, #tpu.memory_space<vmem>>, vector<16xf32>,
          %swap3A_1261 = arith.index_cast %squeeze3A_1215 : i32 to index
          %swap3A_1262 = arith.constant 64 : index
          %swap3A_1263 = tpu.vector_load %arg12[%swap3A_1261, %swap3A_1262] {strides = array<i32>} : memref<512x128xf32, #tpu.memory_space<vmem>>, vector<16xf32>,
          tpu.vector_store %arg12[%swap3A_1261, %swap3A_1262], %mul3A_1236 {add = true, strides = array<i32>} : memref<512x128xf32, #tpu.memory_space<vmem>>, vector<16xf32>,
          %swap3A_1264 = arith.index_cast %squeeze3A_1215 : i32 to index
          %swap3A_1265 = arith.constant 80 : index
          %swap3A_1266 = tpu.vector_load %arg12[%swap3A_1264, %swap3A_1265] {strides = array<i32>} : memref<512x128xf32, #tpu.memory_space<vmem>>, vector<16xf32>,
          tpu.vector_store %arg12[%swap3A_1264, %swap3A_1265], %mul3A_1240 {add = true, strides = array<i32>} : memref<512x128xf32, #tpu.memory_space<vmem>>, vector<16xf32>,
          %swap3A_1267 = arith.index_cast %squeeze3A_1215 : i32 to index
          %swap3A_1268 = arith.constant 96 : index
          %swap3A_1269 = tpu.vector_load %arg12[%swap3A_1267, %swap3A_1268] {strides = array<i32>} : memref<512x128xf32, #tpu.memory_space<vmem>>, vector<16xf32>,
          tpu.vector_store %arg12[%swap3A_1267, %swap3A_1268], %mul3A_1244 {add = true, strides = array<i32>} : memref<512x128xf32, #tpu.memory_space<vmem>>, vector<16xf32>,
          %swap3A_1270 = arith.index_cast %squeeze3A_1215 : i32 to index
          %swap3A_1271 = arith.constant 112 : index
          %swap3A_1272 = tpu.vector_load %arg12[%swap3A_1270, %swap3A_1271] {strides = array<i32>} : memref<512x128xf32, #tpu.memory_space<vmem>>, vector<16xf32>,
          tpu.vector_store %arg12[%swap3A_1270, %swap3A_1271], %mul3A_1248 {add = true, strides = array<i32>} : memref<512x128xf32, #tpu.memory_space<vmem>>, vector<16xf32>,
          %mul3A_1273 = arith.constant 16 : i32
          %mul3A_1274 = arith.muli %mul3A_1273, %scan3A_116 : i32
          %add3A_1275 = arith.constant 2 : i32
          %add3A_1276 = arith.addi %mul3A_1274, %add3A_1275 : i32
          %slice3A_1277 = vector.extract_strided_slice %get3A_121 {offsets = [2], sizes = [1], strides = [1]} : vector<16xi32> to vector<1xi32>
          %squeeze3A_1278 = vector.extract %slice3A_1277[0] : i32 from vector<1xi32>
          %broadcast_in_dim3A_1279 = vector.broadcast %mul3A_939 : f32 to vector<16xf32>
          %get3A_1280 = arith.index_cast %add3A_1276 : i32 to index
          %get3A_1281 = arith.constant 0 : index
          %get3A_1282 = tpu.vector_load %arg9[%get3A_1280, %get3A_1281] {strides = array<i32>} : memref<160x128xf32, #tpu.memory_space<vmem>>, vector<16xf32>,
          %mul3A_1283 = arith.mulf %broadcast_in_dim3A_1279, %get3A_1282 : vector<16xf32>
          %get3A_1284 = arith.index_cast %add3A_1276 : i32 to index
          %get3A_1285 = arith.constant 16 : index
          %get3A_1286 = tpu.vector_load %arg9[%get3A_1284, %get3A_1285] {strides = array<i32>} : memref<160x128xf32, #tpu.memory_space<vmem>>, vector<16xf32>,
          %mul3A_1287 = arith.mulf %broadcast_in_dim3A_1279, %get3A_1286 : vector<16xf32>
          %get3A_1288 = arith.index_cast %add3A_1276 : i32 to index
          %get3A_1289 = arith.constant 32 : index
          %get3A_1290 = tpu.vector_load %arg9[%get3A_1288, %get3A_1289] {strides = array<i32>} : memref<160x128xf32, #tpu.memory_space<vmem>>, vector<16xf32>,
          %mul3A_1291 = arith.mulf %broadcast_in_dim3A_1279, %get3A_1290 : vector<16xf32>
          %get3A_1292 = arith.index_cast %add3A_1276 : i32 to index
          %get3A_1293 = arith.constant 48 : index
          %get3A_1294 = tpu.vector_load %arg9[%get3A_1292, %get3A_1293] {strides = array<i32>} : memref<160x128xf32, #tpu.memory_space<vmem>>, vector<16xf32>,
          %mul3A_1295 = arith.mulf %broadcast_in_dim3A_1279, %get3A_1294 : vector<16xf32>
          %get3A_1296 = arith.index_cast %add3A_1276 : i32 to index
          %get3A_1297 = arith.constant 64 : index
          %get3A_1298 = tpu.vector_load %arg9[%get3A_1296, %get3A_1297] {strides = array<i32>} : memref<160x128xf32, #tpu.memory_space<vmem>>, vector<16xf32>,
          %mul3A_1299 = arith.mulf %broadcast_in_dim3A_1279, %get3A_1298 : vector<16xf32>
          %get3A_1300 = arith.index_cast %add3A_1276 : i32 to index
          %get3A_1301 = arith.constant 80 : index
          %get3A_1302 = tpu.vector_load %arg9[%get3A_1300, %get3A_1301] {strides = array<i32>} : memref<160x128xf32, #tpu.memory_space<vmem>>, vector<16xf32>,
          %mul3A_1303 = arith.mulf %broadcast_in_dim3A_1279, %get3A_1302 : vector<16xf32>
          %get3A_1304 = arith.index_cast %add3A_1276 : i32 to index
          %get3A_1305 = arith.constant 96 : index
          %get3A_1306 = tpu.vector_load %arg9[%get3A_1304, %get3A_1305] {strides = array<i32>} : memref<160x128xf32, #tpu.memory_space<vmem>>, vector<16xf32>,
          %mul3A_1307 = arith.mulf %broadcast_in_dim3A_1279, %get3A_1306 : vector<16xf32>
          %get3A_1308 = arith.index_cast %add3A_1276 : i32 to index
          %get3A_1309 = arith.constant 112 : index
          %get3A_1310 = tpu.vector_load %arg9[%get3A_1308, %get3A_1309] {strides = array<i32>} : memref<160x128xf32, #tpu.memory_space<vmem>>, vector<16xf32>,
          %mul3A_1311 = arith.mulf %broadcast_in_dim3A_1279, %get3A_1310 : vector<16xf32>
          %swap3A_1312 = arith.index_cast %squeeze3A_1278 : i32 to index
          %swap3A_1313 = arith.constant 0 : index
          %swap3A_1314 = tpu.vector_load %arg12[%swap3A_1312, %swap3A_1313] {strides = array<i32>} : memref<512x128xf32, #tpu.memory_space<vmem>>, vector<16xf32>,
          tpu.vector_store %arg12[%swap3A_1312, %swap3A_1313], %mul3A_1283 {add = true, strides = array<i32>} : memref<512x128xf32, #tpu.memory_space<vmem>>, vector<16xf32>,
          %swap3A_1315 = arith.index_cast %squeeze3A_1278 : i32 to index
          %swap3A_1316 = arith.constant 16 : index
          %swap3A_1317 = tpu.vector_load %arg12[%swap3A_1315, %swap3A_1316] {strides = array<i32>} : memref<512x128xf32, #tpu.memory_space<vmem>>, vector<16xf32>,
          tpu.vector_store %arg12[%swap3A_1315, %swap3A_1316], %mul3A_1287 {add = true, strides = array<i32>} : memref<512x128xf32, #tpu.memory_space<vmem>>, vector<16xf32>,
          %swap3A_1318 = arith.index_cast %squeeze3A_1278 : i32 to index
          %swap3A_1319 = arith.constant 32 : index
          %swap3A_1320 = tpu.vector_load %arg12[%swap3A_1318, %swap3A_1319] {strides = array<i32>} : memref<512x128xf32, #tpu.memory_space<vmem>>, vector<16xf32>,
          tpu.vector_store %arg12[%swap3A_1318, %swap3A_1319], %mul3A_1291 {add = true, strides = array<i32>} : memref<512x128xf32, #tpu.memory_space<vmem>>, vector<16xf32>,
          %swap3A_1321 = arith.index_cast %squeeze3A_1278 : i32 to index
          %swap3A_1322 = arith.constant 48 : index
          %swap3A_1323 = tpu.vector_load %arg12[%swap3A_1321, %swap3A_1322] {strides = array<i32>} : memref<512x128xf32, #tpu.memory_space<vmem>>, vector<16xf32>,
          tpu.vector_store %arg12[%swap3A_1321, %swap3A_1322], %mul3A_1295 {add = true, strides = array<i32>} : memref<512x128xf32, #tpu.memory_space<vmem>>, vector<16xf32>,
          %swap3A_1324 = arith.index_cast %squeeze3A_1278 : i32 to index
          %swap3A_1325 = arith.constant 64 : index
          %swap3A_1326 = tpu.vector_load %arg12[%swap3A_1324, %swap3A_1325] {strides = array<i32>} : memref<512x128xf32, #tpu.memory_space<vmem>>, vector<16xf32>,
          tpu.vector_store %arg12[%swap3A_1324, %swap3A_1325], %mul3A_1299 {add = true, strides = array<i32>} : memref<512x128xf32, #tpu.memory_space<vmem>>, vector<16xf32>,
          %swap3A_1327 = arith.index_cast %squeeze3A_1278 : i32 to index
          %swap3A_1328 = arith.constant 80 : index
          %swap3A_1329 = tpu.vector_load %arg12[%swap3A_1327, %swap3A_1328] {strides = array<i32>} : memref<512x128xf32, #tpu.memory_space<vmem>>, vector<16xf32>,
          tpu.vector_store %arg12[%swap3A_1327, %swap3A_1328], %mul3A_1303 {add = true, strides = array<i32>} : memref<512x128xf32, #tpu.memory_space<vmem>>, vector<16xf32>,
          %swap3A_1330 = arith.index_cast %squeeze3A_1278 : i32 to index
          %swap3A_1331 = arith.constant 96 : index
          %swap3A_1332 = tpu.vector_load %arg12[%swap3A_1330, %swap3A_1331] {strides = array<i32>} : memref<512x128xf32, #tpu.memory_space<vmem>>, vector<16xf32>,
          tpu.vector_store %arg12[%swap3A_1330, %swap3A_1331], %mul3A_1307 {add = true, strides = array<i32>} : memref<512x128xf32, #tpu.memory_space<vmem>>, vector<16xf32>,
          %swap3A_1333 = arith.index_cast %squeeze3A_1278 : i32 to index
          %swap3A_1334 = arith.constant 112 : index
          %swap3A_1335 = tpu.vector_load %arg12[%swap3A_1333, %swap3A_1334] {strides = array<i32>} : memref<512x128xf32, #tpu.memory_space<vmem>>, vector<16xf32>,
          tpu.vector_store %arg12[%swap3A_1333, %swap3A_1334], %mul3A_1311 {add = true, strides = array<i32>} : memref<512x128xf32, #tpu.memory_space<vmem>>, vector<16xf32>,
          %mul3A_1336 = arith.constant 16 : i32
          %mul3A_1337 = arith.muli %mul3A_1336, %scan3A_116 : i32
          %add3A_1338 = arith.constant 3 : i32
          %add3A_1339 = arith.addi %mul3A_1337, %add3A_1338 : i32
          %slice3A_1340 = vector.extract_strided_slice %get3A_121 {offsets = [3], sizes = [1], strides = [1]} : vector<16xi32> to vector<1xi32>
          %squeeze3A_1341 = vector.extract %slice3A_1340[0] : i32 from vector<1xi32>
          %broadcast_in_dim3A_1342 = vector.broadcast %mul3A_955 : f32 to vector<16xf32>
          %get3A_1343 = arith.index_cast %add3A_1339 : i32 to index
          %get3A_1344 = arith.constant 0 : index
          %get3A_1345 = tpu.vector_load %arg9[%get3A_1343, %get3A_1344] {strides = array<i32>} : memref<160x128xf32, #tpu.memory_space<vmem>>, vector<16xf32>,
          %mul3A_1346 = arith.mulf %broadcast_in_dim3A_1342, %get3A_1345 : vector<16xf32>
          %get3A_1347 = arith.index_cast %add3A_1339 : i32 to index
          %get3A_1348 = arith.constant 16 : index
          %get3A_1349 = tpu.vector_load %arg9[%get3A_1347, %get3A_1348] {strides = array<i32>} : memref<160x128xf32, #tpu.memory_space<vmem>>, vector<16xf32>,
          %mul3A_1350 = arith.mulf %broadcast_in_dim3A_1342, %get3A_1349 : vector<16xf32>
          %get3A_1351 = arith.index_cast %add3A_1339 : i32 to index
          %get3A_1352 = arith.constant 32 : index
          %get3A_1353 = tpu.vector_load %arg9[%get3A_1351, %get3A_1352] {strides = array<i32>} : memref<160x128xf32, #tpu.memory_space<vmem>>, vector<16xf32>,
          %mul3A_1354 = arith.mulf %broadcast_in_dim3A_1342, %get3A_1353 : vector<16xf32>
          %get3A_1355 = arith.index_cast %add3A_1339 : i32 to index
          %get3A_1356 = arith.constant 48 : index
          %get3A_1357 = tpu.vector_load %arg9[%get3A_1355, %get3A_1356] {strides = array<i32>} : memref<160x128xf32, #tpu.memory_space<vmem>>, vector<16xf32>,
          %mul3A_1358 = arith.mulf %broadcast_in_dim3A_1342, %get3A_1357 : vector<16xf32>
          %get3A_1359 = arith.index_cast %add3A_1339 : i32 to index
          %get3A_1360 = arith.constant 64 : index
          %get3A_1361 = tpu.vector_load %arg9[%get3A_1359, %get3A_1360] {strides = array<i32>} : memref<160x128xf32, #tpu.memory_space<vmem>>, vector<16xf32>,
          %mul3A_1362 = arith.mulf %broadcast_in_dim3A_1342, %get3A_1361 : vector<16xf32>
          %get3A_1363 = arith.index_cast %add3A_1339 : i32 to index
          %get3A_1364 = arith.constant 80 : index
          %get3A_1365 = tpu.vector_load %arg9[%get3A_1363, %get3A_1364] {strides = array<i32>} : memref<160x128xf32, #tpu.memory_space<vmem>>, vector<16xf32>,
          %mul3A_1366 = arith.mulf %broadcast_in_dim3A_1342, %get3A_1365 : vector<16xf32>
          %get3A_1367 = arith.index_cast %add3A_1339 : i32 to index
          %get3A_1368 = arith.constant 96 : index
          %get3A_1369 = tpu.vector_load %arg9[%get3A_1367, %get3A_1368] {strides = array<i32>} : memref<160x128xf32, #tpu.memory_space<vmem>>, vector<16xf32>,
          %mul3A_1370 = arith.mulf %broadcast_in_dim3A_1342, %get3A_1369 : vector<16xf32>
          %get3A_1371 = arith.index_cast %add3A_1339 : i32 to index
          %get3A_1372 = arith.constant 112 : index
          %get3A_1373 = tpu.vector_load %arg9[%get3A_1371, %get3A_1372] {strides = array<i32>} : memref<160x128xf32, #tpu.memory_space<vmem>>, vector<16xf32>,
          %mul3A_1374 = arith.mulf %broadcast_in_dim3A_1342, %get3A_1373 : vector<16xf32>
          %swap3A_1375 = arith.index_cast %squeeze3A_1341 : i32 to index
          %swap3A_1376 = arith.constant 0 : index
          %swap3A_1377 = tpu.vector_load %arg12[%swap3A_1375, %swap3A_1376] {strides = array<i32>} : memref<512x128xf32, #tpu.memory_space<vmem>>, vector<16xf32>,
          tpu.vector_store %arg12[%swap3A_1375, %swap3A_1376], %mul3A_1346 {add = true, strides = array<i32>} : memref<512x128xf32, #tpu.memory_space<vmem>>, vector<16xf32>,
          %swap3A_1378 = arith.index_cast %squeeze3A_1341 : i32 to index
          %swap3A_1379 = arith.constant 16 : index
          %swap3A_1380 = tpu.vector_load %arg12[%swap3A_1378, %swap3A_1379] {strides = array<i32>} : memref<512x128xf32, #tpu.memory_space<vmem>>, vector<16xf32>,
          tpu.vector_store %arg12[%swap3A_1378, %swap3A_1379], %mul3A_1350 {add = true, strides = array<i32>} : memref<512x128xf32, #tpu.memory_space<vmem>>, vector<16xf32>,
          %swap3A_1381 = arith.index_cast %squeeze3A_1341 : i32 to index
          %swap3A_1382 = arith.constant 32 : index
          %swap3A_1383 = tpu.vector_load %arg12[%swap3A_1381, %swap3A_1382] {strides = array<i32>} : memref<512x128xf32, #tpu.memory_space<vmem>>, vector<16xf32>,
          tpu.vector_store %arg12[%swap3A_1381, %swap3A_1382], %mul3A_1354 {add = true, strides = array<i32>} : memref<512x128xf32, #tpu.memory_space<vmem>>, vector<16xf32>,
          %swap3A_1384 = arith.index_cast %squeeze3A_1341 : i32 to index
          %swap3A_1385 = arith.constant 48 : index
          %swap3A_1386 = tpu.vector_load %arg12[%swap3A_1384, %swap3A_1385] {strides = array<i32>} : memref<512x128xf32, #tpu.memory_space<vmem>>, vector<16xf32>,
          tpu.vector_store %arg12[%swap3A_1384, %swap3A_1385], %mul3A_1358 {add = true, strides = array<i32>} : memref<512x128xf32, #tpu.memory_space<vmem>>, vector<16xf32>,
          %swap3A_1387 = arith.index_cast %squeeze3A_1341 : i32 to index
          %swap3A_1388 = arith.constant 64 : index
          %swap3A_1389 = tpu.vector_load %arg12[%swap3A_1387, %swap3A_1388] {strides = array<i32>} : memref<512x128xf32, #tpu.memory_space<vmem>>, vector<16xf32>,
          tpu.vector_store %arg12[%swap3A_1387, %swap3A_1388], %mul3A_1362 {add = true, strides = array<i32>} : memref<512x128xf32, #tpu.memory_space<vmem>>, vector<16xf32>,
          %swap3A_1390 = arith.index_cast %squeeze3A_1341 : i32 to index
          %swap3A_1391 = arith.constant 80 : index
          %swap3A_1392 = tpu.vector_load %arg12[%swap3A_1390, %swap3A_1391] {strides = array<i32>} : memref<512x128xf32, #tpu.memory_space<vmem>>, vector<16xf32>,
          tpu.vector_store %arg12[%swap3A_1390, %swap3A_1391], %mul3A_1366 {add = true, strides = array<i32>} : memref<512x128xf32, #tpu.memory_space<vmem>>, vector<16xf32>,
          %swap3A_1393 = arith.index_cast %squeeze3A_1341 : i32 to index
          %swap3A_1394 = arith.constant 96 : index
          %swap3A_1395 = tpu.vector_load %arg12[%swap3A_1393, %swap3A_1394] {strides = array<i32>} : memref<512x128xf32, #tpu.memory_space<vmem>>, vector<16xf32>,
          tpu.vector_store %arg12[%swap3A_1393, %swap3A_1394], %mul3A_1370 {add = true, strides = array<i32>} : memref<512x128xf32, #tpu.memory_space<vmem>>, vector<16xf32>,
          %swap3A_1396 = arith.index_cast %squeeze3A_1341 : i32 to index
          %swap3A_1397 = arith.constant 112 : index
          %swap3A_1398 = tpu.vector_load %arg12[%swap3A_1396, %swap3A_1397] {strides = array<i32>} : memref<512x128xf32, #tpu.memory_space<vmem>>, vector<16xf32>,
          tpu.vector_store %arg12[%swap3A_1396, %swap3A_1397], %mul3A_1374 {add = true, strides = array<i32>} : memref<512x128xf32, #tpu.memory_space<vmem>>, vector<16xf32>,
          %mul3A_1399 = arith.constant 16 : i32
          %mul3A_1400 = arith.muli %mul3A_1399, %scan3A_116 : i32
          %add3A_1401 = arith.constant 4 : i32
          %add3A_1402 = arith.addi %mul3A_1400, %add3A_1401 : i32
          %slice3A_1403 = vector.extract_strided_slice %get3A_121 {offsets = [4], sizes = [1], strides = [1]} : vector<16xi32> to vector<1xi32>
          %squeeze3A_1404 = vector.extract %slice3A_1403[0] : i32 from vector<1xi32>
          %broadcast_in_dim3A_1405 = vector.broadcast %mul3A_971 : f32 to vector<16xf32>
          %get3A_1406 = arith.index_cast %add3A_1402 : i32 to index
          %get3A_1407 = arith.constant 0 : index
          %get3A_1408 = tpu.vector_load %arg9[%get3A_1406, %get3A_1407] {strides = array<i32>} : memref<160x128xf32, #tpu.memory_space<vmem>>, vector<16xf32>,
          %mul3A_1409 = arith.mulf %broadcast_in_dim3A_1405, %get3A_1408 : vector<16xf32>
          %get3A_1410 = arith.index_cast %add3A_1402 : i32 to index
          %get3A_1411 = arith.constant 16 : index
          %get3A_1412 = tpu.vector_load %arg9[%get3A_1410, %get3A_1411] {strides = array<i32>} : memref<160x128xf32, #tpu.memory_space<vmem>>, vector<16xf32>,
          %mul3A_1413 = arith.mulf %broadcast_in_dim3A_1405, %get3A_1412 : vector<16xf32>
          %get3A_1414 = arith.index_cast %add3A_1402 : i32 to index
          %get3A_1415 = arith.constant 32 : index
          %get3A_1416 = tpu.vector_load %arg9[%get3A_1414, %get3A_1415] {strides = array<i32>} : memref<160x128xf32, #tpu.memory_space<vmem>>, vector<16xf32>,
          %mul3A_1417 = arith.mulf %broadcast_in_dim3A_1405, %get3A_1416 : vector<16xf32>
          %get3A_1418 = arith.index_cast %add3A_1402 : i32 to index
          %get3A_1419 = arith.constant 48 : index
          %get3A_1420 = tpu.vector_load %arg9[%get3A_1418, %get3A_1419] {strides = array<i32>} : memref<160x128xf32, #tpu.memory_space<vmem>>, vector<16xf32>,
          %mul3A_1421 = arith.mulf %broadcast_in_dim3A_1405, %get3A_1420 : vector<16xf32>
          %get3A_1422 = arith.index_cast %add3A_1402 : i32 to index
          %get3A_1423 = arith.constant 64 : index
          %get3A_1424 = tpu.vector_load %arg9[%get3A_1422, %get3A_1423] {strides = array<i32>} : memref<160x128xf32, #tpu.memory_space<vmem>>, vector<16xf32>,
          %mul3A_1425 = arith.mulf %broadcast_in_dim3A_1405, %get3A_1424 : vector<16xf32>
          %get3A_1426 = arith.index_cast %add3A_1402 : i32 to index
          %get3A_1427 = arith.constant 80 : index
          %get3A_1428 = tpu.vector_load %arg9[%get3A_1426, %get3A_1427] {strides = array<i32>} : memref<160x128xf32, #tpu.memory_space<vmem>>, vector<16xf32>,
          %mul3A_1429 = arith.mulf %broadcast_in_dim3A_1405, %get3A_1428 : vector<16xf32>
          %get3A_1430 = arith.index_cast %add3A_1402 : i32 to index
          %get3A_1431 = arith.constant 96 : index
          %get3A_1432 = tpu.vector_load %arg9[%get3A_1430, %get3A_1431] {strides = array<i32>} : memref<160x128xf32, #tpu.memory_space<vmem>>, vector<16xf32>,
          %mul3A_1433 = arith.mulf %broadcast_in_dim3A_1405, %get3A_1432 : vector<16xf32>
          %get3A_1434 = arith.index_cast %add3A_1402 : i32 to index
          %get3A_1435 = arith.constant 112 : index
          %get3A_1436 = tpu.vector_load %arg9[%get3A_1434, %get3A_1435] {strides = array<i32>} : memref<160x128xf32, #tpu.memory_space<vmem>>, vector<16xf32>,
          %mul3A_1437 = arith.mulf %broadcast_in_dim3A_1405, %get3A_1436 : vector<16xf32>
          %swap3A_1438 = arith.index_cast %squeeze3A_1404 : i32 to index
          %swap3A_1439 = arith.constant 0 : index
          %swap3A_1440 = tpu.vector_load %arg12[%swap3A_1438, %swap3A_1439] {strides = array<i32>} : memref<512x128xf32, #tpu.memory_space<vmem>>, vector<16xf32>,
          tpu.vector_store %arg12[%swap3A_1438, %swap3A_1439], %mul3A_1409 {add = true, strides = array<i32>} : memref<512x128xf32, #tpu.memory_space<vmem>>, vector<16xf32>,
          %swap3A_1441 = arith.index_cast %squeeze3A_1404 : i32 to index
          %swap3A_1442 = arith.constant 16 : index
          %swap3A_1443 = tpu.vector_load %arg12[%swap3A_1441, %swap3A_1442] {strides = array<i32>} : memref<512x128xf32, #tpu.memory_space<vmem>>, vector<16xf32>,
          tpu.vector_store %arg12[%swap3A_1441, %swap3A_1442], %mul3A_1413 {add = true, strides = array<i32>} : memref<512x128xf32, #tpu.memory_space<vmem>>, vector<16xf32>,
          %swap3A_1444 = arith.index_cast %squeeze3A_1404 : i32 to index
          %swap3A_1445 = arith.constant 32 : index
          %swap3A_1446 = tpu.vector_load %arg12[%swap3A_1444, %swap3A_1445] {strides = array<i32>} : memref<512x128xf32, #tpu.memory_space<vmem>>, vector<16xf32>,
          tpu.vector_store %arg12[%swap3A_1444, %swap3A_1445], %mul3A_1417 {add = true, strides = array<i32>} : memref<512x128xf32, #tpu.memory_space<vmem>>, vector<16xf32>,
          %swap3A_1447 = arith.index_cast %squeeze3A_1404 : i32 to index
          %swap3A_1448 = arith.constant 48 : index
          %swap3A_1449 = tpu.vector_load %arg12[%swap3A_1447, %swap3A_1448] {strides = array<i32>} : memref<512x128xf32, #tpu.memory_space<vmem>>, vector<16xf32>,
          tpu.vector_store %arg12[%swap3A_1447, %swap3A_1448], %mul3A_1421 {add = true, strides = array<i32>} : memref<512x128xf32, #tpu.memory_space<vmem>>, vector<16xf32>,
          %swap3A_1450 = arith.index_cast %squeeze3A_1404 : i32 to index
          %swap3A_1451 = arith.constant 64 : index
          %swap3A_1452 = tpu.vector_load %arg12[%swap3A_1450, %swap3A_1451] {strides = array<i32>} : memref<512x128xf32, #tpu.memory_space<vmem>>, vector<16xf32>,
          tpu.vector_store %arg12[%swap3A_1450, %swap3A_1451], %mul3A_1425 {add = true, strides = array<i32>} : memref<512x128xf32, #tpu.memory_space<vmem>>, vector<16xf32>,
          %swap3A_1453 = arith.index_cast %squeeze3A_1404 : i32 to index
          %swap3A_1454 = arith.constant 80 : index
          %swap3A_1455 = tpu.vector_load %arg12[%swap3A_1453, %swap3A_1454] {strides = array<i32>} : memref<512x128xf32, #tpu.memory_space<vmem>>, vector<16xf32>,
          tpu.vector_store %arg12[%swap3A_1453, %swap3A_1454], %mul3A_1429 {add = true, strides = array<i32>} : memref<512x128xf32, #tpu.memory_space<vmem>>, vector<16xf32>,
          %swap3A_1456 = arith.index_cast %squeeze3A_1404 : i32 to index
          %swap3A_1457 = arith.constant 96 : index
          %swap3A_1458 = tpu.vector_load %arg12[%swap3A_1456, %swap3A_1457] {strides = array<i32>} : memref<512x128xf32, #tpu.memory_space<vmem>>, vector<16xf32>,
          tpu.vector_store %arg12[%swap3A_1456, %swap3A_1457], %mul3A_1433 {add = true, strides = array<i32>} : memref<512x128xf32, #tpu.memory_space<vmem>>, vector<16xf32>,
          %swap3A_1459 = arith.index_cast %squeeze3A_1404 : i32 to index
          %swap3A_1460 = arith.constant 112 : index
          %swap3A_1461 = tpu.vector_load %arg12[%swap3A_1459, %swap3A_1460] {strides = array<i32>} : memref<512x128xf32, #tpu.memory_space<vmem>>, vector<16xf32>,
          tpu.vector_store %arg12[%swap3A_1459, %swap3A_1460], %mul3A_1437 {add = true, strides = array<i32>} : memref<512x128xf32, #tpu.memory_space<vmem>>, vector<16xf32>,
          %mul3A_1462 = arith.constant 16 : i32
          %mul3A_1463 = arith.muli %mul3A_1462, %scan3A_116 : i32
          %add3A_1464 = arith.constant 5 : i32
          %add3A_1465 = arith.addi %mul3A_1463, %add3A_1464 : i32
          %slice3A_1466 = vector.extract_strided_slice %get3A_121 {offsets = [5], sizes = [1], strides = [1]} : vector<16xi32> to vector<1xi32>
          %squeeze3A_1467 = vector.extract %slice3A_1466[0] : i32 from vector<1xi32>
          %broadcast_in_dim3A_1468 = vector.broadcast %mul3A_987 : f32 to vector<16xf32>
          %get3A_1469 = arith.index_cast %add3A_1465 : i32 to index
          %get3A_1470 = arith.constant 0 : index
          %get3A_1471 = tpu.vector_load %arg9[%get3A_1469, %get3A_1470] {strides = array<i32>} : memref<160x128xf32, #tpu.memory_space<vmem>>, vector<16xf32>,
          %mul3A_1472 = arith.mulf %broadcast_in_dim3A_1468, %get3A_1471 : vector<16xf32>
          %get3A_1473 = arith.index_cast %add3A_1465 : i32 to index
          %get3A_1474 = arith.constant 16 : index
          %get3A_1475 = tpu.vector_load %arg9[%get3A_1473, %get3A_1474] {strides = array<i32>} : memref<160x128xf32, #tpu.memory_space<vmem>>, vector<16xf32>,
          %mul3A_1476 = arith.mulf %broadcast_in_dim3A_1468, %get3A_1475 : vector<16xf32>
          %get3A_1477 = arith.index_cast %add3A_1465 : i32 to index
          %get3A_1478 = arith.constant 32 : index
          %get3A_1479 = tpu.vector_load %arg9[%get3A_1477, %get3A_1478] {strides = array<i32>} : memref<160x128xf32, #tpu.memory_space<vmem>>, vector<16xf32>,
          %mul3A_1480 = arith.mulf %broadcast_in_dim3A_1468, %get3A_1479 : vector<16xf32>
          %get3A_1481 = arith.index_cast %add3A_1465 : i32 to index
          %get3A_1482 = arith.constant 48 : index
          %get3A_1483 = tpu.vector_load %arg9[%get3A_1481, %get3A_1482] {strides = array<i32>} : memref<160x128xf32, #tpu.memory_space<vmem>>, vector<16xf32>,
          %mul3A_1484 = arith.mulf %broadcast_in_dim3A_1468, %get3A_1483 : vector<16xf32>
          %get3A_1485 = arith.index_cast %add3A_1465 : i32 to index
          %get3A_1486 = arith.constant 64 : index
          %get3A_1487 = tpu.vector_load %arg9[%get3A_1485, %get3A_1486] {strides = array<i32>} : memref<160x128xf32, #tpu.memory_space<vmem>>, vector<16xf32>,
          %mul3A_1488 = arith.mulf %broadcast_in_dim3A_1468, %get3A_1487 : vector<16xf32>
          %get3A_1489 = arith.index_cast %add3A_1465 : i32 to index
          %get3A_1490 = arith.constant 80 : index
          %get3A_1491 = tpu.vector_load %arg9[%get3A_1489, %get3A_1490] {strides = array<i32>} : memref<160x128xf32, #tpu.memory_space<vmem>>, vector<16xf32>,
          %mul3A_1492 = arith.mulf %broadcast_in_dim3A_1468, %get3A_1491 : vector<16xf32>
          %get3A_1493 = arith.index_cast %add3A_1465 : i32 to index
          %get3A_1494 = arith.constant 96 : index
          %get3A_1495 = tpu.vector_load %arg9[%get3A_1493, %get3A_1494] {strides = array<i32>} : memref<160x128xf32, #tpu.memory_space<vmem>>, vector<16xf32>,
          %mul3A_1496 = arith.mulf %broadcast_in_dim3A_1468, %get3A_1495 : vector<16xf32>
          %get3A_1497 = arith.index_cast %add3A_1465 : i32 to index
          %get3A_1498 = arith.constant 112 : index
          %get3A_1499 = tpu.vector_load %arg9[%get3A_1497, %get3A_1498] {strides = array<i32>} : memref<160x128xf32, #tpu.memory_space<vmem>>, vector<16xf32>,
          %mul3A_1500 = arith.mulf %broadcast_in_dim3A_1468, %get3A_1499 : vector<16xf32>
          %swap3A_1501 = arith.index_cast %squeeze3A_1467 : i32 to index
          %swap3A_1502 = arith.constant 0 : index
          %swap3A_1503 = tpu.vector_load %arg12[%swap3A_1501, %swap3A_1502] {strides = array<i32>} : memref<512x128xf32, #tpu.memory_space<vmem>>, vector<16xf32>,
          tpu.vector_store %arg12[%swap3A_1501, %swap3A_1502], %mul3A_1472 {add = true, strides = array<i32>} : memref<512x128xf32, #tpu.memory_space<vmem>>, vector<16xf32>,
          %swap3A_1504 = arith.index_cast %squeeze3A_1467 : i32 to index
          %swap3A_1505 = arith.constant 16 : index
          %swap3A_1506 = tpu.vector_load %arg12[%swap3A_1504, %swap3A_1505] {strides = array<i32>} : memref<512x128xf32, #tpu.memory_space<vmem>>, vector<16xf32>,
          tpu.vector_store %arg12[%swap3A_1504, %swap3A_1505], %mul3A_1476 {add = true, strides = array<i32>} : memref<512x128xf32, #tpu.memory_space<vmem>>, vector<16xf32>,
          %swap3A_1507 = arith.index_cast %squeeze3A_1467 : i32 to index
          %swap3A_1508 = arith.constant 32 : index
          %swap3A_1509 = tpu.vector_load %arg12[%swap3A_1507, %swap3A_1508] {strides = array<i32>} : memref<512x128xf32, #tpu.memory_space<vmem>>, vector<16xf32>,
          tpu.vector_store %arg12[%swap3A_1507, %swap3A_1508], %mul3A_1480 {add = true, strides = array<i32>} : memref<512x128xf32, #tpu.memory_space<vmem>>, vector<16xf32>,
          %swap3A_1510 = arith.index_cast %squeeze3A_1467 : i32 to index
          %swap3A_1511 = arith.constant 48 : index
          %swap3A_1512 = tpu.vector_load %arg12[%swap3A_1510, %swap3A_1511] {strides = array<i32>} : memref<512x128xf32, #tpu.memory_space<vmem>>, vector<16xf32>,
          tpu.vector_store %arg12[%swap3A_1510, %swap3A_1511], %mul3A_1484 {add = true, strides = array<i32>} : memref<512x128xf32, #tpu.memory_space<vmem>>, vector<16xf32>,
          %swap3A_1513 = arith.index_cast %squeeze3A_1467 : i32 to index
          %swap3A_1514 = arith.constant 64 : index
          %swap3A_1515 = tpu.vector_load %arg12[%swap3A_1513, %swap3A_1514] {strides = array<i32>} : memref<512x128xf32, #tpu.memory_space<vmem>>, vector<16xf32>,
          tpu.vector_store %arg12[%swap3A_1513, %swap3A_1514], %mul3A_1488 {add = true, strides = array<i32>} : memref<512x128xf32, #tpu.memory_space<vmem>>, vector<16xf32>,
          %swap3A_1516 = arith.index_cast %squeeze3A_1467 : i32 to index
          %swap3A_1517 = arith.constant 80 : index
          %swap3A_1518 = tpu.vector_load %arg12[%swap3A_1516, %swap3A_1517] {strides = array<i32>} : memref<512x128xf32, #tpu.memory_space<vmem>>, vector<16xf32>,
          tpu.vector_store %arg12[%swap3A_1516, %swap3A_1517], %mul3A_1492 {add = true, strides = array<i32>} : memref<512x128xf32, #tpu.memory_space<vmem>>, vector<16xf32>,
          %swap3A_1519 = arith.index_cast %squeeze3A_1467 : i32 to index
          %swap3A_1520 = arith.constant 96 : index
          %swap3A_1521 = tpu.vector_load %arg12[%swap3A_1519, %swap3A_1520] {strides = array<i32>} : memref<512x128xf32, #tpu.memory_space<vmem>>, vector<16xf32>,
          tpu.vector_store %arg12[%swap3A_1519, %swap3A_1520], %mul3A_1496 {add = true, strides = array<i32>} : memref<512x128xf32, #tpu.memory_space<vmem>>, vector<16xf32>,
          %swap3A_1522 = arith.index_cast %squeeze3A_1467 : i32 to index
          %swap3A_1523 = arith.constant 112 : index
          %swap3A_1524 = tpu.vector_load %arg12[%swap3A_1522, %swap3A_1523] {strides = array<i32>} : memref<512x128xf32, #tpu.memory_space<vmem>>, vector<16xf32>,
          tpu.vector_store %arg12[%swap3A_1522, %swap3A_1523], %mul3A_1500 {add = true, strides = array<i32>} : memref<512x128xf32, #tpu.memory_space<vmem>>, vector<16xf32>,
          %mul3A_1525 = arith.constant 16 : i32
          %mul3A_1526 = arith.muli %mul3A_1525, %scan3A_116 : i32
          %add3A_1527 = arith.constant 6 : i32
          %add3A_1528 = arith.addi %mul3A_1526, %add3A_1527 : i32
          %slice3A_1529 = vector.extract_strided_slice %get3A_121 {offsets = [6], sizes = [1], strides = [1]} : vector<16xi32> to vector<1xi32>
          %squeeze3A_1530 = vector.extract %slice3A_1529[0] : i32 from vector<1xi32>
          %broadcast_in_dim3A_1531 = vector.broadcast %mul3A_1003 : f32 to vector<16xf32>
          %get3A_1532 = arith.index_cast %add3A_1528 : i32 to index
          %get3A_1533 = arith.constant 0 : index
          %get3A_1534 = tpu.vector_load %arg9[%get3A_1532, %get3A_1533] {strides = array<i32>} : memref<160x128xf32, #tpu.memory_space<vmem>>, vector<16xf32>,
          %mul3A_1535 = arith.mulf %broadcast_in_dim3A_1531, %get3A_1534 : vector<16xf32>
          %get3A_1536 = arith.index_cast %add3A_1528 : i32 to index
          %get3A_1537 = arith.constant 16 : index
          %get3A_1538 = tpu.vector_load %arg9[%get3A_1536, %get3A_1537] {strides = array<i32>} : memref<160x128xf32, #tpu.memory_space<vmem>>, vector<16xf32>,
          %mul3A_1539 = arith.mulf %broadcast_in_dim3A_1531, %get3A_1538 : vector<16xf32>
          %get3A_1540 = arith.index_cast %add3A_1528 : i32 to index
          %get3A_1541 = arith.constant 32 : index
          %get3A_1542 = tpu.vector_load %arg9[%get3A_1540, %get3A_1541] {strides = array<i32>} : memref<160x128xf32, #tpu.memory_space<vmem>>, vector<16xf32>,
          %mul3A_1543 = arith.mulf %broadcast_in_dim3A_1531, %get3A_1542 : vector<16xf32>
          %get3A_1544 = arith.index_cast %add3A_1528 : i32 to index
          %get3A_1545 = arith.constant 48 : index
          %get3A_1546 = tpu.vector_load %arg9[%get3A_1544, %get3A_1545] {strides = array<i32>} : memref<160x128xf32, #tpu.memory_space<vmem>>, vector<16xf32>,
          %mul3A_1547 = arith.mulf %broadcast_in_dim3A_1531, %get3A_1546 : vector<16xf32>
          %get3A_1548 = arith.index_cast %add3A_1528 : i32 to index
          %get3A_1549 = arith.constant 64 : index
          %get3A_1550 = tpu.vector_load %arg9[%get3A_1548, %get3A_1549] {strides = array<i32>} : memref<160x128xf32, #tpu.memory_space<vmem>>, vector<16xf32>,
          %mul3A_1551 = arith.mulf %broadcast_in_dim3A_1531, %get3A_1550 : vector<16xf32>
          %get3A_1552 = arith.index_cast %add3A_1528 : i32 to index
          %get3A_1553 = arith.constant 80 : index
          %get3A_1554 = tpu.vector_load %arg9[%get3A_1552, %get3A_1553] {strides = array<i32>} : memref<160x128xf32, #tpu.memory_space<vmem>>, vector<16xf32>,
          %mul3A_1555 = arith.mulf %broadcast_in_dim3A_1531, %get3A_1554 : vector<16xf32>
          %get3A_1556 = arith.index_cast %add3A_1528 : i32 to index
          %get3A_1557 = arith.constant 96 : index
          %get3A_1558 = tpu.vector_load %arg9[%get3A_1556, %get3A_1557] {strides = array<i32>} : memref<160x128xf32, #tpu.memory_space<vmem>>, vector<16xf32>,
          %mul3A_1559 = arith.mulf %broadcast_in_dim3A_1531, %get3A_1558 : vector<16xf32>
          %get3A_1560 = arith.index_cast %add3A_1528 : i32 to index
          %get3A_1561 = arith.constant 112 : index
          %get3A_1562 = tpu.vector_load %arg9[%get3A_1560, %get3A_1561] {strides = array<i32>} : memref<160x128xf32, #tpu.memory_space<vmem>>, vector<16xf32>,
          %mul3A_1563 = arith.mulf %broadcast_in_dim3A_1531, %get3A_1562 : vector<16xf32>
          %swap3A_1564 = arith.index_cast %squeeze3A_1530 : i32 to index
          %swap3A_1565 = arith.constant 0 : index
          %swap3A_1566 = tpu.vector_load %arg12[%swap3A_1564, %swap3A_1565] {strides = array<i32>} : memref<512x128xf32, #tpu.memory_space<vmem>>, vector<16xf32>,
          tpu.vector_store %arg12[%swap3A_1564, %swap3A_1565], %mul3A_1535 {add = true, strides = array<i32>} : memref<512x128xf32, #tpu.memory_space<vmem>>, vector<16xf32>,
          %swap3A_1567 = arith.index_cast %squeeze3A_1530 : i32 to index
          %swap3A_1568 = arith.constant 16 : index
          %swap3A_1569 = tpu.vector_load %arg12[%swap3A_1567, %swap3A_1568] {strides = array<i32>} : memref<512x128xf32, #tpu.memory_space<vmem>>, vector<16xf32>,
          tpu.vector_store %arg12[%swap3A_1567, %swap3A_1568], %mul3A_1539 {add = true, strides = array<i32>} : memref<512x128xf32, #tpu.memory_space<vmem>>, vector<16xf32>,
          %swap3A_1570 = arith.index_cast %squeeze3A_1530 : i32 to index
          %swap3A_1571 = arith.constant 32 : index
          %swap3A_1572 = tpu.vector_load %arg12[%swap3A_1570, %swap3A_1571] {strides = array<i32>} : memref<512x128xf32, #tpu.memory_space<vmem>>, vector<16xf32>,
          tpu.vector_store %arg12[%swap3A_1570, %swap3A_1571], %mul3A_1543 {add = true, strides = array<i32>} : memref<512x128xf32, #tpu.memory_space<vmem>>, vector<16xf32>,
          %swap3A_1573 = arith.index_cast %squeeze3A_1530 : i32 to index
          %swap3A_1574 = arith.constant 48 : index
          %swap3A_1575 = tpu.vector_load %arg12[%swap3A_1573, %swap3A_1574] {strides = array<i32>} : memref<512x128xf32, #tpu.memory_space<vmem>>, vector<16xf32>,
          tpu.vector_store %arg12[%swap3A_1573, %swap3A_1574], %mul3A_1547 {add = true, strides = array<i32>} : memref<512x128xf32, #tpu.memory_space<vmem>>, vector<16xf32>,
          %swap3A_1576 = arith.index_cast %squeeze3A_1530 : i32 to index
          %swap3A_1577 = arith.constant 64 : index
          %swap3A_1578 = tpu.vector_load %arg12[%swap3A_1576, %swap3A_1577] {strides = array<i32>} : memref<512x128xf32, #tpu.memory_space<vmem>>, vector<16xf32>,
          tpu.vector_store %arg12[%swap3A_1576, %swap3A_1577], %mul3A_1551 {add = true, strides = array<i32>} : memref<512x128xf32, #tpu.memory_space<vmem>>, vector<16xf32>,
          %swap3A_1579 = arith.index_cast %squeeze3A_1530 : i32 to index
          %swap3A_1580 = arith.constant 80 : index
          %swap3A_1581 = tpu.vector_load %arg12[%swap3A_1579, %swap3A_1580] {strides = array<i32>} : memref<512x128xf32, #tpu.memory_space<vmem>>, vector<16xf32>,
          tpu.vector_store %arg12[%swap3A_1579, %swap3A_1580], %mul3A_1555 {add = true, strides = array<i32>} : memref<512x128xf32, #tpu.memory_space<vmem>>, vector<16xf32>,
          %swap3A_1582 = arith.index_cast %squeeze3A_1530 : i32 to index
          %swap3A_1583 = arith.constant 96 : index
          %swap3A_1584 = tpu.vector_load %arg12[%swap3A_1582, %swap3A_1583] {strides = array<i32>} : memref<512x128xf32, #tpu.memory_space<vmem>>, vector<16xf32>,
          tpu.vector_store %arg12[%swap3A_1582, %swap3A_1583], %mul3A_1559 {add = true, strides = array<i32>} : memref<512x128xf32, #tpu.memory_space<vmem>>, vector<16xf32>,
          %swap3A_1585 = arith.index_cast %squeeze3A_1530 : i32 to index
          %swap3A_1586 = arith.constant 112 : index
          %swap3A_1587 = tpu.vector_load %arg12[%swap3A_1585, %swap3A_1586] {strides = array<i32>} : memref<512x128xf32, #tpu.memory_space<vmem>>, vector<16xf32>,
          tpu.vector_store %arg12[%swap3A_1585, %swap3A_1586], %mul3A_1563 {add = true, strides = array<i32>} : memref<512x128xf32, #tpu.memory_space<vmem>>, vector<16xf32>,
          %mul3A_1588 = arith.constant 16 : i32
          %mul3A_1589 = arith.muli %mul3A_1588, %scan3A_116 : i32
          %add3A_1590 = arith.constant 7 : i32
          %add3A_1591 = arith.addi %mul3A_1589, %add3A_1590 : i32
          %slice3A_1592 = vector.extract_strided_slice %get3A_121 {offsets = [7], sizes = [1], strides = [1]} : vector<16xi32> to vector<1xi32>
          %squeeze3A_1593 = vector.extract %slice3A_1592[0] : i32 from vector<1xi32>
          %broadcast_in_dim3A_1594 = vector.broadcast %mul3A_1019 : f32 to vector<16xf32>
          %get3A_1595 = arith.index_cast %add3A_1591 : i32 to index
          %get3A_1596 = arith.constant 0 : index
          %get3A_1597 = tpu.vector_load %arg9[%get3A_1595, %get3A_1596] {strides = array<i32>} : memref<160x128xf32, #tpu.memory_space<vmem>>, vector<16xf32>,
          %mul3A_1598 = arith.mulf %broadcast_in_dim3A_1594, %get3A_1597 : vector<16xf32>
          %get3A_1599 = arith.index_cast %add3A_1591 : i32 to index
          %get3A_1600 = arith.constant 16 : index
          %get3A_1601 = tpu.vector_load %arg9[%get3A_1599, %get3A_1600] {strides = array<i32>} : memref<160x128xf32, #tpu.memory_space<vmem>>, vector<16xf32>,
          %mul3A_1602 = arith.mulf %broadcast_in_dim3A_1594, %get3A_1601 : vector<16xf32>
          %get3A_1603 = arith.index_cast %add3A_1591 : i32 to index
          %get3A_1604 = arith.constant 32 : index
          %get3A_1605 = tpu.vector_load %arg9[%get3A_1603, %get3A_1604] {strides = array<i32>} : memref<160x128xf32, #tpu.memory_space<vmem>>, vector<16xf32>,
          %mul3A_1606 = arith.mulf %broadcast_in_dim3A_1594, %get3A_1605 : vector<16xf32>
          %get3A_1607 = arith.index_cast %add3A_1591 : i32 to index
          %get3A_1608 = arith.constant 48 : index
          %get3A_1609 = tpu.vector_load %arg9[%get3A_1607, %get3A_1608] {strides = array<i32>} : memref<160x128xf32, #tpu.memory_space<vmem>>, vector<16xf32>,
          %mul3A_1610 = arith.mulf %broadcast_in_dim3A_1594, %get3A_1609 : vector<16xf32>
          %get3A_1611 = arith.index_cast %add3A_1591 : i32 to index
          %get3A_1612 = arith.constant 64 : index
          %get3A_1613 = tpu.vector_load %arg9[%get3A_1611, %get3A_1612] {strides = array<i32>} : memref<160x128xf32, #tpu.memory_space<vmem>>, vector<16xf32>,
          %mul3A_1614 = arith.mulf %broadcast_in_dim3A_1594, %get3A_1613 : vector<16xf32>
          %get3A_1615 = arith.index_cast %add3A_1591 : i32 to index
          %get3A_1616 = arith.constant 80 : index
          %get3A_1617 = tpu.vector_load %arg9[%get3A_1615, %get3A_1616] {strides = array<i32>} : memref<160x128xf32, #tpu.memory_space<vmem>>, vector<16xf32>,
          %mul3A_1618 = arith.mulf %broadcast_in_dim3A_1594, %get3A_1617 : vector<16xf32>
          %get3A_1619 = arith.index_cast %add3A_1591 : i32 to index
          %get3A_1620 = arith.constant 96 : index
          %get3A_1621 = tpu.vector_load %arg9[%get3A_1619, %get3A_1620] {strides = array<i32>} : memref<160x128xf32, #tpu.memory_space<vmem>>, vector<16xf32>,
          %mul3A_1622 = arith.mulf %broadcast_in_dim3A_1594, %get3A_1621 : vector<16xf32>
          %get3A_1623 = arith.index_cast %add3A_1591 : i32 to index
          %get3A_1624 = arith.constant 112 : index
          %get3A_1625 = tpu.vector_load %arg9[%get3A_1623, %get3A_1624] {strides = array<i32>} : memref<160x128xf32, #tpu.memory_space<vmem>>, vector<16xf32>,
          %mul3A_1626 = arith.mulf %broadcast_in_dim3A_1594, %get3A_1625 : vector<16xf32>
          %swap3A_1627 = arith.index_cast %squeeze3A_1593 : i32 to index
          %swap3A_1628 = arith.constant 0 : index
          %swap3A_1629 = tpu.vector_load %arg12[%swap3A_1627, %swap3A_1628] {strides = array<i32>} : memref<512x128xf32, #tpu.memory_space<vmem>>, vector<16xf32>,
          tpu.vector_store %arg12[%swap3A_1627, %swap3A_1628], %mul3A_1598 {add = true, strides = array<i32>} : memref<512x128xf32, #tpu.memory_space<vmem>>, vector<16xf32>,
          %swap3A_1630 = arith.index_cast %squeeze3A_1593 : i32 to index
          %swap3A_1631 = arith.constant 16 : index
          %swap3A_1632 = tpu.vector_load %arg12[%swap3A_1630, %swap3A_1631] {strides = array<i32>} : memref<512x128xf32, #tpu.memory_space<vmem>>, vector<16xf32>,
          tpu.vector_store %arg12[%swap3A_1630, %swap3A_1631], %mul3A_1602 {add = true, strides = array<i32>} : memref<512x128xf32, #tpu.memory_space<vmem>>, vector<16xf32>,
          %swap3A_1633 = arith.index_cast %squeeze3A_1593 : i32 to index
          %swap3A_1634 = arith.constant 32 : index
          %swap3A_1635 = tpu.vector_load %arg12[%swap3A_1633, %swap3A_1634] {strides = array<i32>} : memref<512x128xf32, #tpu.memory_space<vmem>>, vector<16xf32>,
          tpu.vector_store %arg12[%swap3A_1633, %swap3A_1634], %mul3A_1606 {add = true, strides = array<i32>} : memref<512x128xf32, #tpu.memory_space<vmem>>, vector<16xf32>,
          %swap3A_1636 = arith.index_cast %squeeze3A_1593 : i32 to index
          %swap3A_1637 = arith.constant 48 : index
          %swap3A_1638 = tpu.vector_load %arg12[%swap3A_1636, %swap3A_1637] {strides = array<i32>} : memref<512x128xf32, #tpu.memory_space<vmem>>, vector<16xf32>,
          tpu.vector_store %arg12[%swap3A_1636, %swap3A_1637], %mul3A_1610 {add = true, strides = array<i32>} : memref<512x128xf32, #tpu.memory_space<vmem>>, vector<16xf32>,
          %swap3A_1639 = arith.index_cast %squeeze3A_1593 : i32 to index
          %swap3A_1640 = arith.constant 64 : index
          %swap3A_1641 = tpu.vector_load %arg12[%swap3A_1639, %swap3A_1640] {strides = array<i32>} : memref<512x128xf32, #tpu.memory_space<vmem>>, vector<16xf32>,
          tpu.vector_store %arg12[%swap3A_1639, %swap3A_1640], %mul3A_1614 {add = true, strides = array<i32>} : memref<512x128xf32, #tpu.memory_space<vmem>>, vector<16xf32>,
          %swap3A_1642 = arith.index_cast %squeeze3A_1593 : i32 to index
          %swap3A_1643 = arith.constant 80 : index
          %swap3A_1644 = tpu.vector_load %arg12[%swap3A_1642, %swap3A_1643] {strides = array<i32>} : memref<512x128xf32, #tpu.memory_space<vmem>>, vector<16xf32>,
          tpu.vector_store %arg12[%swap3A_1642, %swap3A_1643], %mul3A_1618 {add = true, strides = array<i32>} : memref<512x128xf32, #tpu.memory_space<vmem>>, vector<16xf32>,
          %swap3A_1645 = arith.index_cast %squeeze3A_1593 : i32 to index
          %swap3A_1646 = arith.constant 96 : index
          %swap3A_1647 = tpu.vector_load %arg12[%swap3A_1645, %swap3A_1646] {strides = array<i32>} : memref<512x128xf32, #tpu.memory_space<vmem>>, vector<16xf32>,
          tpu.vector_store %arg12[%swap3A_1645, %swap3A_1646], %mul3A_1622 {add = true, strides = array<i32>} : memref<512x128xf32, #tpu.memory_space<vmem>>, vector<16xf32>,
          %swap3A_1648 = arith.index_cast %squeeze3A_1593 : i32 to index
          %swap3A_1649 = arith.constant 112 : index
          %swap3A_1650 = tpu.vector_load %arg12[%swap3A_1648, %swap3A_1649] {strides = array<i32>} : memref<512x128xf32, #tpu.memory_space<vmem>>, vector<16xf32>,
          tpu.vector_store %arg12[%swap3A_1648, %swap3A_1649], %mul3A_1626 {add = true, strides = array<i32>} : memref<512x128xf32, #tpu.memory_space<vmem>>, vector<16xf32>,
          %mul3A_1651 = arith.constant 16 : i32
          %mul3A_1652 = arith.muli %mul3A_1651, %scan3A_116 : i32
          %add3A_1653 = arith.constant 8 : i32
          %add3A_1654 = arith.addi %mul3A_1652, %add3A_1653 : i32
          %slice3A_1655 = vector.extract_strided_slice %get3A_121 {offsets = [8], sizes = [1], strides = [1]} : vector<16xi32> to vector<1xi32>
          %squeeze3A_1656 = vector.extract %slice3A_1655[0] : i32 from vector<1xi32>
          %broadcast_in_dim3A_1657 = vector.broadcast %mul3A_1035 : f32 to vector<16xf32>
          %get3A_1658 = arith.index_cast %add3A_1654 : i32 to index
          %get3A_1659 = arith.constant 0 : index
          %get3A_1660 = tpu.vector_load %arg9[%get3A_1658, %get3A_1659] {strides = array<i32>} : memref<160x128xf32, #tpu.memory_space<vmem>>, vector<16xf32>,
          %mul3A_1661 = arith.mulf %broadcast_in_dim3A_1657, %get3A_1660 : vector<16xf32>
          %get3A_1662 = arith.index_cast %add3A_1654 : i32 to index
          %get3A_1663 = arith.constant 16 : index
          %get3A_1664 = tpu.vector_load %arg9[%get3A_1662, %get3A_1663] {strides = array<i32>} : memref<160x128xf32, #tpu.memory_space<vmem>>, vector<16xf32>,
          %mul3A_1665 = arith.mulf %broadcast_in_dim3A_1657, %get3A_1664 : vector<16xf32>
          %get3A_1666 = arith.index_cast %add3A_1654 : i32 to index
          %get3A_1667 = arith.constant 32 : index
          %get3A_1668 = tpu.vector_load %arg9[%get3A_1666, %get3A_1667] {strides = array<i32>} : memref<160x128xf32, #tpu.memory_space<vmem>>, vector<16xf32>,
          %mul3A_1669 = arith.mulf %broadcast_in_dim3A_1657, %get3A_1668 : vector<16xf32>
          %get3A_1670 = arith.index_cast %add3A_1654 : i32 to index
          %get3A_1671 = arith.constant 48 : index
          %get3A_1672 = tpu.vector_load %arg9[%get3A_1670, %get3A_1671] {strides = array<i32>} : memref<160x128xf32, #tpu.memory_space<vmem>>, vector<16xf32>,
          %mul3A_1673 = arith.mulf %broadcast_in_dim3A_1657, %get3A_1672 : vector<16xf32>
          %get3A_1674 = arith.index_cast %add3A_1654 : i32 to index
          %get3A_1675 = arith.constant 64 : index
          %get3A_1676 = tpu.vector_load %arg9[%get3A_1674, %get3A_1675] {strides = array<i32>} : memref<160x128xf32, #tpu.memory_space<vmem>>, vector<16xf32>,
          %mul3A_1677 = arith.mulf %broadcast_in_dim3A_1657, %get3A_1676 : vector<16xf32>
          %get3A_1678 = arith.index_cast %add3A_1654 : i32 to index
          %get3A_1679 = arith.constant 80 : index
          %get3A_1680 = tpu.vector_load %arg9[%get3A_1678, %get3A_1679] {strides = array<i32>} : memref<160x128xf32, #tpu.memory_space<vmem>>, vector<16xf32>,
          %mul3A_1681 = arith.mulf %broadcast_in_dim3A_1657, %get3A_1680 : vector<16xf32>
          %get3A_1682 = arith.index_cast %add3A_1654 : i32 to index
          %get3A_1683 = arith.constant 96 : index
          %get3A_1684 = tpu.vector_load %arg9[%get3A_1682, %get3A_1683] {strides = array<i32>} : memref<160x128xf32, #tpu.memory_space<vmem>>, vector<16xf32>,
          %mul3A_1685 = arith.mulf %broadcast_in_dim3A_1657, %get3A_1684 : vector<16xf32>
          %get3A_1686 = arith.index_cast %add3A_1654 : i32 to index
          %get3A_1687 = arith.constant 112 : index
          %get3A_1688 = tpu.vector_load %arg9[%get3A_1686, %get3A_1687] {strides = array<i32>} : memref<160x128xf32, #tpu.memory_space<vmem>>, vector<16xf32>,
          %mul3A_1689 = arith.mulf %broadcast_in_dim3A_1657, %get3A_1688 : vector<16xf32>
          %swap3A_1690 = arith.index_cast %squeeze3A_1656 : i32 to index
          %swap3A_1691 = arith.constant 0 : index
          %swap3A_1692 = tpu.vector_load %arg12[%swap3A_1690, %swap3A_1691] {strides = array<i32>} : memref<512x128xf32, #tpu.memory_space<vmem>>, vector<16xf32>,
          tpu.vector_store %arg12[%swap3A_1690, %swap3A_1691], %mul3A_1661 {add = true, strides = array<i32>} : memref<512x128xf32, #tpu.memory_space<vmem>>, vector<16xf32>,
          %swap3A_1693 = arith.index_cast %squeeze3A_1656 : i32 to index
          %swap3A_1694 = arith.constant 16 : index
          %swap3A_1695 = tpu.vector_load %arg12[%swap3A_1693, %swap3A_1694] {strides = array<i32>} : memref<512x128xf32, #tpu.memory_space<vmem>>, vector<16xf32>,
          tpu.vector_store %arg12[%swap3A_1693, %swap3A_1694], %mul3A_1665 {add = true, strides = array<i32>} : memref<512x128xf32, #tpu.memory_space<vmem>>, vector<16xf32>,
          %swap3A_1696 = arith.index_cast %squeeze3A_1656 : i32 to index
          %swap3A_1697 = arith.constant 32 : index
          %swap3A_1698 = tpu.vector_load %arg12[%swap3A_1696, %swap3A_1697] {strides = array<i32>} : memref<512x128xf32, #tpu.memory_space<vmem>>, vector<16xf32>,
          tpu.vector_store %arg12[%swap3A_1696, %swap3A_1697], %mul3A_1669 {add = true, strides = array<i32>} : memref<512x128xf32, #tpu.memory_space<vmem>>, vector<16xf32>,
          %swap3A_1699 = arith.index_cast %squeeze3A_1656 : i32 to index
          %swap3A_1700 = arith.constant 48 : index
          %swap3A_1701 = tpu.vector_load %arg12[%swap3A_1699, %swap3A_1700] {strides = array<i32>} : memref<512x128xf32, #tpu.memory_space<vmem>>, vector<16xf32>,
          tpu.vector_store %arg12[%swap3A_1699, %swap3A_1700], %mul3A_1673 {add = true, strides = array<i32>} : memref<512x128xf32, #tpu.memory_space<vmem>>, vector<16xf32>,
          %swap3A_1702 = arith.index_cast %squeeze3A_1656 : i32 to index
          %swap3A_1703 = arith.constant 64 : index
          %swap3A_1704 = tpu.vector_load %arg12[%swap3A_1702, %swap3A_1703] {strides = array<i32>} : memref<512x128xf32, #tpu.memory_space<vmem>>, vector<16xf32>,
          tpu.vector_store %arg12[%swap3A_1702, %swap3A_1703], %mul3A_1677 {add = true, strides = array<i32>} : memref<512x128xf32, #tpu.memory_space<vmem>>, vector<16xf32>,
          %swap3A_1705 = arith.index_cast %squeeze3A_1656 : i32 to index
          %swap3A_1706 = arith.constant 80 : index
          %swap3A_1707 = tpu.vector_load %arg12[%swap3A_1705, %swap3A_1706] {strides = array<i32>} : memref<512x128xf32, #tpu.memory_space<vmem>>, vector<16xf32>,
          tpu.vector_store %arg12[%swap3A_1705, %swap3A_1706], %mul3A_1681 {add = true, strides = array<i32>} : memref<512x128xf32, #tpu.memory_space<vmem>>, vector<16xf32>,
          %swap3A_1708 = arith.index_cast %squeeze3A_1656 : i32 to index
          %swap3A_1709 = arith.constant 96 : index
          %swap3A_1710 = tpu.vector_load %arg12[%swap3A_1708, %swap3A_1709] {strides = array<i32>} : memref<512x128xf32, #tpu.memory_space<vmem>>, vector<16xf32>,
          tpu.vector_store %arg12[%swap3A_1708, %swap3A_1709], %mul3A_1685 {add = true, strides = array<i32>} : memref<512x128xf32, #tpu.memory_space<vmem>>, vector<16xf32>,
          %swap3A_1711 = arith.index_cast %squeeze3A_1656 : i32 to index
          %swap3A_1712 = arith.constant 112 : index
          %swap3A_1713 = tpu.vector_load %arg12[%swap3A_1711, %swap3A_1712] {strides = array<i32>} : memref<512x128xf32, #tpu.memory_space<vmem>>, vector<16xf32>,
          tpu.vector_store %arg12[%swap3A_1711, %swap3A_1712], %mul3A_1689 {add = true, strides = array<i32>} : memref<512x128xf32, #tpu.memory_space<vmem>>, vector<16xf32>,
          %mul3A_1714 = arith.constant 16 : i32
          %mul3A_1715 = arith.muli %mul3A_1714, %scan3A_116 : i32
          %add3A_1716 = arith.constant 9 : i32
          %add3A_1717 = arith.addi %mul3A_1715, %add3A_1716 : i32
          %slice3A_1718 = vector.extract_strided_slice %get3A_121 {offsets = [9], sizes = [1], strides = [1]} : vector<16xi32> to vector<1xi32>
          %squeeze3A_1719 = vector.extract %slice3A_1718[0] : i32 from vector<1xi32>
          %broadcast_in_dim3A_1720 = vector.broadcast %mul3A_1051 : f32 to vector<16xf32>
          %get3A_1721 = arith.index_cast %add3A_1717 : i32 to index
          %get3A_1722 = arith.constant 0 : index
          %get3A_1723 = tpu.vector_load %arg9[%get3A_1721, %get3A_1722] {strides = array<i32>} : memref<160x128xf32, #tpu.memory_space<vmem>>, vector<16xf32>,
          %mul3A_1724 = arith.mulf %broadcast_in_dim3A_1720, %get3A_1723 : vector<16xf32>
          %get3A_1725 = arith.index_cast %add3A_1717 : i32 to index
          %get3A_1726 = arith.constant 16 : index
          %get3A_1727 = tpu.vector_load %arg9[%get3A_1725, %get3A_1726] {strides = array<i32>} : memref<160x128xf32, #tpu.memory_space<vmem>>, vector<16xf32>,
          %mul3A_1728 = arith.mulf %broadcast_in_dim3A_1720, %get3A_1727 : vector<16xf32>
          %get3A_1729 = arith.index_cast %add3A_1717 : i32 to index
          %get3A_1730 = arith.constant 32 : index
          %get3A_1731 = tpu.vector_load %arg9[%get3A_1729, %get3A_1730] {strides = array<i32>} : memref<160x128xf32, #tpu.memory_space<vmem>>, vector<16xf32>,
          %mul3A_1732 = arith.mulf %broadcast_in_dim3A_1720, %get3A_1731 : vector<16xf32>
          %get3A_1733 = arith.index_cast %add3A_1717 : i32 to index
          %get3A_1734 = arith.constant 48 : index
          %get3A_1735 = tpu.vector_load %arg9[%get3A_1733, %get3A_1734] {strides = array<i32>} : memref<160x128xf32, #tpu.memory_space<vmem>>, vector<16xf32>,
          %mul3A_1736 = arith.mulf %broadcast_in_dim3A_1720, %get3A_1735 : vector<16xf32>
          %get3A_1737 = arith.index_cast %add3A_1717 : i32 to index
          %get3A_1738 = arith.constant 64 : index
          %get3A_1739 = tpu.vector_load %arg9[%get3A_1737, %get3A_1738] {strides = array<i32>} : memref<160x128xf32, #tpu.memory_space<vmem>>, vector<16xf32>,
          %mul3A_1740 = arith.mulf %broadcast_in_dim3A_1720, %get3A_1739 : vector<16xf32>
          %get3A_1741 = arith.index_cast %add3A_1717 : i32 to index
          %get3A_1742 = arith.constant 80 : index
          %get3A_1743 = tpu.vector_load %arg9[%get3A_1741, %get3A_1742] {strides = array<i32>} : memref<160x128xf32, #tpu.memory_space<vmem>>, vector<16xf32>,
          %mul3A_1744 = arith.mulf %broadcast_in_dim3A_1720, %get3A_1743 : vector<16xf32>
          %get3A_1745 = arith.index_cast %add3A_1717 : i32 to index
          %get3A_1746 = arith.constant 96 : index
          %get3A_1747 = tpu.vector_load %arg9[%get3A_1745, %get3A_1746] {strides = array<i32>} : memref<160x128xf32, #tpu.memory_space<vmem>>, vector<16xf32>,
          %mul3A_1748 = arith.mulf %broadcast_in_dim3A_1720, %get3A_1747 : vector<16xf32>
          %get3A_1749 = arith.index_cast %add3A_1717 : i32 to index
          %get3A_1750 = arith.constant 112 : index
          %get3A_1751 = tpu.vector_load %arg9[%get3A_1749, %get3A_1750] {strides = array<i32>} : memref<160x128xf32, #tpu.memory_space<vmem>>, vector<16xf32>,
          %mul3A_1752 = arith.mulf %broadcast_in_dim3A_1720, %get3A_1751 : vector<16xf32>
          %swap3A_1753 = arith.index_cast %squeeze3A_1719 : i32 to index
          %swap3A_1754 = arith.constant 0 : index
          %swap3A_1755 = tpu.vector_load %arg12[%swap3A_1753, %swap3A_1754] {strides = array<i32>} : memref<512x128xf32, #tpu.memory_space<vmem>>, vector<16xf32>,
          tpu.vector_store %arg12[%swap3A_1753, %swap3A_1754], %mul3A_1724 {add = true, strides = array<i32>} : memref<512x128xf32, #tpu.memory_space<vmem>>, vector<16xf32>,
          %swap3A_1756 = arith.index_cast %squeeze3A_1719 : i32 to index
          %swap3A_1757 = arith.constant 16 : index
          %swap3A_1758 = tpu.vector_load %arg12[%swap3A_1756, %swap3A_1757] {strides = array<i32>} : memref<512x128xf32, #tpu.memory_space<vmem>>, vector<16xf32>,
          tpu.vector_store %arg12[%swap3A_1756, %swap3A_1757], %mul3A_1728 {add = true, strides = array<i32>} : memref<512x128xf32, #tpu.memory_space<vmem>>, vector<16xf32>,
          %swap3A_1759 = arith.index_cast %squeeze3A_1719 : i32 to index
          %swap3A_1760 = arith.constant 32 : index
          %swap3A_1761 = tpu.vector_load %arg12[%swap3A_1759, %swap3A_1760] {strides = array<i32>} : memref<512x128xf32, #tpu.memory_space<vmem>>, vector<16xf32>,
          tpu.vector_store %arg12[%swap3A_1759, %swap3A_1760], %mul3A_1732 {add = true, strides = array<i32>} : memref<512x128xf32, #tpu.memory_space<vmem>>, vector<16xf32>,
          %swap3A_1762 = arith.index_cast %squeeze3A_1719 : i32 to index
          %swap3A_1763 = arith.constant 48 : index
          %swap3A_1764 = tpu.vector_load %arg12[%swap3A_1762, %swap3A_1763] {strides = array<i32>} : memref<512x128xf32, #tpu.memory_space<vmem>>, vector<16xf32>,
          tpu.vector_store %arg12[%swap3A_1762, %swap3A_1763], %mul3A_1736 {add = true, strides = array<i32>} : memref<512x128xf32, #tpu.memory_space<vmem>>, vector<16xf32>,
          %swap3A_1765 = arith.index_cast %squeeze3A_1719 : i32 to index
          %swap3A_1766 = arith.constant 64 : index
          %swap3A_1767 = tpu.vector_load %arg12[%swap3A_1765, %swap3A_1766] {strides = array<i32>} : memref<512x128xf32, #tpu.memory_space<vmem>>, vector<16xf32>,
          tpu.vector_store %arg12[%swap3A_1765, %swap3A_1766], %mul3A_1740 {add = true, strides = array<i32>} : memref<512x128xf32, #tpu.memory_space<vmem>>, vector<16xf32>,
          %swap3A_1768 = arith.index_cast %squeeze3A_1719 : i32 to index
          %swap3A_1769 = arith.constant 80 : index
          %swap3A_1770 = tpu.vector_load %arg12[%swap3A_1768, %swap3A_1769] {strides = array<i32>} : memref<512x128xf32, #tpu.memory_space<vmem>>, vector<16xf32>,
          tpu.vector_store %arg12[%swap3A_1768, %swap3A_1769], %mul3A_1744 {add = true, strides = array<i32>} : memref<512x128xf32, #tpu.memory_space<vmem>>, vector<16xf32>,
          %swap3A_1771 = arith.index_cast %squeeze3A_1719 : i32 to index
          %swap3A_1772 = arith.constant 96 : index
          %swap3A_1773 = tpu.vector_load %arg12[%swap3A_1771, %swap3A_1772] {strides = array<i32>} : memref<512x128xf32, #tpu.memory_space<vmem>>, vector<16xf32>,
          tpu.vector_store %arg12[%swap3A_1771, %swap3A_1772], %mul3A_1748 {add = true, strides = array<i32>} : memref<512x128xf32, #tpu.memory_space<vmem>>, vector<16xf32>,
          %swap3A_1774 = arith.index_cast %squeeze3A_1719 : i32 to index
          %swap3A_1775 = arith.constant 112 : index
          %swap3A_1776 = tpu.vector_load %arg12[%swap3A_1774, %swap3A_1775] {strides = array<i32>} : memref<512x128xf32, #tpu.memory_space<vmem>>, vector<16xf32>,
          tpu.vector_store %arg12[%swap3A_1774, %swap3A_1775], %mul3A_1752 {add = true, strides = array<i32>} : memref<512x128xf32, #tpu.memory_space<vmem>>, vector<16xf32>,
          %mul3A_1777 = arith.constant 16 : i32
          %mul3A_1778 = arith.muli %mul3A_1777, %scan3A_116 : i32
          %add3A_1779 = arith.constant 10 : i32
          %add3A_1780 = arith.addi %mul3A_1778, %add3A_1779 : i32
          %slice3A_1781 = vector.extract_strided_slice %get3A_121 {offsets = [10], sizes = [1], strides = [1]} : vector<16xi32> to vector<1xi32>
          %squeeze3A_1782 = vector.extract %slice3A_1781[0] : i32 from vector<1xi32>
          %broadcast_in_dim3A_1783 = vector.broadcast %mul3A_1067 : f32 to vector<16xf32>
          %get3A_1784 = arith.index_cast %add3A_1780 : i32 to index
          %get3A_1785 = arith.constant 0 : index
          %get3A_1786 = tpu.vector_load %arg9[%get3A_1784, %get3A_1785] {strides = array<i32>} : memref<160x128xf32, #tpu.memory_space<vmem>>, vector<16xf32>,
          %mul3A_1787 = arith.mulf %broadcast_in_dim3A_1783, %get3A_1786 : vector<16xf32>
          %get3A_1788 = arith.index_cast %add3A_1780 : i32 to index
          %get3A_1789 = arith.constant 16 : index
          %get3A_1790 = tpu.vector_load %arg9[%get3A_1788, %get3A_1789] {strides = array<i32>} : memref<160x128xf32, #tpu.memory_space<vmem>>, vector<16xf32>,
          %mul3A_1791 = arith.mulf %broadcast_in_dim3A_1783, %get3A_1790 : vector<16xf32>
          %get3A_1792 = arith.index_cast %add3A_1780 : i32 to index
          %get3A_1793 = arith.constant 32 : index
          %get3A_1794 = tpu.vector_load %arg9[%get3A_1792, %get3A_1793] {strides = array<i32>} : memref<160x128xf32, #tpu.memory_space<vmem>>, vector<16xf32>,
          %mul3A_1795 = arith.mulf %broadcast_in_dim3A_1783, %get3A_1794 : vector<16xf32>
          %get3A_1796 = arith.index_cast %add3A_1780 : i32 to index
          %get3A_1797 = arith.constant 48 : index
          %get3A_1798 = tpu.vector_load %arg9[%get3A_1796, %get3A_1797] {strides = array<i32>} : memref<160x128xf32, #tpu.memory_space<vmem>>, vector<16xf32>,
          %mul3A_1799 = arith.mulf %broadcast_in_dim3A_1783, %get3A_1798 : vector<16xf32>
          %get3A_1800 = arith.index_cast %add3A_1780 : i32 to index
          %get3A_1801 = arith.constant 64 : index
          %get3A_1802 = tpu.vector_load %arg9[%get3A_1800, %get3A_1801] {strides = array<i32>} : memref<160x128xf32, #tpu.memory_space<vmem>>, vector<16xf32>,
          %mul3A_1803 = arith.mulf %broadcast_in_dim3A_1783, %get3A_1802 : vector<16xf32>
          %get3A_1804 = arith.index_cast %add3A_1780 : i32 to index
          %get3A_1805 = arith.constant 80 : index
          %get3A_1806 = tpu.vector_load %arg9[%get3A_1804, %get3A_1805] {strides = array<i32>} : memref<160x128xf32, #tpu.memory_space<vmem>>, vector<16xf32>,
          %mul3A_1807 = arith.mulf %broadcast_in_dim3A_1783, %get3A_1806 : vector<16xf32>
          %get3A_1808 = arith.index_cast %add3A_1780 : i32 to index
          %get3A_1809 = arith.constant 96 : index
          %get3A_1810 = tpu.vector_load %arg9[%get3A_1808, %get3A_1809] {strides = array<i32>} : memref<160x128xf32, #tpu.memory_space<vmem>>, vector<16xf32>,
          %mul3A_1811 = arith.mulf %broadcast_in_dim3A_1783, %get3A_1810 : vector<16xf32>
          %get3A_1812 = arith.index_cast %add3A_1780 : i32 to index
          %get3A_1813 = arith.constant 112 : index
          %get3A_1814 = tpu.vector_load %arg9[%get3A_1812, %get3A_1813] {strides = array<i32>} : memref<160x128xf32, #tpu.memory_space<vmem>>, vector<16xf32>,
          %mul3A_1815 = arith.mulf %broadcast_in_dim3A_1783, %get3A_1814 : vector<16xf32>
          %swap3A_1816 = arith.index_cast %squeeze3A_1782 : i32 to index
          %swap3A_1817 = arith.constant 0 : index
          %swap3A_1818 = tpu.vector_load %arg12[%swap3A_1816, %swap3A_1817] {strides = array<i32>} : memref<512x128xf32, #tpu.memory_space<vmem>>, vector<16xf32>,
          tpu.vector_store %arg12[%swap3A_1816, %swap3A_1817], %mul3A_1787 {add = true, strides = array<i32>} : memref<512x128xf32, #tpu.memory_space<vmem>>, vector<16xf32>,
          %swap3A_1819 = arith.index_cast %squeeze3A_1782 : i32 to index
          %swap3A_1820 = arith.constant 16 : index
          %swap3A_1821 = tpu.vector_load %arg12[%swap3A_1819, %swap3A_1820] {strides = array<i32>} : memref<512x128xf32, #tpu.memory_space<vmem>>, vector<16xf32>,
          tpu.vector_store %arg12[%swap3A_1819, %swap3A_1820], %mul3A_1791 {add = true, strides = array<i32>} : memref<512x128xf32, #tpu.memory_space<vmem>>, vector<16xf32>,
          %swap3A_1822 = arith.index_cast %squeeze3A_1782 : i32 to index
          %swap3A_1823 = arith.constant 32 : index
          %swap3A_1824 = tpu.vector_load %arg12[%swap3A_1822, %swap3A_1823] {strides = array<i32>} : memref<512x128xf32, #tpu.memory_space<vmem>>, vector<16xf32>,
          tpu.vector_store %arg12[%swap3A_1822, %swap3A_1823], %mul3A_1795 {add = true, strides = array<i32>} : memref<512x128xf32, #tpu.memory_space<vmem>>, vector<16xf32>,
          %swap3A_1825 = arith.index_cast %squeeze3A_1782 : i32 to index
          %swap3A_1826 = arith.constant 48 : index
          %swap3A_1827 = tpu.vector_load %arg12[%swap3A_1825, %swap3A_1826] {strides = array<i32>} : memref<512x128xf32, #tpu.memory_space<vmem>>, vector<16xf32>,
          tpu.vector_store %arg12[%swap3A_1825, %swap3A_1826], %mul3A_1799 {add = true, strides = array<i32>} : memref<512x128xf32, #tpu.memory_space<vmem>>, vector<16xf32>,
          %swap3A_1828 = arith.index_cast %squeeze3A_1782 : i32 to index
          %swap3A_1829 = arith.constant 64 : index
          %swap3A_1830 = tpu.vector_load %arg12[%swap3A_1828, %swap3A_1829] {strides = array<i32>} : memref<512x128xf32, #tpu.memory_space<vmem>>, vector<16xf32>,
          tpu.vector_store %arg12[%swap3A_1828, %swap3A_1829], %mul3A_1803 {add = true, strides = array<i32>} : memref<512x128xf32, #tpu.memory_space<vmem>>, vector<16xf32>,
          %swap3A_1831 = arith.index_cast %squeeze3A_1782 : i32 to index
          %swap3A_1832 = arith.constant 80 : index
          %swap3A_1833 = tpu.vector_load %arg12[%swap3A_1831, %swap3A_1832] {strides = array<i32>} : memref<512x128xf32, #tpu.memory_space<vmem>>, vector<16xf32>,
          tpu.vector_store %arg12[%swap3A_1831, %swap3A_1832], %mul3A_1807 {add = true, strides = array<i32>} : memref<512x128xf32, #tpu.memory_space<vmem>>, vector<16xf32>,
          %swap3A_1834 = arith.index_cast %squeeze3A_1782 : i32 to index
          %swap3A_1835 = arith.constant 96 : index
          %swap3A_1836 = tpu.vector_load %arg12[%swap3A_1834, %swap3A_1835] {strides = array<i32>} : memref<512x128xf32, #tpu.memory_space<vmem>>, vector<16xf32>,
          tpu.vector_store %arg12[%swap3A_1834, %swap3A_1835], %mul3A_1811 {add = true, strides = array<i32>} : memref<512x128xf32, #tpu.memory_space<vmem>>, vector<16xf32>,
          %swap3A_1837 = arith.index_cast %squeeze3A_1782 : i32 to index
          %swap3A_1838 = arith.constant 112 : index
          %swap3A_1839 = tpu.vector_load %arg12[%swap3A_1837, %swap3A_1838] {strides = array<i32>} : memref<512x128xf32, #tpu.memory_space<vmem>>, vector<16xf32>,
          tpu.vector_store %arg12[%swap3A_1837, %swap3A_1838], %mul3A_1815 {add = true, strides = array<i32>} : memref<512x128xf32, #tpu.memory_space<vmem>>, vector<16xf32>,
          %mul3A_1840 = arith.constant 16 : i32
          %mul3A_1841 = arith.muli %mul3A_1840, %scan3A_116 : i32
          %add3A_1842 = arith.constant 11 : i32
          %add3A_1843 = arith.addi %mul3A_1841, %add3A_1842 : i32
          %slice3A_1844 = vector.extract_strided_slice %get3A_121 {offsets = [11], sizes = [1], strides = [1]} : vector<16xi32> to vector<1xi32>
          %squeeze3A_1845 = vector.extract %slice3A_1844[0] : i32 from vector<1xi32>
          %broadcast_in_dim3A_1846 = vector.broadcast %mul3A_1083 : f32 to vector<16xf32>
          %get3A_1847 = arith.index_cast %add3A_1843 : i32 to index
          %get3A_1848 = arith.constant 0 : index
          %get3A_1849 = tpu.vector_load %arg9[%get3A_1847, %get3A_1848] {strides = array<i32>} : memref<160x128xf32, #tpu.memory_space<vmem>>, vector<16xf32>,
          %mul3A_1850 = arith.mulf %broadcast_in_dim3A_1846, %get3A_1849 : vector<16xf32>
          %get3A_1851 = arith.index_cast %add3A_1843 : i32 to index
          %get3A_1852 = arith.constant 16 : index
          %get3A_1853 = tpu.vector_load %arg9[%get3A_1851, %get3A_1852] {strides = array<i32>} : memref<160x128xf32, #tpu.memory_space<vmem>>, vector<16xf32>,
          %mul3A_1854 = arith.mulf %broadcast_in_dim3A_1846, %get3A_1853 : vector<16xf32>
          %get3A_1855 = arith.index_cast %add3A_1843 : i32 to index
          %get3A_1856 = arith.constant 32 : index
          %get3A_1857 = tpu.vector_load %arg9[%get3A_1855, %get3A_1856] {strides = array<i32>} : memref<160x128xf32, #tpu.memory_space<vmem>>, vector<16xf32>,
          %mul3A_1858 = arith.mulf %broadcast_in_dim3A_1846, %get3A_1857 : vector<16xf32>
          %get3A_1859 = arith.index_cast %add3A_1843 : i32 to index
          %get3A_1860 = arith.constant 48 : index
          %get3A_1861 = tpu.vector_load %arg9[%get3A_1859, %get3A_1860] {strides = array<i32>} : memref<160x128xf32, #tpu.memory_space<vmem>>, vector<16xf32>,
          %mul3A_1862 = arith.mulf %broadcast_in_dim3A_1846, %get3A_1861 : vector<16xf32>
          %get3A_1863 = arith.index_cast %add3A_1843 : i32 to index
          %get3A_1864 = arith.constant 64 : index
          %get3A_1865 = tpu.vector_load %arg9[%get3A_1863, %get3A_1864] {strides = array<i32>} : memref<160x128xf32, #tpu.memory_space<vmem>>, vector<16xf32>,
          %mul3A_1866 = arith.mulf %broadcast_in_dim3A_1846, %get3A_1865 : vector<16xf32>
          %get3A_1867 = arith.index_cast %add3A_1843 : i32 to index
          %get3A_1868 = arith.constant 80 : index
          %get3A_1869 = tpu.vector_load %arg9[%get3A_1867, %get3A_1868] {strides = array<i32>} : memref<160x128xf32, #tpu.memory_space<vmem>>, vector<16xf32>,
          %mul3A_1870 = arith.mulf %broadcast_in_dim3A_1846, %get3A_1869 : vector<16xf32>
          %get3A_1871 = arith.index_cast %add3A_1843 : i32 to index
          %get3A_1872 = arith.constant 96 : index
          %get3A_1873 = tpu.vector_load %arg9[%get3A_1871, %get3A_1872] {strides = array<i32>} : memref<160x128xf32, #tpu.memory_space<vmem>>, vector<16xf32>,
          %mul3A_1874 = arith.mulf %broadcast_in_dim3A_1846, %get3A_1873 : vector<16xf32>
          %get3A_1875 = arith.index_cast %add3A_1843 : i32 to index
          %get3A_1876 = arith.constant 112 : index
          %get3A_1877 = tpu.vector_load %arg9[%get3A_1875, %get3A_1876] {strides = array<i32>} : memref<160x128xf32, #tpu.memory_space<vmem>>, vector<16xf32>,
          %mul3A_1878 = arith.mulf %broadcast_in_dim3A_1846, %get3A_1877 : vector<16xf32>
          %swap3A_1879 = arith.index_cast %squeeze3A_1845 : i32 to index
          %swap3A_1880 = arith.constant 0 : index
          %swap3A_1881 = tpu.vector_load %arg12[%swap3A_1879, %swap3A_1880] {strides = array<i32>} : memref<512x128xf32, #tpu.memory_space<vmem>>, vector<16xf32>,
          tpu.vector_store %arg12[%swap3A_1879, %swap3A_1880], %mul3A_1850 {add = true, strides = array<i32>} : memref<512x128xf32, #tpu.memory_space<vmem>>, vector<16xf32>,
          %swap3A_1882 = arith.index_cast %squeeze3A_1845 : i32 to index
          %swap3A_1883 = arith.constant 16 : index
          %swap3A_1884 = tpu.vector_load %arg12[%swap3A_1882, %swap3A_1883] {strides = array<i32>} : memref<512x128xf32, #tpu.memory_space<vmem>>, vector<16xf32>,
          tpu.vector_store %arg12[%swap3A_1882, %swap3A_1883], %mul3A_1854 {add = true, strides = array<i32>} : memref<512x128xf32, #tpu.memory_space<vmem>>, vector<16xf32>,
          %swap3A_1885 = arith.index_cast %squeeze3A_1845 : i32 to index
          %swap3A_1886 = arith.constant 32 : index
          %swap3A_1887 = tpu.vector_load %arg12[%swap3A_1885, %swap3A_1886] {strides = array<i32>} : memref<512x128xf32, #tpu.memory_space<vmem>>, vector<16xf32>,
          tpu.vector_store %arg12[%swap3A_1885, %swap3A_1886], %mul3A_1858 {add = true, strides = array<i32>} : memref<512x128xf32, #tpu.memory_space<vmem>>, vector<16xf32>,
          %swap3A_1888 = arith.index_cast %squeeze3A_1845 : i32 to index
          %swap3A_1889 = arith.constant 48 : index
          %swap3A_1890 = tpu.vector_load %arg12[%swap3A_1888, %swap3A_1889] {strides = array<i32>} : memref<512x128xf32, #tpu.memory_space<vmem>>, vector<16xf32>,
          tpu.vector_store %arg12[%swap3A_1888, %swap3A_1889], %mul3A_1862 {add = true, strides = array<i32>} : memref<512x128xf32, #tpu.memory_space<vmem>>, vector<16xf32>,
          %swap3A_1891 = arith.index_cast %squeeze3A_1845 : i32 to index
          %swap3A_1892 = arith.constant 64 : index
          %swap3A_1893 = tpu.vector_load %arg12[%swap3A_1891, %swap3A_1892] {strides = array<i32>} : memref<512x128xf32, #tpu.memory_space<vmem>>, vector<16xf32>,
          tpu.vector_store %arg12[%swap3A_1891, %swap3A_1892], %mul3A_1866 {add = true, strides = array<i32>} : memref<512x128xf32, #tpu.memory_space<vmem>>, vector<16xf32>,
          %swap3A_1894 = arith.index_cast %squeeze3A_1845 : i32 to index
          %swap3A_1895 = arith.constant 80 : index
          %swap3A_1896 = tpu.vector_load %arg12[%swap3A_1894, %swap3A_1895] {strides = array<i32>} : memref<512x128xf32, #tpu.memory_space<vmem>>, vector<16xf32>,
          tpu.vector_store %arg12[%swap3A_1894, %swap3A_1895], %mul3A_1870 {add = true, strides = array<i32>} : memref<512x128xf32, #tpu.memory_space<vmem>>, vector<16xf32>,
          %swap3A_1897 = arith.index_cast %squeeze3A_1845 : i32 to index
          %swap3A_1898 = arith.constant 96 : index
          %swap3A_1899 = tpu.vector_load %arg12[%swap3A_1897, %swap3A_1898] {strides = array<i32>} : memref<512x128xf32, #tpu.memory_space<vmem>>, vector<16xf32>,
          tpu.vector_store %arg12[%swap3A_1897, %swap3A_1898], %mul3A_1874 {add = true, strides = array<i32>} : memref<512x128xf32, #tpu.memory_space<vmem>>, vector<16xf32>,
          %swap3A_1900 = arith.index_cast %squeeze3A_1845 : i32 to index
          %swap3A_1901 = arith.constant 112 : index
          %swap3A_1902 = tpu.vector_load %arg12[%swap3A_1900, %swap3A_1901] {strides = array<i32>} : memref<512x128xf32, #tpu.memory_space<vmem>>, vector<16xf32>,
          tpu.vector_store %arg12[%swap3A_1900, %swap3A_1901], %mul3A_1878 {add = true, strides = array<i32>} : memref<512x128xf32, #tpu.memory_space<vmem>>, vector<16xf32>,
          %mul3A_1903 = arith.constant 16 : i32
          %mul3A_1904 = arith.muli %mul3A_1903, %scan3A_116 : i32
          %add3A_1905 = arith.constant 12 : i32
          %add3A_1906 = arith.addi %mul3A_1904, %add3A_1905 : i32
          %slice3A_1907 = vector.extract_strided_slice %get3A_121 {offsets = [12], sizes = [1], strides = [1]} : vector<16xi32> to vector<1xi32>
          %squeeze3A_1908 = vector.extract %slice3A_1907[0] : i32 from vector<1xi32>
          %broadcast_in_dim3A_1909 = vector.broadcast %mul3A_1099 : f32 to vector<16xf32>
          %get3A_1910 = arith.index_cast %add3A_1906 : i32 to index
          %get3A_1911 = arith.constant 0 : index
          %get3A_1912 = tpu.vector_load %arg9[%get3A_1910, %get3A_1911] {strides = array<i32>} : memref<160x128xf32, #tpu.memory_space<vmem>>, vector<16xf32>,
          %mul3A_1913 = arith.mulf %broadcast_in_dim3A_1909, %get3A_1912 : vector<16xf32>
          %get3A_1914 = arith.index_cast %add3A_1906 : i32 to index
          %get3A_1915 = arith.constant 16 : index
          %get3A_1916 = tpu.vector_load %arg9[%get3A_1914, %get3A_1915] {strides = array<i32>} : memref<160x128xf32, #tpu.memory_space<vmem>>, vector<16xf32>,
          %mul3A_1917 = arith.mulf %broadcast_in_dim3A_1909, %get3A_1916 : vector<16xf32>
          %get3A_1918 = arith.index_cast %add3A_1906 : i32 to index
          %get3A_1919 = arith.constant 32 : index
          %get3A_1920 = tpu.vector_load %arg9[%get3A_1918, %get3A_1919] {strides = array<i32>} : memref<160x128xf32, #tpu.memory_space<vmem>>, vector<16xf32>,
          %mul3A_1921 = arith.mulf %broadcast_in_dim3A_1909, %get3A_1920 : vector<16xf32>
          %get3A_1922 = arith.index_cast %add3A_1906 : i32 to index
          %get3A_1923 = arith.constant 48 : index
          %get3A_1924 = tpu.vector_load %arg9[%get3A_1922, %get3A_1923] {strides = array<i32>} : memref<160x128xf32, #tpu.memory_space<vmem>>, vector<16xf32>,
          %mul3A_1925 = arith.mulf %broadcast_in_dim3A_1909, %get3A_1924 : vector<16xf32>
          %get3A_1926 = arith.index_cast %add3A_1906 : i32 to index
          %get3A_1927 = arith.constant 64 : index
          %get3A_1928 = tpu.vector_load %arg9[%get3A_1926, %get3A_1927] {strides = array<i32>} : memref<160x128xf32, #tpu.memory_space<vmem>>, vector<16xf32>,
          %mul3A_1929 = arith.mulf %broadcast_in_dim3A_1909, %get3A_1928 : vector<16xf32>
          %get3A_1930 = arith.index_cast %add3A_1906 : i32 to index
          %get3A_1931 = arith.constant 80 : index
          %get3A_1932 = tpu.vector_load %arg9[%get3A_1930, %get3A_1931] {strides = array<i32>} : memref<160x128xf32, #tpu.memory_space<vmem>>, vector<16xf32>,
          %mul3A_1933 = arith.mulf %broadcast_in_dim3A_1909, %get3A_1932 : vector<16xf32>
          %get3A_1934 = arith.index_cast %add3A_1906 : i32 to index
          %get3A_1935 = arith.constant 96 : index
          %get3A_1936 = tpu.vector_load %arg9[%get3A_1934, %get3A_1935] {strides = array<i32>} : memref<160x128xf32, #tpu.memory_space<vmem>>, vector<16xf32>,
          %mul3A_1937 = arith.mulf %broadcast_in_dim3A_1909, %get3A_1936 : vector<16xf32>
          %get3A_1938 = arith.index_cast %add3A_1906 : i32 to index
          %get3A_1939 = arith.constant 112 : index
          %get3A_1940 = tpu.vector_load %arg9[%get3A_1938, %get3A_1939] {strides = array<i32>} : memref<160x128xf32, #tpu.memory_space<vmem>>, vector<16xf32>,
          %mul3A_1941 = arith.mulf %broadcast_in_dim3A_1909, %get3A_1940 : vector<16xf32>
          %swap3A_1942 = arith.index_cast %squeeze3A_1908 : i32 to index
          %swap3A_1943 = arith.constant 0 : index
          %swap3A_1944 = tpu.vector_load %arg12[%swap3A_1942, %swap3A_1943] {strides = array<i32>} : memref<512x128xf32, #tpu.memory_space<vmem>>, vector<16xf32>,
          tpu.vector_store %arg12[%swap3A_1942, %swap3A_1943], %mul3A_1913 {add = true, strides = array<i32>} : memref<512x128xf32, #tpu.memory_space<vmem>>, vector<16xf32>,
          %swap3A_1945 = arith.index_cast %squeeze3A_1908 : i32 to index
          %swap3A_1946 = arith.constant 16 : index
          %swap3A_1947 = tpu.vector_load %arg12[%swap3A_1945, %swap3A_1946] {strides = array<i32>} : memref<512x128xf32, #tpu.memory_space<vmem>>, vector<16xf32>,
          tpu.vector_store %arg12[%swap3A_1945, %swap3A_1946], %mul3A_1917 {add = true, strides = array<i32>} : memref<512x128xf32, #tpu.memory_space<vmem>>, vector<16xf32>,
          %swap3A_1948 = arith.index_cast %squeeze3A_1908 : i32 to index
          %swap3A_1949 = arith.constant 32 : index
          %swap3A_1950 = tpu.vector_load %arg12[%swap3A_1948, %swap3A_1949] {strides = array<i32>} : memref<512x128xf32, #tpu.memory_space<vmem>>, vector<16xf32>,
          tpu.vector_store %arg12[%swap3A_1948, %swap3A_1949], %mul3A_1921 {add = true, strides = array<i32>} : memref<512x128xf32, #tpu.memory_space<vmem>>, vector<16xf32>,
          %swap3A_1951 = arith.index_cast %squeeze3A_1908 : i32 to index
          %swap3A_1952 = arith.constant 48 : index
          %swap3A_1953 = tpu.vector_load %arg12[%swap3A_1951, %swap3A_1952] {strides = array<i32>} : memref<512x128xf32, #tpu.memory_space<vmem>>, vector<16xf32>,
          tpu.vector_store %arg12[%swap3A_1951, %swap3A_1952], %mul3A_1925 {add = true, strides = array<i32>} : memref<512x128xf32, #tpu.memory_space<vmem>>, vector<16xf32>,
          %swap3A_1954 = arith.index_cast %squeeze3A_1908 : i32 to index
          %swap3A_1955 = arith.constant 64 : index
          %swap3A_1956 = tpu.vector_load %arg12[%swap3A_1954, %swap3A_1955] {strides = array<i32>} : memref<512x128xf32, #tpu.memory_space<vmem>>, vector<16xf32>,
          tpu.vector_store %arg12[%swap3A_1954, %swap3A_1955], %mul3A_1929 {add = true, strides = array<i32>} : memref<512x128xf32, #tpu.memory_space<vmem>>, vector<16xf32>,
          %swap3A_1957 = arith.index_cast %squeeze3A_1908 : i32 to index
          %swap3A_1958 = arith.constant 80 : index
          %swap3A_1959 = tpu.vector_load %arg12[%swap3A_1957, %swap3A_1958] {strides = array<i32>} : memref<512x128xf32, #tpu.memory_space<vmem>>, vector<16xf32>,
          tpu.vector_store %arg12[%swap3A_1957, %swap3A_1958], %mul3A_1933 {add = true, strides = array<i32>} : memref<512x128xf32, #tpu.memory_space<vmem>>, vector<16xf32>,
          %swap3A_1960 = arith.index_cast %squeeze3A_1908 : i32 to index
          %swap3A_1961 = arith.constant 96 : index
          %swap3A_1962 = tpu.vector_load %arg12[%swap3A_1960, %swap3A_1961] {strides = array<i32>} : memref<512x128xf32, #tpu.memory_space<vmem>>, vector<16xf32>,
          tpu.vector_store %arg12[%swap3A_1960, %swap3A_1961], %mul3A_1937 {add = true, strides = array<i32>} : memref<512x128xf32, #tpu.memory_space<vmem>>, vector<16xf32>,
          %swap3A_1963 = arith.index_cast %squeeze3A_1908 : i32 to index
          %swap3A_1964 = arith.constant 112 : index
          %swap3A_1965 = tpu.vector_load %arg12[%swap3A_1963, %swap3A_1964] {strides = array<i32>} : memref<512x128xf32, #tpu.memory_space<vmem>>, vector<16xf32>,
          tpu.vector_store %arg12[%swap3A_1963, %swap3A_1964], %mul3A_1941 {add = true, strides = array<i32>} : memref<512x128xf32, #tpu.memory_space<vmem>>, vector<16xf32>,
          %mul3A_1966 = arith.constant 16 : i32
          %mul3A_1967 = arith.muli %mul3A_1966, %scan3A_116 : i32
          %add3A_1968 = arith.constant 13 : i32
          %add3A_1969 = arith.addi %mul3A_1967, %add3A_1968 : i32
          %slice3A_1970 = vector.extract_strided_slice %get3A_121 {offsets = [13], sizes = [1], strides = [1]} : vector<16xi32> to vector<1xi32>
          %squeeze3A_1971 = vector.extract %slice3A_1970[0] : i32 from vector<1xi32>
          %broadcast_in_dim3A_1972 = vector.broadcast %mul3A_1115 : f32 to vector<16xf32>
          %get3A_1973 = arith.index_cast %add3A_1969 : i32 to index
          %get3A_1974 = arith.constant 0 : index
          %get3A_1975 = tpu.vector_load %arg9[%get3A_1973, %get3A_1974] {strides = array<i32>} : memref<160x128xf32, #tpu.memory_space<vmem>>, vector<16xf32>,
          %mul3A_1976 = arith.mulf %broadcast_in_dim3A_1972, %get3A_1975 : vector<16xf32>
          %get3A_1977 = arith.index_cast %add3A_1969 : i32 to index
          %get3A_1978 = arith.constant 16 : index
          %get3A_1979 = tpu.vector_load %arg9[%get3A_1977, %get3A_1978] {strides = array<i32>} : memref<160x128xf32, #tpu.memory_space<vmem>>, vector<16xf32>,
          %mul3A_1980 = arith.mulf %broadcast_in_dim3A_1972, %get3A_1979 : vector<16xf32>
          %get3A_1981 = arith.index_cast %add3A_1969 : i32 to index
          %get3A_1982 = arith.constant 32 : index
          %get3A_1983 = tpu.vector_load %arg9[%get3A_1981, %get3A_1982] {strides = array<i32>} : memref<160x128xf32, #tpu.memory_space<vmem>>, vector<16xf32>,
          %mul3A_1984 = arith.mulf %broadcast_in_dim3A_1972, %get3A_1983 : vector<16xf32>
          %get3A_1985 = arith.index_cast %add3A_1969 : i32 to index
          %get3A_1986 = arith.constant 48 : index
          %get3A_1987 = tpu.vector_load %arg9[%get3A_1985, %get3A_1986] {strides = array<i32>} : memref<160x128xf32, #tpu.memory_space<vmem>>, vector<16xf32>,
          %mul3A_1988 = arith.mulf %broadcast_in_dim3A_1972, %get3A_1987 : vector<16xf32>
          %get3A_1989 = arith.index_cast %add3A_1969 : i32 to index
          %get3A_1990 = arith.constant 64 : index
          %get3A_1991 = tpu.vector_load %arg9[%get3A_1989, %get3A_1990] {strides = array<i32>} : memref<160x128xf32, #tpu.memory_space<vmem>>, vector<16xf32>,
          %mul3A_1992 = arith.mulf %broadcast_in_dim3A_1972, %get3A_1991 : vector<16xf32>
          %get3A_1993 = arith.index_cast %add3A_1969 : i32 to index
          %get3A_1994 = arith.constant 80 : index
          %get3A_1995 = tpu.vector_load %arg9[%get3A_1993, %get3A_1994] {strides = array<i32>} : memref<160x128xf32, #tpu.memory_space<vmem>>, vector<16xf32>,
          %mul3A_1996 = arith.mulf %broadcast_in_dim3A_1972, %get3A_1995 : vector<16xf32>
          %get3A_1997 = arith.index_cast %add3A_1969 : i32 to index
          %get3A_1998 = arith.constant 96 : index
          %get3A_1999 = tpu.vector_load %arg9[%get3A_1997, %get3A_1998] {strides = array<i32>} : memref<160x128xf32, #tpu.memory_space<vmem>>, vector<16xf32>,
          %mul3A_2000 = arith.mulf %broadcast_in_dim3A_1972, %get3A_1999 : vector<16xf32>
          %get3A_2001 = arith.index_cast %add3A_1969 : i32 to index
          %get3A_2002 = arith.constant 112 : index
          %get3A_2003 = tpu.vector_load %arg9[%get3A_2001, %get3A_2002] {strides = array<i32>} : memref<160x128xf32, #tpu.memory_space<vmem>>, vector<16xf32>,
          %mul3A_2004 = arith.mulf %broadcast_in_dim3A_1972, %get3A_2003 : vector<16xf32>
          %swap3A_2005 = arith.index_cast %squeeze3A_1971 : i32 to index
          %swap3A_2006 = arith.constant 0 : index
          %swap3A_2007 = tpu.vector_load %arg12[%swap3A_2005, %swap3A_2006] {strides = array<i32>} : memref<512x128xf32, #tpu.memory_space<vmem>>, vector<16xf32>,
          tpu.vector_store %arg12[%swap3A_2005, %swap3A_2006], %mul3A_1976 {add = true, strides = array<i32>} : memref<512x128xf32, #tpu.memory_space<vmem>>, vector<16xf32>,
          %swap3A_2008 = arith.index_cast %squeeze3A_1971 : i32 to index
          %swap3A_2009 = arith.constant 16 : index
          %swap3A_2010 = tpu.vector_load %arg12[%swap3A_2008, %swap3A_2009] {strides = array<i32>} : memref<512x128xf32, #tpu.memory_space<vmem>>, vector<16xf32>,
          tpu.vector_store %arg12[%swap3A_2008, %swap3A_2009], %mul3A_1980 {add = true, strides = array<i32>} : memref<512x128xf32, #tpu.memory_space<vmem>>, vector<16xf32>,
          %swap3A_2011 = arith.index_cast %squeeze3A_1971 : i32 to index
          %swap3A_2012 = arith.constant 32 : index
          %swap3A_2013 = tpu.vector_load %arg12[%swap3A_2011, %swap3A_2012] {strides = array<i32>} : memref<512x128xf32, #tpu.memory_space<vmem>>, vector<16xf32>,
          tpu.vector_store %arg12[%swap3A_2011, %swap3A_2012], %mul3A_1984 {add = true, strides = array<i32>} : memref<512x128xf32, #tpu.memory_space<vmem>>, vector<16xf32>,
          %swap3A_2014 = arith.index_cast %squeeze3A_1971 : i32 to index
          %swap3A_2015 = arith.constant 48 : index
          %swap3A_2016 = tpu.vector_load %arg12[%swap3A_2014, %swap3A_2015] {strides = array<i32>} : memref<512x128xf32, #tpu.memory_space<vmem>>, vector<16xf32>,
          tpu.vector_store %arg12[%swap3A_2014, %swap3A_2015], %mul3A_1988 {add = true, strides = array<i32>} : memref<512x128xf32, #tpu.memory_space<vmem>>, vector<16xf32>,
          %swap3A_2017 = arith.index_cast %squeeze3A_1971 : i32 to index
          %swap3A_2018 = arith.constant 64 : index
          %swap3A_2019 = tpu.vector_load %arg12[%swap3A_2017, %swap3A_2018] {strides = array<i32>} : memref<512x128xf32, #tpu.memory_space<vmem>>, vector<16xf32>,
          tpu.vector_store %arg12[%swap3A_2017, %swap3A_2018], %mul3A_1992 {add = true, strides = array<i32>} : memref<512x128xf32, #tpu.memory_space<vmem>>, vector<16xf32>,
          %swap3A_2020 = arith.index_cast %squeeze3A_1971 : i32 to index
          %swap3A_2021 = arith.constant 80 : index
          %swap3A_2022 = tpu.vector_load %arg12[%swap3A_2020, %swap3A_2021] {strides = array<i32>} : memref<512x128xf32, #tpu.memory_space<vmem>>, vector<16xf32>,
          tpu.vector_store %arg12[%swap3A_2020, %swap3A_2021], %mul3A_1996 {add = true, strides = array<i32>} : memref<512x128xf32, #tpu.memory_space<vmem>>, vector<16xf32>,
          %swap3A_2023 = arith.index_cast %squeeze3A_1971 : i32 to index
          %swap3A_2024 = arith.constant 96 : index
          %swap3A_2025 = tpu.vector_load %arg12[%swap3A_2023, %swap3A_2024] {strides = array<i32>} : memref<512x128xf32, #tpu.memory_space<vmem>>, vector<16xf32>,
          tpu.vector_store %arg12[%swap3A_2023, %swap3A_2024], %mul3A_2000 {add = true, strides = array<i32>} : memref<512x128xf32, #tpu.memory_space<vmem>>, vector<16xf32>,
          %swap3A_2026 = arith.index_cast %squeeze3A_1971 : i32 to index
          %swap3A_2027 = arith.constant 112 : index
          %swap3A_2028 = tpu.vector_load %arg12[%swap3A_2026, %swap3A_2027] {strides = array<i32>} : memref<512x128xf32, #tpu.memory_space<vmem>>, vector<16xf32>,
          tpu.vector_store %arg12[%swap3A_2026, %swap3A_2027], %mul3A_2004 {add = true, strides = array<i32>} : memref<512x128xf32, #tpu.memory_space<vmem>>, vector<16xf32>,
          %mul3A_2029 = arith.constant 16 : i32
          %mul3A_2030 = arith.muli %mul3A_2029, %scan3A_116 : i32
          %add3A_2031 = arith.constant 14 : i32
          %add3A_2032 = arith.addi %mul3A_2030, %add3A_2031 : i32
          %slice3A_2033 = vector.extract_strided_slice %get3A_121 {offsets = [14], sizes = [1], strides = [1]} : vector<16xi32> to vector<1xi32>
          %squeeze3A_2034 = vector.extract %slice3A_2033[0] : i32 from vector<1xi32>
          %broadcast_in_dim3A_2035 = vector.broadcast %mul3A_1131 : f32 to vector<16xf32>
          %get3A_2036 = arith.index_cast %add3A_2032 : i32 to index
          %get3A_2037 = arith.constant 0 : index
          %get3A_2038 = tpu.vector_load %arg9[%get3A_2036, %get3A_2037] {strides = array<i32>} : memref<160x128xf32, #tpu.memory_space<vmem>>, vector<16xf32>,
          %mul3A_2039 = arith.mulf %broadcast_in_dim3A_2035, %get3A_2038 : vector<16xf32>
          %get3A_2040 = arith.index_cast %add3A_2032 : i32 to index
          %get3A_2041 = arith.constant 16 : index
          %get3A_2042 = tpu.vector_load %arg9[%get3A_2040, %get3A_2041] {strides = array<i32>} : memref<160x128xf32, #tpu.memory_space<vmem>>, vector<16xf32>,
          %mul3A_2043 = arith.mulf %broadcast_in_dim3A_2035, %get3A_2042 : vector<16xf32>
          %get3A_2044 = arith.index_cast %add3A_2032 : i32 to index
          %get3A_2045 = arith.constant 32 : index
          %get3A_2046 = tpu.vector_load %arg9[%get3A_2044, %get3A_2045] {strides = array<i32>} : memref<160x128xf32, #tpu.memory_space<vmem>>, vector<16xf32>,
          %mul3A_2047 = arith.mulf %broadcast_in_dim3A_2035, %get3A_2046 : vector<16xf32>
          %get3A_2048 = arith.index_cast %add3A_2032 : i32 to index
          %get3A_2049 = arith.constant 48 : index
          %get3A_2050 = tpu.vector_load %arg9[%get3A_2048, %get3A_2049] {strides = array<i32>} : memref<160x128xf32, #tpu.memory_space<vmem>>, vector<16xf32>,
          %mul3A_2051 = arith.mulf %broadcast_in_dim3A_2035, %get3A_2050 : vector<16xf32>
          %get3A_2052 = arith.index_cast %add3A_2032 : i32 to index
          %get3A_2053 = arith.constant 64 : index
          %get3A_2054 = tpu.vector_load %arg9[%get3A_2052, %get3A_2053] {strides = array<i32>} : memref<160x128xf32, #tpu.memory_space<vmem>>, vector<16xf32>,
          %mul3A_2055 = arith.mulf %broadcast_in_dim3A_2035, %get3A_2054 : vector<16xf32>
          %get3A_2056 = arith.index_cast %add3A_2032 : i32 to index
          %get3A_2057 = arith.constant 80 : index
          %get3A_2058 = tpu.vector_load %arg9[%get3A_2056, %get3A_2057] {strides = array<i32>} : memref<160x128xf32, #tpu.memory_space<vmem>>, vector<16xf32>,
          %mul3A_2059 = arith.mulf %broadcast_in_dim3A_2035, %get3A_2058 : vector<16xf32>
          %get3A_2060 = arith.index_cast %add3A_2032 : i32 to index
          %get3A_2061 = arith.constant 96 : index
          %get3A_2062 = tpu.vector_load %arg9[%get3A_2060, %get3A_2061] {strides = array<i32>} : memref<160x128xf32, #tpu.memory_space<vmem>>, vector<16xf32>,
          %mul3A_2063 = arith.mulf %broadcast_in_dim3A_2035, %get3A_2062 : vector<16xf32>
          %get3A_2064 = arith.index_cast %add3A_2032 : i32 to index
          %get3A_2065 = arith.constant 112 : index
          %get3A_2066 = tpu.vector_load %arg9[%get3A_2064, %get3A_2065] {strides = array<i32>} : memref<160x128xf32, #tpu.memory_space<vmem>>, vector<16xf32>,
          %mul3A_2067 = arith.mulf %broadcast_in_dim3A_2035, %get3A_2066 : vector<16xf32>
          %swap3A_2068 = arith.index_cast %squeeze3A_2034 : i32 to index
          %swap3A_2069 = arith.constant 0 : index
          %swap3A_2070 = tpu.vector_load %arg12[%swap3A_2068, %swap3A_2069] {strides = array<i32>} : memref<512x128xf32, #tpu.memory_space<vmem>>, vector<16xf32>,
          tpu.vector_store %arg12[%swap3A_2068, %swap3A_2069], %mul3A_2039 {add = true, strides = array<i32>} : memref<512x128xf32, #tpu.memory_space<vmem>>, vector<16xf32>,
          %swap3A_2071 = arith.index_cast %squeeze3A_2034 : i32 to index
          %swap3A_2072 = arith.constant 16 : index
          %swap3A_2073 = tpu.vector_load %arg12[%swap3A_2071, %swap3A_2072] {strides = array<i32>} : memref<512x128xf32, #tpu.memory_space<vmem>>, vector<16xf32>,
          tpu.vector_store %arg12[%swap3A_2071, %swap3A_2072], %mul3A_2043 {add = true, strides = array<i32>} : memref<512x128xf32, #tpu.memory_space<vmem>>, vector<16xf32>,
          %swap3A_2074 = arith.index_cast %squeeze3A_2034 : i32 to index
          %swap3A_2075 = arith.constant 32 : index
          %swap3A_2076 = tpu.vector_load %arg12[%swap3A_2074, %swap3A_2075] {strides = array<i32>} : memref<512x128xf32, #tpu.memory_space<vmem>>, vector<16xf32>,
          tpu.vector_store %arg12[%swap3A_2074, %swap3A_2075], %mul3A_2047 {add = true, strides = array<i32>} : memref<512x128xf32, #tpu.memory_space<vmem>>, vector<16xf32>,
          %swap3A_2077 = arith.index_cast %squeeze3A_2034 : i32 to index
          %swap3A_2078 = arith.constant 48 : index
          %swap3A_2079 = tpu.vector_load %arg12[%swap3A_2077, %swap3A_2078] {strides = array<i32>} : memref<512x128xf32, #tpu.memory_space<vmem>>, vector<16xf32>,
          tpu.vector_store %arg12[%swap3A_2077, %swap3A_2078], %mul3A_2051 {add = true, strides = array<i32>} : memref<512x128xf32, #tpu.memory_space<vmem>>, vector<16xf32>,
          %swap3A_2080 = arith.index_cast %squeeze3A_2034 : i32 to index
          %swap3A_2081 = arith.constant 64 : index
          %swap3A_2082 = tpu.vector_load %arg12[%swap3A_2080, %swap3A_2081] {strides = array<i32>} : memref<512x128xf32, #tpu.memory_space<vmem>>, vector<16xf32>,
          tpu.vector_store %arg12[%swap3A_2080, %swap3A_2081], %mul3A_2055 {add = true, strides = array<i32>} : memref<512x128xf32, #tpu.memory_space<vmem>>, vector<16xf32>,
          %swap3A_2083 = arith.index_cast %squeeze3A_2034 : i32 to index
          %swap3A_2084 = arith.constant 80 : index
          %swap3A_2085 = tpu.vector_load %arg12[%swap3A_2083, %swap3A_2084] {strides = array<i32>} : memref<512x128xf32, #tpu.memory_space<vmem>>, vector<16xf32>,
          tpu.vector_store %arg12[%swap3A_2083, %swap3A_2084], %mul3A_2059 {add = true, strides = array<i32>} : memref<512x128xf32, #tpu.memory_space<vmem>>, vector<16xf32>,
          %swap3A_2086 = arith.index_cast %squeeze3A_2034 : i32 to index
          %swap3A_2087 = arith.constant 96 : index
          %swap3A_2088 = tpu.vector_load %arg12[%swap3A_2086, %swap3A_2087] {strides = array<i32>} : memref<512x128xf32, #tpu.memory_space<vmem>>, vector<16xf32>,
          tpu.vector_store %arg12[%swap3A_2086, %swap3A_2087], %mul3A_2063 {add = true, strides = array<i32>} : memref<512x128xf32, #tpu.memory_space<vmem>>, vector<16xf32>,
          %swap3A_2089 = arith.index_cast %squeeze3A_2034 : i32 to index
          %swap3A_2090 = arith.constant 112 : index
          %swap3A_2091 = tpu.vector_load %arg12[%swap3A_2089, %swap3A_2090] {strides = array<i32>} : memref<512x128xf32, #tpu.memory_space<vmem>>, vector<16xf32>,
          tpu.vector_store %arg12[%swap3A_2089, %swap3A_2090], %mul3A_2067 {add = true, strides = array<i32>} : memref<512x128xf32, #tpu.memory_space<vmem>>, vector<16xf32>,
          %mul3A_2092 = arith.constant 16 : i32
          %mul3A_2093 = arith.muli %mul3A_2092, %scan3A_116 : i32
          %add3A_2094 = arith.constant 15 : i32
          %add3A_2095 = arith.addi %mul3A_2093, %add3A_2094 : i32
          %slice3A_2096 = vector.extract_strided_slice %get3A_121 {offsets = [15], sizes = [1], strides = [1]} : vector<16xi32> to vector<1xi32>
          %squeeze3A_2097 = vector.extract %slice3A_2096[0] : i32 from vector<1xi32>
          %broadcast_in_dim3A_2098 = vector.broadcast %mul3A_1147 : f32 to vector<16xf32>
          %get3A_2099 = arith.index_cast %add3A_2095 : i32 to index
          %get3A_2100 = arith.constant 0 : index
          %get3A_2101 = tpu.vector_load %arg9[%get3A_2099, %get3A_2100] {strides = array<i32>} : memref<160x128xf32, #tpu.memory_space<vmem>>, vector<16xf32>,
          %mul3A_2102 = arith.mulf %broadcast_in_dim3A_2098, %get3A_2101 : vector<16xf32>
          %get3A_2103 = arith.index_cast %add3A_2095 : i32 to index
          %get3A_2104 = arith.constant 16 : index
          %get3A_2105 = tpu.vector_load %arg9[%get3A_2103, %get3A_2104] {strides = array<i32>} : memref<160x128xf32, #tpu.memory_space<vmem>>, vector<16xf32>,
          %mul3A_2106 = arith.mulf %broadcast_in_dim3A_2098, %get3A_2105 : vector<16xf32>
          %get3A_2107 = arith.index_cast %add3A_2095 : i32 to index
          %get3A_2108 = arith.constant 32 : index
          %get3A_2109 = tpu.vector_load %arg9[%get3A_2107, %get3A_2108] {strides = array<i32>} : memref<160x128xf32, #tpu.memory_space<vmem>>, vector<16xf32>,
          %mul3A_2110 = arith.mulf %broadcast_in_dim3A_2098, %get3A_2109 : vector<16xf32>
          %get3A_2111 = arith.index_cast %add3A_2095 : i32 to index
          %get3A_2112 = arith.constant 48 : index
          %get3A_2113 = tpu.vector_load %arg9[%get3A_2111, %get3A_2112] {strides = array<i32>} : memref<160x128xf32, #tpu.memory_space<vmem>>, vector<16xf32>,
          %mul3A_2114 = arith.mulf %broadcast_in_dim3A_2098, %get3A_2113 : vector<16xf32>
          %get3A_2115 = arith.index_cast %add3A_2095 : i32 to index
          %get3A_2116 = arith.constant 64 : index
          %get3A_2117 = tpu.vector_load %arg9[%get3A_2115, %get3A_2116] {strides = array<i32>} : memref<160x128xf32, #tpu.memory_space<vmem>>, vector<16xf32>,
          %mul3A_2118 = arith.mulf %broadcast_in_dim3A_2098, %get3A_2117 : vector<16xf32>
          %get3A_2119 = arith.index_cast %add3A_2095 : i32 to index
          %get3A_2120 = arith.constant 80 : index
          %get3A_2121 = tpu.vector_load %arg9[%get3A_2119, %get3A_2120] {strides = array<i32>} : memref<160x128xf32, #tpu.memory_space<vmem>>, vector<16xf32>,
          %mul3A_2122 = arith.mulf %broadcast_in_dim3A_2098, %get3A_2121 : vector<16xf32>
          %get3A_2123 = arith.index_cast %add3A_2095 : i32 to index
          %get3A_2124 = arith.constant 96 : index
          %get3A_2125 = tpu.vector_load %arg9[%get3A_2123, %get3A_2124] {strides = array<i32>} : memref<160x128xf32, #tpu.memory_space<vmem>>, vector<16xf32>,
          %mul3A_2126 = arith.mulf %broadcast_in_dim3A_2098, %get3A_2125 : vector<16xf32>
          %get3A_2127 = arith.index_cast %add3A_2095 : i32 to index
          %get3A_2128 = arith.constant 112 : index
          %get3A_2129 = tpu.vector_load %arg9[%get3A_2127, %get3A_2128] {strides = array<i32>} : memref<160x128xf32, #tpu.memory_space<vmem>>, vector<16xf32>,
          %mul3A_2130 = arith.mulf %broadcast_in_dim3A_2098, %get3A_2129 : vector<16xf32>
          %swap3A_2131 = arith.index_cast %squeeze3A_2097 : i32 to index
          %swap3A_2132 = arith.constant 0 : index
          %swap3A_2133 = tpu.vector_load %arg12[%swap3A_2131, %swap3A_2132] {strides = array<i32>} : memref<512x128xf32, #tpu.memory_space<vmem>>, vector<16xf32>,
          tpu.vector_store %arg12[%swap3A_2131, %swap3A_2132], %mul3A_2102 {add = true, strides = array<i32>} : memref<512x128xf32, #tpu.memory_space<vmem>>, vector<16xf32>,
          %swap3A_2134 = arith.index_cast %squeeze3A_2097 : i32 to index
          %swap3A_2135 = arith.constant 16 : index
          %swap3A_2136 = tpu.vector_load %arg12[%swap3A_2134, %swap3A_2135] {strides = array<i32>} : memref<512x128xf32, #tpu.memory_space<vmem>>, vector<16xf32>,
          tpu.vector_store %arg12[%swap3A_2134, %swap3A_2135], %mul3A_2106 {add = true, strides = array<i32>} : memref<512x128xf32, #tpu.memory_space<vmem>>, vector<16xf32>,
          %swap3A_2137 = arith.index_cast %squeeze3A_2097 : i32 to index
          %swap3A_2138 = arith.constant 32 : index
          %swap3A_2139 = tpu.vector_load %arg12[%swap3A_2137, %swap3A_2138] {strides = array<i32>} : memref<512x128xf32, #tpu.memory_space<vmem>>, vector<16xf32>,
          tpu.vector_store %arg12[%swap3A_2137, %swap3A_2138], %mul3A_2110 {add = true, strides = array<i32>} : memref<512x128xf32, #tpu.memory_space<vmem>>, vector<16xf32>,
          %swap3A_2140 = arith.index_cast %squeeze3A_2097 : i32 to index
          %swap3A_2141 = arith.constant 48 : index
          %swap3A_2142 = tpu.vector_load %arg12[%swap3A_2140, %swap3A_2141] {strides = array<i32>} : memref<512x128xf32, #tpu.memory_space<vmem>>, vector<16xf32>,
          tpu.vector_store %arg12[%swap3A_2140, %swap3A_2141], %mul3A_2114 {add = true, strides = array<i32>} : memref<512x128xf32, #tpu.memory_space<vmem>>, vector<16xf32>,
          %swap3A_2143 = arith.index_cast %squeeze3A_2097 : i32 to index
          %swap3A_2144 = arith.constant 64 : index
          %swap3A_2145 = tpu.vector_load %arg12[%swap3A_2143, %swap3A_2144] {strides = array<i32>} : memref<512x128xf32, #tpu.memory_space<vmem>>, vector<16xf32>,
          tpu.vector_store %arg12[%swap3A_2143, %swap3A_2144], %mul3A_2118 {add = true, strides = array<i32>} : memref<512x128xf32, #tpu.memory_space<vmem>>, vector<16xf32>,
          %swap3A_2146 = arith.index_cast %squeeze3A_2097 : i32 to index
          %swap3A_2147 = arith.constant 80 : index
          %swap3A_2148 = tpu.vector_load %arg12[%swap3A_2146, %swap3A_2147] {strides = array<i32>} : memref<512x128xf32, #tpu.memory_space<vmem>>, vector<16xf32>,
          tpu.vector_store %arg12[%swap3A_2146, %swap3A_2147], %mul3A_2122 {add = true, strides = array<i32>} : memref<512x128xf32, #tpu.memory_space<vmem>>, vector<16xf32>,
          %swap3A_2149 = arith.index_cast %squeeze3A_2097 : i32 to index
          %swap3A_2150 = arith.constant 96 : index
          %swap3A_2151 = tpu.vector_load %arg12[%swap3A_2149, %swap3A_2150] {strides = array<i32>} : memref<512x128xf32, #tpu.memory_space<vmem>>, vector<16xf32>,
          tpu.vector_store %arg12[%swap3A_2149, %swap3A_2150], %mul3A_2126 {add = true, strides = array<i32>} : memref<512x128xf32, #tpu.memory_space<vmem>>, vector<16xf32>,
          %swap3A_2152 = arith.index_cast %squeeze3A_2097 : i32 to index
          %swap3A_2153 = arith.constant 112 : index
          %swap3A_2154 = tpu.vector_load %arg12[%swap3A_2152, %swap3A_2153] {strides = array<i32>} : memref<512x128xf32, #tpu.memory_space<vmem>>, vector<16xf32>,
          tpu.vector_store %arg12[%swap3A_2152, %swap3A_2153], %mul3A_2130 {add = true, strides = array<i32>} : memref<512x128xf32, #tpu.memory_space<vmem>>, vector<16xf32>,
        }
        %scan3A_115 = arith.constant 10 : i32
      } else {
      }
    }
    %scan3A_68 = arith.constant 10 : i32
    "tpu.region"() ({
      %run_scoped3A = tpu.sem_alloc : memref<!tpu.dma_semaphore, #tpu.memory_space<semaphore_mem>>
      %dma_start3A_69 = arith.constant 0 : i32
      %dma_start3A_70 = arith.constant 0 : i32
      %dma_start3A_71 = tpu.memref_slice %arg7[%add3A, %dma_start3A_69, %dma_start3A_70] : memref<32x512x128xf32, #tpu.memory_space<hbm>> -> memref<1x512x128xf32, #tpu.memory_space<hbm>>
      %dma_start3A_72 = tpu.memref_squeeze %dma_start3A_71 : memref<1x512x128xf32, #tpu.memory_space<hbm>> -> memref<512x128xf32, #tpu.memory_space<hbm>>
      %dma_start3A_73 = arith.constant 0 : i32
      %dma_start3A_74 = arith.constant 0 : i32
      %dma_start3A_75 = tpu.memref_slice %arg7[%add3A, %dma_start3A_73, %dma_start3A_74] : memref<32x512x128xf32, #tpu.memory_space<hbm>> -> memref<1x512x128xf32, #tpu.memory_space<hbm>>
      %dma_start3A_76 = tpu.memref_squeeze %dma_start3A_75 : memref<1x512x128xf32, #tpu.memory_space<hbm>> -> memref<512x128xf32, #tpu.memory_space<hbm>>
      tpu.enqueue_dma source(%arg12 : memref<512x128xf32, #tpu.memory_space<vmem>>) target(%dma_start3A_76 : memref<512x128xf32, #tpu.memory_space<hbm>>) target_semaphore(%run_scoped3A : memref<!tpu.dma_semaphore, #tpu.memory_space<semaphore_mem>>)
      %dma_wait3A = arith.constant 0 : i32
      %dma_wait3A_77 = arith.constant 0 : i32
      %dma_wait3A_78 = tpu.memref_slice %arg7[%add3A, %dma_wait3A, %dma_wait3A_77] : memref<32x512x128xf32, #tpu.memory_space<hbm>> -> memref<1x512x128xf32, #tpu.memory_space<hbm>>
      %dma_wait3A_79 = tpu.memref_squeeze %dma_wait3A_78 : memref<1x512x128xf32, #tpu.memory_space<hbm>> -> memref<512x128xf32, #tpu.memory_space<hbm>>
      %dma_wait3A_80 = arith.constant 0 : i32
      %dma_wait3A_81 = arith.constant 0 : i32
      %dma_wait3A_82 = tpu.memref_slice %arg7[%add3A, %dma_wait3A_80, %dma_wait3A_81] : memref<32x512x128xf32, #tpu.memory_space<hbm>> -> memref<1x512x128xf32, #tpu.memory_space<hbm>>
      %dma_wait3A_83 = tpu.memref_squeeze %dma_wait3A_82 : memref<1x512x128xf32, #tpu.memory_space<hbm>> -> memref<512x128xf32, #tpu.memory_space<hbm>>
      tpu.wait_dma2 semaphore(%run_scoped3A : memref<!tpu.dma_semaphore, #tpu.memory_space<semaphore_mem>>) src(%arg12 : memref<512x128xf32, #tpu.memory_space<vmem>>) dst(%dma_wait3A_83 : memref<512x128xf32, #tpu.memory_space<hbm>>)
      tpu.yield
    }) : () -> ()
    return
  }
}

module attributes {stable_mosaic.version = 14 : i64} {
  func.func @_add_body(%arg0: memref<32x512x128xf32, #tpu.memory_space<vmem>>, %arg1: memref<512x128xf32, #tpu.memory_space<vmem>>) attributes {dimension_semantics = [], scalar_prefetch = 0 : i64, scratch_operands = 0 : i64, tpu.core_type = #tpu.core_type<tc>} {
    %get3A = arith.constant 0 : index
    %get3A_0 = arith.constant 0 : index
    %get3A_1 = arith.constant 0 : index
    %get3A_2 = vector.load %arg0[%get3A, %get3A_0, %get3A_1] : memref<32x512x128xf32, #tpu.memory_space<vmem>>, vector<32x512x128xf32>
    %reduce_sum3A = arith.constant dense<0.000000e+00> : vector<512x128xf32>
    %reduce_sum3A_3 = vector.multi_reduction <add>, %get3A_2, %reduce_sum3A [0] : vector<32x512x128xf32> to vector<512x128xf32>
    %swap3A = arith.constant 0 : index
    %swap3A_4 = arith.constant 0 : index
    %swap3A_5 = vector.load %arg1[%swap3A, %swap3A_4] : memref<512x128xf32, #tpu.memory_space<vmem>>, vector<512x128xf32>
    tpu.vector_store %arg1[%swap3A, %swap3A_4], %reduce_sum3A_3 {strides = array<i32>} : memref<512x128xf32, #tpu.memory_space<vmem>>, vector<512x128xf32>,
    return
  }
}

</mosaic_0001>

<sc_bundles>
// kernel: kernel.4.cloned.1.call-start
scs
__scs_entry_jumppad:
0x0: {  	(pc) =	sbr.rel $0x88, $3  }
0x1: {  	(tag) =	ssettag $0x0;
	lr =	simm.s32 $0x1  }
0x2: {  	[smem:$0x3F9C] =	sst lr;
	_ =	strace $0xD0000000  }
0x3: {  	_ = 	snop  }
0x4: {  	_ = 	snop  }
0x5: {  	_ = 	snop  }
0x6: {  	_ = 	snop  }
0x7: {  	_ = 	snop  }
__scs_overlays_trampoline_lowered:
0x8: {  	[smem:$0x3FAB] =	sst s0  }
0x9: {  	[smem:$0x3FAC] =	sst s1  }
0xa: {  	[smem:$0x3FAD] =	sst s2  }
0xb: {  	[smem:$0x3FAE] =	sst s3  }
0xc: {  	[smem:$0x3FAF] =	sst s4  }
0xd: {  	[smem:$0x3FB0] =	sst s5  }
0xe: {  	[smem:$0x3FB1] =	sst s6  }
0xf: {  	[smem:$0x3FB2] =	sst s7  }
0x10: {  	[smem:$0x3FB3] =	sst s8  }
0x11: {  	[smem:$0x3FB4] =	sst s9;
	s0 =	simm.s32 @!p0 $0x0  }
0x12: {  	s1 =	sld [smem:$0x3F9A];
	s0 =	simm.s32 @p0 $0x1  }
0x13: {  	[smem:$0x3FB5] =	sst s0;
	s0 =	simm.s32 @!p1 $0x0  }
0x14: {  	s2 =	sld [smem:$0x3F99];
	s0 =	simm.s32 @p1 $0x1  }
0x15: {  	[smem:$0x3FB6] =	sst s0;
	s0 =	simm.s32 @!p2 $0x0  }
0x16: {  	s3 =	sld [smem:$0x3FDB];
	s0 =	simm.s32 @p2 $0x1  }
0x17: {  	s4 =	simm.s32 $0x1BF5;
	[smem:$0x3FB8] =	sst s0  }
0x18: {  	s0 =	sld [smem:$0x3F9B];
	_ =	swait.ge [sflag:s4], $0x0  }
0x19: {  	s7 =	sld [smem:$0x3F9C]  }
0x1a: {  	s8 =	sadd.s32 $0xFFFFE003, lr  }
0x1b: {  	s9 =	sadd.s32 $0xFFFFFEF7, lr;
	s5 =	simm.s32 $0xFFFFFFFF;
	p2 =	slt.u32 s8, $0xFFFFF086  }
0x1c: {  	p1 =	slt.u32 s9, $0xF7A;
	s5 =	simm.s32 @!p2 $0x0  }
0x1d: {  	s5 =	simm.s32 @p1 $0x1;
	p0 =	seq.s32 s7, s2  }
0x1e: {  	s7 =	smul.u32 @!p0 $0xF7A, s2;
	p2 =	seq.s32 @!p0 s5, $0x0  }
0x1f: {  	s9 =	smul.u32 $0xF7A, s1;
	s8 =	simm.s32 @!p0 $0x1BF5;
	p2 =	por !p2, p0  }
0x20: {  	[sflag:s8] =	ssyncset.s32 @!p0 $0xFFFFF086;
	s6 =	sadd.s32 @!p0 s3, s7;
	s7 =	simm.s32 @!p0 $0x108  }
0x21: {  	s3 =	sadd.s32 s3, s9;
	s6 =	sadd.s32 @!p0 $0x88, s6;
	s7 =	simm.s32 @p2 $0x1082  }
0x22: {  	[simem:s7], [sflag:s8] =	dma.local @!p0 [hbm:s6], $0xF7A  }
0x23: {  	s9 =	sor.u32 $0xD0000000, s2;
	s6 =	simm.s32 $0x108;
	_ =	swait.ge @!p0 [sflag:s8], $0x0  }
0x24: {  	s3 =	sadd.s32 $0x88, s3;
	s6 =	simm.s32 @!p1 $0x1082;
	[sflag:s4] =	ssyncset.s32 $0xFFFFF086  }
0x25: {  	[simem:s6], [sflag:s4] =	dma.local [hbm:s3], $0xF7A  }
0x26: {  	[smem:$0x3F9C] =	sst s1;
	(tag) =	ssettag s2;
	_ =	strace s9  }
0x27: {  	s1 =	sld [smem:$0x3FAC]  }
0x28: {  	s2 =	sld [smem:$0x3FAD]  }
0x29: {  	s4 =	sld [smem:$0x3FAF]  }
0x2a: {  	p0 =	seq.s32 s5, $0x0;
	s5 =	sld [smem:$0x3FB0]  }
0x2b: {  	s6 =	sld [smem:$0x3FB1]  }
0x2c: {  	s7 =	sld [smem:$0x3FB2]  }
0x2d: {  	s3 =	simm.s32 $0x108;
	s8 =	sld [smem:$0x3FB3]  }
0x2e: {  	s3 =	simm.s32 @!p0 $0x1082;
	s9 =	sld [smem:$0x3FB4]  }
0x2f: {  	lr =	sadd.s32 s0, s3;
	s0 =	sld [smem:$0x3FAB]  }
0x30: {  	s3 =	sld [smem:$0x3FAE]  }
0x31: {  	[smem:$0x3FB7] =	sst s10  }
0x32: {  	s10 =	sld [smem:$0x3FB5];
	_ =	sdelay $0x3  }
0x33: {  	p0 =	seq.s32 s10, $0x1;
	s10 =	sld [smem:$0x3FB7];
	_ =	sdelay $0x3  }
0x34: {  	[smem:$0x3FB7] =	sst s10  }
0x35: {  	s10 =	sld [smem:$0x3FB6];
	_ =	sdelay $0x3  }
0x36: {  	p1 =	seq.s32 s10, $0x1;
	s10 =	sld [smem:$0x3FB7];
	_ =	sdelay $0x3  }
0x37: {  	[smem:$0x3FB7] =	sst s10  }
0x38: {  	s10 =	sld [smem:$0x3FB8]  }
0x39: {  	_ = 	snop;
	(pc) =	sbr.ind lr, $3  }
0x3a: {  	_ = 	snop  }
0x3b: {  	_ = 	snop  }
0x3c: {  	p2 =	seq.s32 s10, $0x1;
	s10 =	sld [smem:$0x3FB7]  }
0x3d: {  	_ =	shalt  }
0x3e: {  	_ =	shalt  }
0x3f: {  	_ =	shalt  }
0x40: {  	_ =	shalt  }
0x41: {  	_ =	shalt  }
0x42: {  	_ =	shalt  }
0x43: {  	_ =	shalt  }
0x44: {  	_ =	shalt  }
0x45: {  	_ =	shalt  }
0x46: {  	_ =	shalt  }
0x47: {  	_ =	shalt  }
0x48: {  	_ =	shalt  }
0x49: {  	_ =	shalt  }
0x4a: {  	_ =	shalt  }
0x4b: {  	_ =	shalt  }
0x4c: {  	_ =	shalt  }
0x4d: {  	_ =	shalt  }
0x4e: {  	_ =	shalt  }
0x4f: {  	_ =	shalt  }
0x50: {  	_ =	shalt  }
0x51: {  	_ =	shalt  }
0x52: {  	_ =	shalt  }
0x53: {  	_ =	shalt  }
0x54: {  	_ =	shalt  }
0x55: {  	_ =	shalt  }
0x56: {  	_ =	shalt  }
0x57: {  	_ =	shalt  }
0x58: {  	_ =	shalt  }
0x59: {  	_ =	shalt  }
0x5a: {  	_ =	shalt  }
0x5b: {  	_ =	shalt  }
0x5c: {  	_ =	shalt  }
0x5d: {  	_ =	shalt  }
0x5e: {  	_ =	shalt  }
0x5f: {  	_ =	shalt  }
0x60: {  	_ =	shalt  }
0x61: {  	_ =	shalt  }
0x62: {  	_ =	shalt  }
0x63: {  	_ =	shalt  }
0x64: {  	_ =	shalt  }
0x65: {  	_ =	shalt  }
0x66: {  	_ =	shalt  }
0x67: {  	_ =	shalt  }
0x68: {  	_ =	shalt  }
0x69: {  	_ =	shalt  }
0x6a: {  	_ =	shalt  }
0x6b: {  	_ =	shalt  }
0x6c: {  	_ =	shalt  }
0x6d: {  	_ =	shalt  }
0x6e: {  	_ =	shalt  }
0x6f: {  	_ =	shalt  }
0x70: {  	_ =	shalt  }
0x71: {  	_ =	shalt  }
0x72: {  	_ =	shalt  }
0x73: {  	_ =	shalt  }
0x74: {  	_ =	shalt  }
0x75: {  	_ =	shalt  }
0x76: {  	_ =	shalt  }
0x77: {  	_ =	shalt  }
0x78: {  	_ =	shalt  }
0x79: {  	_ =	shalt  }
0x7a: {  	_ =	shalt  }
0x7b: {  	_ =	shalt  }
0x7c: {  	_ =	shalt  }
0x7d: {  	_ =	shalt  }
0x7e: {  	_ =	shalt  }
0x7f: {  	_ =	shalt  }
0x80: {  	_ =	shalt  }
0x81: {  	_ =	shalt  }
0x82: {  	_ =	shalt  }
0x83: {  	_ =	shalt  }
0x84: {  	_ =	shalt  }
0x85: {  	_ =	shalt  }
0x86: {  	_ =	shalt  }
0x87: {  	_ =	shalt  }
.Lfunc_end0:
.L_simem_size_0:
called_computation_lowered:
.L_overlay_start_0:
0x88: {  	s2 =	sld [smem:$0x3FD9]  }
0x89: {  	s3 =	sld [smem:$0x3FFE];
	_ =	sdelay $0x1  }
0x8a: {  	s1 =	srdreg.scid  }
0x8b: {  	s0 =	sand.u32 $0x1, s1  }
0x8c: {  	s17 =	sshll.u32 s0, $0xA;
	s2 =	sadd.s32 s3, s2  }
0x8d: {  	s2 =	sadd.s32 s2, s17  }
0x8e: {  	[smem:$0x3FC3] =	sst s2  }
0x8f: {  	_ = 	snop  }
0x90: {  	s2 =	sld [smem:$0x3FC9]  }
0x91: {  	s18 =	sld [smem:$0x3FC7]  }
0x92: {  	s4 =	sld [smem:$0x3FC6]  }
0x93: {  	s5 =	sld [smem:$0x3FC5];
	(tm) =	ssettm $0x1  }
0x94: {  	s6 =	sld [smem:$0x3FFB];
	_ =	sdelay $0x3  }
0x95: {  	_ =	strace s6  }
0x96: {  	s6 =	sld [smem:$0x3FFC];
	_ =	sdelay $0x3  }
0x97: {  	_ =	strace s6  }
0x98: {  	s6 =	sld [smem:$0x3FFD];
	_ =	sdelay $0x3  }
0x99: {  	_ =	strace s6  }
0x9a: {  	_ =	strace $0x8FFFFFFF  }
0x9b: {  	s19 =	sld [smem:$0x3FDB];
	_ =	sdelay $0x1  }
0x9c: {  	s7 =	simm.s32 $_scs_section_size  }
0x9d: {  	s8 =	simm.s32 $_size__tile_overlayer_lowered;
	s9 =	simm.s32 $_tile_overlayer_lowered  }
0x9e: {  	s22 =	simm.s32 $0x1BFF;
	s21 =	sshll.u32 s9, $0x1;
	s6 =	sadd.s32 s7, s19  }
0x9f: {  	s10 =	simm.s32 $0x0;
	s20 =	sshll.u32 s8, $0x1;
	s8 =	sadd.s32 s21, s6  }
0xa0: {  	[timem:s10], [sflag:s22] =	dma.local [hbm:s8], s20  }
0xa1: {  	_ =	swait.ge [sflag:s22], s20  }
0xa2: {  	s7 =	ssub.s32 $0x0, s20;
	[sflag:s22] =	ssyncset.done $0x0  }
0xa3: {  	[sflag:s22] =	ssyncadd.s32 s7;
	_ =	sdelay $0x1  }
0xa4: {  	s23 =	simm.s32 $0x1B8B  }
0xa5: {  	_ =	swait.ge [sflag:s23], $0x1  }
0xa6: {  	[sflag:s23] =	ssyncset.done $0x0  }
0xa7: {  	s25 =	simm.s32 $0x1B8E;
	s24 =	sld [smem:$0x3FFE];
	[sflag:s23] =	ssyncadd.s32 $0xFFFFFFFF  }
0xa8: {  	s26 =	simm.s32 $execute0_lowered;
	[smem:$0x3FD2] =	sst s25  }
0xa9: {  	s8 =	sshll.u32 s26, $0x1;
	_ =	strace $0x80000046;
	[dreg:$0x1] =	wrdreg $0xFFFFFFFF  }
0xaa: {  	s28 =	simm.s32 $_size_execute0_lowered;
	s6 =	sadd.s32 s6, s8;
	[dreg:$0x0] =	wrdreg $0x0  }
0xab: {  	s8 =	sshll.u32 s28, $0x1;
	[dreg:$0x2] =	wrdreg s6  }
0xac: {  	[dreg:$0x3] =	wrdreg s8  }
0xad: {  	[dreg:$0x4] =	wrdreg $0xC0  }
0xae: {  	_ =	task [dreg:s10], $0x5FFFF  }
0xaf: {  	[dreg:$0x1] =	wrdreg $0xFFFFFFFF  }
0xb0: {  	[dreg:$0x0] =	wrdreg $0x60  }
0xb1: {  	[dreg:$0x2] =	wrdreg s2  }
0xb2: {  	[dreg:$0x3] =	wrdreg s18  }
0xb3: {  	[dreg:$0x4] =	wrdreg s24  }
0xb4: {  	[dreg:$0x5] =	wrdreg s4  }
0xb5: {  	[dreg:$0x6] =	wrdreg s5  }
0xb6: {  	[dreg:$0x7] =	wrdreg $0x9  }
0xb7: {  	_ =	task.clear_ibuf [dreg:s10], $0x8FFFF;
	_ =	strace $0x90000046  }
0xb8: {  	s29 =	simm.s32 $0x9;
	_ =	strace $0x80000048  }
0xb9: {  	_ =	swait.ge [sflag:s29], $0x1  }
0xba: {  	[sflag:s29] =	ssyncadd.s32 $0xFFFFFFFF  }
0xbb: {  	_ =	strace $0x90000048  }
0xbc: {  	_ =	sfence  }
0xbd: {  	s30 =	sld [smem:$0x0];
	_ =	sdelay $0x2  }
0xbe: {  	s31 =	sshll.u32 s1, $0xD;
	s1 =	sshrl.u32 s1, $0x2  }
0xbf: {  	s3 =	sand.u32 $0x4000, s31;
	s1 =	sadd.s32 s1, s30  }
0xc0: {  	s0 =	sor.u32 s3, s0;
	s1 =	sshll.u32 s1, $0x11  }
0xc1: {  	s0 =	sor.u32 s1, s0  }
0xc2: {  	s0 =	sadd.s32 $0x8F2B, s0  }
0xc3: {  	[sflag:s0] =	ssyncadd.remote.s32 $0x1  }
0xc4: {  	_ =	sfence.sel $0xFFFF  }
0xc5: {  	[dreg:$0x0] =	wrdreg $0xFFFFFFFF;
	(pc) =	sbr.abs _section_cstart, $3  }
0xc6: {  	[dreg:$0x1] =	wrdreg $0xFFFFFFFF  }
0xc7: {  	_ =	task.clear_ibuf [dreg:s10], $0x2FFFF;
	_ =	strace $0x9FFFFFFF  }
0xc8: {  	(tm) =	ssettm $0x7FFFFFFF  }
0xc9: {  	_ =	shalt  }
tec
execute0_lowered:
.L_overlay_start_1:
0x0: {  	(tag) =	ssettag $0x1  }
0x1: {  	s9 =	rddreg [dreg:$0x0]  }
0x2: {  	s0 =	rddreg [dreg:$0x1];
	s1 =	srdreg.scid  }
0x3: {  	s3 =	stileid.u32;
	s2 =	rddreg [dreg:$0x2]  }
0x4: {  	s10 =	simm.s32 $0x0;
	s1 =	sand.u32 $0x1, s1;
	s3 =	sshll.u32 s3, $0x1  }
0x5: {  	[smem:$0x7FF] =	sst s10;
	s3 =	sor.u32 s1, s3  }
0x6: {  	s21 =	sadd.s32 $0x200, s2;
	_ =	strace $0x80000047;
	s4 =	smul.u32 $0x14, s3  }
0x7: {  	s1 =	ssub.s32 $0x2, s1;
	s5 =	smax.u32 s3, $0x11;
	s22 =	sshll.u32 s3, $0xD  }
0x8: {  	s7 =	sshrl.u32 s1, $0x1;
	s3 =	ssub.s32 $0x290, s3;
	s4 =	ssub.s32 s4, s5  }
0x9: {  	s2 =	sadd.s32 s22, s2;
	s23 =	sshrl.u32 s3, $0x5;
	s8 =	sadd.s32 $0x11, s4  }
0xa: {  	s1 =	ssub.s32 s1, s7;
	[dreg:$0x7] =	wrdreg s23;
	s6 =	smul.u32 $0xA0, s8  }
0xb: {  	s30 =	sadd.s32 $0x3400, s2;
	[dreg:$0x6] =	wrdreg s8;
	s8 =	smul.u32 $0x5000, s8  }
0xc: {  	s31 =	smax.u32 s1, $0x1;
	[dreg:$0xd] =	wrdreg s30  }
0xd: {  	[dreg:$0xe] =	wrdreg s31;
	s24 =	sshrl.u32 s8, $0x3  }
0xe: {  	s25 =	sshrl.u32 s6, $0x3;
	s6 =	sadd.s32 $0xBE0, s6;
	s3 =	sadd.s32 s9, s24  }
.Ltmp0:
0xf: {  	s26 =	sadd.s32 s0, s25;
	[dreg:$0x8] =	wrdreg s3;
	(pc) =	sbr.rel .LBB2_1-.Ltmp0, $4  }
0x10: {  	s28 =	sshrl.u32 s6, $0x3;
	s4 =	sadd.s32 s21, s25;
	[dreg:$0x9] =	wrdreg s26  }
0x11: {  	[dreg:$0xa] =	wrdreg s4;
	s0 =	sadd.s32 s0, s28  }
0x12: {  	p0 =	sne.s32 s23, $0x14;
	s29 =	sadd.s32 s21, s28;
	[dreg:$0xb] =	wrdreg s0  }
0x13: {  	v0 =	vimm.f32 $0.0e+00;
	s1 =	simm.s32 $0x0;
	s4 =	simm.s32 $0x3;
	[dreg:$0xc] =	wrdreg s29  }
.LBB2_10:
0x14: {  	s10 =	simm.s32 $0x0  }
0x15: {  	s0 =	rddreg [dreg:$0xd];
	s1 =	simm.s32 $0xB900;
	s4 =	simm.s32 $0x3  }
0x16: {  	[hbm4b:s0+s10] =	stream.linear.scatter [tilespmem:s1], [sflag:$0x3], $0x10000, $0x38;
	[tilespmem:$0x1BA00] =	vst v63  }
0x17: {  	_ =	swait.ge [sflag:s4], $0x10000  }
0x18: {  	s30 =	rddreg [dreg:$0xf]  }
0x19: {  	s31 =	rddreg [dreg:$0xe];
	s1 =	sadd.s32 $0x1, s30  }
0x1a: {  	p1 =	sne.s32 s1, s31  }
.Ltmp1:
0x1b: {  	_ = 	snop;
	(pc) =	sbr.rel @!p1 .LBB2_11-.Ltmp1, $3  }
0x1c: {  	_ =	sdelay $0x1  }
0x1d: {  	[sflag:s4] =	ssyncset.done $0x0  }
0x1e: {  	[sflag:s4] =	ssyncadd.s32 $0xFFFF0000  }
.LBB2_1:
0x1f: {  	[dreg:$0xf] =	wrdreg s1  }
0x20: {  	s0 =	rddreg [dreg:$0x8]  }
0x21: {  	[tilespmem:s10], [sflag:$0x1] =	stream.linear.gather [hbm4b:s0+s10], $0x5000, $0x38;
	[tilespmem:$0x1BA00] =	vst v63  }
0x22: {  	s28 =	rddreg [dreg:$0x9];
	s29 =	simm.s32 $0xA000  }
0x23: {  	[tilespmem:s29], [sflag:$0x3] =	stream.linear.gather [hbm4b:s28+s10], $0xBE0, $0x38;
	[tilespmem:$0x1BA00] =	vst v63  }
0x24: {  	_ =	swait.ge [sflag:s4], $0xBE0  }
0x25: {  	[sflag:s4] =	ssyncset.done $0x0  }
0x26: {  	s31 =	simm.s32 $0xAC80;
	s30 =	rddreg [dreg:$0xa];
	[sflag:s4] =	ssyncadd.s32 $0xFFFFF420  }
0x27: {  	[tilespmem:s31], [sflag:$0x3] =	stream.linear.gather [hbm4b:s30+s10], $0xBE0, $0x38;
	[tilespmem:$0x1BA00] =	vst v63  }
0x28: {  	_ =	swait.ge [sflag:s4], $0xBE0  }
0x29: {  	s1 =	simm.s32 @!p0 $0xABE0;
	[sflag:s4] =	ssyncset.done $0x0  }
0x2a: {  	s0 =	simm.s32 @!p0 $0x0;
	s2 =	rddreg [dreg:$0xb];
	[sflag:s4] =	ssyncadd.s32 $0xFFFFF420  }
0x2b: {  	[tilespmem:s1], [sflag:$0x3] =	stream.linear.gather @!p0 [hbm4b:s2+s0], $0xA0, $0x38;
	[tilespmem:$0x1BA00] =	vst v63  }
0x2c: {  	s1 =	simm.s32 @!p0 $0x3  }
0x2d: {  	_ =	swait.ge @!p0 [sflag:s1], $0xA0  }
0x2e: {  	[sflag:s1] =	ssyncset.done @!p0 $0x0  }
0x2f: {  	s2 =	simm.s32 @!p0 $0xB860;
	s3 =	rddreg [dreg:$0xc];
	[sflag:s1] =	ssyncadd.s32 @!p0 $0xFFFFFF60  }
0x30: {  	[tilespmem:s2], [sflag:$0x3] =	stream.linear.gather @!p0 [hbm4b:s3+s0], $0xA0, $0x38;
	[tilespmem:$0x1BA00] =	vst v63  }
0x31: {  	_ =	swait.ge @!p0 [sflag:s1], $0xA0  }
0x32: {  	[sflag:s1] =	ssyncset.done @!p0 $0x0  }
0x33: {  	s0 =	simm.s32 $0x0;
	[sflag:s1] =	ssyncadd.s32 @!p0 $0xFFFFFF60;
	s1 =	simm.s32 $0x200  }
.LBB2_2:
0x34: {  	p1 =	sne.s32 s1, $0x3FE00;
	[tilespmem:s0+$0xB970] =	vst v0  }
0x35: {  	[tilespmem:s0+$0xB900] =	vst v0  }
0x36: {  	[tilespmem:s0+$0xB910] =	vst v0  }
.Ltmp2:
0x37: {  	[tilespmem:s0+$0xB920] =	vst v0;
	(pc) =	sbr.rel @p1 .LBB2_2-.Ltmp2, $4  }
0x38: {  	[tilespmem:s0+$0xB930] =	vst v0  }
0x39: {  	[tilespmem:s0+$0xB940] =	vst v0  }
0x3a: {  	[tilespmem:s0+$0xB950] =	vst v0  }
0x3b: {  	[tilespmem:s0+$0xB960] =	vst v0;
	s0 =	sshra.s32 s1, $0x2;
	s1 =	sadd.s32 $0x200, s1  }
0x3c: {  	[tilespmem:s0+$0xB970] =	vst v0  }
0x3d: {  	[tilespmem:s0+$0xB900] =	vst v0  }
0x3e: {  	[tilespmem:s0+$0xB910] =	vst v0  }
0x3f: {  	[tilespmem:s0+$0xB920] =	vst v0  }
0x40: {  	[tilespmem:s0+$0xB930] =	vst v0  }
0x41: {  	[tilespmem:s0+$0xB940] =	vst v0  }
0x42: {  	[tilespmem:s0+$0xB950] =	vst v0  }
0x43: {  	[tilespmem:s0+$0xB960] =	vst v0;
	s3 =	simm.s32 $0x0;
	s29 =	rddreg [dreg:$0x3];
	s1 =	simm.s32 $0x1B900  }
0x44: {  	[tilespmem:s1], [sflag:$0x3] =	stream.linear.gather [hbm4b:s29+s3], $0x80, $0x38;
	[tilespmem:$0x1BA00] =	vst v63  }
0x45: {  	_ =	swait.ge [sflag:s4], $0x80  }
0x46: {  	[sflag:s4] =	ssyncset.done $0x0  }
0x47: {  	[sflag:s4] =	ssyncadd.s32 $0xFFFFFF80  }
0x48: {  	s31 =	simm.s32 $0x1B980;
	s30 =	rddreg [dreg:$0x4]  }
0x49: {  	[tilespmem:s31], [sflag:$0x3] =	stream.linear.gather [hbm4b:s30+s3], $0x1, $0x38;
	[tilespmem:$0x1BA00] =	vst v63  }
0x4a: {  	_ =	swait.ge [sflag:s4], $0x1  }
0x4b: {  	[sflag:s4] =	ssyncset.done $0x0  }
0x4c: {  	[sflag:s4] =	ssyncadd.s32 $0xFFFFFFFF  }
0x4d: {  	v1 =	vld [tilespmem:$0x1B980];
	_ =	sdelay $0x4  }
0x4e: {  	(v2sf) =	vpush v1, $0x0;
	_ =	sdelay $0x7  }
0x4f: {  	v2 =	vld [tilespmem:$0x1B910]  }
0x50: {  	v3 =	vld [tilespmem:$0x1B920]  }
0x51: {  	v4 =	vld [tilespmem:$0x1B930]  }
.Ltmp3:
0x52: {  	v5 =	vld [tilespmem:$0x1B940];
	(pc) =	sbr.rel .LBB2_4-.Ltmp3, $4  }
0x53: {  	v6 =	vld [tilespmem:$0x1B950]  }
0x54: {  	v7 =	vld [tilespmem:$0x1B960]  }
0x55: {  	v8 =	vld [tilespmem:$0x1B970]  }
0x56: {  	v1 =	vld [tilespmem:$0x1B900];
	s25 =	spop (v2sf)  }
.LBB2_9:
0x57: {  	s3 =	rddreg [dreg:$0x10]  }
0x58: {  	s3 =	sadd.s32 $0x1, s3  }
0x59: {  	p1 =	sne.s32 s3, $0xA  }
.Ltmp4:
0x5a: {  	_ = 	snop;
	(pc) =	sbr.rel @!p1 .LBB2_10-.Ltmp4, $1  }
0x5b: {  	_ =	sdelay $0x3  }
.LBB2_4:
0x5c: {  	s1 =	sshllo.u32 s3, $0x1;
	s0 =	rddreg [dreg:$0x7]  }
0x5d: {  	p1 =	sge.u32 s1, s0;
	s0 =	rddreg [dreg:$0x6]  }
0x5e: {  	s0 =	sadd.s32 @!p1 s0, s1  }
0x5f: {  	s0 =	smul.u32 @!p1 $0x5000, s0  }
0x60: {  	[dreg:$0x11] =	wrdreg s1  }
0x61: {  	s29 =	simm.s32 $0x1;
	s1 =	rddreg [dreg:$0x0];
	s0 =	sshrl.u32 @!p1 s0, $0x3  }
0x62: {  	s2 =	simm.s32 @!p1 $0x5000;
	s0 =	sadd.s32 @!p1 s1, s0;
	s1 =	simm.s32 @!p1 $0x0  }
0x63: {  	[tilespmem:s2], [sflag:$0x2] =	stream.linear.gather @!p1 [hbm4b:s0+s1], $0x5000, $0x38;
	[tilespmem:$0x1BA00] =	vst v63  }
0x64: {  	s30 =	smul.u32 $0x140, s3;
	_ =	swait.ge [sflag:s29], $0x5000  }
0x65: {  	s31 =	sshll.u32 s3, $0x1;
	[dreg:$0x10] =	wrdreg s3;
	[sflag:s29] =	ssyncset.done $0x0  }
0x66: {  	s17 =	simm.s32 $0x0;
	v9 =	vmov s30;
	[dreg:$0x12] =	wrdreg s31;
	[sflag:s29] =	ssyncadd.s32 $0xFFFFB000  }
.LBB2_5:
0x67: {  	s0 =	sshll.u32 s17, $0xB  }
0x68: {  	s30 =	sand.u32 $0x3FFFF800, s0  }
0x69: {  	v17 =	vld [tilespmem:s30+$0x0]  }
0x6a: {  	v16 =	vld [tilespmem:s30+$0x10]  }
0x6b: {  	v15 =	vld [tilespmem:s30+$0x20]  }
0x6c: {  	v14 =	vld [tilespmem:s30+$0x30]  }
0x6d: {  	v13 =	vld [tilespmem:s30+$0x40]  }
0x6e: {  	v12 =	vld [tilespmem:s30+$0x50]  }
0x6f: {  	v11 =	vld [tilespmem:s30+$0x60]  }
0x70: {  	v10 =	vld [tilespmem:s30+$0x70]  }
0x71: {  	v18 =	vld [tilespmem:s30+$0x80]  }
0x72: {  	v19 =	vld [tilespmem:s30+$0x90]  }
0x73: {  	v20 =	vld [tilespmem:s30+$0xA0]  }
0x74: {  	v21 =	vld [tilespmem:s30+$0xB0]  }
0x75: {  	v22 =	vld [tilespmem:s30+$0xC0]  }
0x76: {  	v23 =	vld [tilespmem:s30+$0xD0]  }
0x77: {  	v24 =	vld [tilespmem:s30+$0xE0]  }
0x78: {  	v25 =	vld [tilespmem:s30+$0xF0]  }
0x79: {  	v26 =	vld [tilespmem:s30+$0x100]  }
0x7a: {  	v27 =	vld [tilespmem:s30+$0x110]  }
0x7b: {  	v28 =	vld [tilespmem:s30+$0x120]  }
0x7c: {  	v29 =	vld [tilespmem:s30+$0x130]  }
0x7d: {  	v30 =	vld [tilespmem:s30+$0x140]  }
0x7e: {  	v31 =	vld [tilespmem:s30+$0x150]  }
0x7f: {  	v32 =	vld [tilespmem:s30+$0x160]  }
0x80: {  	v33 =	vld [tilespmem:s30+$0x170]  }
0x81: {  	v34 =	vld [tilespmem:s30+$0x180]  }
0x82: {  	v35 =	vld [tilespmem:s30+$0x190]  }
0x83: {  	v36 =	vld [tilespmem:s30+$0x1A0]  }
0x84: {  	v37 =	vld [tilespmem:s30+$0x1B0]  }
0x85: {  	v39 =	vld [tilespmem:s30+$0x1C0];
	v38 =	vmul.f32 v17, v1  }
0x86: {  	v42 =	vld [tilespmem:s30+$0x1D0];
	v40 =	vmul.f32 v16, v2;
	v41 =	vmul.f32 v15, v3  }
0x87: {  	v45 =	vld [tilespmem:s30+$0x1E0];
	v43 =	vmul.f32 v14, v4;
	v44 =	vmul.f32 v13, v5  }
0x88: {  	v48 =	vld [tilespmem:s30+$0x1F0];
	v46 =	vmul.f32 v12, v6;
	v47 =	vmul.f32 v11, v7  }
0x89: {  	v62 =	vmul.f32 v10, v8;
	v52 =	vmul.f32 v27, v2;
	v27 =	vld [tilespmem:s30+$0x280]  }
0x8a: {  	v20 =	vmul.f32 v20, v3;
	v56 =	vmul.f32 v31, v6;
	v31 =	vld [tilespmem:s30+$0x290]  }
0x8b: {  	v21 =	vmul.f32 v21, v4;
	v58 =	vmul.f32 v33, v8;
	v33 =	vld [tilespmem:s30+$0x2A0]  }
0x8c: {  	v60 =	vmul.f32 v35, v2;
	v35 =	vld [tilespmem:s30+$0x2B0];
	v38 =	vadd.f32 v40, v38;
	v41 =	vadd.f32 v43, v41  }
0x8d: {  	v61 =	vmul.f32 v36, v3;
	v36 =	vld [tilespmem:s30+$0x300];
	v44 =	vadd.f32 v46, v44;
	v40 =	vadd.f32 v62, v47  }
0x8e: {  	v22 =	vmul.f32 v22, v5;
	v23 =	vmul.f32 v23, v6;
	v43 =	vld [tilespmem:s30+$0x200]  }
0x8f: {  	v24 =	vmul.f32 v24, v7;
	v46 =	vld [tilespmem:s30+$0x210];
	v38 =	vadd.f32 v41, v38;
	v40 =	vadd.f32 v40, v44  }
0x90: {  	v25 =	vmul.f32 v25, v8;
	v53 =	vmul.f32 v28, v3;
	v63 =	vadd.f32 v21, v20;
	v20 =	vld [tilespmem:s30+$0x250]  }
0x91: {  	v54 =	vmul.f32 v29, v4;
	v49 =	vadd.f32 v23, v22;
	v23 =	vld [tilespmem:s30+$0x260];
	v28 =	vadd.f32 v40, v38  }
0x92: {  	v18 =	vmul.f32 v18, v1;
	v19 =	vmul.f32 v19, v2;
	v50 =	vadd.f32 v25, v24;
	v25 =	vld [tilespmem:s30+$0x270]  }
0x93: {  	v51 =	vmul.f32 v26, v1;
	v55 =	vmul.f32 v30, v5;
	v22 =	vadd.f32 v54, v53;
	v53 =	vld [tilespmem:s30+$0x2E0];
	(xrf2) =	vadd.scan.msk.f32 $0xffff, v28  }
0x94: {  	v57 =	vmul.f32 v32, v7;
	v59 =	vmul.f32 v34, v1;
	v44 =	vld [tilespmem:s30+$0x240]  }
0x95: {  	v47 =	vld [tilespmem:s30+$0x220];
	v18 =	vadd.f32 v19, v18;
	v19 =	vadd.f32 v52, v51;
	v62 =	vmul.f32 v37, v4  }
0x96: {  	v29 =	vadd.f32 v56, v55;
	v51 =	vmul.f32 v45, v7;
	v52 =	vmul.f32 v48, v8;
	v54 =	vld [tilespmem:s30+$0x2F0]  }
0x97: {  	v37 =	vld [tilespmem:s30+$0x2C0];
	v24 =	vadd.f32 v60, v59;
	v18 =	vadd.f32 v63, v18;
	v20 =	vmul.f32 v20, v6  }
0x98: {  	v41 =	vld [tilespmem:s30+$0x230];
	v21 =	vadd.f32 v50, v49;
	v23 =	vmul.f32 v23, v7;
	v25 =	vmul.f32 v25, v8  }
0x99: {  	v50 =	vld [tilespmem:s30+$0x2D0];
	v32 =	vadd.f32 v52, v51;
	v51 =	vmul.f32 v53, v7;
	v60 =	vmul.f32 v44, v5  }
0x9a: {  	v63 =	vmul.f32 v39, v5;
	v26 =	vadd.f32 v62, v61;
	v19 =	vadd.f32 v22, v19;
	v22 =	vld [tilespmem:s30+$0x310]  }
0x9b: {  	v61 =	vld [tilespmem:s30+$0x350];
	v34 =	vmul.f32 v54, v8;
	v23 =	vadd.f32 v25, v23;
	v20 =	vadd.f32 v20, v60  }
0x9c: {  	v49 =	vmul.f32 v42, v6;
	v62 =	vld [tilespmem:s30+$0x360];
	v27 =	vmul.f32 v27, v1;
	v18 =	vadd.f32 v21, v18  }
0x9d: {  	v52 =	vld [tilespmem:s30+$0x3A0];
	v31 =	vmul.f32 v31, v2;
	v20 =	vadd.f32 v23, v20;
	v23 =	vadd.f32 v34, v51;
	v51, _, _ =	vpop (xrf2)  }
0x9e: {  	v45 =	vmul.f32 v33, v3;
	v21 =	vadd.f32 v58, v57;
	v40 =	vld [tilespmem:s30+$0x340];
	(v2sf) =	vpush v51, $0xF  }
0x9f: {  	v30 =	vadd.f32 v49, v63;
	v63 =	vld [tilespmem:s30+$0x370];
	v56 =	vmul.f32 v43, v1;
	v57 =	vmul.f32 v46, v2  }
0xa0: {  	v24 =	vadd.f32 v26, v24;
	v58 =	vmul.f32 v47, v3;
	v46 =	vmul.f32 v35, v4;
	v47 =	vld [tilespmem:s30+$0x380];
	(xrf2) =	vadd.scan.msk.f32 $0xffff, v18  }
0xa1: {  	v48 =	vmul.f32 v37, v5;
	v27 =	vadd.f32 v31, v27;
	v53 =	vld [tilespmem:s30+$0x3B0];
	v21 =	vadd.f32 v21, v29  }
0xa2: {  	v54 =	vld [tilespmem:s30+$0x3C0];
	v55 =	vadd.f32 v32, v30;
	v59 =	vmul.f32 v41, v4;
	v49 =	vmul.f32 v50, v6  }
0xa3: {  	v29 =	vld [tilespmem:s30+$0x320];
	v25 =	vadd.f32 v46, v45;
	v22 =	vmul.f32 v22, v2;
	v30 =	vmul.f32 v61, v6  }
0xa4: {  	v32 =	vld [tilespmem:s30+$0x330];
	v62 =	vmul.f32 v62, v7;
	v43 =	vmul.f32 v52, v3;
	v19 =	vadd.f32 v21, v19  }
0xa5: {  	v50 =	vld [tilespmem:s30+$0x390];
	v24 =	vadd.f32 v55, v24;
	v21 =	vadd.f32 v57, v56;
	v55 =	vmul.f32 v36, v1  }
0xa6: {  	v61 =	vld [tilespmem:s30+$0x3F0];
	v26 =	vadd.f32 v59, v58;
	v60 =	vmul.f32 v40, v5;
	v63 =	vmul.f32 v63, v8  }
0xa7: {  	v56 =	vld [tilespmem:s30+$0x3D0];
	v25 =	vadd.f32 v25, v27;
	v40 =	vmul.f32 v47, v1;
	v31 =	vmul.f32 v53, v4  }
0xa8: {  	v59 =	vld [tilespmem:s30+$0x3E0];
	v44 =	vmul.f32 v54, v5;
	v21 =	vadd.f32 v26, v21;
	v26 =	vadd.f32 v49, v48  }
0xa9: {  	v22 =	vadd.f32 v22, v55;
	v57 =	vmul.f32 v29, v3;
	v58 =	vmul.f32 v32, v4  }
0xaa: {  	v41 =	vmul.f32 v50, v2;
	v29 =	vadd.f32 v31, v43;
	v23 =	vadd.f32 v23, v26;
	v52, _, _ =	vpop (xrf2)  }
0xab: {  	v47 =	vmul.f32 v61, v8;
	v20 =	vadd.f32 v20, v21;
	(v2sf) =	vpush v52, $0xF  }
0xac: {  	v26 =	vadd.f32 v58, v57;
	v21 =	vadd.f32 v30, v60;
	v45 =	vmul.f32 v56, v6  }
0xad: {  	(xrf2) =	vadd.scan.msk.f32 $0xffff, v19;
	v46 =	vmul.f32 v59, v7;
	v27 =	vadd.f32 v41, v40;
	v23 =	vadd.f32 v23, v25;
	s28 =	spop (v2sf)  }
0xae: {  	v25 =	vadd.f32 v63, v62;
	v48 =	vadd.f32 v45, v44;
	s0 =	sadd.f32 s28, s25  }
0xaf: {  	v49 =	vadd.f32 v26, v22;
	v28 =	vadd.f32 v47, v46  }
0xb0: {  	(xrf2) =	vadd.scan.msk.f32 $0xffff, v24;
	v50 =	vadd.f32 v29, v27;
	v21 =	vadd.f32 v25, v21;
	v59 =	vmov s0  }
0xb1: {  	(xrf2) =	vadd.scan.msk.f32 $0xffff, v20;
	v18 =	vadd.f32 v28, v48;
	v20 =	vsub.f32 $0.0e+00, v59  }
0xb2: {  	v19 =	vadd.f32 v21, v49  }
0xb3: {  	(xrf2) =	vadd.scan.msk.f32 $0xffff, v23;
	v18 =	vadd.f32 v18, v50;
	v20 =	vmul.f32 $1.442695020e+00, v20  }
0xb4: {  	(xrf2) =	vadd.scan.msk.f32 $0xffff, v19  }
0xb5: {  	(xrf2) =	vadd.scan.msk.f32 $0xffff, v18;
	v20 =	vbroadcast v20, $0x0;
	_ =	sdelay $0x1  }
0xb6: {  	v53, _, _ =	vpop (xrf2);
	(erf) = vpow2.f32 v20  }
0xb7: {  	(v2sf) =	vpush v53, $0xF;
	_ =	sdelay $0x1  }
0xb8: {  	s2 =	spop (v2sf)  }
0xb9: {  	v54, _, _ =	vpop (xrf2);
	s2 =	sadd.f32 s2, s25  }
0xba: {  	v55, _, _ =	vpop (xrf2)  }
0xbb: {  	(v2sf) =	vpush v54, $0xF;
	v56, _, _ =	vpop (xrf2);
	v34 =	vmov s2  }
0xbc: {  	(v2sf) =	vpush v55, $0xF;
	v57, _, _ =	vpop (xrf2);
	v20 =	vsub.f32 $0.0e+00, v34  }
0xbd: {  	(v2sf) =	vpush v56, $0xF;
	v58, _, _ =	vpop (xrf2)  }
0xbe: {  	(v2sf) =	vpush v57, $0xF;
	v20 =	vmul.f32 $1.442695020e+00, v20;
	v35 =	vpop (erf)  }
0xbf: {  	(v2sf) =	vpush v58, $0xF;
	v21 =	vadd.f32 $1.000000000e+00, v35  }
0xc0: {  	v20 =	vbroadcast v20, $0x0  }
0xc1: {  	(erf) = vrcp.f32 v21  }
0xc2: {  	(erf) = vpow2.f32 v20;
	_ =	sdelay $0x2  }
0xc3: {  	s3 =	spop (v2sf)  }
0xc4: {  	s3 =	sadd.f32 s3, s25;
	_ =	sdelay $0x1  }
0xc5: {  	v36 =	vmov s3  }
0xc6: {  	v33 =	vld [tilespmem:s30+$0x440];
	v37 =	vsub.f32 $0.0e+00, v36  }
0xc7: {  	v61 =	vld [tilespmem:s30+$0x410];
	s4 =	spop (v2sf);
	v20 =	vpop (erf)  }
0xc8: {  	v60 =	vld [tilespmem:s30+$0x400];
	s5 =	spop (v2sf);
	v21 =	vmul.f32 $1.442695020e+00, v37;
	v38 =	vpop (erf)  }
0xc9: {  	v62 =	vld [tilespmem:s30+$0x420];
	s6 =	spop (v2sf);
	v22 =	vadd.f32 $1.000000000e+00, v38  }
0xca: {  	s1 =	sshll.u32 s17, $0x4;
	v63 =	vld [tilespmem:s30+$0x430];
	s29 =	spop (v2sf);
	v21 =	vbroadcast v21, $0x0  }
0xcb: {  	v19 =	vld.idx.msk [tilespmem:v9+s1+$0xAC80 ss:$0x1], $0xffff;
	s31 =	spop (v2sf);
	(erf) = vrcp.f32 v22  }
0xcc: {  	v18 =	vld.idx.msk [tilespmem:v9+s1+$0xA000 ss:$0x1], $0xffff;
	(erf) = vpow2.f32 v21;
	_ =	sdelay $0x3  }
0xcd: {  	s4 =	sadd.f32 s4, s25;
	_ =	sdelay $0x1  }
0xce: {  	v39 =	vmov s4  }
0xcf: {  	v40 =	vsub.f32 $0.0e+00, v39  }
0xd0: {  	v21 =	vpop (erf)  }
0xd1: {  	v22 =	vmul.f32 $1.442695020e+00, v40;
	v41 =	vpop (erf)  }
0xd2: {  	v28 =	vadd.f32 $1.000000000e+00, v41  }
0xd3: {  	v22 =	vbroadcast v22, $0x0  }
0xd4: {  	(erf) = vrcp.f32 v28  }
0xd5: {  	(erf) = vpow2.f32 v22;
	_ =	sdelay $0x3  }
0xd6: {  	s5 =	sadd.f32 s5, s25;
	_ =	sdelay $0x1  }
0xd7: {  	v42 =	vmov s5  }
0xd8: {  	v43 =	vsub.f32 $0.0e+00, v42  }
0xd9: {  	v22 =	vpop (erf)  }
0xda: {  	v28 =	vmul.f32 $1.442695020e+00, v43;
	v44 =	vpop (erf)  }
0xdb: {  	v29 =	vadd.f32 $1.000000000e+00, v44  }
0xdc: {  	v28 =	vbroadcast v28, $0x0  }
0xdd: {  	(erf) = vrcp.f32 v29  }
0xde: {  	(erf) = vpow2.f32 v28  }
0xdf: {  	v46 =	vld [tilespmem:s30+$0x460]  }
0xe0: {  	v47 =	vld [tilespmem:s30+$0x470]  }
0xe1: {  	v45 =	vld [tilespmem:s30+$0x450]  }
0xe2: {  	v23 =	vmul.f32 v60, v1;
	s6 =	sadd.f32 s6, s25  }
0xe3: {  	v24 =	vmul.f32 v61, v2  }
0xe4: {  	v25 =	vmul.f32 v62, v3;
	v26 =	vmul.f32 v63, v4;
	v48 =	vmov s6  }
0xe5: {  	v31 =	vsub.f32 $0.0e+00, v48;
	v30 =	vmul.f32 v47, v8;
	v29 =	vmul.f32 v46, v7  }
0xe6: {  	v27 =	vmul.f32 v33, v5;
	v24 =	vadd.f32 v24, v23;
	v28 =	vmul.f32 v45, v6;
	v23 =	vpop (erf)  }
0xe7: {  	v25 =	vadd.f32 v26, v25;
	v31 =	vmul.f32 $1.442695020e+00, v31;
	v50 =	vld [tilespmem:s30+$0x480];
	v29 =	vadd.f32 v30, v29;
	v51 =	vpop (erf)  }
0xe8: {  	v52 =	vld [tilespmem:s30+$0x490];
	v49 =	vadd.f32 v28, v27;
	v28 =	vadd.f32 $1.000000000e+00, v51  }
0xe9: {  	v31 =	vbroadcast v31, $0x0;
	v53 =	vld [tilespmem:s30+$0x4A0]  }
0xea: {  	v24 =	vadd.f32 v25, v24;
	v55 =	vld [tilespmem:s30+$0x4B0];
	v54 =	vadd.f32 v29, v49;
	(erf) = vrcp.f32 v28  }
0xeb: {  	v56 =	vld [tilespmem:s30+$0x4C0];
	(erf) = vpow2.f32 v31  }
0xec: {  	v59 =	vld [tilespmem:s30+$0x4F0];
	v24 =	vadd.f32 v54, v24  }
0xed: {  	v58 =	vld [tilespmem:s30+$0x4E0]  }
0xee: {  	v57 =	vld [tilespmem:s30+$0x4D0];
	(xrf2) =	vadd.scan.msk.f32 $0xffff, v24  }
0xef: {  	s1 =	sadd.f32 s29, s25  }
0xf0: {  	v60 =	vmul.f32 v53, v3;
	v26 =	vmul.f32 v55, v4  }
0xf1: {  	v61 =	vmov s1;
	v62 =	vmul.f32 v59, v8;
	v30 =	vmul.f32 v52, v2  }
0xf2: {  	v32 =	vsub.f32 $0.0e+00, v61;
	v27 =	vmul.f32 v50, v1;
	v29 =	vmul.f32 v58, v7  }
0xf3: {  	v25 =	vmul.f32 v57, v6;
	v26 =	vadd.f32 v26, v60;
	v28 =	vmul.f32 v56, v5;
	v24 =	vpop (erf)  }
0xf4: {  	v37 =	vmul.f32 $1.442695020e+00, v32;
	v63 =	vld [tilespmem:s30+$0x500];
	v27 =	vadd.f32 v30, v27;
	v29 =	vadd.f32 v62, v29;
	v36 =	vpop (erf)  }
0xf5: {  	v38 =	vld [tilespmem:s30+$0x510];
	v25 =	vadd.f32 v25, v28;
	v30 =	vadd.f32 $1.000000000e+00, v36  }
0xf6: {  	v39 =	vld [tilespmem:s30+$0x520];
	v31 =	vbroadcast v37, $0x0  }
0xf7: {  	v40 =	vld [tilespmem:s30+$0x530];
	v26 =	vadd.f32 v26, v27;
	v25 =	vadd.f32 v29, v25;
	(erf) = vrcp.f32 v30  }
0xf8: {  	v42 =	vld [tilespmem:s30+$0x540];
	v41, _, _ =	vpop (xrf2);
	(erf) = vpow2.f32 v31  }
0xf9: {  	v45 =	vld [tilespmem:s30+$0x570];
	v25 =	vadd.f32 v25, v26;
	(v2sf) =	vpush v41, $0xF  }
0xfa: {  	v44 =	vld [tilespmem:s30+$0x560]  }
0xfb: {  	v43 =	vld [tilespmem:s30+$0x550];
	(xrf2) =	vadd.scan.msk.f32 $0xffff, v25  }
0xfc: {  	s0 =	sadd.f32 s31, s25  }
0xfd: {  	v47 =	vmul.f32 v39, v3;
	v46 =	vmul.f32 v38, v2  }
0xfe: {  	v48 =	vmov s0;
	v49 =	vmul.f32 v45, v8;
	v27 =	vmul.f32 v40, v4  }
0xff: {  	v33 =	vsub.f32 $0.0e+00, v48;
	v28 =	vmul.f32 v63, v1;
	v29 =	vmul.f32 v44, v7  }
0x100: {  	v27 =	vadd.f32 v27, v47;
	v26 =	vmul.f32 v43, v6;
	v30 =	vmul.f32 v42, v5;
	v25 =	vpop (erf)  }
0x101: {  	v53 =	vld [tilespmem:s30+$0x590];
	v52 =	vmul.f32 $1.442695020e+00, v33;
	v28 =	vadd.f32 v46, v28;
	v29 =	vadd.f32 v49, v29;
	v51 =	vpop (erf)  }
0x102: {  	v55 =	vld [tilespmem:s30+$0x5B0];
	v26 =	vadd.f32 v26, v30;
	v31 =	vadd.f32 $1.000000000e+00, v51  }
0x103: {  	v57 =	vld [tilespmem:s30+$0x5C0];
	v32 =	vbroadcast v52, $0x0  }
0x104: {  	v59 =	vld [tilespmem:s30+$0x5E0];
	v27 =	vadd.f32 v27, v28;
	v26 =	vadd.f32 v29, v26;
	(erf) = vrcp.f32 v31  }
0x105: {  	v54 =	vld [tilespmem:s30+$0x5A0];
	v56, _, _ =	vpop (xrf2);
	(erf) = vpow2.f32 v32  }
0x106: {  	v60 =	vld [tilespmem:s30+$0x5F0];
	(v2sf) =	vpush v56, $0xF;
	v26 =	vadd.f32 v26, v27  }
0x107: {  	v50 =	vld [tilespmem:s30+$0x580]  }
0x108: {  	v58 =	vld [tilespmem:s30+$0x5D0];
	(xrf2) =	vadd.scan.msk.f32 $0xffff, v26;
	s7 =	spop (v2sf)  }
0x109: {  	s0 =	sadd.f32 s7, s25  }
0x10a: {  	v61 =	vmul.f32 v53, v2;
	v62 =	vmul.f32 v54, v3  }
0x10b: {  	v28 =	vmul.f32 v55, v4;
	v36 =	vmul.f32 v60, v8;
	v63 =	vmov s0  }
0x10c: {  	v30 =	vmul.f32 v50, v1;
	v29 =	vmul.f32 v59, v7;
	v34 =	vsub.f32 $0.0e+00, v63  }
0x10d: {  	v28 =	vadd.f32 v28, v62;
	v27 =	vmul.f32 v58, v6;
	v31 =	vmul.f32 v57, v5;
	v26 =	vpop (erf)  }
0x10e: {  	v45 =	vld [tilespmem:s30+$0x650];
	v30 =	vadd.f32 v61, v30;
	v29 =	vadd.f32 v36, v29;
	v39 =	vmul.f32 $1.442695020e+00, v34;
	v38 =	vpop (erf)  }
0x10f: {  	v40 =	vld [tilespmem:s30+$0x610];
	v27 =	vadd.f32 v27, v31;
	v32 =	vadd.f32 $1.000000000e+00, v38  }
0x110: {  	v47 =	vld [tilespmem:s30+$0x670];
	v33 =	vbroadcast v39, $0x0  }
0x111: {  	v37 =	vld [tilespmem:s30+$0x600];
	v28 =	vadd.f32 v28, v30;
	v27 =	vadd.f32 v29, v27;
	(erf) = vrcp.f32 v32  }
0x112: {  	v41 =	vld [tilespmem:s30+$0x620];
	v43, _, _ =	vpop (xrf2);
	(erf) = vpow2.f32 v33  }
0x113: {  	v46 =	vld [tilespmem:s30+$0x660];
	(v2sf) =	vpush v43, $0xF;
	v27 =	vadd.f32 v27, v28  }
0x114: {  	v42 =	vld [tilespmem:s30+$0x630]  }
0x115: {  	v44 =	vld [tilespmem:s30+$0x640];
	s8 =	spop (v2sf);
	(xrf2) =	vadd.scan.msk.f32 $0xffff, v27  }
0x116: {  	s0 =	sadd.f32 s8, s25  }
0x117: {  	v48 =	vmul.f32 v40, v2;
	v49 =	vmul.f32 v41, v3  }
0x118: {  	v30 =	vmul.f32 v46, v7;
	v51 =	vmul.f32 v47, v8;
	v50 =	vmov s0  }
0x119: {  	v31 =	vmul.f32 v37, v1;
	v29 =	vmul.f32 v42, v4;
	v35 =	vsub.f32 $0.0e+00, v50  }
0x11a: {  	v30 =	vadd.f32 v51, v30;
	v28 =	vmul.f32 v45, v6;
	v32 =	vmul.f32 v44, v5;
	v27 =	vpop (erf)  }
0x11b: {  	v52 =	vld [tilespmem:s30+$0x680];
	v31 =	vadd.f32 v48, v31;
	v29 =	vadd.f32 v29, v49;
	v54 =	vmul.f32 $1.442695020e+00, v35;
	v53 =	vpop (erf)  }
0x11c: {  	v55 =	vld [tilespmem:s30+$0x690];
	v28 =	vadd.f32 v28, v32;
	v33 =	vadd.f32 $1.000000000e+00, v53  }
0x11d: {  	v62 =	vld [tilespmem:s30+$0x6F0];
	v34 =	vbroadcast v54, $0x0  }
0x11e: {  	v60 =	vld [tilespmem:s30+$0x6D0];
	v29 =	vadd.f32 v29, v31;
	v28 =	vadd.f32 v30, v28;
	(erf) = vrcp.f32 v33  }
0x11f: {  	v56 =	vld [tilespmem:s30+$0x6A0];
	v58, _, _ =	vpop (xrf2);
	(erf) = vpow2.f32 v34  }
0x120: {  	v61 =	vld [tilespmem:s30+$0x6E0];
	(v2sf) =	vpush v58, $0xF;
	v28 =	vadd.f32 v28, v29  }
0x121: {  	v57 =	vld [tilespmem:s30+$0x6B0]  }
0x122: {  	v59 =	vld [tilespmem:s30+$0x6C0];
	s9 =	spop (v2sf);
	(xrf2) =	vadd.scan.msk.f32 $0xffff, v28  }
0x123: {  	s0 =	sadd.f32 s9, s25  }
0x124: {  	v40 =	vmul.f32 v56, v3;
	v63 =	vmul.f32 v55, v2  }
0x125: {  	v42 =	vmul.f32 v62, v8;
	v31 =	vmul.f32 v61, v7;
	v41 =	vmov s0  }
0x126: {  	v32 =	vmul.f32 v52, v1;
	v30 =	vmul.f32 v57, v4;
	v36 =	vsub.f32 $0.0e+00, v41  }
0x127: {  	v31 =	vadd.f32 v42, v31;
	v29 =	vmul.f32 v60, v6;
	v33 =	vmul.f32 v59, v5;
	v28 =	vpop (erf)  }
0x128: {  	v46 =	vld [tilespmem:s30+$0x710];
	v32 =	vadd.f32 v63, v32;
	v30 =	vadd.f32 v30, v40;
	v45 =	vmul.f32 $1.442695020e+00, v36;
	v44 =	vpop (erf)  }
0x129: {  	v47 =	vld [tilespmem:s30+$0x720];
	v29 =	vadd.f32 v29, v33;
	v34 =	vadd.f32 $1.000000000e+00, v44  }
0x12a: {  	v51 =	vld [tilespmem:s30+$0x750];
	v35 =	vbroadcast v45, $0x0  }
0x12b: {  	v48 =	vld [tilespmem:s30+$0x730];
	v30 =	vadd.f32 v30, v32;
	v29 =	vadd.f32 v31, v29;
	(erf) = vrcp.f32 v34  }
0x12c: {  	v43 =	vld [tilespmem:s30+$0x700];
	v49, _, _ =	vpop (xrf2);
	(erf) = vpow2.f32 v35  }
0x12d: {  	v52 =	vld [tilespmem:s30+$0x760];
	(v2sf) =	vpush v49, $0xF;
	v29 =	vadd.f32 v29, v30  }
0x12e: {  	v53 =	vld [tilespmem:s30+$0x770]  }
0x12f: {  	v50 =	vld [tilespmem:s30+$0x740];
	s10 =	spop (v2sf);
	(xrf2) =	vadd.scan.msk.f32 $0xffff, v29  }
0x130: {  	s0 =	sadd.f32 s10, s25  }
0x131: {  	v55 =	vmul.f32 v47, v3;
	v54 =	vmul.f32 v46, v2  }
0x132: {  	v32 =	vmul.f32 v52, v7;
	v33 =	vmul.f32 v43, v1;
	v56 =	vmov s0  }
0x133: {  	v31 =	vmul.f32 v48, v4;
	v29 =	vmul.f32 v53, v8;
	v37 =	vsub.f32 $0.0e+00, v56  }
0x134: {  	v33 =	vadd.f32 v54, v33;
	v30 =	vmul.f32 v51, v6;
	v34 =	vmul.f32 v50, v5;
	v35 =	vpop (erf)  }
0x135: {  	v61 =	vld [tilespmem:s30+$0x7B0];
	v31 =	vadd.f32 v31, v55;
	v29 =	vadd.f32 v29, v32;
	v37 =	vmul.f32 $1.442695020e+00, v37;
	v58 =	vpop (erf)  }
0x136: {  	v42 =	vld [tilespmem:s30+$0x7F0];
	v30 =	vadd.f32 v30, v34;
	v36 =	vadd.f32 $1.000000000e+00, v58  }
0x137: {  	v57 =	vld [tilespmem:s30+$0x780];
	v37 =	vbroadcast v37, $0x0  }
0x138: {  	v60 =	vld [tilespmem:s30+$0x7A0];
	v31 =	vadd.f32 v31, v33;
	v29 =	vadd.f32 v29, v30;
	(erf) = vrcp.f32 v36  }
0x139: {  	v41 =	vld [tilespmem:s30+$0x7E0];
	v62, _, _ =	vpop (xrf2);
	(erf) = vpow2.f32 v37  }
0x13a: {  	v59 =	vld [tilespmem:s30+$0x790];
	(v2sf) =	vpush v62, $0xF;
	v29 =	vadd.f32 v29, v31  }
0x13b: {  	v63 =	vld [tilespmem:s30+$0x7C0]  }
0x13c: {  	v40 =	vld [tilespmem:s30+$0x7D0];
	s11 =	spop (v2sf);
	(xrf2) =	vadd.scan.msk.f32 $0xffff, v29  }
0x13d: {  	s0 =	sadd.f32 s11, s25  }
0x13e: {  	v43 =	vmul.f32 v60, v3;
	v33 =	vmul.f32 v41, v7  }
0x13f: {  	v32 =	vmul.f32 v59, v2;
	v34 =	vmul.f32 v57, v1;
	v44 =	vmov s0  }
0x140: {  	v30 =	vmul.f32 v61, v4;
	v29 =	vmul.f32 v42, v8;
	v38 =	vsub.f32 $0.0e+00, v44  }
0x141: {  	v32 =	vadd.f32 v32, v34;
	v31 =	vmul.f32 v40, v6;
	v36 =	vmul.f32 v63, v5;
	v45 =	vpop (erf)  }
0x142: {  	v30 =	vadd.f32 v30, v43;
	v29 =	vadd.f32 v29, v33;
	v47 =	vmul.f32 $1.442695020e+00, v38;
	v46 =	vpop (erf)  }
0x143: {  	v31 =	vadd.f32 v31, v36;
	v48 =	vadd.f32 $1.000000000e+00, v46  }
0x144: {  	v49 =	vbroadcast v47, $0x0  }
0x145: {  	v30 =	vadd.f32 v30, v32;
	v29 =	vadd.f32 v29, v31;
	(erf) = vrcp.f32 v48  }
0x146: {  	v50, _, _ =	vpop (xrf2);
	(erf) = vpow2.f32 v49  }
0x147: {  	(v2sf) =	vpush v50, $0xF;
	v29 =	vadd.f32 v29, v30;
	_ =	sdelay $0x1  }
0x148: {  	s12 =	spop (v2sf);
	(xrf2) =	vadd.scan.msk.f32 $0xffff, v29  }
0x149: {  	s0 =	sadd.f32 s12, s25;
	_ =	sdelay $0x1  }
0x14a: {  	v51 =	vmov s0  }
0x14b: {  	v29 =	vsub.f32 $0.0e+00, v51  }
0x14c: {  	v52 =	vpop (erf)  }
0x14d: {  	v29 =	vmul.f32 $1.442695020e+00, v29;
	v53 =	vpop (erf)  }
0x14e: {  	v31 =	vadd.f32 $1.000000000e+00, v53  }
0x14f: {  	v29 =	vbroadcast v29, $0x0  }
0x150: {  	(erf) = vrcp.f32 v31  }
0x151: {  	v54, _, _ =	vpop (xrf2);
	(erf) = vpow2.f32 v29  }
0x152: {  	(v2sf) =	vpush v54, $0xF;
	_ =	sdelay $0x1  }
0x153: {  	s13 =	spop (v2sf)  }
0x154: {  	s0 =	sadd.f32 s13, s25;
	_ =	sdelay $0x1  }
0x155: {  	v55 =	vmov s0  }
0x156: {  	v29 =	vsub.f32 $0.0e+00, v55  }
0x157: {  	v56 =	vpop (erf)  }
0x158: {  	v29 =	vmul.f32 $1.442695020e+00, v29;
	v57 =	vpop (erf)  }
0x159: {  	v32 =	vadd.f32 $1.000000000e+00, v57  }
0x15a: {  	v29 =	vbroadcast v29, $0x0  }
0x15b: {  	(erf) = vrcp.f32 v32  }
0x15c: {  	(erf) = vpow2.f32 v29;
	_ =	sdelay $0x2  }
0x15d: {  	s14 =	spop (v2sf)  }
0x15e: {  	s0 =	sadd.f32 s14, s25  }
0x15f: {  	(v2sf) =	vpush v20, $0x0  }
0x160: {  	(v2sf) =	vpush v19, $0x0;
	v58 =	vmov s0  }
0x161: {  	(v2sf) =	vpush v21, $0x0;
	v20 =	vsub.f32 $0.0e+00, v58  }
0x162: {  	(v2sf) =	vpush v19, $0x1;
	v59 =	vpop (erf)  }
0x163: {  	(v2sf) =	vpush v22, $0x0;
	v20 =	vmul.f32 $1.442695020e+00, v20;
	v60 =	vpop (erf)  }
0x164: {  	(v2sf) =	vpush v19, $0x2;
	v22 =	vadd.f32 $1.000000000e+00, v60  }
0x165: {  	(v2sf) =	vpush v23, $0x0;
	v20 =	vbroadcast v20, $0x0  }
0x166: {  	(v2sf) =	vpush v19, $0x3;
	(erf) = vrcp.f32 v22  }
0x167: {  	(v2sf) =	vpush v24, $0x0;
	(erf) = vpow2.f32 v20  }
0x168: {  	(v2sf) =	vpush v19, $0x4  }
0x169: {  	(v2sf) =	vpush v25, $0x0  }
0x16a: {  	(v2sf) =	vpush v19, $0x5  }
0x16b: {  	(v2sf) =	vpush v26, $0x0  }
0x16c: {  	(v2sf) =	vpush v19, $0x6  }
0x16d: {  	(v2sf) =	vpush v27, $0x0  }
0x16e: {  	s3 =	spop (v2sf);
	(v2sf) =	vpush v19, $0x7  }
0x16f: {  	s31 =	spop (v2sf);
	(v2sf) =	vpush v28, $0x0;
	v61 =	vpop (erf)  }
0x170: {  	s0 =	spop (v2sf);
	(v2sf) =	vpush v19, $0x8;
	v62 =	vpop (erf)  }
0x171: {  	s29 =	spop (v2sf);
	(v2sf) =	vpush v35, $0x0;
	v22 =	vadd.f32 $1.000000000e+00, v62  }
0x172: {  	s26 =	spop (v2sf);
	(v2sf) =	vpush v19, $0x9  }
0x173: {  	s24 =	spop (v2sf);
	(v2sf) =	vpush v45, $0x0;
	(erf) = vrcp.f32 v22  }
0x174: {  	s7 =	spop (v2sf);
	(v2sf) =	vpush v19, $0xA  }
0x175: {  	s28 =	spop (v2sf);
	(v2sf) =	vpush v52, $0x0  }
0x176: {  	s20 =	spop (v2sf);
	(v2sf) =	vpush v19, $0xB  }
0x177: {  	s6 =	spop (v2sf);
	(v2sf) =	vpush v56, $0x0  }
0x178: {  	s21 =	spop (v2sf);
	(v2sf) =	vpush v19, $0xC  }
0x179: {  	s1 =	spop (v2sf);
	(v2sf) =	vpush v59, $0x0  }
0x17a: {  	s23 =	spop (v2sf);
	(v2sf) =	vpush v19, $0xD  }
0x17b: {  	s16 =	spop (v2sf);
	(v2sf) =	vpush v61, $0x0  }
0x17c: {  	s14 =	spop (v2sf);
	(v2sf) =	vpush v19, $0xE;
	v63 =	vpop (erf)  }
0x17d: {  	v18 =	vshll.u32 v18, $0x9;
	s5 =	spop (v2sf);
	(v2sf) =	vpush v63, $0x0  }
0x17e: {  	v18 =	vshra.s32 v18, $0x2;
	s12 =	spop (v2sf);
	(v2sf) =	vpush v19, $0xF  }
0x17f: {  	s13 =	spop (v2sf);
	(v2sf) =	vpush v18, $0x0  }
0x180: {  	s10 =	spop (v2sf)  }
0x181: {  	s11 =	spop (v2sf)  }
0x182: {  	s8 =	spop (v2sf)  }
0x183: {  	s9 =	spop (v2sf)  }
0x184: {  	s19 =	spop (v2sf)  }
0x185: {  	s22 =	spop (v2sf)  }
0x186: {  	s2 =	spop (v2sf)  }
0x187: {  	s18 =	spop (v2sf)  }
0x188: {  	s15 =	spop (v2sf)  }
0x189: {  	s4 =	spop (v2sf)  }
0x18a: {  	[dreg:$0x19] =	wrdreg s15;
	s15 =	spop (v2sf)  }
0x18b: {  	s31 =	smul.f32 s3, s31;
	s3 =	spop (v2sf)  }
0x18c: {  	[dreg:$0x17] =	wrdreg s15;
	s15 =	spop (v2sf)  }
0x18d: {  	v17 =	vmul.f32 s31, v17;
	[dreg:$0x13] =	wrdreg s15;
	s15 =	spop (v2sf)  }
0x18e: {  	v16 =	vmul.f32 s31, v16;
	[dreg:$0x15] =	wrdreg s15;
	s15 =	spop (v2sf)  }
0x18f: {  	v15 =	vmul.f32 s31, v15;
	(v2sf) =	vpush v18, $0x1;
	[tilespmem:s15+$0xB900] =	vst.add.f32.msk $0xffff, v17  }
0x190: {  	v14 =	vmul.f32 s31, v14;
	[tilespmem:s15+$0xB910] =	vst.add.f32.msk $0xffff, v16  }
0x191: {  	v13 =	vmul.f32 s31, v13;
	[tilespmem:s15+$0xB920] =	vst.add.f32.msk $0xffff, v15  }
0x192: {  	v12 =	vmul.f32 s31, v12;
	[tilespmem:s15+$0xB930] =	vst.add.f32.msk $0xffff, v14  }
0x193: {  	v11 =	vmul.f32 s31, v11;
	[tilespmem:s15+$0xB940] =	vst.add.f32.msk $0xffff, v13  }
0x194: {  	v10 =	vmul.f32 s31, v10;
	[tilespmem:s15+$0xB950] =	vst.add.f32.msk $0xffff, v12  }
0x195: {  	[tilespmem:s15+$0xB960] =	vst.add.f32.msk $0xffff, v11  }
0x196: {  	[tilespmem:s15+$0xB970] =	vst.add.f32.msk $0xffff, v10  }
0x197: {  	v10 =	vld [tilespmem:s30+$0x80]  }
0x198: {  	v11 =	vld [tilespmem:s30+$0x90]  }
0x199: {  	v12 =	vld [tilespmem:s30+$0xA0]  }
0x19a: {  	v13 =	vld [tilespmem:s30+$0xB0]  }
0x19b: {  	s0 =	smul.f32 s0, s29;
	v15 =	vld [tilespmem:s30+$0xD0]  }
0x19c: {  	v14 =	vld [tilespmem:s30+$0xC0]  }
0x19d: {  	v16 =	vld [tilespmem:s30+$0xE0];
	v10 =	vmul.f32 s0, v10  }
0x19e: {  	v17 =	vld [tilespmem:s30+$0xF0];
	v11 =	vmul.f32 s0, v11;
	s31 =	spop (v2sf)  }
0x19f: {  	v12 =	vmul.f32 s0, v12;
	(v2sf) =	vpush v18, $0x2;
	[tilespmem:s31+$0xB900] =	vst.add.f32.msk $0xffff, v10  }
0x1a0: {  	v23 =	vmul.f32 s0, v15;
	[tilespmem:s31+$0xB910] =	vst.add.f32.msk $0xffff, v11  }
0x1a1: {  	v10 =	vmul.f32 s0, v13;
	[tilespmem:s31+$0xB920] =	vst.add.f32.msk $0xffff, v12  }
0x1a2: {  	v11 =	vmul.f32 s0, v14;
	[tilespmem:s31+$0xB950] =	vst.add.f32.msk $0xffff, v23  }
0x1a3: {  	[tilespmem:s31+$0xB930] =	vst.add.f32.msk $0xffff, v10;
	v10 =	vmul.f32 s0, v16  }
0x1a4: {  	[tilespmem:s31+$0xB940] =	vst.add.f32.msk $0xffff, v11;
	v11 =	vmul.f32 s0, v17  }
0x1a5: {  	[tilespmem:s31+$0xB960] =	vst.add.f32.msk $0xffff, v10  }
0x1a6: {  	[tilespmem:s31+$0xB970] =	vst.add.f32.msk $0xffff, v11  }
0x1a7: {  	v10 =	vld [tilespmem:s30+$0x100]  }
0x1a8: {  	v11 =	vld [tilespmem:s30+$0x110]  }
0x1a9: {  	v12 =	vld [tilespmem:s30+$0x120]  }
0x1aa: {  	v24 =	vld [tilespmem:s30+$0x130]  }
0x1ab: {  	s29 =	smul.f32 s26, s24;
	v26 =	vld [tilespmem:s30+$0x150]  }
0x1ac: {  	v25 =	vld [tilespmem:s30+$0x140]  }
0x1ad: {  	v27 =	vld [tilespmem:s30+$0x160];
	v10 =	vmul.f32 s29, v10  }
0x1ae: {  	v28 =	vld [tilespmem:s30+$0x170];
	v11 =	vmul.f32 s29, v11;
	s31 =	spop (v2sf)  }
0x1af: {  	v12 =	vmul.f32 s29, v12;
	(v2sf) =	vpush v18, $0x3;
	[tilespmem:s31+$0xB900] =	vst.add.f32.msk $0xffff, v10  }
0x1b0: {  	v29 =	vmul.f32 s29, v26;
	[tilespmem:s31+$0xB910] =	vst.add.f32.msk $0xffff, v11  }
0x1b1: {  	v10 =	vmul.f32 s29, v24;
	[tilespmem:s31+$0xB920] =	vst.add.f32.msk $0xffff, v12  }
0x1b2: {  	v11 =	vmul.f32 s29, v25;
	[tilespmem:s31+$0xB950] =	vst.add.f32.msk $0xffff, v29  }
0x1b3: {  	[tilespmem:s31+$0xB930] =	vst.add.f32.msk $0xffff, v10;
	v10 =	vmul.f32 s29, v27  }
0x1b4: {  	[tilespmem:s31+$0xB940] =	vst.add.f32.msk $0xffff, v11;
	v11 =	vmul.f32 s29, v28  }
0x1b5: {  	[tilespmem:s31+$0xB960] =	vst.add.f32.msk $0xffff, v10  }
0x1b6: {  	[tilespmem:s31+$0xB970] =	vst.add.f32.msk $0xffff, v11  }
0x1b7: {  	v10 =	vld [tilespmem:s30+$0x180]  }
0x1b8: {  	v11 =	vld [tilespmem:s30+$0x190]  }
0x1b9: {  	v12 =	vld [tilespmem:s30+$0x1A0]  }
0x1ba: {  	v30 =	vld [tilespmem:s30+$0x1B0]  }
0x1bb: {  	s7 =	smul.f32 s7, s28;
	v32 =	vld [tilespmem:s30+$0x1D0]  }
0x1bc: {  	v31 =	vld [tilespmem:s30+$0x1C0]  }
0x1bd: {  	v33 =	vld [tilespmem:s30+$0x1E0];
	v10 =	vmul.f32 s7, v10  }
0x1be: {  	v34 =	vld [tilespmem:s30+$0x1F0];
	v11 =	vmul.f32 s7, v11;
	s15 =	spop (v2sf)  }
0x1bf: {  	v12 =	vmul.f32 s7, v12;
	(v2sf) =	vpush v18, $0x4;
	[tilespmem:s15+$0xB900] =	vst.add.f32.msk $0xffff, v10  }
0x1c0: {  	v35 =	vmul.f32 s7, v32;
	[tilespmem:s15+$0xB910] =	vst.add.f32.msk $0xffff, v11  }
0x1c1: {  	v10 =	vmul.f32 s7, v30;
	[tilespmem:s15+$0xB920] =	vst.add.f32.msk $0xffff, v12  }
0x1c2: {  	v11 =	vmul.f32 s7, v31;
	[tilespmem:s15+$0xB950] =	vst.add.f32.msk $0xffff, v35  }
0x1c3: {  	[tilespmem:s15+$0xB930] =	vst.add.f32.msk $0xffff, v10;
	v10 =	vmul.f32 s7, v33  }
0x1c4: {  	[tilespmem:s15+$0xB940] =	vst.add.f32.msk $0xffff, v11;
	v11 =	vmul.f32 s7, v34  }
0x1c5: {  	[tilespmem:s15+$0xB960] =	vst.add.f32.msk $0xffff, v10  }
0x1c6: {  	[tilespmem:s15+$0xB970] =	vst.add.f32.msk $0xffff, v11  }
0x1c7: {  	v10 =	vld [tilespmem:s30+$0x200]  }
0x1c8: {  	v11 =	vld [tilespmem:s30+$0x210]  }
0x1c9: {  	v12 =	vld [tilespmem:s30+$0x220]  }
0x1ca: {  	v36 =	vld [tilespmem:s30+$0x230]  }
0x1cb: {  	s20 =	smul.f32 s20, s6;
	v38 =	vld [tilespmem:s30+$0x250]  }
0x1cc: {  	v37 =	vld [tilespmem:s30+$0x240]  }
0x1cd: {  	v39 =	vld [tilespmem:s30+$0x260];
	v10 =	vmul.f32 s20, v10  }
0x1ce: {  	v40 =	vld [tilespmem:s30+$0x270];
	v11 =	vmul.f32 s20, v11;
	s24 =	spop (v2sf)  }
0x1cf: {  	v12 =	vmul.f32 s20, v12;
	(v2sf) =	vpush v18, $0x5;
	[tilespmem:s24+$0xB900] =	vst.add.f32.msk $0xffff, v10  }
0x1d0: {  	v41 =	vmul.f32 s20, v38;
	[tilespmem:s24+$0xB910] =	vst.add.f32.msk $0xffff, v11  }
0x1d1: {  	v10 =	vmul.f32 s20, v36;
	[tilespmem:s24+$0xB920] =	vst.add.f32.msk $0xffff, v12  }
0x1d2: {  	v11 =	vmul.f32 s20, v37;
	[tilespmem:s24+$0xB950] =	vst.add.f32.msk $0xffff, v41  }
0x1d3: {  	[tilespmem:s24+$0xB930] =	vst.add.f32.msk $0xffff, v10;
	v10 =	vmul.f32 s20, v39  }
0x1d4: {  	[tilespmem:s24+$0xB940] =	vst.add.f32.msk $0xffff, v11;
	v11 =	vmul.f32 s20, v40  }
0x1d5: {  	[tilespmem:s24+$0xB960] =	vst.add.f32.msk $0xffff, v10  }
0x1d6: {  	[tilespmem:s24+$0xB970] =	vst.add.f32.msk $0xffff, v11  }
0x1d7: {  	v10 =	vld [tilespmem:s30+$0x280]  }
0x1d8: {  	v11 =	vld [tilespmem:s30+$0x290]  }
0x1d9: {  	v12 =	vld [tilespmem:s30+$0x2A0]  }
0x1da: {  	v42 =	vld [tilespmem:s30+$0x2B0]  }
0x1db: {  	s26 =	smul.f32 s21, s1;
	v44 =	vld [tilespmem:s30+$0x2D0]  }
0x1dc: {  	v43 =	vld [tilespmem:s30+$0x2C0]  }
0x1dd: {  	v45 =	vld [tilespmem:s30+$0x2E0];
	v10 =	vmul.f32 s26, v10  }
0x1de: {  	v46 =	vld [tilespmem:s30+$0x2F0];
	v11 =	vmul.f32 s26, v11;
	s28 =	spop (v2sf)  }
0x1df: {  	v12 =	vmul.f32 s26, v12;
	(v2sf) =	vpush v18, $0x6;
	[tilespmem:s28+$0xB900] =	vst.add.f32.msk $0xffff, v10  }
0x1e0: {  	v47 =	vmul.f32 s26, v44;
	[tilespmem:s28+$0xB910] =	vst.add.f32.msk $0xffff, v11  }
0x1e1: {  	v10 =	vmul.f32 s26, v42;
	[tilespmem:s28+$0xB920] =	vst.add.f32.msk $0xffff, v12  }
0x1e2: {  	v11 =	vmul.f32 s26, v43;
	[tilespmem:s28+$0xB950] =	vst.add.f32.msk $0xffff, v47  }
0x1e3: {  	[tilespmem:s28+$0xB930] =	vst.add.f32.msk $0xffff, v10;
	v10 =	vmul.f32 s26, v45  }
0x1e4: {  	[tilespmem:s28+$0xB940] =	vst.add.f32.msk $0xffff, v11;
	v11 =	vmul.f32 s26, v46  }
0x1e5: {  	[tilespmem:s28+$0xB960] =	vst.add.f32.msk $0xffff, v10  }
0x1e6: {  	[tilespmem:s28+$0xB970] =	vst.add.f32.msk $0xffff, v11  }
0x1e7: {  	v10 =	vld [tilespmem:s30+$0x300]  }
0x1e8: {  	v11 =	vld [tilespmem:s30+$0x310]  }
0x1e9: {  	v12 =	vld [tilespmem:s30+$0x320]  }
0x1ea: {  	v48 =	vld [tilespmem:s30+$0x330]  }
0x1eb: {  	s29 =	smul.f32 s23, s16;
	v50 =	vld [tilespmem:s30+$0x350]  }
0x1ec: {  	v49 =	vld [tilespmem:s30+$0x340]  }
0x1ed: {  	v51 =	vld [tilespmem:s30+$0x360];
	v10 =	vmul.f32 s29, v10  }
0x1ee: {  	v52 =	vld [tilespmem:s30+$0x370];
	v11 =	vmul.f32 s29, v11;
	s31 =	spop (v2sf)  }
0x1ef: {  	v12 =	vmul.f32 s29, v12;
	(v2sf) =	vpush v18, $0x7;
	[tilespmem:s31+$0xB900] =	vst.add.f32.msk $0xffff, v10  }
0x1f0: {  	v53 =	vmul.f32 s29, v50;
	[tilespmem:s31+$0xB910] =	vst.add.f32.msk $0xffff, v11  }
0x1f1: {  	v10 =	vmul.f32 s29, v48;
	[tilespmem:s31+$0xB920] =	vst.add.f32.msk $0xffff, v12  }
0x1f2: {  	v11 =	vmul.f32 s29, v49;
	[tilespmem:s31+$0xB950] =	vst.add.f32.msk $0xffff, v53  }
0x1f3: {  	[tilespmem:s31+$0xB930] =	vst.add.f32.msk $0xffff, v10;
	v10 =	vmul.f32 s29, v51  }
0x1f4: {  	[tilespmem:s31+$0xB940] =	vst.add.f32.msk $0xffff, v11;
	v11 =	vmul.f32 s29, v52  }
0x1f5: {  	[tilespmem:s31+$0xB960] =	vst.add.f32.msk $0xffff, v10  }
0x1f6: {  	[tilespmem:s31+$0xB970] =	vst.add.f32.msk $0xffff, v11  }
0x1f7: {  	v10 =	vld [tilespmem:s30+$0x380]  }
0x1f8: {  	v11 =	vld [tilespmem:s30+$0x390]  }
0x1f9: {  	v12 =	vld [tilespmem:s30+$0x3A0]  }
0x1fa: {  	v54 =	vld [tilespmem:s30+$0x3B0]  }
0x1fb: {  	s1 =	smul.f32 s14, s5;
	v56 =	vld [tilespmem:s30+$0x3D0]  }
0x1fc: {  	v55 =	vld [tilespmem:s30+$0x3C0]  }
0x1fd: {  	v57 =	vld [tilespmem:s30+$0x3E0];
	v10 =	vmul.f32 s1, v10  }
0x1fe: {  	v58 =	vld [tilespmem:s30+$0x3F0];
	v11 =	vmul.f32 s1, v11;
	s5 =	spop (v2sf)  }
0x1ff: {  	v12 =	vmul.f32 s1, v12;
	(v2sf) =	vpush v18, $0x8;
	[tilespmem:s5+$0xB900] =	vst.add.f32.msk $0xffff, v10  }
0x200: {  	v59 =	vmul.f32 s1, v56;
	[tilespmem:s5+$0xB910] =	vst.add.f32.msk $0xffff, v11  }
0x201: {  	v10 =	vmul.f32 s1, v54;
	[tilespmem:s5+$0xB920] =	vst.add.f32.msk $0xffff, v12  }
0x202: {  	v11 =	vmul.f32 s1, v55;
	[tilespmem:s5+$0xB950] =	vst.add.f32.msk $0xffff, v59  }
0x203: {  	[tilespmem:s5+$0xB930] =	vst.add.f32.msk $0xffff, v10;
	v10 =	vmul.f32 s1, v57  }
0x204: {  	[tilespmem:s5+$0xB940] =	vst.add.f32.msk $0xffff, v11;
	v11 =	vmul.f32 s1, v58  }
0x205: {  	[tilespmem:s5+$0xB960] =	vst.add.f32.msk $0xffff, v10  }
0x206: {  	[tilespmem:s5+$0xB970] =	vst.add.f32.msk $0xffff, v11  }
0x207: {  	v10 =	vld [tilespmem:s30+$0x400]  }
0x208: {  	v11 =	vld [tilespmem:s30+$0x410]  }
0x209: {  	v12 =	vld [tilespmem:s30+$0x420]  }
0x20a: {  	v60 =	vld [tilespmem:s30+$0x430]  }
0x20b: {  	s6 =	smul.f32 s12, s13;
	v62 =	vld [tilespmem:s30+$0x450]  }
0x20c: {  	v61 =	vld [tilespmem:s30+$0x440]  }
0x20d: {  	v63 =	vld [tilespmem:s30+$0x460];
	v10 =	vmul.f32 s6, v10  }
0x20e: {  	v20 =	vld [tilespmem:s30+$0x470];
	v11 =	vmul.f32 s6, v11;
	s7 =	spop (v2sf)  }
0x20f: {  	v12 =	vmul.f32 s6, v12;
	(v2sf) =	vpush v18, $0x9;
	[tilespmem:s7+$0xB900] =	vst.add.f32.msk $0xffff, v10  }
0x210: {  	v21 =	vmul.f32 s6, v62;
	[tilespmem:s7+$0xB910] =	vst.add.f32.msk $0xffff, v11  }
0x211: {  	v10 =	vmul.f32 s6, v60;
	[tilespmem:s7+$0xB920] =	vst.add.f32.msk $0xffff, v12  }
0x212: {  	v11 =	vmul.f32 s6, v61;
	[tilespmem:s7+$0xB950] =	vst.add.f32.msk $0xffff, v21  }
0x213: {  	[tilespmem:s7+$0xB930] =	vst.add.f32.msk $0xffff, v10;
	v10 =	vmul.f32 s6, v63  }
0x214: {  	[tilespmem:s7+$0xB940] =	vst.add.f32.msk $0xffff, v11;
	v11 =	vmul.f32 s6, v20  }
0x215: {  	[tilespmem:s7+$0xB960] =	vst.add.f32.msk $0xffff, v10  }
0x216: {  	[tilespmem:s7+$0xB970] =	vst.add.f32.msk $0xffff, v11  }
0x217: {  	v10 =	vld [tilespmem:s30+$0x480]  }
0x218: {  	v11 =	vld [tilespmem:s30+$0x490]  }
0x219: {  	v12 =	vld [tilespmem:s30+$0x4A0]  }
0x21a: {  	v22 =	vld [tilespmem:s30+$0x4B0]  }
0x21b: {  	s12 =	smul.f32 s10, s11;
	v24 =	vld [tilespmem:s30+$0x4D0]  }
0x21c: {  	v23 =	vld [tilespmem:s30+$0x4C0]  }
0x21d: {  	v25 =	vld [tilespmem:s30+$0x4E0];
	v10 =	vmul.f32 s12, v10  }
0x21e: {  	v26 =	vld [tilespmem:s30+$0x4F0];
	v11 =	vmul.f32 s12, v11;
	s13 =	spop (v2sf)  }
0x21f: {  	v12 =	vmul.f32 s12, v12;
	(v2sf) =	vpush v18, $0xA;
	[tilespmem:s13+$0xB900] =	vst.add.f32.msk $0xffff, v10  }
0x220: {  	v27 =	vmul.f32 s12, v24;
	[tilespmem:s13+$0xB910] =	vst.add.f32.msk $0xffff, v11  }
0x221: {  	v10 =	vmul.f32 s12, v22;
	[tilespmem:s13+$0xB920] =	vst.add.f32.msk $0xffff, v12  }
0x222: {  	v11 =	vmul.f32 s12, v23;
	[tilespmem:s13+$0xB950] =	vst.add.f32.msk $0xffff, v27  }
0x223: {  	[tilespmem:s13+$0xB930] =	vst.add.f32.msk $0xffff, v10;
	v10 =	vmul.f32 s12, v25  }
0x224: {  	[tilespmem:s13+$0xB940] =	vst.add.f32.msk $0xffff, v11;
	v11 =	vmul.f32 s12, v26  }
0x225: {  	[tilespmem:s13+$0xB960] =	vst.add.f32.msk $0xffff, v10  }
0x226: {  	[tilespmem:s13+$0xB970] =	vst.add.f32.msk $0xffff, v11  }
0x227: {  	v10 =	vld [tilespmem:s30+$0x500]  }
0x228: {  	v11 =	vld [tilespmem:s30+$0x510]  }
0x229: {  	v12 =	vld [tilespmem:s30+$0x520]  }
0x22a: {  	v28 =	vld [tilespmem:s30+$0x530]  }
0x22b: {  	s14 =	smul.f32 s8, s9;
	v30 =	vld [tilespmem:s30+$0x550]  }
0x22c: {  	v29 =	vld [tilespmem:s30+$0x540]  }
0x22d: {  	v31 =	vld [tilespmem:s30+$0x560];
	v10 =	vmul.f32 s14, v10  }
0x22e: {  	v32 =	vld [tilespmem:s30+$0x570];
	v11 =	vmul.f32 s14, v11;
	s15 =	spop (v2sf)  }
0x22f: {  	v12 =	vmul.f32 s14, v12;
	(v2sf) =	vpush v18, $0xB;
	[tilespmem:s15+$0xB900] =	vst.add.f32.msk $0xffff, v10  }
0x230: {  	v33 =	vmul.f32 s14, v30;
	[tilespmem:s15+$0xB910] =	vst.add.f32.msk $0xffff, v11  }
0x231: {  	v10 =	vmul.f32 s14, v28;
	[tilespmem:s15+$0xB920] =	vst.add.f32.msk $0xffff, v12  }
0x232: {  	v11 =	vmul.f32 s14, v29;
	[tilespmem:s15+$0xB950] =	vst.add.f32.msk $0xffff, v33  }
0x233: {  	[tilespmem:s15+$0xB930] =	vst.add.f32.msk $0xffff, v10;
	v10 =	vmul.f32 s14, v31  }
0x234: {  	[tilespmem:s15+$0xB940] =	vst.add.f32.msk $0xffff, v11;
	v11 =	vmul.f32 s14, v32  }
0x235: {  	[tilespmem:s15+$0xB960] =	vst.add.f32.msk $0xffff, v10  }
0x236: {  	[tilespmem:s15+$0xB970] =	vst.add.f32.msk $0xffff, v11  }
0x237: {  	v10 =	vld [tilespmem:s30+$0x580]  }
0x238: {  	v11 =	vld [tilespmem:s30+$0x590]  }
0x239: {  	v12 =	vld [tilespmem:s30+$0x5A0]  }
0x23a: {  	v34 =	vld [tilespmem:s30+$0x5B0]  }
0x23b: {  	s16 =	smul.f32 s19, s22;
	v36 =	vld [tilespmem:s30+$0x5D0]  }
0x23c: {  	v35 =	vld [tilespmem:s30+$0x5C0]  }
0x23d: {  	v37 =	vld [tilespmem:s30+$0x5E0];
	v10 =	vmul.f32 s16, v10  }
0x23e: {  	v38 =	vld [tilespmem:s30+$0x5F0];
	v11 =	vmul.f32 s16, v11;
	s19 =	spop (v2sf)  }
0x23f: {  	v12 =	vmul.f32 s16, v12;
	(v2sf) =	vpush v18, $0xC;
	[tilespmem:s19+$0xB900] =	vst.add.f32.msk $0xffff, v10  }
0x240: {  	v39 =	vmul.f32 s16, v36;
	[tilespmem:s19+$0xB910] =	vst.add.f32.msk $0xffff, v11  }
0x241: {  	v10 =	vmul.f32 s16, v34;
	[tilespmem:s19+$0xB920] =	vst.add.f32.msk $0xffff, v12  }
0x242: {  	v11 =	vmul.f32 s16, v35;
	[tilespmem:s19+$0xB950] =	vst.add.f32.msk $0xffff, v39  }
0x243: {  	[tilespmem:s19+$0xB930] =	vst.add.f32.msk $0xffff, v10;
	v10 =	vmul.f32 s16, v37  }
0x244: {  	[tilespmem:s19+$0xB940] =	vst.add.f32.msk $0xffff, v11;
	v11 =	vmul.f32 s16, v38  }
0x245: {  	[tilespmem:s19+$0xB960] =	vst.add.f32.msk $0xffff, v10  }
0x246: {  	[tilespmem:s19+$0xB970] =	vst.add.f32.msk $0xffff, v11  }
0x247: {  	v10 =	vld [tilespmem:s30+$0x600]  }
0x248: {  	v11 =	vld [tilespmem:s30+$0x610]  }
0x249: {  	v12 =	vld [tilespmem:s30+$0x620]  }
0x24a: {  	v40 =	vld [tilespmem:s30+$0x630]  }
0x24b: {  	s20 =	smul.f32 s2, s18;
	v42 =	vld [tilespmem:s30+$0x650]  }
0x24c: {  	v41 =	vld [tilespmem:s30+$0x640]  }
0x24d: {  	v43 =	vld [tilespmem:s30+$0x660];
	v10 =	vmul.f32 s20, v10  }
0x24e: {  	v44 =	vld [tilespmem:s30+$0x670];
	v11 =	vmul.f32 s20, v11;
	s21 =	spop (v2sf)  }
0x24f: {  	v12 =	vmul.f32 s20, v12;
	(v2sf) =	vpush v18, $0xD;
	[tilespmem:s21+$0xB900] =	vst.add.f32.msk $0xffff, v10  }
0x250: {  	v45 =	vmul.f32 s20, v42;
	[tilespmem:s21+$0xB910] =	vst.add.f32.msk $0xffff, v11  }
0x251: {  	v10 =	vmul.f32 s20, v40;
	[tilespmem:s21+$0xB920] =	vst.add.f32.msk $0xffff, v12  }
0x252: {  	v11 =	vmul.f32 s20, v41;
	[tilespmem:s21+$0xB950] =	vst.add.f32.msk $0xffff, v45  }
0x253: {  	[tilespmem:s21+$0xB930] =	vst.add.f32.msk $0xffff, v10;
	v10 =	vmul.f32 s20, v43  }
0x254: {  	[tilespmem:s21+$0xB940] =	vst.add.f32.msk $0xffff, v11;
	v11 =	vmul.f32 s20, v44  }
0x255: {  	[tilespmem:s21+$0xB960] =	vst.add.f32.msk $0xffff, v10  }
0x256: {  	[tilespmem:s21+$0xB970] =	vst.add.f32.msk $0xffff, v11  }
0x257: {  	v10 =	vld [tilespmem:s30+$0x680]  }
0x258: {  	v11 =	vld [tilespmem:s30+$0x690]  }
0x259: {  	v12 =	vld [tilespmem:s30+$0x6A0]  }
0x25a: {  	s22 =	rddreg [dreg:$0x19];
	v46 =	vld [tilespmem:s30+$0x6B0]  }
0x25b: {  	s0 =	smul.f32 s22, s4;
	v48 =	vld [tilespmem:s30+$0x6D0]  }
0x25c: {  	v47 =	vld [tilespmem:s30+$0x6C0]  }
0x25d: {  	v49 =	vld [tilespmem:s30+$0x6E0];
	v10 =	vmul.f32 s0, v10  }
0x25e: {  	v50 =	vld [tilespmem:s30+$0x6F0];
	v11 =	vmul.f32 s0, v11;
	s23 =	spop (v2sf)  }
0x25f: {  	v12 =	vmul.f32 s0, v12;
	(v2sf) =	vpush v18, $0xE;
	[tilespmem:s23+$0xB900] =	vst.add.f32.msk $0xffff, v10  }
0x260: {  	v51 =	vmul.f32 s0, v48;
	[tilespmem:s23+$0xB910] =	vst.add.f32.msk $0xffff, v11  }
0x261: {  	v10 =	vmul.f32 s0, v46;
	[tilespmem:s23+$0xB920] =	vst.add.f32.msk $0xffff, v12  }
0x262: {  	v11 =	vmul.f32 s0, v47;
	[tilespmem:s23+$0xB950] =	vst.add.f32.msk $0xffff, v51  }
0x263: {  	[tilespmem:s23+$0xB930] =	vst.add.f32.msk $0xffff, v10;
	v10 =	vmul.f32 s0, v49  }
0x264: {  	[tilespmem:s23+$0xB940] =	vst.add.f32.msk $0xffff, v11;
	v11 =	vmul.f32 s0, v50  }
0x265: {  	[tilespmem:s23+$0xB960] =	vst.add.f32.msk $0xffff, v10  }
0x266: {  	[tilespmem:s23+$0xB970] =	vst.add.f32.msk $0xffff, v11  }
0x267: {  	v10 =	vld [tilespmem:s30+$0x700]  }
0x268: {  	v11 =	vld [tilespmem:s30+$0x710]  }
0x269: {  	v12 =	vld [tilespmem:s30+$0x720]  }
0x26a: {  	s24 =	rddreg [dreg:$0x17];
	v52 =	vld [tilespmem:s30+$0x730]  }
0x26b: {  	s0 =	smul.f32 s24, s3;
	v54 =	vld [tilespmem:s30+$0x750]  }
0x26c: {  	v53 =	vld [tilespmem:s30+$0x740]  }
0x26d: {  	v55 =	vld [tilespmem:s30+$0x760];
	v10 =	vmul.f32 s0, v10  }
0x26e: {  	v56 =	vld [tilespmem:s30+$0x770];
	v11 =	vmul.f32 s0, v11;
	s26 =	spop (v2sf)  }
0x26f: {  	v12 =	vmul.f32 s0, v12;
	(v2sf) =	vpush v18, $0xF;
	[tilespmem:s26+$0xB900] =	vst.add.f32.msk $0xffff, v10  }
0x270: {  	v57 =	vmul.f32 s0, v54;
	[tilespmem:s26+$0xB910] =	vst.add.f32.msk $0xffff, v11  }
0x271: {  	v10 =	vmul.f32 s0, v52;
	[tilespmem:s26+$0xB920] =	vst.add.f32.msk $0xffff, v12  }
0x272: {  	v11 =	vmul.f32 s0, v53;
	[tilespmem:s26+$0xB950] =	vst.add.f32.msk $0xffff, v57  }
0x273: {  	[tilespmem:s26+$0xB930] =	vst.add.f32.msk $0xffff, v10;
	v10 =	vmul.f32 s0, v55  }
0x274: {  	[tilespmem:s26+$0xB940] =	vst.add.f32.msk $0xffff, v11;
	v11 =	vmul.f32 s0, v56  }
0x275: {  	[tilespmem:s26+$0xB960] =	vst.add.f32.msk $0xffff, v10  }
0x276: {  	[tilespmem:s26+$0xB970] =	vst.add.f32.msk $0xffff, v11  }
0x277: {  	v10 =	vld [tilespmem:s30+$0x780]  }
0x278: {  	v11 =	vld [tilespmem:s30+$0x790]  }
0x279: {  	s28 =	rddreg [dreg:$0x13];
	v12 =	vld [tilespmem:s30+$0x7A0]  }
0x27a: {  	s29 =	rddreg [dreg:$0x15];
	v58 =	vld [tilespmem:s30+$0x7B0]  }
0x27b: {  	s0 =	smul.f32 s28, s29;
	v60 =	vld [tilespmem:s30+$0x7D0]  }
0x27c: {  	v59 =	vld [tilespmem:s30+$0x7C0]  }
0x27d: {  	v61 =	vld [tilespmem:s30+$0x7E0];
	v10 =	vmul.f32 s0, v10  }
0x27e: {  	v62 =	vld [tilespmem:s30+$0x7F0];
	v11 =	vmul.f32 s0, v11;
	s31 =	spop (v2sf)  }
0x27f: {  	v12 =	vmul.f32 s0, v12;
	[tilespmem:s31+$0xB900] =	vst.add.f32.msk $0xffff, v10  }
0x280: {  	v63 =	vmul.f32 s0, v60;
	[tilespmem:s31+$0xB910] =	vst.add.f32.msk $0xffff, v11  }
0x281: {  	p2 =	sne.s32 s17, $0x9;
	v10 =	vmul.f32 s0, v58;
	[tilespmem:s31+$0xB920] =	vst.add.f32.msk $0xffff, v12  }
.Ltmp5:
0x282: {  	v11 =	vmul.f32 s0, v59;
	[tilespmem:s31+$0xB950] =	vst.add.f32.msk $0xffff, v63;
	(pc) =	sbr.rel @p2 .LBB2_5-.Ltmp5, $4  }
0x283: {  	[tilespmem:s31+$0xB930] =	vst.add.f32.msk $0xffff, v10;
	v10 =	vmul.f32 s0, v61  }
0x284: {  	[tilespmem:s31+$0xB940] =	vst.add.f32.msk $0xffff, v11;
	v11 =	vmul.f32 s0, v62  }
0x285: {  	[tilespmem:s31+$0xB960] =	vst.add.f32.msk $0xffff, v10  }
0x286: {  	s17 =	sadd.s32 $0x1, s17;
	[tilespmem:s31+$0xB970] =	vst.add.f32.msk $0xffff, v11  }
0x287: {  	s0 =	rddreg [dreg:$0x12]  }
0x288: {  	s1 =	rddreg [dreg:$0x7];
	s0 =	sadd.s32 $0x2, s0  }
0x289: {  	p2 =	sge.u32 s0, s1;
	s1 =	rddreg [dreg:$0x6]  }
0x28a: {  	s0 =	sadd.s32 @!p2 s1, s0  }
0x28b: {  	s0 =	smul.u32 @!p2 $0x5000, s0  }
.Ltmp6:
0x28c: {  	_ = 	snop;
	(pc) =	sbr.rel @p1 .LBB2_9-.Ltmp6, $4  }
0x28d: {  	_ = 	snop  }
0x28e: {  	s1 =	rddreg [dreg:$0x0];
	s0 =	sshrl.u32 @!p2 s0, $0x3  }
0x28f: {  	s0 =	sadd.s32 @!p2 s1, s0;
	s1 =	simm.s32 @!p2 $0x0  }
0x290: {  	[tilespmem:s1], [sflag:$0x1] =	stream.linear.gather @!p2 [hbm4b:s0+s1], $0x5000, $0x38;
	[tilespmem:$0x1BA00] =	vst v63  }
0x291: {  	s1 =	simm.s32 $0x2  }
0x292: {  	_ =	swait.ge [sflag:s1], $0x5000  }
0x293: {  	s0 =	rddreg [dreg:$0x11]  }
0x294: {  	s0 =	smul.u32 $0xA0, s0  }
0x295: {  	[sflag:s1] =	ssyncset.done $0x0  }
0x296: {  	s17 =	simm.s32 $0x0;
	[sflag:s1] =	ssyncadd.s32 $0xFFFFB000;
	v9 =	vmov s0  }
.LBB2_8:
0x297: {  	s0 =	sshll.u32 s17, $0xB  }
0x298: {  	s28 =	sand.u32 $0x3FFFF800, s0  }
0x299: {  	v17 =	vld [tilespmem:s28+$0x5000]  }
0x29a: {  	v16 =	vld [tilespmem:s28+$0x5010]  }
0x29b: {  	v15 =	vld [tilespmem:s28+$0x5020]  }
0x29c: {  	v14 =	vld [tilespmem:s28+$0x5030]  }
0x29d: {  	v13 =	vld [tilespmem:s28+$0x5040]  }
0x29e: {  	v12 =	vld [tilespmem:s28+$0x5050]  }
0x29f: {  	v11 =	vld [tilespmem:s28+$0x5060]  }
0x2a0: {  	v10 =	vld [tilespmem:s28+$0x5070]  }
0x2a1: {  	v18 =	vld [tilespmem:s28+$0x5080]  }
0x2a2: {  	v19 =	vld [tilespmem:s28+$0x5090]  }
0x2a3: {  	v20 =	vld [tilespmem:s28+$0x50A0]  }
0x2a4: {  	v21 =	vld [tilespmem:s28+$0x50B0]  }
0x2a5: {  	v22 =	vld [tilespmem:s28+$0x50C0]  }
0x2a6: {  	v23 =	vld [tilespmem:s28+$0x50D0]  }
0x2a7: {  	v24 =	vld [tilespmem:s28+$0x50E0]  }
0x2a8: {  	v25 =	vld [tilespmem:s28+$0x50F0]  }
0x2a9: {  	v26 =	vld [tilespmem:s28+$0x5100]  }
0x2aa: {  	v27 =	vld [tilespmem:s28+$0x5110]  }
0x2ab: {  	v28 =	vld [tilespmem:s28+$0x5120]  }
0x2ac: {  	v29 =	vld [tilespmem:s28+$0x5130]  }
0x2ad: {  	v30 =	vld [tilespmem:s28+$0x5140]  }
0x2ae: {  	v31 =	vld [tilespmem:s28+$0x5150]  }
0x2af: {  	v32 =	vld [tilespmem:s28+$0x5160]  }
0x2b0: {  	v33 =	vld [tilespmem:s28+$0x5170]  }
0x2b1: {  	v34 =	vld [tilespmem:s28+$0x5180]  }
0x2b2: {  	v35 =	vld [tilespmem:s28+$0x5190]  }
0x2b3: {  	v36 =	vld [tilespmem:s28+$0x51A0]  }
0x2b4: {  	v37 =	vld [tilespmem:s28+$0x51B0]  }
0x2b5: {  	v39 =	vld [tilespmem:s28+$0x51C0];
	v38 =	vmul.f32 v17, v1  }
0x2b6: {  	v42 =	vld [tilespmem:s28+$0x51D0];
	v40 =	vmul.f32 v16, v2;
	v41 =	vmul.f32 v15, v3  }
0x2b7: {  	v45 =	vld [tilespmem:s28+$0x51E0];
	v43 =	vmul.f32 v14, v4;
	v44 =	vmul.f32 v13, v5  }
0x2b8: {  	v48 =	vld [tilespmem:s28+$0x51F0];
	v46 =	vmul.f32 v12, v6;
	v47 =	vmul.f32 v11, v7  }
0x2b9: {  	v62 =	vmul.f32 v10, v8;
	v52 =	vmul.f32 v27, v2;
	v27 =	vld [tilespmem:s28+$0x5280]  }
0x2ba: {  	v20 =	vmul.f32 v20, v3;
	v56 =	vmul.f32 v31, v6;
	v31 =	vld [tilespmem:s28+$0x5290]  }
0x2bb: {  	v21 =	vmul.f32 v21, v4;
	v58 =	vmul.f32 v33, v8;
	v33 =	vld [tilespmem:s28+$0x52A0]  }
0x2bc: {  	v60 =	vmul.f32 v35, v2;
	v35 =	vld [tilespmem:s28+$0x52B0];
	v38 =	vadd.f32 v40, v38;
	v41 =	vadd.f32 v43, v41  }
0x2bd: {  	v61 =	vmul.f32 v36, v3;
	v36 =	vld [tilespmem:s28+$0x5300];
	v44 =	vadd.f32 v46, v44;
	v40 =	vadd.f32 v62, v47  }
0x2be: {  	v22 =	vmul.f32 v22, v5;
	v23 =	vmul.f32 v23, v6;
	v43 =	vld [tilespmem:s28+$0x5200]  }
0x2bf: {  	v24 =	vmul.f32 v24, v7;
	v46 =	vld [tilespmem:s28+$0x5210];
	v38 =	vadd.f32 v41, v38;
	v40 =	vadd.f32 v40, v44  }
0x2c0: {  	v25 =	vmul.f32 v25, v8;
	v53 =	vmul.f32 v28, v3;
	v63 =	vadd.f32 v21, v20;
	v20 =	vld [tilespmem:s28+$0x5250]  }
0x2c1: {  	v54 =	vmul.f32 v29, v4;
	v49 =	vadd.f32 v23, v22;
	v23 =	vld [tilespmem:s28+$0x5260];
	v28 =	vadd.f32 v40, v38  }
0x2c2: {  	v18 =	vmul.f32 v18, v1;
	v19 =	vmul.f32 v19, v2;
	v50 =	vadd.f32 v25, v24;
	v25 =	vld [tilespmem:s28+$0x5270]  }
0x2c3: {  	v51 =	vmul.f32 v26, v1;
	v55 =	vmul.f32 v30, v5;
	v22 =	vadd.f32 v54, v53;
	v53 =	vld [tilespmem:s28+$0x52E0];
	(xrf2) =	vadd.scan.msk.f32 $0xffff, v28  }
0x2c4: {  	v57 =	vmul.f32 v32, v7;
	v59 =	vmul.f32 v34, v1;
	v44 =	vld [tilespmem:s28+$0x5240]  }
0x2c5: {  	v47 =	vld [tilespmem:s28+$0x5220];
	v18 =	vadd.f32 v19, v18;
	v19 =	vadd.f32 v52, v51;
	v62 =	vmul.f32 v37, v4  }
0x2c6: {  	v29 =	vadd.f32 v56, v55;
	v51 =	vmul.f32 v45, v7;
	v52 =	vmul.f32 v48, v8;
	v54 =	vld [tilespmem:s28+$0x52F0]  }
0x2c7: {  	v37 =	vld [tilespmem:s28+$0x52C0];
	v24 =	vadd.f32 v60, v59;
	v18 =	vadd.f32 v63, v18;
	v20 =	vmul.f32 v20, v6  }
0x2c8: {  	v41 =	vld [tilespmem:s28+$0x5230];
	v21 =	vadd.f32 v50, v49;
	v23 =	vmul.f32 v23, v7;
	v25 =	vmul.f32 v25, v8  }
0x2c9: {  	v50 =	vld [tilespmem:s28+$0x52D0];
	v32 =	vadd.f32 v52, v51;
	v51 =	vmul.f32 v53, v7;
	v60 =	vmul.f32 v44, v5  }
0x2ca: {  	v63 =	vmul.f32 v39, v5;
	v26 =	vadd.f32 v62, v61;
	v19 =	vadd.f32 v22, v19;
	v22 =	vld [tilespmem:s28+$0x5310]  }
0x2cb: {  	v61 =	vld [tilespmem:s28+$0x5350];
	v34 =	vmul.f32 v54, v8;
	v23 =	vadd.f32 v25, v23;
	v20 =	vadd.f32 v20, v60  }
0x2cc: {  	v49 =	vmul.f32 v42, v6;
	v62 =	vld [tilespmem:s28+$0x5360];
	v27 =	vmul.f32 v27, v1;
	v18 =	vadd.f32 v21, v18  }
0x2cd: {  	v52 =	vld [tilespmem:s28+$0x53A0];
	v31 =	vmul.f32 v31, v2;
	v20 =	vadd.f32 v23, v20;
	v23 =	vadd.f32 v34, v51;
	v51, _, _ =	vpop (xrf2)  }
0x2ce: {  	v45 =	vmul.f32 v33, v3;
	v21 =	vadd.f32 v58, v57;
	v40 =	vld [tilespmem:s28+$0x5340];
	(v2sf) =	vpush v51, $0xF  }
0x2cf: {  	v30 =	vadd.f32 v49, v63;
	v63 =	vld [tilespmem:s28+$0x5370];
	v56 =	vmul.f32 v43, v1;
	v57 =	vmul.f32 v46, v2  }
0x2d0: {  	v24 =	vadd.f32 v26, v24;
	v58 =	vmul.f32 v47, v3;
	v46 =	vmul.f32 v35, v4;
	v47 =	vld [tilespmem:s28+$0x5380];
	(xrf2) =	vadd.scan.msk.f32 $0xffff, v18  }
0x2d1: {  	v48 =	vmul.f32 v37, v5;
	v27 =	vadd.f32 v31, v27;
	v53 =	vld [tilespmem:s28+$0x53B0];
	v21 =	vadd.f32 v21, v29  }
0x2d2: {  	v54 =	vld [tilespmem:s28+$0x53C0];
	v55 =	vadd.f32 v32, v30;
	v59 =	vmul.f32 v41, v4;
	v49 =	vmul.f32 v50, v6  }
0x2d3: {  	v29 =	vld [tilespmem:s28+$0x5320];
	v25 =	vadd.f32 v46, v45;
	v22 =	vmul.f32 v22, v2;
	v30 =	vmul.f32 v61, v6  }
0x2d4: {  	v32 =	vld [tilespmem:s28+$0x5330];
	v62 =	vmul.f32 v62, v7;
	v43 =	vmul.f32 v52, v3;
	v19 =	vadd.f32 v21, v19  }
0x2d5: {  	v50 =	vld [tilespmem:s28+$0x5390];
	v24 =	vadd.f32 v55, v24;
	v21 =	vadd.f32 v57, v56;
	v55 =	vmul.f32 v36, v1  }
0x2d6: {  	v61 =	vld [tilespmem:s28+$0x53F0];
	v26 =	vadd.f32 v59, v58;
	v60 =	vmul.f32 v40, v5;
	v63 =	vmul.f32 v63, v8  }
0x2d7: {  	v56 =	vld [tilespmem:s28+$0x53D0];
	v25 =	vadd.f32 v25, v27;
	v40 =	vmul.f32 v47, v1;
	v31 =	vmul.f32 v53, v4  }
0x2d8: {  	v59 =	vld [tilespmem:s28+$0x53E0];
	v44 =	vmul.f32 v54, v5;
	v21 =	vadd.f32 v26, v21;
	v26 =	vadd.f32 v49, v48  }
0x2d9: {  	v22 =	vadd.f32 v22, v55;
	v57 =	vmul.f32 v29, v3;
	v58 =	vmul.f32 v32, v4  }
0x2da: {  	v41 =	vmul.f32 v50, v2;
	v29 =	vadd.f32 v31, v43;
	v23 =	vadd.f32 v23, v26;
	v52, _, _ =	vpop (xrf2)  }
0x2db: {  	v47 =	vmul.f32 v61, v8;
	v20 =	vadd.f32 v20, v21;
	(v2sf) =	vpush v52, $0xF  }
0x2dc: {  	v26 =	vadd.f32 v58, v57;
	v21 =	vadd.f32 v30, v60;
	v45 =	vmul.f32 v56, v6  }
0x2dd: {  	(xrf2) =	vadd.scan.msk.f32 $0xffff, v19;
	v46 =	vmul.f32 v59, v7;
	v27 =	vadd.f32 v41, v40;
	v23 =	vadd.f32 v23, v25;
	s29 =	spop (v2sf)  }
0x2de: {  	v25 =	vadd.f32 v63, v62;
	v48 =	vadd.f32 v45, v44;
	s0 =	sadd.f32 s29, s25  }
0x2df: {  	v49 =	vadd.f32 v26, v22;
	v28 =	vadd.f32 v47, v46  }
0x2e0: {  	(xrf2) =	vadd.scan.msk.f32 $0xffff, v24;
	v50 =	vadd.f32 v29, v27;
	v21 =	vadd.f32 v25, v21;
	v59 =	vmov s0  }
0x2e1: {  	(xrf2) =	vadd.scan.msk.f32 $0xffff, v20;
	v18 =	vadd.f32 v28, v48;
	v20 =	vsub.f32 $0.0e+00, v59  }
0x2e2: {  	v19 =	vadd.f32 v21, v49  }
0x2e3: {  	(xrf2) =	vadd.scan.msk.f32 $0xffff, v23;
	v18 =	vadd.f32 v18, v50;
	v20 =	vmul.f32 $1.442695020e+00, v20  }
0x2e4: {  	(xrf2) =	vadd.scan.msk.f32 $0xffff, v19  }
0x2e5: {  	(xrf2) =	vadd.scan.msk.f32 $0xffff, v18;
	v20 =	vbroadcast v20, $0x0;
	_ =	sdelay $0x1  }
0x2e6: {  	v53, _, _ =	vpop (xrf2);
	(erf) = vpow2.f32 v20  }
0x2e7: {  	(v2sf) =	vpush v53, $0xF;
	_ =	sdelay $0x1  }
0x2e8: {  	s2 =	spop (v2sf)  }
0x2e9: {  	v54, _, _ =	vpop (xrf2);
	s2 =	sadd.f32 s2, s25  }
0x2ea: {  	v55, _, _ =	vpop (xrf2)  }
0x2eb: {  	(v2sf) =	vpush v54, $0xF;
	v56, _, _ =	vpop (xrf2);
	v34 =	vmov s2  }
0x2ec: {  	(v2sf) =	vpush v55, $0xF;
	v57, _, _ =	vpop (xrf2);
	v20 =	vsub.f32 $0.0e+00, v34  }
0x2ed: {  	(v2sf) =	vpush v56, $0xF;
	v58, _, _ =	vpop (xrf2)  }
0x2ee: {  	(v2sf) =	vpush v57, $0xF;
	v20 =	vmul.f32 $1.442695020e+00, v20;
	v35 =	vpop (erf)  }
0x2ef: {  	(v2sf) =	vpush v58, $0xF;
	v21 =	vadd.f32 $1.000000000e+00, v35  }
0x2f0: {  	v20 =	vbroadcast v20, $0x0  }
0x2f1: {  	(erf) = vrcp.f32 v21  }
0x2f2: {  	(erf) = vpow2.f32 v20;
	_ =	sdelay $0x2  }
0x2f3: {  	s3 =	spop (v2sf)  }
0x2f4: {  	s3 =	sadd.f32 s3, s25;
	_ =	sdelay $0x1  }
0x2f5: {  	v36 =	vmov s3  }
0x2f6: {  	v33 =	vld [tilespmem:s28+$0x5440];
	v37 =	vsub.f32 $0.0e+00, v36  }
0x2f7: {  	v61 =	vld [tilespmem:s28+$0x5410];
	s4 =	spop (v2sf);
	v20 =	vpop (erf)  }
0x2f8: {  	v60 =	vld [tilespmem:s28+$0x5400];
	s5 =	spop (v2sf);
	v21 =	vmul.f32 $1.442695020e+00, v37;
	v38 =	vpop (erf)  }
0x2f9: {  	v62 =	vld [tilespmem:s28+$0x5420];
	s6 =	spop (v2sf);
	v22 =	vadd.f32 $1.000000000e+00, v38  }
0x2fa: {  	s1 =	sshll.u32 s17, $0x4;
	v63 =	vld [tilespmem:s28+$0x5430];
	s30 =	spop (v2sf);
	v21 =	vbroadcast v21, $0x0  }
0x2fb: {  	v19 =	vld.idx.msk [tilespmem:v9+s1+$0xAC80 ss:$0x1], $0xffff;
	s31 =	spop (v2sf);
	(erf) = vrcp.f32 v22  }
0x2fc: {  	v18 =	vld.idx.msk [tilespmem:v9+s1+$0xA000 ss:$0x1], $0xffff;
	(erf) = vpow2.f32 v21;
	_ =	sdelay $0x3  }
0x2fd: {  	s4 =	sadd.f32 s4, s25;
	_ =	sdelay $0x1  }
0x2fe: {  	v39 =	vmov s4  }
0x2ff: {  	v40 =	vsub.f32 $0.0e+00, v39  }
0x300: {  	v21 =	vpop (erf)  }
0x301: {  	v22 =	vmul.f32 $1.442695020e+00, v40;
	v41 =	vpop (erf)  }
0x302: {  	v28 =	vadd.f32 $1.000000000e+00, v41  }
0x303: {  	v22 =	vbroadcast v22, $0x0  }
0x304: {  	(erf) = vrcp.f32 v28  }
0x305: {  	(erf) = vpow2.f32 v22;
	_ =	sdelay $0x3  }
0x306: {  	s5 =	sadd.f32 s5, s25;
	_ =	sdelay $0x1  }
0x307: {  	v42 =	vmov s5  }
0x308: {  	v43 =	vsub.f32 $0.0e+00, v42  }
0x309: {  	v22 =	vpop (erf)  }
0x30a: {  	v28 =	vmul.f32 $1.442695020e+00, v43;
	v44 =	vpop (erf)  }
0x30b: {  	v29 =	vadd.f32 $1.000000000e+00, v44  }
0x30c: {  	v28 =	vbroadcast v28, $0x0  }
0x30d: {  	(erf) = vrcp.f32 v29  }
0x30e: {  	(erf) = vpow2.f32 v28  }
0x30f: {  	v46 =	vld [tilespmem:s28+$0x5460]  }
0x310: {  	v47 =	vld [tilespmem:s28+$0x5470]  }
0x311: {  	v45 =	vld [tilespmem:s28+$0x5450]  }
0x312: {  	v23 =	vmul.f32 v60, v1;
	s6 =	sadd.f32 s6, s25  }
0x313: {  	v24 =	vmul.f32 v61, v2  }
0x314: {  	v25 =	vmul.f32 v62, v3;
	v26 =	vmul.f32 v63, v4;
	v48 =	vmov s6  }
0x315: {  	v31 =	vsub.f32 $0.0e+00, v48;
	v30 =	vmul.f32 v47, v8;
	v29 =	vmul.f32 v46, v7  }
0x316: {  	v27 =	vmul.f32 v33, v5;
	v24 =	vadd.f32 v24, v23;
	v28 =	vmul.f32 v45, v6;
	v23 =	vpop (erf)  }
0x317: {  	v25 =	vadd.f32 v26, v25;
	v31 =	vmul.f32 $1.442695020e+00, v31;
	v50 =	vld [tilespmem:s28+$0x5480];
	v29 =	vadd.f32 v30, v29;
	v51 =	vpop (erf)  }
0x318: {  	v52 =	vld [tilespmem:s28+$0x5490];
	v49 =	vadd.f32 v28, v27;
	v28 =	vadd.f32 $1.000000000e+00, v51  }
0x319: {  	v31 =	vbroadcast v31, $0x0;
	v53 =	vld [tilespmem:s28+$0x54A0]  }
0x31a: {  	v24 =	vadd.f32 v25, v24;
	v55 =	vld [tilespmem:s28+$0x54B0];
	v54 =	vadd.f32 v29, v49;
	(erf) = vrcp.f32 v28  }
0x31b: {  	v56 =	vld [tilespmem:s28+$0x54C0];
	(erf) = vpow2.f32 v31  }
0x31c: {  	v59 =	vld [tilespmem:s28+$0x54F0];
	v24 =	vadd.f32 v54, v24  }
0x31d: {  	v58 =	vld [tilespmem:s28+$0x54E0]  }
0x31e: {  	v57 =	vld [tilespmem:s28+$0x54D0];
	(xrf2) =	vadd.scan.msk.f32 $0xffff, v24  }
0x31f: {  	s1 =	sadd.f32 s30, s25  }
0x320: {  	v60 =	vmul.f32 v53, v3;
	v26 =	vmul.f32 v55, v4  }
0x321: {  	v61 =	vmov s1;
	v62 =	vmul.f32 v59, v8;
	v30 =	vmul.f32 v52, v2  }
0x322: {  	v32 =	vsub.f32 $0.0e+00, v61;
	v27 =	vmul.f32 v50, v1;
	v29 =	vmul.f32 v58, v7  }
0x323: {  	v25 =	vmul.f32 v57, v6;
	v26 =	vadd.f32 v26, v60;
	v28 =	vmul.f32 v56, v5;
	v24 =	vpop (erf)  }
0x324: {  	v37 =	vmul.f32 $1.442695020e+00, v32;
	v63 =	vld [tilespmem:s28+$0x5500];
	v27 =	vadd.f32 v30, v27;
	v29 =	vadd.f32 v62, v29;
	v36 =	vpop (erf)  }
0x325: {  	v38 =	vld [tilespmem:s28+$0x5510];
	v25 =	vadd.f32 v25, v28;
	v30 =	vadd.f32 $1.000000000e+00, v36  }
0x326: {  	v39 =	vld [tilespmem:s28+$0x5520];
	v31 =	vbroadcast v37, $0x0  }
0x327: {  	v40 =	vld [tilespmem:s28+$0x5530];
	v26 =	vadd.f32 v26, v27;
	v25 =	vadd.f32 v29, v25;
	(erf) = vrcp.f32 v30  }
0x328: {  	v42 =	vld [tilespmem:s28+$0x5540];
	v41, _, _ =	vpop (xrf2);
	(erf) = vpow2.f32 v31  }
0x329: {  	v45 =	vld [tilespmem:s28+$0x5570];
	v25 =	vadd.f32 v25, v26;
	(v2sf) =	vpush v41, $0xF  }
0x32a: {  	v44 =	vld [tilespmem:s28+$0x5560]  }
0x32b: {  	v43 =	vld [tilespmem:s28+$0x5550];
	(xrf2) =	vadd.scan.msk.f32 $0xffff, v25  }
0x32c: {  	s0 =	sadd.f32 s31, s25  }
0x32d: {  	v47 =	vmul.f32 v39, v3;
	v46 =	vmul.f32 v38, v2  }
0x32e: {  	v48 =	vmov s0;
	v49 =	vmul.f32 v45, v8;
	v27 =	vmul.f32 v40, v4  }
0x32f: {  	v33 =	vsub.f32 $0.0e+00, v48;
	v28 =	vmul.f32 v63, v1;
	v29 =	vmul.f32 v44, v7  }
0x330: {  	v27 =	vadd.f32 v27, v47;
	v26 =	vmul.f32 v43, v6;
	v30 =	vmul.f32 v42, v5;
	v25 =	vpop (erf)  }
0x331: {  	v53 =	vld [tilespmem:s28+$0x5590];
	v52 =	vmul.f32 $1.442695020e+00, v33;
	v28 =	vadd.f32 v46, v28;
	v29 =	vadd.f32 v49, v29;
	v51 =	vpop (erf)  }
0x332: {  	v55 =	vld [tilespmem:s28+$0x55B0];
	v26 =	vadd.f32 v26, v30;
	v31 =	vadd.f32 $1.000000000e+00, v51  }
0x333: {  	v57 =	vld [tilespmem:s28+$0x55C0];
	v32 =	vbroadcast v52, $0x0  }
0x334: {  	v59 =	vld [tilespmem:s28+$0x55E0];
	v27 =	vadd.f32 v27, v28;
	v26 =	vadd.f32 v29, v26;
	(erf) = vrcp.f32 v31  }
0x335: {  	v54 =	vld [tilespmem:s28+$0x55A0];
	v56, _, _ =	vpop (xrf2);
	(erf) = vpow2.f32 v32  }
0x336: {  	v60 =	vld [tilespmem:s28+$0x55F0];
	(v2sf) =	vpush v56, $0xF;
	v26 =	vadd.f32 v26, v27  }
0x337: {  	v50 =	vld [tilespmem:s28+$0x5580]  }
0x338: {  	v58 =	vld [tilespmem:s28+$0x55D0];
	(xrf2) =	vadd.scan.msk.f32 $0xffff, v26;
	s7 =	spop (v2sf)  }
0x339: {  	s0 =	sadd.f32 s7, s25  }
0x33a: {  	v61 =	vmul.f32 v53, v2;
	v62 =	vmul.f32 v54, v3  }
0x33b: {  	v28 =	vmul.f32 v55, v4;
	v36 =	vmul.f32 v60, v8;
	v63 =	vmov s0  }
0x33c: {  	v30 =	vmul.f32 v50, v1;
	v29 =	vmul.f32 v59, v7;
	v34 =	vsub.f32 $0.0e+00, v63  }
0x33d: {  	v28 =	vadd.f32 v28, v62;
	v27 =	vmul.f32 v58, v6;
	v31 =	vmul.f32 v57, v5;
	v26 =	vpop (erf)  }
0x33e: {  	v45 =	vld [tilespmem:s28+$0x5650];
	v30 =	vadd.f32 v61, v30;
	v29 =	vadd.f32 v36, v29;
	v39 =	vmul.f32 $1.442695020e+00, v34;
	v38 =	vpop (erf)  }
0x33f: {  	v40 =	vld [tilespmem:s28+$0x5610];
	v27 =	vadd.f32 v27, v31;
	v32 =	vadd.f32 $1.000000000e+00, v38  }
0x340: {  	v47 =	vld [tilespmem:s28+$0x5670];
	v33 =	vbroadcast v39, $0x0  }
0x341: {  	v37 =	vld [tilespmem:s28+$0x5600];
	v28 =	vadd.f32 v28, v30;
	v27 =	vadd.f32 v29, v27;
	(erf) = vrcp.f32 v32  }
0x342: {  	v41 =	vld [tilespmem:s28+$0x5620];
	v43, _, _ =	vpop (xrf2);
	(erf) = vpow2.f32 v33  }
0x343: {  	v46 =	vld [tilespmem:s28+$0x5660];
	(v2sf) =	vpush v43, $0xF;
	v27 =	vadd.f32 v27, v28  }
0x344: {  	v42 =	vld [tilespmem:s28+$0x5630]  }
0x345: {  	v44 =	vld [tilespmem:s28+$0x5640];
	s8 =	spop (v2sf);
	(xrf2) =	vadd.scan.msk.f32 $0xffff, v27  }
0x346: {  	s0 =	sadd.f32 s8, s25  }
0x347: {  	v48 =	vmul.f32 v40, v2;
	v49 =	vmul.f32 v41, v3  }
0x348: {  	v30 =	vmul.f32 v46, v7;
	v51 =	vmul.f32 v47, v8;
	v50 =	vmov s0  }
0x349: {  	v31 =	vmul.f32 v37, v1;
	v29 =	vmul.f32 v42, v4;
	v35 =	vsub.f32 $0.0e+00, v50  }
0x34a: {  	v30 =	vadd.f32 v51, v30;
	v28 =	vmul.f32 v45, v6;
	v32 =	vmul.f32 v44, v5;
	v27 =	vpop (erf)  }
0x34b: {  	v52 =	vld [tilespmem:s28+$0x5680];
	v31 =	vadd.f32 v48, v31;
	v29 =	vadd.f32 v29, v49;
	v54 =	vmul.f32 $1.442695020e+00, v35;
	v53 =	vpop (erf)  }
0x34c: {  	v55 =	vld [tilespmem:s28+$0x5690];
	v28 =	vadd.f32 v28, v32;
	v33 =	vadd.f32 $1.000000000e+00, v53  }
0x34d: {  	v62 =	vld [tilespmem:s28+$0x56F0];
	v34 =	vbroadcast v54, $0x0  }
0x34e: {  	v60 =	vld [tilespmem:s28+$0x56D0];
	v29 =	vadd.f32 v29, v31;
	v28 =	vadd.f32 v30, v28;
	(erf) = vrcp.f32 v33  }
0x34f: {  	v56 =	vld [tilespmem:s28+$0x56A0];
	v58, _, _ =	vpop (xrf2);
	(erf) = vpow2.f32 v34  }
0x350: {  	v61 =	vld [tilespmem:s28+$0x56E0];
	(v2sf) =	vpush v58, $0xF;
	v28 =	vadd.f32 v28, v29  }
0x351: {  	v57 =	vld [tilespmem:s28+$0x56B0]  }
0x352: {  	v59 =	vld [tilespmem:s28+$0x56C0];
	s9 =	spop (v2sf);
	(xrf2) =	vadd.scan.msk.f32 $0xffff, v28  }
0x353: {  	s0 =	sadd.f32 s9, s25  }
0x354: {  	v40 =	vmul.f32 v56, v3;
	v63 =	vmul.f32 v55, v2  }
0x355: {  	v42 =	vmul.f32 v62, v8;
	v31 =	vmul.f32 v61, v7;
	v41 =	vmov s0  }
0x356: {  	v32 =	vmul.f32 v52, v1;
	v30 =	vmul.f32 v57, v4;
	v36 =	vsub.f32 $0.0e+00, v41  }
0x357: {  	v31 =	vadd.f32 v42, v31;
	v29 =	vmul.f32 v60, v6;
	v33 =	vmul.f32 v59, v5;
	v28 =	vpop (erf)  }
0x358: {  	v46 =	vld [tilespmem:s28+$0x5710];
	v32 =	vadd.f32 v63, v32;
	v30 =	vadd.f32 v30, v40;
	v45 =	vmul.f32 $1.442695020e+00, v36;
	v44 =	vpop (erf)  }
0x359: {  	v47 =	vld [tilespmem:s28+$0x5720];
	v29 =	vadd.f32 v29, v33;
	v34 =	vadd.f32 $1.000000000e+00, v44  }
0x35a: {  	v51 =	vld [tilespmem:s28+$0x5750];
	v35 =	vbroadcast v45, $0x0  }
0x35b: {  	v48 =	vld [tilespmem:s28+$0x5730];
	v30 =	vadd.f32 v30, v32;
	v29 =	vadd.f32 v31, v29;
	(erf) = vrcp.f32 v34  }
0x35c: {  	v43 =	vld [tilespmem:s28+$0x5700];
	v49, _, _ =	vpop (xrf2);
	(erf) = vpow2.f32 v35  }
0x35d: {  	v52 =	vld [tilespmem:s28+$0x5760];
	(v2sf) =	vpush v49, $0xF;
	v29 =	vadd.f32 v29, v30  }
0x35e: {  	v53 =	vld [tilespmem:s28+$0x5770]  }
0x35f: {  	v50 =	vld [tilespmem:s28+$0x5740];
	s10 =	spop (v2sf);
	(xrf2) =	vadd.scan.msk.f32 $0xffff, v29  }
0x360: {  	s0 =	sadd.f32 s10, s25  }
0x361: {  	v55 =	vmul.f32 v47, v3;
	v54 =	vmul.f32 v46, v2  }
0x362: {  	v32 =	vmul.f32 v52, v7;
	v33 =	vmul.f32 v43, v1;
	v56 =	vmov s0  }
0x363: {  	v31 =	vmul.f32 v48, v4;
	v29 =	vmul.f32 v53, v8;
	v37 =	vsub.f32 $0.0e+00, v56  }
0x364: {  	v33 =	vadd.f32 v54, v33;
	v30 =	vmul.f32 v51, v6;
	v34 =	vmul.f32 v50, v5;
	v35 =	vpop (erf)  }
0x365: {  	v61 =	vld [tilespmem:s28+$0x57B0];
	v31 =	vadd.f32 v31, v55;
	v29 =	vadd.f32 v29, v32;
	v37 =	vmul.f32 $1.442695020e+00, v37;
	v58 =	vpop (erf)  }
0x366: {  	v42 =	vld [tilespmem:s28+$0x57F0];
	v30 =	vadd.f32 v30, v34;
	v36 =	vadd.f32 $1.000000000e+00, v58  }
0x367: {  	v57 =	vld [tilespmem:s28+$0x5780];
	v37 =	vbroadcast v37, $0x0  }
0x368: {  	v60 =	vld [tilespmem:s28+$0x57A0];
	v31 =	vadd.f32 v31, v33;
	v29 =	vadd.f32 v29, v30;
	(erf) = vrcp.f32 v36  }
0x369: {  	v41 =	vld [tilespmem:s28+$0x57E0];
	v62, _, _ =	vpop (xrf2);
	(erf) = vpow2.f32 v37  }
0x36a: {  	v59 =	vld [tilespmem:s28+$0x5790];
	(v2sf) =	vpush v62, $0xF;
	v29 =	vadd.f32 v29, v31  }
0x36b: {  	v63 =	vld [tilespmem:s28+$0x57C0]  }
0x36c: {  	v40 =	vld [tilespmem:s28+$0x57D0];
	s11 =	spop (v2sf);
	(xrf2) =	vadd.scan.msk.f32 $0xffff, v29  }
0x36d: {  	s0 =	sadd.f32 s11, s25  }
0x36e: {  	v43 =	vmul.f32 v60, v3;
	v33 =	vmul.f32 v41, v7  }
0x36f: {  	v32 =	vmul.f32 v59, v2;
	v34 =	vmul.f32 v57, v1;
	v44 =	vmov s0  }
0x370: {  	v30 =	vmul.f32 v61, v4;
	v29 =	vmul.f32 v42, v8;
	v38 =	vsub.f32 $0.0e+00, v44  }
0x371: {  	v32 =	vadd.f32 v32, v34;
	v31 =	vmul.f32 v40, v6;
	v36 =	vmul.f32 v63, v5;
	v45 =	vpop (erf)  }
0x372: {  	v30 =	vadd.f32 v30, v43;
	v29 =	vadd.f32 v29, v33;
	v47 =	vmul.f32 $1.442695020e+00, v38;
	v46 =	vpop (erf)  }
0x373: {  	v31 =	vadd.f32 v31, v36;
	v48 =	vadd.f32 $1.000000000e+00, v46  }
0x374: {  	v49 =	vbroadcast v47, $0x0  }
0x375: {  	v30 =	vadd.f32 v30, v32;
	v29 =	vadd.f32 v29, v31;
	(erf) = vrcp.f32 v48  }
0x376: {  	v50, _, _ =	vpop (xrf2);
	(erf) = vpow2.f32 v49  }
0x377: {  	(v2sf) =	vpush v50, $0xF;
	v29 =	vadd.f32 v29, v30;
	_ =	sdelay $0x1  }
0x378: {  	s12 =	spop (v2sf);
	(xrf2) =	vadd.scan.msk.f32 $0xffff, v29  }
0x379: {  	s0 =	sadd.f32 s12, s25;
	_ =	sdelay $0x1  }
0x37a: {  	v51 =	vmov s0  }
0x37b: {  	v29 =	vsub.f32 $0.0e+00, v51  }
0x37c: {  	v52 =	vpop (erf)  }
0x37d: {  	v29 =	vmul.f32 $1.442695020e+00, v29;
	v53 =	vpop (erf)  }
0x37e: {  	v31 =	vadd.f32 $1.000000000e+00, v53  }
0x37f: {  	v29 =	vbroadcast v29, $0x0  }
0x380: {  	(erf) = vrcp.f32 v31  }
0x381: {  	v54, _, _ =	vpop (xrf2);
	(erf) = vpow2.f32 v29  }
0x382: {  	(v2sf) =	vpush v54, $0xF;
	_ =	sdelay $0x1  }
0x383: {  	s13 =	spop (v2sf)  }
0x384: {  	s0 =	sadd.f32 s13, s25;
	_ =	sdelay $0x1  }
0x385: {  	v55 =	vmov s0  }
0x386: {  	v29 =	vsub.f32 $0.0e+00, v55  }
0x387: {  	v56 =	vpop (erf)  }
0x388: {  	v29 =	vmul.f32 $1.442695020e+00, v29;
	v57 =	vpop (erf)  }
0x389: {  	v32 =	vadd.f32 $1.000000000e+00, v57  }
0x38a: {  	v29 =	vbroadcast v29, $0x0  }
0x38b: {  	(erf) = vrcp.f32 v32  }
0x38c: {  	(erf) = vpow2.f32 v29;
	_ =	sdelay $0x2  }
0x38d: {  	s14 =	spop (v2sf)  }
0x38e: {  	s0 =	sadd.f32 s14, s25  }
0x38f: {  	(v2sf) =	vpush v20, $0x0  }
0x390: {  	(v2sf) =	vpush v19, $0x0;
	v58 =	vmov s0  }
0x391: {  	(v2sf) =	vpush v21, $0x0;
	v20 =	vsub.f32 $0.0e+00, v58  }
0x392: {  	(v2sf) =	vpush v19, $0x1;
	v59 =	vpop (erf)  }
0x393: {  	(v2sf) =	vpush v22, $0x0;
	v20 =	vmul.f32 $1.442695020e+00, v20;
	v60 =	vpop (erf)  }
0x394: {  	(v2sf) =	vpush v19, $0x2;
	v22 =	vadd.f32 $1.000000000e+00, v60  }
0x395: {  	(v2sf) =	vpush v23, $0x0;
	v20 =	vbroadcast v20, $0x0  }
0x396: {  	(v2sf) =	vpush v19, $0x3;
	(erf) = vrcp.f32 v22  }
0x397: {  	(v2sf) =	vpush v24, $0x0;
	(erf) = vpow2.f32 v20  }
0x398: {  	(v2sf) =	vpush v19, $0x4  }
0x399: {  	(v2sf) =	vpush v25, $0x0  }
0x39a: {  	(v2sf) =	vpush v19, $0x5  }
0x39b: {  	(v2sf) =	vpush v26, $0x0  }
0x39c: {  	(v2sf) =	vpush v19, $0x6  }
0x39d: {  	(v2sf) =	vpush v27, $0x0  }
0x39e: {  	s3 =	spop (v2sf);
	(v2sf) =	vpush v19, $0x7  }
0x39f: {  	s29 =	spop (v2sf);
	(v2sf) =	vpush v28, $0x0;
	v61 =	vpop (erf)  }
0x3a0: {  	s0 =	spop (v2sf);
	(v2sf) =	vpush v19, $0x8;
	v62 =	vpop (erf)  }
0x3a1: {  	s26 =	spop (v2sf);
	(v2sf) =	vpush v35, $0x0;
	v22 =	vadd.f32 $1.000000000e+00, v62  }
0x3a2: {  	s31 =	spop (v2sf);
	(v2sf) =	vpush v19, $0x9  }
0x3a3: {  	s24 =	spop (v2sf);
	(v2sf) =	vpush v45, $0x0;
	(erf) = vrcp.f32 v22  }
0x3a4: {  	s7 =	spop (v2sf);
	(v2sf) =	vpush v19, $0xA  }
0x3a5: {  	s30 =	spop (v2sf);
	(v2sf) =	vpush v52, $0x0  }
0x3a6: {  	s20 =	spop (v2sf);
	(v2sf) =	vpush v19, $0xB  }
0x3a7: {  	s6 =	spop (v2sf);
	(v2sf) =	vpush v56, $0x0  }
0x3a8: {  	s21 =	spop (v2sf);
	(v2sf) =	vpush v19, $0xC  }
0x3a9: {  	s1 =	spop (v2sf);
	(v2sf) =	vpush v59, $0x0  }
0x3aa: {  	s23 =	spop (v2sf);
	(v2sf) =	vpush v19, $0xD  }
0x3ab: {  	s16 =	spop (v2sf);
	(v2sf) =	vpush v61, $0x0  }
0x3ac: {  	s14 =	spop (v2sf);
	(v2sf) =	vpush v19, $0xE;
	v63 =	vpop (erf)  }
0x3ad: {  	v18 =	vshll.u32 v18, $0x9;
	s5 =	spop (v2sf);
	(v2sf) =	vpush v63, $0x0  }
0x3ae: {  	v18 =	vshra.s32 v18, $0x2;
	s12 =	spop (v2sf);
	(v2sf) =	vpush v19, $0xF  }
0x3af: {  	s13 =	spop (v2sf);
	(v2sf) =	vpush v18, $0x0  }
0x3b0: {  	s10 =	spop (v2sf)  }
0x3b1: {  	s11 =	spop (v2sf)  }
0x3b2: {  	s8 =	spop (v2sf)  }
0x3b3: {  	s9 =	spop (v2sf)  }
0x3b4: {  	s19 =	spop (v2sf)  }
0x3b5: {  	s22 =	spop (v2sf)  }
0x3b6: {  	s2 =	spop (v2sf)  }
0x3b7: {  	s18 =	spop (v2sf)  }
0x3b8: {  	s15 =	spop (v2sf)  }
0x3b9: {  	s4 =	spop (v2sf)  }
0x3ba: {  	[dreg:$0x1a] =	wrdreg s15;
	s15 =	spop (v2sf)  }
0x3bb: {  	s29 =	smul.f32 s3, s29;
	s3 =	spop (v2sf)  }
0x3bc: {  	[dreg:$0x18] =	wrdreg s15;
	s15 =	spop (v2sf)  }
0x3bd: {  	v17 =	vmul.f32 s29, v17;
	[dreg:$0x14] =	wrdreg s15;
	s15 =	spop (v2sf)  }
0x3be: {  	v16 =	vmul.f32 s29, v16;
	[dreg:$0x16] =	wrdreg s15;
	s15 =	spop (v2sf)  }
0x3bf: {  	v15 =	vmul.f32 s29, v15;
	(v2sf) =	vpush v18, $0x1;
	[tilespmem:s15+$0xB900] =	vst.add.f32.msk $0xffff, v17  }
0x3c0: {  	v14 =	vmul.f32 s29, v14;
	[tilespmem:s15+$0xB910] =	vst.add.f32.msk $0xffff, v16  }
0x3c1: {  	v13 =	vmul.f32 s29, v13;
	[tilespmem:s15+$0xB920] =	vst.add.f32.msk $0xffff, v15  }
0x3c2: {  	v12 =	vmul.f32 s29, v12;
	[tilespmem:s15+$0xB930] =	vst.add.f32.msk $0xffff, v14  }
0x3c3: {  	v11 =	vmul.f32 s29, v11;
	[tilespmem:s15+$0xB940] =	vst.add.f32.msk $0xffff, v13  }
0x3c4: {  	v10 =	vmul.f32 s29, v10;
	[tilespmem:s15+$0xB950] =	vst.add.f32.msk $0xffff, v12  }
0x3c5: {  	[tilespmem:s15+$0xB960] =	vst.add.f32.msk $0xffff, v11  }
0x3c6: {  	[tilespmem:s15+$0xB970] =	vst.add.f32.msk $0xffff, v10  }
0x3c7: {  	v10 =	vld [tilespmem:s28+$0x5080]  }
0x3c8: {  	v11 =	vld [tilespmem:s28+$0x5090]  }
0x3c9: {  	v12 =	vld [tilespmem:s28+$0x50A0]  }
0x3ca: {  	v13 =	vld [tilespmem:s28+$0x50B0]  }
0x3cb: {  	s0 =	smul.f32 s0, s26;
	v15 =	vld [tilespmem:s28+$0x50D0]  }
0x3cc: {  	v14 =	vld [tilespmem:s28+$0x50C0]  }
0x3cd: {  	v16 =	vld [tilespmem:s28+$0x50E0];
	v10 =	vmul.f32 s0, v10  }
0x3ce: {  	v17 =	vld [tilespmem:s28+$0x50F0];
	v11 =	vmul.f32 s0, v11;
	s26 =	spop (v2sf)  }
0x3cf: {  	v12 =	vmul.f32 s0, v12;
	(v2sf) =	vpush v18, $0x2;
	[tilespmem:s26+$0xB900] =	vst.add.f32.msk $0xffff, v10  }
0x3d0: {  	v23 =	vmul.f32 s0, v15;
	[tilespmem:s26+$0xB910] =	vst.add.f32.msk $0xffff, v11  }
0x3d1: {  	v10 =	vmul.f32 s0, v13;
	[tilespmem:s26+$0xB920] =	vst.add.f32.msk $0xffff, v12  }
0x3d2: {  	v11 =	vmul.f32 s0, v14;
	[tilespmem:s26+$0xB950] =	vst.add.f32.msk $0xffff, v23  }
0x3d3: {  	[tilespmem:s26+$0xB930] =	vst.add.f32.msk $0xffff, v10;
	v10 =	vmul.f32 s0, v16  }
0x3d4: {  	[tilespmem:s26+$0xB940] =	vst.add.f32.msk $0xffff, v11;
	v11 =	vmul.f32 s0, v17  }
0x3d5: {  	[tilespmem:s26+$0xB960] =	vst.add.f32.msk $0xffff, v10  }
0x3d6: {  	[tilespmem:s26+$0xB970] =	vst.add.f32.msk $0xffff, v11  }
0x3d7: {  	v10 =	vld [tilespmem:s28+$0x5100]  }
0x3d8: {  	v11 =	vld [tilespmem:s28+$0x5110]  }
0x3d9: {  	v12 =	vld [tilespmem:s28+$0x5120]  }
0x3da: {  	v24 =	vld [tilespmem:s28+$0x5130]  }
0x3db: {  	s29 =	smul.f32 s31, s24;
	v26 =	vld [tilespmem:s28+$0x5150]  }
0x3dc: {  	v25 =	vld [tilespmem:s28+$0x5140]  }
0x3dd: {  	v27 =	vld [tilespmem:s28+$0x5160];
	v10 =	vmul.f32 s29, v10  }
0x3de: {  	v28 =	vld [tilespmem:s28+$0x5170];
	v11 =	vmul.f32 s29, v11;
	s31 =	spop (v2sf)  }
0x3df: {  	v12 =	vmul.f32 s29, v12;
	(v2sf) =	vpush v18, $0x3;
	[tilespmem:s31+$0xB900] =	vst.add.f32.msk $0xffff, v10  }
0x3e0: {  	v29 =	vmul.f32 s29, v26;
	[tilespmem:s31+$0xB910] =	vst.add.f32.msk $0xffff, v11  }
0x3e1: {  	v10 =	vmul.f32 s29, v24;
	[tilespmem:s31+$0xB920] =	vst.add.f32.msk $0xffff, v12  }
0x3e2: {  	v11 =	vmul.f32 s29, v25;
	[tilespmem:s31+$0xB950] =	vst.add.f32.msk $0xffff, v29  }
0x3e3: {  	[tilespmem:s31+$0xB930] =	vst.add.f32.msk $0xffff, v10;
	v10 =	vmul.f32 s29, v27  }
0x3e4: {  	[tilespmem:s31+$0xB940] =	vst.add.f32.msk $0xffff, v11;
	v11 =	vmul.f32 s29, v28  }
0x3e5: {  	[tilespmem:s31+$0xB960] =	vst.add.f32.msk $0xffff, v10  }
0x3e6: {  	[tilespmem:s31+$0xB970] =	vst.add.f32.msk $0xffff, v11  }
0x3e7: {  	v10 =	vld [tilespmem:s28+$0x5180]  }
0x3e8: {  	v11 =	vld [tilespmem:s28+$0x5190]  }
0x3e9: {  	v12 =	vld [tilespmem:s28+$0x51A0]  }
0x3ea: {  	v30 =	vld [tilespmem:s28+$0x51B0]  }
0x3eb: {  	s7 =	smul.f32 s7, s30;
	v32 =	vld [tilespmem:s28+$0x51D0]  }
0x3ec: {  	v31 =	vld [tilespmem:s28+$0x51C0]  }
0x3ed: {  	v33 =	vld [tilespmem:s28+$0x51E0];
	v10 =	vmul.f32 s7, v10  }
0x3ee: {  	v34 =	vld [tilespmem:s28+$0x51F0];
	v11 =	vmul.f32 s7, v11;
	s15 =	spop (v2sf)  }
0x3ef: {  	v12 =	vmul.f32 s7, v12;
	(v2sf) =	vpush v18, $0x4;
	[tilespmem:s15+$0xB900] =	vst.add.f32.msk $0xffff, v10  }
0x3f0: {  	v35 =	vmul.f32 s7, v32;
	[tilespmem:s15+$0xB910] =	vst.add.f32.msk $0xffff, v11  }
0x3f1: {  	v10 =	vmul.f32 s7, v30;
	[tilespmem:s15+$0xB920] =	vst.add.f32.msk $0xffff, v12  }
0x3f2: {  	v11 =	vmul.f32 s7, v31;
	[tilespmem:s15+$0xB950] =	vst.add.f32.msk $0xffff, v35  }
0x3f3: {  	[tilespmem:s15+$0xB930] =	vst.add.f32.msk $0xffff, v10;
	v10 =	vmul.f32 s7, v33  }
0x3f4: {  	[tilespmem:s15+$0xB940] =	vst.add.f32.msk $0xffff, v11;
	v11 =	vmul.f32 s7, v34  }
0x3f5: {  	[tilespmem:s15+$0xB960] =	vst.add.f32.msk $0xffff, v10  }
0x3f6: {  	[tilespmem:s15+$0xB970] =	vst.add.f32.msk $0xffff, v11  }
0x3f7: {  	v10 =	vld [tilespmem:s28+$0x5200]  }
0x3f8: {  	v11 =	vld [tilespmem:s28+$0x5210]  }
0x3f9: {  	v12 =	vld [tilespmem:s28+$0x5220]  }
0x3fa: {  	v36 =	vld [tilespmem:s28+$0x5230]  }
0x3fb: {  	s20 =	smul.f32 s20, s6;
	v38 =	vld [tilespmem:s28+$0x5250]  }
0x3fc: {  	v37 =	vld [tilespmem:s28+$0x5240]  }
0x3fd: {  	v39 =	vld [tilespmem:s28+$0x5260];
	v10 =	vmul.f32 s20, v10  }
0x3fe: {  	v40 =	vld [tilespmem:s28+$0x5270];
	v11 =	vmul.f32 s20, v11;
	s24 =	spop (v2sf)  }
0x3ff: {  	v12 =	vmul.f32 s20, v12;
	(v2sf) =	vpush v18, $0x5;
	[tilespmem:s24+$0xB900] =	vst.add.f32.msk $0xffff, v10  }
0x400: {  	v41 =	vmul.f32 s20, v38;
	[tilespmem:s24+$0xB910] =	vst.add.f32.msk $0xffff, v11  }
0x401: {  	v10 =	vmul.f32 s20, v36;
	[tilespmem:s24+$0xB920] =	vst.add.f32.msk $0xffff, v12  }
0x402: {  	v11 =	vmul.f32 s20, v37;
	[tilespmem:s24+$0xB950] =	vst.add.f32.msk $0xffff, v41  }
0x403: {  	[tilespmem:s24+$0xB930] =	vst.add.f32.msk $0xffff, v10;
	v10 =	vmul.f32 s20, v39  }
0x404: {  	[tilespmem:s24+$0xB940] =	vst.add.f32.msk $0xffff, v11;
	v11 =	vmul.f32 s20, v40  }
0x405: {  	[tilespmem:s24+$0xB960] =	vst.add.f32.msk $0xffff, v10  }
0x406: {  	[tilespmem:s24+$0xB970] =	vst.add.f32.msk $0xffff, v11  }
0x407: {  	v10 =	vld [tilespmem:s28+$0x5280]  }
0x408: {  	v11 =	vld [tilespmem:s28+$0x5290]  }
0x409: {  	v12 =	vld [tilespmem:s28+$0x52A0]  }
0x40a: {  	v42 =	vld [tilespmem:s28+$0x52B0]  }
0x40b: {  	s26 =	smul.f32 s21, s1;
	v44 =	vld [tilespmem:s28+$0x52D0]  }
0x40c: {  	v43 =	vld [tilespmem:s28+$0x52C0]  }
0x40d: {  	v45 =	vld [tilespmem:s28+$0x52E0];
	v10 =	vmul.f32 s26, v10  }
0x40e: {  	v46 =	vld [tilespmem:s28+$0x52F0];
	v11 =	vmul.f32 s26, v11;
	s29 =	spop (v2sf)  }
0x40f: {  	v12 =	vmul.f32 s26, v12;
	(v2sf) =	vpush v18, $0x6;
	[tilespmem:s29+$0xB900] =	vst.add.f32.msk $0xffff, v10  }
0x410: {  	v47 =	vmul.f32 s26, v44;
	[tilespmem:s29+$0xB910] =	vst.add.f32.msk $0xffff, v11  }
0x411: {  	v10 =	vmul.f32 s26, v42;
	[tilespmem:s29+$0xB920] =	vst.add.f32.msk $0xffff, v12  }
0x412: {  	v11 =	vmul.f32 s26, v43;
	[tilespmem:s29+$0xB950] =	vst.add.f32.msk $0xffff, v47  }
0x413: {  	[tilespmem:s29+$0xB930] =	vst.add.f32.msk $0xffff, v10;
	v10 =	vmul.f32 s26, v45  }
0x414: {  	[tilespmem:s29+$0xB940] =	vst.add.f32.msk $0xffff, v11;
	v11 =	vmul.f32 s26, v46  }
0x415: {  	[tilespmem:s29+$0xB960] =	vst.add.f32.msk $0xffff, v10  }
0x416: {  	[tilespmem:s29+$0xB970] =	vst.add.f32.msk $0xffff, v11  }
0x417: {  	v10 =	vld [tilespmem:s28+$0x5300]  }
0x418: {  	v11 =	vld [tilespmem:s28+$0x5310]  }
0x419: {  	v12 =	vld [tilespmem:s28+$0x5320]  }
0x41a: {  	v48 =	vld [tilespmem:s28+$0x5330]  }
0x41b: {  	s30 =	smul.f32 s23, s16;
	v50 =	vld [tilespmem:s28+$0x5350]  }
0x41c: {  	v49 =	vld [tilespmem:s28+$0x5340]  }
0x41d: {  	v51 =	vld [tilespmem:s28+$0x5360];
	v10 =	vmul.f32 s30, v10  }
0x41e: {  	v52 =	vld [tilespmem:s28+$0x5370];
	v11 =	vmul.f32 s30, v11;
	s31 =	spop (v2sf)  }
0x41f: {  	v12 =	vmul.f32 s30, v12;
	(v2sf) =	vpush v18, $0x7;
	[tilespmem:s31+$0xB900] =	vst.add.f32.msk $0xffff, v10  }
0x420: {  	v53 =	vmul.f32 s30, v50;
	[tilespmem:s31+$0xB910] =	vst.add.f32.msk $0xffff, v11  }
0x421: {  	v10 =	vmul.f32 s30, v48;
	[tilespmem:s31+$0xB920] =	vst.add.f32.msk $0xffff, v12  }
0x422: {  	v11 =	vmul.f32 s30, v49;
	[tilespmem:s31+$0xB950] =	vst.add.f32.msk $0xffff, v53  }
0x423: {  	[tilespmem:s31+$0xB930] =	vst.add.f32.msk $0xffff, v10;
	v10 =	vmul.f32 s30, v51  }
0x424: {  	[tilespmem:s31+$0xB940] =	vst.add.f32.msk $0xffff, v11;
	v11 =	vmul.f32 s30, v52  }
0x425: {  	[tilespmem:s31+$0xB960] =	vst.add.f32.msk $0xffff, v10  }
0x426: {  	[tilespmem:s31+$0xB970] =	vst.add.f32.msk $0xffff, v11  }
0x427: {  	v10 =	vld [tilespmem:s28+$0x5380]  }
0x428: {  	v11 =	vld [tilespmem:s28+$0x5390]  }
0x429: {  	v12 =	vld [tilespmem:s28+$0x53A0]  }
0x42a: {  	v54 =	vld [tilespmem:s28+$0x53B0]  }
0x42b: {  	s1 =	smul.f32 s14, s5;
	v56 =	vld [tilespmem:s28+$0x53D0]  }
0x42c: {  	v55 =	vld [tilespmem:s28+$0x53C0]  }
0x42d: {  	v57 =	vld [tilespmem:s28+$0x53E0];
	v10 =	vmul.f32 s1, v10  }
0x42e: {  	v58 =	vld [tilespmem:s28+$0x53F0];
	v11 =	vmul.f32 s1, v11;
	s5 =	spop (v2sf)  }
0x42f: {  	v12 =	vmul.f32 s1, v12;
	(v2sf) =	vpush v18, $0x8;
	[tilespmem:s5+$0xB900] =	vst.add.f32.msk $0xffff, v10  }
0x430: {  	v59 =	vmul.f32 s1, v56;
	[tilespmem:s5+$0xB910] =	vst.add.f32.msk $0xffff, v11  }
0x431: {  	v10 =	vmul.f32 s1, v54;
	[tilespmem:s5+$0xB920] =	vst.add.f32.msk $0xffff, v12  }
0x432: {  	v11 =	vmul.f32 s1, v55;
	[tilespmem:s5+$0xB950] =	vst.add.f32.msk $0xffff, v59  }
0x433: {  	[tilespmem:s5+$0xB930] =	vst.add.f32.msk $0xffff, v10;
	v10 =	vmul.f32 s1, v57  }
0x434: {  	[tilespmem:s5+$0xB940] =	vst.add.f32.msk $0xffff, v11;
	v11 =	vmul.f32 s1, v58  }
0x435: {  	[tilespmem:s5+$0xB960] =	vst.add.f32.msk $0xffff, v10  }
0x436: {  	[tilespmem:s5+$0xB970] =	vst.add.f32.msk $0xffff, v11  }
0x437: {  	v10 =	vld [tilespmem:s28+$0x5400]  }
0x438: {  	v11 =	vld [tilespmem:s28+$0x5410]  }
0x439: {  	v12 =	vld [tilespmem:s28+$0x5420]  }
0x43a: {  	v60 =	vld [tilespmem:s28+$0x5430]  }
0x43b: {  	s6 =	smul.f32 s12, s13;
	v62 =	vld [tilespmem:s28+$0x5450]  }
0x43c: {  	v61 =	vld [tilespmem:s28+$0x5440]  }
0x43d: {  	v63 =	vld [tilespmem:s28+$0x5460];
	v10 =	vmul.f32 s6, v10  }
0x43e: {  	v20 =	vld [tilespmem:s28+$0x5470];
	v11 =	vmul.f32 s6, v11;
	s7 =	spop (v2sf)  }
0x43f: {  	v12 =	vmul.f32 s6, v12;
	(v2sf) =	vpush v18, $0x9;
	[tilespmem:s7+$0xB900] =	vst.add.f32.msk $0xffff, v10  }
0x440: {  	v21 =	vmul.f32 s6, v62;
	[tilespmem:s7+$0xB910] =	vst.add.f32.msk $0xffff, v11  }
0x441: {  	v10 =	vmul.f32 s6, v60;
	[tilespmem:s7+$0xB920] =	vst.add.f32.msk $0xffff, v12  }
0x442: {  	v11 =	vmul.f32 s6, v61;
	[tilespmem:s7+$0xB950] =	vst.add.f32.msk $0xffff, v21  }
0x443: {  	[tilespmem:s7+$0xB930] =	vst.add.f32.msk $0xffff, v10;
	v10 =	vmul.f32 s6, v63  }
0x444: {  	[tilespmem:s7+$0xB940] =	vst.add.f32.msk $0xffff, v11;
	v11 =	vmul.f32 s6, v20  }
0x445: {  	[tilespmem:s7+$0xB960] =	vst.add.f32.msk $0xffff, v10  }
0x446: {  	[tilespmem:s7+$0xB970] =	vst.add.f32.msk $0xffff, v11  }
0x447: {  	v10 =	vld [tilespmem:s28+$0x5480]  }
0x448: {  	v11 =	vld [tilespmem:s28+$0x5490]  }
0x449: {  	v12 =	vld [tilespmem:s28+$0x54A0]  }
0x44a: {  	v22 =	vld [tilespmem:s28+$0x54B0]  }
0x44b: {  	s12 =	smul.f32 s10, s11;
	v24 =	vld [tilespmem:s28+$0x54D0]  }
0x44c: {  	v23 =	vld [tilespmem:s28+$0x54C0]  }
0x44d: {  	v25 =	vld [tilespmem:s28+$0x54E0];
	v10 =	vmul.f32 s12, v10  }
0x44e: {  	v26 =	vld [tilespmem:s28+$0x54F0];
	v11 =	vmul.f32 s12, v11;
	s13 =	spop (v2sf)  }
0x44f: {  	v12 =	vmul.f32 s12, v12;
	(v2sf) =	vpush v18, $0xA;
	[tilespmem:s13+$0xB900] =	vst.add.f32.msk $0xffff, v10  }
0x450: {  	v27 =	vmul.f32 s12, v24;
	[tilespmem:s13+$0xB910] =	vst.add.f32.msk $0xffff, v11  }
0x451: {  	v10 =	vmul.f32 s12, v22;
	[tilespmem:s13+$0xB920] =	vst.add.f32.msk $0xffff, v12  }
0x452: {  	v11 =	vmul.f32 s12, v23;
	[tilespmem:s13+$0xB950] =	vst.add.f32.msk $0xffff, v27  }
0x453: {  	[tilespmem:s13+$0xB930] =	vst.add.f32.msk $0xffff, v10;
	v10 =	vmul.f32 s12, v25  }
0x454: {  	[tilespmem:s13+$0xB940] =	vst.add.f32.msk $0xffff, v11;
	v11 =	vmul.f32 s12, v26  }
0x455: {  	[tilespmem:s13+$0xB960] =	vst.add.f32.msk $0xffff, v10  }
0x456: {  	[tilespmem:s13+$0xB970] =	vst.add.f32.msk $0xffff, v11  }
0x457: {  	v10 =	vld [tilespmem:s28+$0x5500]  }
0x458: {  	v11 =	vld [tilespmem:s28+$0x5510]  }
0x459: {  	v12 =	vld [tilespmem:s28+$0x5520]  }
0x45a: {  	v28 =	vld [tilespmem:s28+$0x5530]  }
0x45b: {  	s14 =	smul.f32 s8, s9;
	v30 =	vld [tilespmem:s28+$0x5550]  }
0x45c: {  	v29 =	vld [tilespmem:s28+$0x5540]  }
0x45d: {  	v31 =	vld [tilespmem:s28+$0x5560];
	v10 =	vmul.f32 s14, v10  }
0x45e: {  	v32 =	vld [tilespmem:s28+$0x5570];
	v11 =	vmul.f32 s14, v11;
	s15 =	spop (v2sf)  }
0x45f: {  	v12 =	vmul.f32 s14, v12;
	(v2sf) =	vpush v18, $0xB;
	[tilespmem:s15+$0xB900] =	vst.add.f32.msk $0xffff, v10  }
0x460: {  	v33 =	vmul.f32 s14, v30;
	[tilespmem:s15+$0xB910] =	vst.add.f32.msk $0xffff, v11  }
0x461: {  	v10 =	vmul.f32 s14, v28;
	[tilespmem:s15+$0xB920] =	vst.add.f32.msk $0xffff, v12  }
0x462: {  	v11 =	vmul.f32 s14, v29;
	[tilespmem:s15+$0xB950] =	vst.add.f32.msk $0xffff, v33  }
0x463: {  	[tilespmem:s15+$0xB930] =	vst.add.f32.msk $0xffff, v10;
	v10 =	vmul.f32 s14, v31  }
0x464: {  	[tilespmem:s15+$0xB940] =	vst.add.f32.msk $0xffff, v11;
	v11 =	vmul.f32 s14, v32  }
0x465: {  	[tilespmem:s15+$0xB960] =	vst.add.f32.msk $0xffff, v10  }
0x466: {  	[tilespmem:s15+$0xB970] =	vst.add.f32.msk $0xffff, v11  }
0x467: {  	v10 =	vld [tilespmem:s28+$0x5580]  }
0x468: {  	v11 =	vld [tilespmem:s28+$0x5590]  }
0x469: {  	v12 =	vld [tilespmem:s28+$0x55A0]  }
0x46a: {  	v34 =	vld [tilespmem:s28+$0x55B0]  }
0x46b: {  	s16 =	smul.f32 s19, s22;
	v36 =	vld [tilespmem:s28+$0x55D0]  }
0x46c: {  	v35 =	vld [tilespmem:s28+$0x55C0]  }
0x46d: {  	v37 =	vld [tilespmem:s28+$0x55E0];
	v10 =	vmul.f32 s16, v10  }
0x46e: {  	v38 =	vld [tilespmem:s28+$0x55F0];
	v11 =	vmul.f32 s16, v11;
	s19 =	spop (v2sf)  }
0x46f: {  	v12 =	vmul.f32 s16, v12;
	(v2sf) =	vpush v18, $0xC;
	[tilespmem:s19+$0xB900] =	vst.add.f32.msk $0xffff, v10  }
0x470: {  	v39 =	vmul.f32 s16, v36;
	[tilespmem:s19+$0xB910] =	vst.add.f32.msk $0xffff, v11  }
0x471: {  	v10 =	vmul.f32 s16, v34;
	[tilespmem:s19+$0xB920] =	vst.add.f32.msk $0xffff, v12  }
0x472: {  	v11 =	vmul.f32 s16, v35;
	[tilespmem:s19+$0xB950] =	vst.add.f32.msk $0xffff, v39  }
0x473: {  	[tilespmem:s19+$0xB930] =	vst.add.f32.msk $0xffff, v10;
	v10 =	vmul.f32 s16, v37  }
0x474: {  	[tilespmem:s19+$0xB940] =	vst.add.f32.msk $0xffff, v11;
	v11 =	vmul.f32 s16, v38  }
0x475: {  	[tilespmem:s19+$0xB960] =	vst.add.f32.msk $0xffff, v10  }
0x476: {  	[tilespmem:s19+$0xB970] =	vst.add.f32.msk $0xffff, v11  }
0x477: {  	v10 =	vld [tilespmem:s28+$0x5600]  }
0x478: {  	v11 =	vld [tilespmem:s28+$0x5610]  }
0x479: {  	v12 =	vld [tilespmem:s28+$0x5620]  }
0x47a: {  	v40 =	vld [tilespmem:s28+$0x5630]  }
0x47b: {  	s20 =	smul.f32 s2, s18;
	v42 =	vld [tilespmem:s28+$0x5650]  }
0x47c: {  	v41 =	vld [tilespmem:s28+$0x5640]  }
0x47d: {  	v43 =	vld [tilespmem:s28+$0x5660];
	v10 =	vmul.f32 s20, v10  }
0x47e: {  	v44 =	vld [tilespmem:s28+$0x5670];
	v11 =	vmul.f32 s20, v11;
	s21 =	spop (v2sf)  }
0x47f: {  	v12 =	vmul.f32 s20, v12;
	(v2sf) =	vpush v18, $0xD;
	[tilespmem:s21+$0xB900] =	vst.add.f32.msk $0xffff, v10  }
0x480: {  	v45 =	vmul.f32 s20, v42;
	[tilespmem:s21+$0xB910] =	vst.add.f32.msk $0xffff, v11  }
0x481: {  	v10 =	vmul.f32 s20, v40;
	[tilespmem:s21+$0xB920] =	vst.add.f32.msk $0xffff, v12  }
0x482: {  	v11 =	vmul.f32 s20, v41;
	[tilespmem:s21+$0xB950] =	vst.add.f32.msk $0xffff, v45  }
0x483: {  	[tilespmem:s21+$0xB930] =	vst.add.f32.msk $0xffff, v10;
	v10 =	vmul.f32 s20, v43  }
0x484: {  	[tilespmem:s21+$0xB940] =	vst.add.f32.msk $0xffff, v11;
	v11 =	vmul.f32 s20, v44  }
0x485: {  	[tilespmem:s21+$0xB960] =	vst.add.f32.msk $0xffff, v10  }
0x486: {  	[tilespmem:s21+$0xB970] =	vst.add.f32.msk $0xffff, v11  }
0x487: {  	v10 =	vld [tilespmem:s28+$0x5680]  }
0x488: {  	v11 =	vld [tilespmem:s28+$0x5690]  }
0x489: {  	v12 =	vld [tilespmem:s28+$0x56A0]  }
0x48a: {  	s22 =	rddreg [dreg:$0x1a];
	v46 =	vld [tilespmem:s28+$0x56B0]  }
0x48b: {  	s0 =	smul.f32 s22, s4;
	v48 =	vld [tilespmem:s28+$0x56D0]  }
0x48c: {  	v47 =	vld [tilespmem:s28+$0x56C0]  }
0x48d: {  	v49 =	vld [tilespmem:s28+$0x56E0];
	v10 =	vmul.f32 s0, v10  }
0x48e: {  	v50 =	vld [tilespmem:s28+$0x56F0];
	v11 =	vmul.f32 s0, v11;
	s23 =	spop (v2sf)  }
0x48f: {  	v12 =	vmul.f32 s0, v12;
	(v2sf) =	vpush v18, $0xE;
	[tilespmem:s23+$0xB900] =	vst.add.f32.msk $0xffff, v10  }
0x490: {  	v51 =	vmul.f32 s0, v48;
	[tilespmem:s23+$0xB910] =	vst.add.f32.msk $0xffff, v11  }
0x491: {  	v10 =	vmul.f32 s0, v46;
	[tilespmem:s23+$0xB920] =	vst.add.f32.msk $0xffff, v12  }
0x492: {  	v11 =	vmul.f32 s0, v47;
	[tilespmem:s23+$0xB950] =	vst.add.f32.msk $0xffff, v51  }
0x493: {  	[tilespmem:s23+$0xB930] =	vst.add.f32.msk $0xffff, v10;
	v10 =	vmul.f32 s0, v49  }
0x494: {  	[tilespmem:s23+$0xB940] =	vst.add.f32.msk $0xffff, v11;
	v11 =	vmul.f32 s0, v50  }
0x495: {  	[tilespmem:s23+$0xB960] =	vst.add.f32.msk $0xffff, v10  }
0x496: {  	[tilespmem:s23+$0xB970] =	vst.add.f32.msk $0xffff, v11  }
0x497: {  	v10 =	vld [tilespmem:s28+$0x5700]  }
0x498: {  	v11 =	vld [tilespmem:s28+$0x5710]  }
0x499: {  	v12 =	vld [tilespmem:s28+$0x5720]  }
0x49a: {  	s24 =	rddreg [dreg:$0x18];
	v52 =	vld [tilespmem:s28+$0x5730]  }
0x49b: {  	s0 =	smul.f32 s24, s3;
	v54 =	vld [tilespmem:s28+$0x5750]  }
0x49c: {  	v53 =	vld [tilespmem:s28+$0x5740]  }
0x49d: {  	v55 =	vld [tilespmem:s28+$0x5760];
	v10 =	vmul.f32 s0, v10  }
0x49e: {  	v56 =	vld [tilespmem:s28+$0x5770];
	v11 =	vmul.f32 s0, v11;
	s26 =	spop (v2sf)  }
0x49f: {  	v12 =	vmul.f32 s0, v12;
	(v2sf) =	vpush v18, $0xF;
	[tilespmem:s26+$0xB900] =	vst.add.f32.msk $0xffff, v10  }
0x4a0: {  	v57 =	vmul.f32 s0, v54;
	[tilespmem:s26+$0xB910] =	vst.add.f32.msk $0xffff, v11  }
0x4a1: {  	v10 =	vmul.f32 s0, v52;
	[tilespmem:s26+$0xB920] =	vst.add.f32.msk $0xffff, v12  }
0x4a2: {  	v11 =	vmul.f32 s0, v53;
	[tilespmem:s26+$0xB950] =	vst.add.f32.msk $0xffff, v57  }
0x4a3: {  	[tilespmem:s26+$0xB930] =	vst.add.f32.msk $0xffff, v10;
	v10 =	vmul.f32 s0, v55  }
0x4a4: {  	[tilespmem:s26+$0xB940] =	vst.add.f32.msk $0xffff, v11;
	v11 =	vmul.f32 s0, v56  }
0x4a5: {  	[tilespmem:s26+$0xB960] =	vst.add.f32.msk $0xffff, v10  }
0x4a6: {  	[tilespmem:s26+$0xB970] =	vst.add.f32.msk $0xffff, v11  }
0x4a7: {  	v10 =	vld [tilespmem:s28+$0x5780]  }
0x4a8: {  	v11 =	vld [tilespmem:s28+$0x5790]  }
0x4a9: {  	s29 =	rddreg [dreg:$0x14];
	v12 =	vld [tilespmem:s28+$0x57A0]  }
0x4aa: {  	s30 =	rddreg [dreg:$0x16];
	v58 =	vld [tilespmem:s28+$0x57B0]  }
0x4ab: {  	s0 =	smul.f32 s29, s30;
	v60 =	vld [tilespmem:s28+$0x57D0]  }
0x4ac: {  	v59 =	vld [tilespmem:s28+$0x57C0]  }
0x4ad: {  	v61 =	vld [tilespmem:s28+$0x57E0];
	v10 =	vmul.f32 s0, v10  }
0x4ae: {  	v62 =	vld [tilespmem:s28+$0x57F0];
	v11 =	vmul.f32 s0, v11;
	s31 =	spop (v2sf)  }
0x4af: {  	v12 =	vmul.f32 s0, v12;
	[tilespmem:s31+$0xB900] =	vst.add.f32.msk $0xffff, v10  }
0x4b0: {  	v63 =	vmul.f32 s0, v60;
	[tilespmem:s31+$0xB910] =	vst.add.f32.msk $0xffff, v11  }
0x4b1: {  	p1 =	sne.s32 s17, $0x9;
	v10 =	vmul.f32 s0, v58;
	[tilespmem:s31+$0xB920] =	vst.add.f32.msk $0xffff, v12  }
.Ltmp7:
0x4b2: {  	v11 =	vmul.f32 s0, v59;
	[tilespmem:s31+$0xB950] =	vst.add.f32.msk $0xffff, v63;
	(pc) =	sbr.rel @p1 .LBB2_8-.Ltmp7, $4  }
0x4b3: {  	[tilespmem:s31+$0xB930] =	vst.add.f32.msk $0xffff, v10;
	v10 =	vmul.f32 s0, v61  }
0x4b4: {  	[tilespmem:s31+$0xB940] =	vst.add.f32.msk $0xffff, v11;
	v11 =	vmul.f32 s0, v62  }
0x4b5: {  	[tilespmem:s31+$0xB960] =	vst.add.f32.msk $0xffff, v10  }
0x4b6: {  	s17 =	sadd.s32 $0x1, s17;
	[tilespmem:s31+$0xB970] =	vst.add.f32.msk $0xffff, v11  }
.Ltmp8:
0x4b7: {  	_ = 	snop;
	(pc) =	sbr.rel .LBB2_9-.Ltmp8, $1  }
0x4b8: {  	_ =	sdelay $0x3  }
.LBB2_11:
0x4b9: {  	_ =	sfence.sel $0x180000  }
0x4ba: {  	[bflag:$0x0] =	sbarrier.arrive $0xFFFF  }
0x4bb: {  	_ =	strace $0x90000047  }
0x4bc: {  	s0 =	stileid.u32;
	[bflag:$0x2] =	sbarrier.arrive $0xFFFF  }
0x4bd: {  	p0 =	sne.s32 s0, $0x0;
	s0 =	rddreg [dreg:$0x5]  }
0x4be: {  	s0 =	sadd.s32 @!p0 $0x100000, s0  }
0x4bf: {  	[sflag:s0] =	ssyncadd.tile.s32 @!p0 $0x1;
	_ =	shalt  }
.Lfunc_end2:
_tile_overlayer_lowered:
.L_overlay_start_2:
0x4c0: {  	(tag) =	ssettag $0x2  }
0x4c1: {  	s0 =	rddreg [dreg:$0x0];
	s2 =	stileid.u32  }
0x4c2: {  	s1 =	rddreg [dreg:$0x1];
	p0 =	sne.s32 s2, $0x0  }
0x4c3: {  	s3 =	rddreg [dreg:$0x2];
	[bflag:$0x3] =	sbarrier.arrive $0xFFFF;
	s2 =	simm.s32 @!p0 $0x1C03  }
0x4c4: {  	[timem:s3], [sflag:s2] =	dma.local @!p0 [hbm:s0], s1  }
0x4c5: {  	s0 =	simm.s32 @!p0 $0x3  }
0x4c6: {  	_ =	swait.ge @!p0 [sflag:s0], s1  }
0x4c7: {  	s1 =	ssub.s32 @!p0 $0x0, s1;
	[sflag:s0] =	ssyncset.done @!p0 $0x0  }
0x4c8: {  	[sflag:s0] =	ssyncadd.s32 @!p0 s1  }
0x4c9: {  	[bflag:$0x3] =	sbarrier.arrive $0xFFFF  }
0x4ca: {  	_ =	shalt  }

</sc_bundles>
